<compile_context>
chip_gen: v7x
topology: tpu7x:2x2x1
jax: 0.10.2.dev20260603
libtpu: 0.0.44.dev20260713+nightly
codegen_flags: <defaults>
</compile_context>

<pallas_src>
import functools

import jax
import jax.numpy as jnp
import numpy as np
from jax import lax
from jax.experimental import pallas as pl
from jax.experimental.pallas import tpu as pltpu
from jax.experimental.pallas import tpu_sc as plsc

N = 10000
E = 320000
D_IN = 128
D_HID = 16
N_CLASSES = 40

NC, NS, L = 2, 16, 16
NW = NC * NS
CH = 128
NCH = 80
EPT = NCH * CH
EPAD = NW * EPT

NP = 10240
RPT = NP // NS

CPACK = 48
_MESH = plsc.VectorSubcoreMesh(core_axis_name="c", subcore_axis_name="s")
_SC_PARAMS = pltpu.CompilerParams(use_tc_tiling_on_sc=False,
                                  needs_layout_passes=False)


def _fast_rsqrt(d):
    i = plsc.bitcast(d, jnp.int32)
    y = plsc.bitcast(jnp.int32(0x5F3759DF) - (i >> 1), jnp.float32)
    for _ in range(3):
        y = y * (1.5 - 0.5 * d * y * y)
    return y


def _fill_zero(ref):
    @pl.loop(0, RPT, unroll=8)
    def _(i):
        ref[i, :] = jnp.zeros((L,), jnp.float32)



@functools.partial(
    pl.kernel,
    out_type=jax.ShapeDtypeStruct((NC, NP, L), jnp.float32),
    mesh=_MESH,
    scratch_types=[
        pltpu.VMEM((NCH, CH), jnp.int32),
        pltpu.VMEM((CH, L), jnp.float32),
        pltpu.VMEM((RPT, L), jnp.float32),
        pltpu.VMEM_SHARED((NP, L), jnp.float32),
        pltpu.SemaphoreType.DMA,
        pltpu.SemaphoreType.DMA,
        pltpu.SemaphoreType.DMA,
        pltpu.SemaphoreType.DMA,
    ],
    compiler_params=_SC_PARAMS,
)
def _deg_kernel(edges_hbm, out_hbm, dst_v, ones_v, zero_v, acc_sh,
                ss0, ss1, ss2, ss3):
    cid = lax.axis_index("c")
    sid = lax.axis_index("s")
    wid = cid * NS + sid
    ssems = (ss0, ss1, ss2, ss3)
    pltpu.sync_copy(edges_hbm.at[1, wid], dst_v)

    @pl.loop(0, CH, unroll=8)
    def _(i):
        ones_v[i, :] = jnp.ones((L,), jnp.float32)
    _fill_zero(zero_v)
    pltpu.sync_copy(zero_v, acc_sh.at[pl.ds(sid * RPT, RPT)])
    plsc.subcore_barrier()

    @pl.loop(0, NCH, step=4)
    def _(j):
        for k in range(4):
            idx = j + k

            @pl.when(idx >= 4)
            def _():
                pltpu.make_async_copy(ones_v, acc_sh.at[dst_v.at[0]],
                                      ssems[k]).wait()
            pltpu.async_copy(ones_v, acc_sh.at[dst_v.at[idx]], ssems[k],
                             add=True)
    for k in range(4):
        pltpu.make_async_copy(ones_v, acc_sh.at[dst_v.at[0]], ssems[k]).wait()
    plsc.subcore_barrier()
    pltpu.sync_copy(acc_sh.at[pl.ds(sid * RPT, RPT)],
                    out_hbm.at[cid, pl.ds(sid * RPT, RPT)])


def _agg_pipeline(src_v, dst_v, buf, q_sh, s_sh, gsems, ssems):
    def gather(idx, k):
        pltpu.async_copy(q_sh.at[src_v.at[idx]], buf.at[k], gsems[k])

    def wait_gather(k):
        pltpu.make_async_copy(q_sh.at[src_v.at[0]], buf.at[k],
                              gsems[k]).wait()

    def scatter(idx, k):
        pltpu.async_copy(buf.at[k], s_sh.at[dst_v.at[idx]], ssems[k],
                         add=True)

    def wait_scatter(k):
        pltpu.make_async_copy(buf.at[k], s_sh.at[dst_v.at[0]],
                              ssems[k]).wait()

    gather(0, 0)
    gather(1, 1)

    @pl.loop(0, NCH, step=4)
    def _(j):
        for k in range(4):
            idx = j + k
            wait_gather(k)
            scatter(idx, k)
            k2 = (k + 2) % 4

            @pl.when(idx + 2 < NCH)
            def _():
                @pl.when(idx >= 2)
                def _():
                    wait_scatter(k2)
                gather(idx + 2, k2)
    for k in range(4):
        wait_scatter(k)


_AGG_SCRATCH = [
    pltpu.VMEM((NCH, CH), jnp.int32),
    pltpu.VMEM((NCH, CH), jnp.int32),
    pltpu.VMEM((4, CH, L), jnp.float32),
    pltpu.VMEM((RPT, L), jnp.float32),
    pltpu.VMEM_SHARED((NP, L), jnp.float32),
    pltpu.VMEM_SHARED((NP, L), jnp.float32),
    pltpu.SemaphoreType.DMA,
    pltpu.SemaphoreType.DMA,
    pltpu.SemaphoreType.DMA,
    pltpu.SemaphoreType.DMA,
    pltpu.SemaphoreType.DMA,
    pltpu.SemaphoreType.DMA,
    pltpu.SemaphoreType.DMA,
    pltpu.SemaphoreType.DMA,
]


@functools.partial(
    pl.kernel,
    out_type=(jax.ShapeDtypeStruct((NC, NP, L), jnp.float32),
              jax.ShapeDtypeStruct((NP, L), jnp.float32),
              jax.ShapeDtypeStruct((NP, L), jnp.float32)),
    mesh=_MESH,
    scratch_types=_AGG_SCRATCH + [
        pltpu.VMEM((RPT // 8, 8, L), jnp.float32),
        pltpu.VMEM((RPT, L), jnp.float32),
        pltpu.VMEM((RPT, L), jnp.float32),
        pltpu.VMEM((RPT, L), jnp.float32),
    ],
    compiler_params=_SC_PARAMS,
)
def _layer1_kernel(degp_hbm, p_hbm, edges_hbm,
                   out_hbm, q1_hbm, dinv_hbm,
                   src_v, dst_v, buf, zero_v, q_sh, s_sh,
                   gs0, gs1, gs2, gs3, ss0, ss1, ss2, ss3,
                   p_v, d0_v, d1_v, q_v):
    cid = lax.axis_index("c")
    sid = lax.axis_index("s")
    wid = cid * NS + sid
    rows = pl.ds(sid * RPT, RPT)
    e0 = pltpu.async_copy(edges_hbm.at[0, wid], src_v, gs0)
    e1 = pltpu.async_copy(edges_hbm.at[1, wid], dst_v, gs1)
    prows = pl.ds(sid * (RPT // 8), RPT // 8)
    cp = pltpu.async_copy(p_hbm.at[prows, :, pl.ds(0, L)], p_v, gs2)
    c0 = pltpu.async_copy(degp_hbm.at[0, rows], d0_v, gs3)
    c1 = pltpu.async_copy(degp_hbm.at[1, rows], d1_v, ss0)
    _fill_zero(zero_v)
    cz = pltpu.async_copy(zero_v, s_sh.at[rows], ss1)
    cp.wait()
    c0.wait()
    c1.wait()

    @pl.loop(0, RPT // 8)
    def _(g):
        for a in range(8):
            i = g * 8 + a
            d = d0_v[i, :] + d1_v[i, :] + 1.0
            y = _fast_rsqrt(d)
            d1_v[i, :] = y
            q_v[i, :] = y * p_v[g, a, :]

    pltpu.sync_copy(q_v, q_sh.at[rows])

    @pl.when(cid == 0)
    def _():
        pltpu.sync_copy(q_v, q1_hbm.at[rows])
        pltpu.sync_copy(d1_v, dinv_hbm.at[rows])

    e0.wait()
    e1.wait()
    cz.wait()
    plsc.subcore_barrier()
    _agg_pipeline(src_v, dst_v, buf, q_sh, s_sh,
                  (gs0, gs1, gs2, gs3), (ss0, ss1, ss2, ss3))
    plsc.subcore_barrier()
    pltpu.sync_copy(s_sh.at[rows], out_hbm.at[cid, rows])


@functools.partial(
    pl.kernel,
    out_type=jax.ShapeDtypeStruct((NC, NP, L), jnp.float32),
    mesh=_MESH,
    scratch_types=_AGG_SCRATCH + [
        pltpu.VMEM((RPT, L), jnp.float32),
        pltpu.VMEM((RPT, L), jnp.float32),
        pltpu.VMEM((RPT, L), jnp.float32),
        pltpu.VMEM((RPT, L), jnp.float32),
        pltpu.VMEM((RPT, L), jnp.float32),
        pltpu.VMEM((L,), jnp.float32),
    ],
    compiler_params=_SC_PARAMS,
)
def _layer2_kernel(s1p_hbm, q1_hbm, dinv_hbm, b1_hbm, edges_hbm,
                   out_hbm,
                   src_v, dst_v, buf, zero_v, q_sh, s_sh,
                   gs0, gs1, gs2, gs3, ss0, ss1, ss2, ss3,
                   s0_v, s1_v, q1_v, dinv_v, q2_v, b1_v):
    cid = lax.axis_index("c")
    sid = lax.axis_index("s")
    wid = cid * NS + sid
    rows = pl.ds(sid * RPT, RPT)
    e0 = pltpu.async_copy(edges_hbm.at[0, wid], src_v, gs0)
    e1 = pltpu.async_copy(edges_hbm.at[1, wid], dst_v, gs1)
    ca = pltpu.async_copy(s1p_hbm.at[0, rows], s0_v, gs2)
    cb = pltpu.async_copy(s1p_hbm.at[1, rows], s1_v, gs3)
    cq = pltpu.async_copy(q1_hbm.at[rows], q1_v, ss0)
    cd = pltpu.async_copy(dinv_hbm.at[rows], dinv_v, ss1)
    cbias = pltpu.async_copy(b1_hbm, b1_v, ss2)
    _fill_zero(zero_v)
    cz = pltpu.async_copy(zero_v, s_sh.at[rows], ss3)
    ca.wait()
    cb.wait()
    cq.wait()
    cd.wait()
    cbias.wait()

    @pl.loop(0, RPT, unroll=8)
    def _(i):
        y = dinv_v[i, :]
        agg = y * (s0_v[i, :] + s1_v[i, :] + q1_v[i, :])
        h = jnp.maximum(agg + b1_v[...], 0.0)
        q2_v[i, :] = y * h

    pltpu.sync_copy(q2_v, q_sh.at[rows])
    e0.wait()
    e1.wait()
    cz.wait()
    plsc.subcore_barrier()
    _agg_pipeline(src_v, dst_v, buf, q_sh, s_sh,
                  (gs0, gs1, gs2, gs3), (ss0, ss1, ss2, ss3))
    plsc.subcore_barrier()

    pltpu.sync_copy(s_sh.at[rows], s0_v)

    @pl.when(cid == 0)
    def _():
        @pl.loop(0, RPT, unroll=8)
        def _(i):
            s0_v[i, :] = dinv_v[i, :] * (s0_v[i, :] + q2_v[i, :])

    @pl.when(cid != 0)
    def _():
        @pl.loop(0, RPT, unroll=8)
        def _(i):
            s0_v[i, :] = dinv_v[i, :] * s0_v[i, :]
    pltpu.sync_copy(s0_v, out_hbm.at[cid, rows])



def _edge_body(e_ref, o_ref):
    o_ref[:, :2500, :] = e_ref[...].reshape(2, 2500, 128)
    lane = jax.lax.broadcasted_iota(jnp.int32, (2, 60, 128), 2)
    row = jax.lax.broadcasted_iota(jnp.int32, (2, 60, 128), 1)
    o_ref[:, 2500:, :] = N + (row * 128 + lane) % (NP - N)


_tc_edges = pl.pallas_call(
    _edge_body,
    in_specs=[pl.BlockSpec((2, E), lambda: (0, 0))],
    out_specs=pl.BlockSpec((2, 2560, 128), lambda: (0, 0, 0)),
    out_shape=jax.ShapeDtypeStruct((2, 2560, 128), jnp.int32),
)


def _mm1_body(x_ref, w_ref, o_ref):
    p = jnp.dot(x_ref[...], w_ref[...], preferred_element_type=jnp.float32)
    r = jax.lax.broadcasted_iota(jnp.int32, (2048, D_HID), 0)
    p = jnp.where((pl.program_id(0) < 4) | (r < 2048 - (NP - N)), p, 0.0)
    o_ref[:, :, 0:D_HID] = p.reshape(256, 8, D_HID)


_tc_mm1 = pl.pallas_call(
    _mm1_body,
    grid=(5,),
    in_specs=[pl.BlockSpec((2048, D_IN), lambda i: (i, 0)),
              pl.BlockSpec((D_IN, D_HID), lambda i: (0, 0))],
    out_specs=pl.BlockSpec((256, 8, 128), lambda i: (i, 0, 0)),
    out_shape=jax.ShapeDtypeStruct((NP // 8, 8, 128), jnp.float32),
)


def _mm2_body(p_ref, w_ref, b_ref, g_ref, gt_ref, o_ref):
    p = p_ref[0] + p_ref[1]
    z = jnp.dot(p, w_ref[...], preferred_element_type=jnp.float32)
    z = z + b_ref[...]
    m = jnp.max(z, axis=1, keepdims=True)
    e = jnp.exp(z - m)
    s = jnp.dot(e, g_ref[...], preferred_element_type=jnp.float32)
    logs = jnp.log(s)
    o_ref[...] = (z - m) - jnp.dot(logs, gt_ref[...],
                                   preferred_element_type=jnp.float32)


_PBLK = 256
_tc_mm2 = pl.pallas_call(
    _mm2_body,
    grid=(NP // 8 // _PBLK,),
    in_specs=[pl.BlockSpec((NC, _PBLK, 128), lambda i: (0, i, 0)),
              pl.BlockSpec((128, 8 * CPACK), lambda i: (0, 0)),
              pl.BlockSpec((1, 8 * CPACK), lambda i: (0, 0)),
              pl.BlockSpec((8 * CPACK, 8), lambda i: (0, 0)),
              pl.BlockSpec((8, 8 * CPACK), lambda i: (0, 0))],
    out_specs=pl.BlockSpec((_PBLK, 8 * CPACK), lambda i: (i, 0)),
    out_shape=jax.ShapeDtypeStruct((NP // 8, 8 * CPACK), jnp.float32),
)

_G_NP = np.kron(np.eye(8, dtype=np.float32),
                np.pad(np.ones((N_CLASSES, 1), np.float32),
                       ((0, CPACK - N_CLASSES), (0, 0))))
_GT_NP = _G_NP.T.copy()



def kernel(x, edge_index, W1, b1, W2, b2):
    edges = _tc_edges(edge_index).reshape(2, NW, NCH, CH)

    degp = _deg_kernel(edges)
    p = _tc_mm1(x, W1)
    s1p, q1, dinv = _layer1_kernel(degp, p, edges)
    s2p = _layer2_kernel(s1p, q1, dinv, b1, edges)

    w2big = jnp.kron(jnp.eye(8, dtype=jnp.float32),
                     jnp.pad(W2, ((0, 0), (0, CPACK - N_CLASSES))))
    b2big = jnp.tile(jnp.pad(b2, (0, CPACK - N_CLASSES)), 8)[None, :]
    out_pack = _tc_mm2(s2p.reshape(NC, NP // 8, 128), w2big, b2big,
                       jnp.asarray(_G_NP), jnp.asarray(_GT_NP))
    return out_pack.reshape(NP, CPACK)[:N, :N_CLASSES]

# --- scband reference (transcript-rebuilt; emitter-appended) ---
"""Pipeline reference for scband-gcn-15023795602156 (READ-ONLY COPY).

The authoritative reference and input builder live on the scoring server;
editing this copy changes nothing except your own understanding.
"""

import jax, jax.numpy as jnp
import numpy as np

N_NODES = 10000
N_EDGES = 320000
D_IN = 128
D_HID = 16
N_CLASSES = 40


def setup_inputs(seed: int = 0) -> dict:
    key = jax.random.key(seed)
    k1, k2, k3, k4, k5, k6 = jax.random.split(key, 6)
    x = jax.random.normal(k1, (N_NODES, D_IN), dtype=jnp.float32)
    edge_index = jax.random.randint(k2, (2, N_EDGES), 0, N_NODES, dtype=jnp.int32)
    s1 = float(np.sqrt(6.0 / (D_IN + D_HID)))
    s2 = float(np.sqrt(6.0 / (D_HID + N_CLASSES)))
    W1 = jax.random.uniform(k3, (D_IN, D_HID), dtype=jnp.float32, minval=-s1, maxval=s1)
    b1 = jnp.zeros((D_HID,), dtype=jnp.float32)
    W2 = jax.random.uniform(k4, (D_HID, N_CLASSES), dtype=jnp.float32, minval=-s2, maxval=s2)
    b2 = jnp.zeros((N_CLASSES,), dtype=jnp.float32)
    return {"x": x, "edge_index": edge_index, "W1": W1, "b1": b1, "W2": W2, "b2": b2}


def _gcn_conv(x, edge_index, W, b):
    # GCNConv: out = D^{-1/2} (A + I) D^{-1/2} X W + b
    n = x.shape[0]
    src = edge_index[0]
    dst = edge_index[1]
    loop = jnp.arange(n, dtype=src.dtype)
    src = jnp.concatenate([src, loop])
    dst = jnp.concatenate([dst, loop])
    deg = jnp.zeros((n,), dtype=x.dtype).at[dst].add(1.0)
    deg_inv_sqrt = jnp.where(deg > 0, jax.lax.rsqrt(jnp.maximum(deg, 1e-12)), 0.0)
    norm = deg_inv_sqrt[src] * deg_inv_sqrt[dst]
    h = x @ W
    msg = h[src] * norm[:, None]
    out = jax.ops.segment_sum(msg, dst, num_segments=n)
    return out + b


def reference(x, edge_index, W1, b1, W2, b2):
    h = jax.nn.relu(_gcn_conv(x, edge_index, W1, b1))
    # F.dropout: identity in eval mode
    out = _gcn_conv(h, edge_index, W2, b2)
    return jax.nn.log_softmax(out, axis=1)

if __name__ == "__main__":
    import jax
    _d = setup_inputs()
    print(jax.jit(kernel)(*tuple(_d.values())))

</pallas_src>

<mosaic_0001>
#map = affine_map<(d0, d1) -> (0, 0, 0, 0)>
#map1 = affine_map<(d0, d1) -> (0, 0, 0)>
module attributes {stable_mosaic.version = 14 : i64} {
  func.func @_deg_kernel(%arg0: i32, %arg1: i32, %arg2: memref<2x32x80x128xi32, #tpu.memory_space<hbm>>, %arg3: memref<2x10240x16xf32, #tpu.memory_space<hbm>>, %arg4: memref<80x128xi32, #tpu.memory_space<vmem>>, %arg5: memref<128x16xf32, #tpu.memory_space<vmem>>, %arg6: memref<640x16xf32, #tpu.memory_space<vmem>>, %arg7: memref<10240x16xf32, #tpu.memory_space<vmem_shared>>, %arg8: memref<!tpu.dma_semaphore, #tpu.memory_space<semaphore_mem>>, %arg9: memref<!tpu.dma_semaphore, #tpu.memory_space<semaphore_mem>>, %arg10: memref<!tpu.dma_semaphore, #tpu.memory_space<semaphore_mem>>, %arg11: memref<!tpu.dma_semaphore, #tpu.memory_space<semaphore_mem>>) attributes {dimension_semantics = [#tpu.dimension_semantics<core_parallel>, #tpu.dimension_semantics<subcore_parallel>], iteration_bounds = array<i64: 2, 16>, scalar_prefetch = 0 : i64, scratch_operands = 8 : i64, tpu.core_type = #tpu.core_type<sc_vector_subcore>, window_params = [{transform_indices = #map}, {transform_indices = #map1}]} {
    %mul3A = arith.constant 16 : i32
    %mul3A_0 = arith.muli %arg0, %mul3A : i32
    %add3A = arith.addi %mul3A_0, %arg1 : i32
    %run_scoped3A = arith.constant 1 : i32
    "tpu.region"() ({
      %run_scoped3A_49 = tpu.sem_alloc : memref<!tpu.dma_semaphore, #tpu.memory_space<semaphore_mem>>
      %dma_start3A = arith.constant 0 : i32
      %dma_start3A_50 = arith.constant 0 : i32
      %dma_start3A_51 = tpu.memref_slice %arg2[%run_scoped3A, %add3A, %dma_start3A, %dma_start3A_50] : memref<2x32x80x128xi32, #tpu.memory_space<hbm>> -> memref<1x1x80x128xi32, #tpu.memory_space<hbm>>
      %dma_start3A_52 = tpu.memref_squeeze %dma_start3A_51 : memref<1x1x80x128xi32, #tpu.memory_space<hbm>> -> memref<80x128xi32, #tpu.memory_space<hbm>>
      %dma_start3A_53 = arith.constant 0 : i32
      %dma_start3A_54 = arith.constant 0 : i32
      %dma_start3A_55 = tpu.memref_slice %arg2[%run_scoped3A, %add3A, %dma_start3A_53, %dma_start3A_54] : memref<2x32x80x128xi32, #tpu.memory_space<hbm>> -> memref<1x1x80x128xi32, #tpu.memory_space<hbm>>
      %dma_start3A_56 = tpu.memref_squeeze %dma_start3A_55 : memref<1x1x80x128xi32, #tpu.memory_space<hbm>> -> memref<80x128xi32, #tpu.memory_space<hbm>>
      tpu.enqueue_dma source(%dma_start3A_56 : memref<80x128xi32, #tpu.memory_space<hbm>>) target(%arg4 : memref<80x128xi32, #tpu.memory_space<vmem>>) target_semaphore(%run_scoped3A_49 : memref<!tpu.dma_semaphore, #tpu.memory_space<semaphore_mem>>)
      %dma_wait3A_57 = arith.constant 0 : i32
      %dma_wait3A_58 = arith.constant 0 : i32
      %dma_wait3A_59 = tpu.memref_slice %arg2[%run_scoped3A, %add3A, %dma_wait3A_57, %dma_wait3A_58] : memref<2x32x80x128xi32, #tpu.memory_space<hbm>> -> memref<1x1x80x128xi32, #tpu.memory_space<hbm>>
      %dma_wait3A_60 = tpu.memref_squeeze %dma_wait3A_59 : memref<1x1x80x128xi32, #tpu.memory_space<hbm>> -> memref<80x128xi32, #tpu.memory_space<hbm>>
      %dma_wait3A_61 = arith.constant 0 : i32
      %dma_wait3A_62 = arith.constant 0 : i32
      %dma_wait3A_63 = tpu.memref_slice %arg2[%run_scoped3A, %add3A, %dma_wait3A_61, %dma_wait3A_62] : memref<2x32x80x128xi32, #tpu.memory_space<hbm>> -> memref<1x1x80x128xi32, #tpu.memory_space<hbm>>
      %dma_wait3A_64 = tpu.memref_squeeze %dma_wait3A_63 : memref<1x1x80x128xi32, #tpu.memory_space<hbm>> -> memref<80x128xi32, #tpu.memory_space<hbm>>
      tpu.wait_dma2 semaphore(%run_scoped3A_49 : memref<!tpu.dma_semaphore, #tpu.memory_space<semaphore_mem>>) src(%dma_wait3A_64 : memref<80x128xi32, #tpu.memory_space<hbm>>) dst(%arg4 : memref<80x128xi32, #tpu.memory_space<vmem>>)
      tpu.yield
    }) : () -> ()
    %scan3A = arith.constant 0 : i32
    %scan3A_1 = arith.constant 128 : i32
    %scan3A_2 = arith.addi %scan3A, %scan3A_1 : i32
    %scan3A_3 = arith.constant 8 : i32
    scf.for %scan3A_49 = %scan3A to %scan3A_2 step %scan3A_3  : i32 {
      %mul3A_50 = arith.constant 1 : i32
      %mul3A_51 = arith.muli %scan3A_49, %mul3A_50 : i32
      %add3A_52 = arith.constant 0 : i32
      %add3A_53 = arith.addi %add3A_52, %mul3A_51 : i32
      %broadcast_in_dim3A = arith.constant 1.000000e+00 : f32
      %broadcast_in_dim3A_54 = vector.broadcast %broadcast_in_dim3A : f32 to vector<16xf32>
      %swap3A = arith.index_cast %add3A_53 : i32 to index
      %swap3A_55 = arith.constant 0 : index
      %swap3A_56 = tpu.vector_load %arg5[%swap3A, %swap3A_55] {strides = array<i32>} : memref<128x16xf32, #tpu.memory_space<vmem>>, vector<16xf32>,
      tpu.vector_store %arg5[%swap3A, %swap3A_55], %broadcast_in_dim3A_54 {strides = array<i32>} : memref<128x16xf32, #tpu.memory_space<vmem>>, vector<16xf32>,
      %scan3A_57 = arith.constant 1 : i32
      %scan3A_58 = arith.addi %scan3A_49, %scan3A_57 : i32
      %mul3A_59 = arith.constant 1 : i32
      %mul3A_60 = arith.muli %scan3A_58, %mul3A_59 : i32
      %add3A_61 = arith.constant 0 : i32
      %add3A_62 = arith.addi %add3A_61, %mul3A_60 : i32
      %broadcast_in_dim3A_63 = arith.constant 1.000000e+00 : f32
      %broadcast_in_dim3A_64 = vector.broadcast %broadcast_in_dim3A_63 : f32 to vector<16xf32>
      %swap3A_65 = arith.index_cast %add3A_62 : i32 to index
      %swap3A_66 = arith.constant 0 : index
      %swap3A_67 = tpu.vector_load %arg5[%swap3A_65, %swap3A_66] {strides = array<i32>} : memref<128x16xf32, #tpu.memory_space<vmem>>, vector<16xf32>,
      tpu.vector_store %arg5[%swap3A_65, %swap3A_66], %broadcast_in_dim3A_64 {strides = array<i32>} : memref<128x16xf32, #tpu.memory_space<vmem>>, vector<16xf32>,
      %scan3A_68 = arith.constant 2 : i32
      %scan3A_69 = arith.addi %scan3A_49, %scan3A_68 : i32
      %mul3A_70 = arith.constant 1 : i32
      %mul3A_71 = arith.muli %scan3A_69, %mul3A_70 : i32
      %add3A_72 = arith.constant 0 : i32
      %add3A_73 = arith.addi %add3A_72, %mul3A_71 : i32
      %broadcast_in_dim3A_74 = arith.constant 1.000000e+00 : f32
      %broadcast_in_dim3A_75 = vector.broadcast %broadcast_in_dim3A_74 : f32 to vector<16xf32>
      %swap3A_76 = arith.index_cast %add3A_73 : i32 to index
      %swap3A_77 = arith.constant 0 : index
      %swap3A_78 = tpu.vector_load %arg5[%swap3A_76, %swap3A_77] {strides = array<i32>} : memref<128x16xf32, #tpu.memory_space<vmem>>, vector<16xf32>,
      tpu.vector_store %arg5[%swap3A_76, %swap3A_77], %broadcast_in_dim3A_75 {strides = array<i32>} : memref<128x16xf32, #tpu.memory_space<vmem>>, vector<16xf32>,
      %scan3A_79 = arith.constant 3 : i32
      %scan3A_80 = arith.addi %scan3A_49, %scan3A_79 : i32
      %mul3A_81 = arith.constant 1 : i32
      %mul3A_82 = arith.muli %scan3A_80, %mul3A_81 : i32
      %add3A_83 = arith.constant 0 : i32
      %add3A_84 = arith.addi %add3A_83, %mul3A_82 : i32
      %broadcast_in_dim3A_85 = arith.constant 1.000000e+00 : f32
      %broadcast_in_dim3A_86 = vector.broadcast %broadcast_in_dim3A_85 : f32 to vector<16xf32>
      %swap3A_87 = arith.index_cast %add3A_84 : i32 to index
      %swap3A_88 = arith.constant 0 : index
      %swap3A_89 = tpu.vector_load %arg5[%swap3A_87, %swap3A_88] {strides = array<i32>} : memref<128x16xf32, #tpu.memory_space<vmem>>, vector<16xf32>,
      tpu.vector_store %arg5[%swap3A_87, %swap3A_88], %broadcast_in_dim3A_86 {strides = array<i32>} : memref<128x16xf32, #tpu.memory_space<vmem>>, vector<16xf32>,
      %scan3A_90 = arith.constant 4 : i32
      %scan3A_91 = arith.addi %scan3A_49, %scan3A_90 : i32
      %mul3A_92 = arith.constant 1 : i32
      %mul3A_93 = arith.muli %scan3A_91, %mul3A_92 : i32
      %add3A_94 = arith.constant 0 : i32
      %add3A_95 = arith.addi %add3A_94, %mul3A_93 : i32
      %broadcast_in_dim3A_96 = arith.constant 1.000000e+00 : f32
      %broadcast_in_dim3A_97 = vector.broadcast %broadcast_in_dim3A_96 : f32 to vector<16xf32>
      %swap3A_98 = arith.index_cast %add3A_95 : i32 to index
      %swap3A_99 = arith.constant 0 : index
      %swap3A_100 = tpu.vector_load %arg5[%swap3A_98, %swap3A_99] {strides = array<i32>} : memref<128x16xf32, #tpu.memory_space<vmem>>, vector<16xf32>,
      tpu.vector_store %arg5[%swap3A_98, %swap3A_99], %broadcast_in_dim3A_97 {strides = array<i32>} : memref<128x16xf32, #tpu.memory_space<vmem>>, vector<16xf32>,
      %scan3A_101 = arith.constant 5 : i32
      %scan3A_102 = arith.addi %scan3A_49, %scan3A_101 : i32
      %mul3A_103 = arith.constant 1 : i32
      %mul3A_104 = arith.muli %scan3A_102, %mul3A_103 : i32
      %add3A_105 = arith.constant 0 : i32
      %add3A_106 = arith.addi %add3A_105, %mul3A_104 : i32
      %broadcast_in_dim3A_107 = arith.constant 1.000000e+00 : f32
      %broadcast_in_dim3A_108 = vector.broadcast %broadcast_in_dim3A_107 : f32 to vector<16xf32>
      %swap3A_109 = arith.index_cast %add3A_106 : i32 to index
      %swap3A_110 = arith.constant 0 : index
      %swap3A_111 = tpu.vector_load %arg5[%swap3A_109, %swap3A_110] {strides = array<i32>} : memref<128x16xf32, #tpu.memory_space<vmem>>, vector<16xf32>,
      tpu.vector_store %arg5[%swap3A_109, %swap3A_110], %broadcast_in_dim3A_108 {strides = array<i32>} : memref<128x16xf32, #tpu.memory_space<vmem>>, vector<16xf32>,
      %scan3A_112 = arith.constant 6 : i32
      %scan3A_113 = arith.addi %scan3A_49, %scan3A_112 : i32
      %mul3A_114 = arith.constant 1 : i32
      %mul3A_115 = arith.muli %scan3A_113, %mul3A_114 : i32
      %add3A_116 = arith.constant 0 : i32
      %add3A_117 = arith.addi %add3A_116, %mul3A_115 : i32
      %broadcast_in_dim3A_118 = arith.constant 1.000000e+00 : f32
      %broadcast_in_dim3A_119 = vector.broadcast %broadcast_in_dim3A_118 : f32 to vector<16xf32>
      %swap3A_120 = arith.index_cast %add3A_117 : i32 to index
      %swap3A_121 = arith.constant 0 : index
      %swap3A_122 = tpu.vector_load %arg5[%swap3A_120, %swap3A_121] {strides = array<i32>} : memref<128x16xf32, #tpu.memory_space<vmem>>, vector<16xf32>,
      tpu.vector_store %arg5[%swap3A_120, %swap3A_121], %broadcast_in_dim3A_119 {strides = array<i32>} : memref<128x16xf32, #tpu.memory_space<vmem>>, vector<16xf32>,
      %scan3A_123 = arith.constant 7 : i32
      %scan3A_124 = arith.addi %scan3A_49, %scan3A_123 : i32
      %mul3A_125 = arith.constant 1 : i32
      %mul3A_126 = arith.muli %scan3A_124, %mul3A_125 : i32
      %add3A_127 = arith.constant 0 : i32
      %add3A_128 = arith.addi %add3A_127, %mul3A_126 : i32
      %broadcast_in_dim3A_129 = arith.constant 1.000000e+00 : f32
      %broadcast_in_dim3A_130 = vector.broadcast %broadcast_in_dim3A_129 : f32 to vector<16xf32>
      %swap3A_131 = arith.index_cast %add3A_128 : i32 to index
      %swap3A_132 = arith.constant 0 : index
      %swap3A_133 = tpu.vector_load %arg5[%swap3A_131, %swap3A_132] {strides = array<i32>} : memref<128x16xf32, #tpu.memory_space<vmem>>, vector<16xf32>,
      tpu.vector_store %arg5[%swap3A_131, %swap3A_132], %broadcast_in_dim3A_130 {strides = array<i32>} : memref<128x16xf32, #tpu.memory_space<vmem>>, vector<16xf32>,
    }
    %scan3A_4 = arith.constant 128 : i32
    %scan3A_5 = arith.constant 0 : i32
    %scan3A_6 = arith.constant 640 : i32
    %scan3A_7 = arith.addi %scan3A_5, %scan3A_6 : i32
    %scan3A_8 = arith.constant 8 : i32
    scf.for %scan3A_49 = %scan3A_5 to %scan3A_7 step %scan3A_8  : i32 {
      %mul3A_50 = arith.constant 1 : i32
      %mul3A_51 = arith.muli %scan3A_49, %mul3A_50 : i32
      %add3A_52 = arith.constant 0 : i32
      %add3A_53 = arith.addi %add3A_52, %mul3A_51 : i32
      %broadcast_in_dim3A = arith.constant 0.000000e+00 : f32
      %broadcast_in_dim3A_54 = vector.broadcast %broadcast_in_dim3A : f32 to vector<16xf32>
      %swap3A = arith.index_cast %add3A_53 : i32 to index
      %swap3A_55 = arith.constant 0 : index
      %swap3A_56 = tpu.vector_load %arg6[%swap3A, %swap3A_55] {strides = array<i32>} : memref<640x16xf32, #tpu.memory_space<vmem>>, vector<16xf32>,
      tpu.vector_store %arg6[%swap3A, %swap3A_55], %broadcast_in_dim3A_54 {strides = array<i32>} : memref<640x16xf32, #tpu.memory_space<vmem>>, vector<16xf32>,
      %scan3A_57 = arith.constant 1 : i32
      %scan3A_58 = arith.addi %scan3A_49, %scan3A_57 : i32
      %mul3A_59 = arith.constant 1 : i32
      %mul3A_60 = arith.muli %scan3A_58, %mul3A_59 : i32
      %add3A_61 = arith.constant 0 : i32
      %add3A_62 = arith.addi %add3A_61, %mul3A_60 : i32
      %broadcast_in_dim3A_63 = arith.constant 0.000000e+00 : f32
      %broadcast_in_dim3A_64 = vector.broadcast %broadcast_in_dim3A_63 : f32 to vector<16xf32>
      %swap3A_65 = arith.index_cast %add3A_62 : i32 to index
      %swap3A_66 = arith.constant 0 : index
      %swap3A_67 = tpu.vector_load %arg6[%swap3A_65, %swap3A_66] {strides = array<i32>} : memref<640x16xf32, #tpu.memory_space<vmem>>, vector<16xf32>,
      tpu.vector_store %arg6[%swap3A_65, %swap3A_66], %broadcast_in_dim3A_64 {strides = array<i32>} : memref<640x16xf32, #tpu.memory_space<vmem>>, vector<16xf32>,
      %scan3A_68 = arith.constant 2 : i32
      %scan3A_69 = arith.addi %scan3A_49, %scan3A_68 : i32
      %mul3A_70 = arith.constant 1 : i32
      %mul3A_71 = arith.muli %scan3A_69, %mul3A_70 : i32
      %add3A_72 = arith.constant 0 : i32
      %add3A_73 = arith.addi %add3A_72, %mul3A_71 : i32
      %broadcast_in_dim3A_74 = arith.constant 0.000000e+00 : f32
      %broadcast_in_dim3A_75 = vector.broadcast %broadcast_in_dim3A_74 : f32 to vector<16xf32>
      %swap3A_76 = arith.index_cast %add3A_73 : i32 to index
      %swap3A_77 = arith.constant 0 : index
      %swap3A_78 = tpu.vector_load %arg6[%swap3A_76, %swap3A_77] {strides = array<i32>} : memref<640x16xf32, #tpu.memory_space<vmem>>, vector<16xf32>,
      tpu.vector_store %arg6[%swap3A_76, %swap3A_77], %broadcast_in_dim3A_75 {strides = array<i32>} : memref<640x16xf32, #tpu.memory_space<vmem>>, vector<16xf32>,
      %scan3A_79 = arith.constant 3 : i32
      %scan3A_80 = arith.addi %scan3A_49, %scan3A_79 : i32
      %mul3A_81 = arith.constant 1 : i32
      %mul3A_82 = arith.muli %scan3A_80, %mul3A_81 : i32
      %add3A_83 = arith.constant 0 : i32
      %add3A_84 = arith.addi %add3A_83, %mul3A_82 : i32
      %broadcast_in_dim3A_85 = arith.constant 0.000000e+00 : f32
      %broadcast_in_dim3A_86 = vector.broadcast %broadcast_in_dim3A_85 : f32 to vector<16xf32>
      %swap3A_87 = arith.index_cast %add3A_84 : i32 to index
      %swap3A_88 = arith.constant 0 : index
      %swap3A_89 = tpu.vector_load %arg6[%swap3A_87, %swap3A_88] {strides = array<i32>} : memref<640x16xf32, #tpu.memory_space<vmem>>, vector<16xf32>,
      tpu.vector_store %arg6[%swap3A_87, %swap3A_88], %broadcast_in_dim3A_86 {strides = array<i32>} : memref<640x16xf32, #tpu.memory_space<vmem>>, vector<16xf32>,
      %scan3A_90 = arith.constant 4 : i32
      %scan3A_91 = arith.addi %scan3A_49, %scan3A_90 : i32
      %mul3A_92 = arith.constant 1 : i32
      %mul3A_93 = arith.muli %scan3A_91, %mul3A_92 : i32
      %add3A_94 = arith.constant 0 : i32
      %add3A_95 = arith.addi %add3A_94, %mul3A_93 : i32
      %broadcast_in_dim3A_96 = arith.constant 0.000000e+00 : f32
      %broadcast_in_dim3A_97 = vector.broadcast %broadcast_in_dim3A_96 : f32 to vector<16xf32>
      %swap3A_98 = arith.index_cast %add3A_95 : i32 to index
      %swap3A_99 = arith.constant 0 : index
      %swap3A_100 = tpu.vector_load %arg6[%swap3A_98, %swap3A_99] {strides = array<i32>} : memref<640x16xf32, #tpu.memory_space<vmem>>, vector<16xf32>,
      tpu.vector_store %arg6[%swap3A_98, %swap3A_99], %broadcast_in_dim3A_97 {strides = array<i32>} : memref<640x16xf32, #tpu.memory_space<vmem>>, vector<16xf32>,
      %scan3A_101 = arith.constant 5 : i32
      %scan3A_102 = arith.addi %scan3A_49, %scan3A_101 : i32
      %mul3A_103 = arith.constant 1 : i32
      %mul3A_104 = arith.muli %scan3A_102, %mul3A_103 : i32
      %add3A_105 = arith.constant 0 : i32
      %add3A_106 = arith.addi %add3A_105, %mul3A_104 : i32
      %broadcast_in_dim3A_107 = arith.constant 0.000000e+00 : f32
      %broadcast_in_dim3A_108 = vector.broadcast %broadcast_in_dim3A_107 : f32 to vector<16xf32>
      %swap3A_109 = arith.index_cast %add3A_106 : i32 to index
      %swap3A_110 = arith.constant 0 : index
      %swap3A_111 = tpu.vector_load %arg6[%swap3A_109, %swap3A_110] {strides = array<i32>} : memref<640x16xf32, #tpu.memory_space<vmem>>, vector<16xf32>,
      tpu.vector_store %arg6[%swap3A_109, %swap3A_110], %broadcast_in_dim3A_108 {strides = array<i32>} : memref<640x16xf32, #tpu.memory_space<vmem>>, vector<16xf32>,
      %scan3A_112 = arith.constant 6 : i32
      %scan3A_113 = arith.addi %scan3A_49, %scan3A_112 : i32
      %mul3A_114 = arith.constant 1 : i32
      %mul3A_115 = arith.muli %scan3A_113, %mul3A_114 : i32
      %add3A_116 = arith.constant 0 : i32
      %add3A_117 = arith.addi %add3A_116, %mul3A_115 : i32
      %broadcast_in_dim3A_118 = arith.constant 0.000000e+00 : f32
      %broadcast_in_dim3A_119 = vector.broadcast %broadcast_in_dim3A_118 : f32 to vector<16xf32>
      %swap3A_120 = arith.index_cast %add3A_117 : i32 to index
      %swap3A_121 = arith.constant 0 : index
      %swap3A_122 = tpu.vector_load %arg6[%swap3A_120, %swap3A_121] {strides = array<i32>} : memref<640x16xf32, #tpu.memory_space<vmem>>, vector<16xf32>,
      tpu.vector_store %arg6[%swap3A_120, %swap3A_121], %broadcast_in_dim3A_119 {strides = array<i32>} : memref<640x16xf32, #tpu.memory_space<vmem>>, vector<16xf32>,
      %scan3A_123 = arith.constant 7 : i32
      %scan3A_124 = arith.addi %scan3A_49, %scan3A_123 : i32
      %mul3A_125 = arith.constant 1 : i32
      %mul3A_126 = arith.muli %scan3A_124, %mul3A_125 : i32
      %add3A_127 = arith.constant 0 : i32
      %add3A_128 = arith.addi %add3A_127, %mul3A_126 : i32
      %broadcast_in_dim3A_129 = arith.constant 0.000000e+00 : f32
      %broadcast_in_dim3A_130 = vector.broadcast %broadcast_in_dim3A_129 : f32 to vector<16xf32>
      %swap3A_131 = arith.index_cast %add3A_128 : i32 to index
      %swap3A_132 = arith.constant 0 : index
      %swap3A_133 = tpu.vector_load %arg6[%swap3A_131, %swap3A_132] {strides = array<i32>} : memref<640x16xf32, #tpu.memory_space<vmem>>, vector<16xf32>,
      tpu.vector_store %arg6[%swap3A_131, %swap3A_132], %broadcast_in_dim3A_130 {strides = array<i32>} : memref<640x16xf32, #tpu.memory_space<vmem>>, vector<16xf32>,
    }
    %scan3A_9 = arith.constant 640 : i32
    %mul3A_10 = arith.constant 640 : i32
    %mul3A_11 = arith.muli %arg1, %mul3A_10 : i32
    "tpu.region"() ({
      %run_scoped3A_49 = tpu.sem_alloc : memref<!tpu.dma_semaphore, #tpu.memory_space<semaphore_mem>>
      %dma_start3A = arith.constant 0 : i32
      %dma_start3A_50 = tpu.memref_slice %arg7[%mul3A_11, %dma_start3A] : memref<10240x16xf32, #tpu.memory_space<vmem_shared>> -> memref<640x16xf32, #tpu.memory_space<vmem_shared>>
      %dma_start3A_51 = arith.constant 0 : i32
      %dma_start3A_52 = tpu.memref_slice %arg7[%mul3A_11, %dma_start3A_51] : memref<10240x16xf32, #tpu.memory_space<vmem_shared>> -> memref<640x16xf32, #tpu.memory_space<vmem_shared>>
      tpu.enqueue_dma source(%arg6 : memref<640x16xf32, #tpu.memory_space<vmem>>) target(%dma_start3A_52 : memref<640x16xf32, #tpu.memory_space<vmem_shared>>) target_semaphore(%run_scoped3A_49 : memref<!tpu.dma_semaphore, #tpu.memory_space<semaphore_mem>>)
      %dma_wait3A_53 = arith.constant 0 : i32
      %dma_wait3A_54 = tpu.memref_slice %arg7[%mul3A_11, %dma_wait3A_53] : memref<10240x16xf32, #tpu.memory_space<vmem_shared>> -> memref<640x16xf32, #tpu.memory_space<vmem_shared>>
      %dma_wait3A_55 = arith.constant 0 : i32
      %dma_wait3A_56 = tpu.memref_slice %arg7[%mul3A_11, %dma_wait3A_55] : memref<10240x16xf32, #tpu.memory_space<vmem_shared>> -> memref<640x16xf32, #tpu.memory_space<vmem_shared>>
      tpu.wait_dma2 semaphore(%run_scoped3A_49 : memref<!tpu.dma_semaphore, #tpu.memory_space<semaphore_mem>>) src(%arg6 : memref<640x16xf32, #tpu.memory_space<vmem>>) dst(%dma_wait3A_56 : memref<640x16xf32, #tpu.memory_space<vmem_shared>>)
      tpu.yield
    }) : () -> ()
    %barrier3A = arith.constant 0 : index
    tpu.barrier barrier_id(%barrier3A)
    %scan3A_12 = arith.constant 0 : i32
    %scan3A_13 = arith.constant 20 : i32
    %scan3A_14 = arith.addi %scan3A_12, %scan3A_13 : i32
    %scan3A_15 = arith.constant 1 : i32
    scf.for %scan3A_49 = %scan3A_12 to %scan3A_14 step %scan3A_15  : i32 {
      %mul3A_50 = arith.constant 4 : i32
      %mul3A_51 = arith.muli %scan3A_49, %mul3A_50 : i32
      %add3A_52 = arith.constant 0 : i32
      %add3A_53 = arith.addi %add3A_52, %mul3A_51 : i32
      %add3A_54 = arith.constant 0 : i32
      %add3A_55 = arith.addi %add3A_53, %add3A_54 : i32
      %ge3A = arith.constant 4 : i32
      %ge3A_56 = arith.cmpi sge, %add3A_55, %ge3A : i32
      %convert_element_type3A = arith.extui %ge3A_56 : i1 to i32
      %cond3A = arith.constant 0 : i32
      %cond3A_57 = arith.cmpi ne, %convert_element_type3A, %cond3A : i32
      scf.if %cond3A_57 {
        %dma_wait3A_102 = arith.constant 0 : i32
        %dma_wait3A_103 = arith.constant 0 : i32
        %dma_wait3A_104 = tpu.memref_slice %arg4[%dma_wait3A_102, %dma_wait3A_103] : memref<80x128xi32, #tpu.memory_space<vmem>> -> memref<1x128xi32, #tpu.memory_space<vmem>>
        %dma_wait3A_105 = tpu.memref_squeeze %dma_wait3A_104 : memref<1x128xi32, #tpu.memory_space<vmem>> -> memref<128xi32, #tpu.memory_space<vmem>>
        %dma_wait3A_106 = arith.constant 0 : i32
        %dma_wait3A_107 = arith.constant 0 : i32
        %dma_wait3A_108 = tpu.memref_slice %arg7[%dma_wait3A_106, %dma_wait3A_107] : memref<10240x16xf32, #tpu.memory_space<vmem_shared>> -> memref<10240x16xf32, #tpu.memory_space<vmem_shared>>
        tpu.wait_indirect_dma semaphore(%arg8 : memref<!tpu.dma_semaphore, #tpu.memory_space<semaphore_mem>>) src(%arg5 : memref<128x16xf32, #tpu.memory_space<vmem>>) dst(%dma_wait3A_108 : memref<10240x16xf32, #tpu.memory_space<vmem_shared>>)
      } else {
      }
      %dma_start3A = arith.constant 0 : i32
      %dma_start3A_58 = tpu.memref_slice %arg4[%add3A_55, %dma_start3A] : memref<80x128xi32, #tpu.memory_space<vmem>> -> memref<1x128xi32, #tpu.memory_space<vmem>>
      %dma_start3A_59 = tpu.memref_squeeze %dma_start3A_58 : memref<1x128xi32, #tpu.memory_space<vmem>> -> memref<128xi32, #tpu.memory_space<vmem>>
      %dma_start3A_60 = arith.constant 0 : i32
      %dma_start3A_61 = arith.constant 0 : i32
      %dma_start3A_62 = tpu.memref_slice %arg7[%dma_start3A_60, %dma_start3A_61] : memref<10240x16xf32, #tpu.memory_space<vmem_shared>> -> memref<10240x16xf32, #tpu.memory_space<vmem_shared>>
      tpu.enqueue_indirect_dma source(%arg5 : memref<128x16xf32, #tpu.memory_space<vmem>>) target(%dma_start3A_62 : memref<10240x16xf32, #tpu.memory_space<vmem_shared>>) offsets(%dma_start3A_59 : memref<128xi32, #tpu.memory_space<vmem>>) semaphore(%arg8 : memref<!tpu.dma_semaphore, #tpu.memory_space<semaphore_mem>>) {add = true}
      %add3A_63 = arith.constant 1 : i32
      %add3A_64 = arith.addi %add3A_53, %add3A_63 : i32
      %ge3A_65 = arith.constant 4 : i32
      %ge3A_66 = arith.cmpi sge, %add3A_64, %ge3A_65 : i32
      %convert_element_type3A_67 = arith.extui %ge3A_66 : i1 to i32
      %cond3A_68 = arith.constant 0 : i32
      %cond3A_69 = arith.cmpi ne, %convert_element_type3A_67, %cond3A_68 : i32
      scf.if %cond3A_69 {
        %dma_wait3A_102 = arith.constant 0 : i32
        %dma_wait3A_103 = arith.constant 0 : i32
        %dma_wait3A_104 = tpu.memref_slice %arg4[%dma_wait3A_102, %dma_wait3A_103] : memref<80x128xi32, #tpu.memory_space<vmem>> -> memref<1x128xi32, #tpu.memory_space<vmem>>
        %dma_wait3A_105 = tpu.memref_squeeze %dma_wait3A_104 : memref<1x128xi32, #tpu.memory_space<vmem>> -> memref<128xi32, #tpu.memory_space<vmem>>
        %dma_wait3A_106 = arith.constant 0 : i32
        %dma_wait3A_107 = arith.constant 0 : i32
        %dma_wait3A_108 = tpu.memref_slice %arg7[%dma_wait3A_106, %dma_wait3A_107] : memref<10240x16xf32, #tpu.memory_space<vmem_shared>> -> memref<10240x16xf32, #tpu.memory_space<vmem_shared>>
        tpu.wait_indirect_dma semaphore(%arg9 : memref<!tpu.dma_semaphore, #tpu.memory_space<semaphore_mem>>) src(%arg5 : memref<128x16xf32, #tpu.memory_space<vmem>>) dst(%dma_wait3A_108 : memref<10240x16xf32, #tpu.memory_space<vmem_shared>>)
      } else {
      }
      %dma_start3A_70 = arith.constant 0 : i32
      %dma_start3A_71 = tpu.memref_slice %arg4[%add3A_64, %dma_start3A_70] : memref<80x128xi32, #tpu.memory_space<vmem>> -> memref<1x128xi32, #tpu.memory_space<vmem>>
      %dma_start3A_72 = tpu.memref_squeeze %dma_start3A_71 : memref<1x128xi32, #tpu.memory_space<vmem>> -> memref<128xi32, #tpu.memory_space<vmem>>
      %dma_start3A_73 = arith.constant 0 : i32
      %dma_start3A_74 = arith.constant 0 : i32
      %dma_start3A_75 = tpu.memref_slice %arg7[%dma_start3A_73, %dma_start3A_74] : memref<10240x16xf32, #tpu.memory_space<vmem_shared>> -> memref<10240x16xf32, #tpu.memory_space<vmem_shared>>
      tpu.enqueue_indirect_dma source(%arg5 : memref<128x16xf32, #tpu.memory_space<vmem>>) target(%dma_start3A_75 : memref<10240x16xf32, #tpu.memory_space<vmem_shared>>) offsets(%dma_start3A_72 : memref<128xi32, #tpu.memory_space<vmem>>) semaphore(%arg9 : memref<!tpu.dma_semaphore, #tpu.memory_space<semaphore_mem>>) {add = true}
      %add3A_76 = arith.constant 2 : i32
      %add3A_77 = arith.addi %add3A_53, %add3A_76 : i32
      %ge3A_78 = arith.constant 4 : i32
      %ge3A_79 = arith.cmpi sge, %add3A_77, %ge3A_78 : i32
      %convert_element_type3A_80 = arith.extui %ge3A_79 : i1 to i32
      %cond3A_81 = arith.constant 0 : i32
      %cond3A_82 = arith.cmpi ne, %convert_element_type3A_80, %cond3A_81 : i32
      scf.if %cond3A_82 {
        %dma_wait3A_102 = arith.constant 0 : i32
        %dma_wait3A_103 = arith.constant 0 : i32
        %dma_wait3A_104 = tpu.memref_slice %arg4[%dma_wait3A_102, %dma_wait3A_103] : memref<80x128xi32, #tpu.memory_space<vmem>> -> memref<1x128xi32, #tpu.memory_space<vmem>>
        %dma_wait3A_105 = tpu.memref_squeeze %dma_wait3A_104 : memref<1x128xi32, #tpu.memory_space<vmem>> -> memref<128xi32, #tpu.memory_space<vmem>>
        %dma_wait3A_106 = arith.constant 0 : i32
        %dma_wait3A_107 = arith.constant 0 : i32
        %dma_wait3A_108 = tpu.memref_slice %arg7[%dma_wait3A_106, %dma_wait3A_107] : memref<10240x16xf32, #tpu.memory_space<vmem_shared>> -> memref<10240x16xf32, #tpu.memory_space<vmem_shared>>
        tpu.wait_indirect_dma semaphore(%arg10 : memref<!tpu.dma_semaphore, #tpu.memory_space<semaphore_mem>>) src(%arg5 : memref<128x16xf32, #tpu.memory_space<vmem>>) dst(%dma_wait3A_108 : memref<10240x16xf32, #tpu.memory_space<vmem_shared>>)
      } else {
      }
      %dma_start3A_83 = arith.constant 0 : i32
      %dma_start3A_84 = tpu.memref_slice %arg4[%add3A_77, %dma_start3A_83] : memref<80x128xi32, #tpu.memory_space<vmem>> -> memref<1x128xi32, #tpu.memory_space<vmem>>
      %dma_start3A_85 = tpu.memref_squeeze %dma_start3A_84 : memref<1x128xi32, #tpu.memory_space<vmem>> -> memref<128xi32, #tpu.memory_space<vmem>>
      %dma_start3A_86 = arith.constant 0 : i32
      %dma_start3A_87 = arith.constant 0 : i32
      %dma_start3A_88 = tpu.memref_slice %arg7[%dma_start3A_86, %dma_start3A_87] : memref<10240x16xf32, #tpu.memory_space<vmem_shared>> -> memref<10240x16xf32, #tpu.memory_space<vmem_shared>>
      tpu.enqueue_indirect_dma source(%arg5 : memref<128x16xf32, #tpu.memory_space<vmem>>) target(%dma_start3A_88 : memref<10240x16xf32, #tpu.memory_space<vmem_shared>>) offsets(%dma_start3A_85 : memref<128xi32, #tpu.memory_space<vmem>>) semaphore(%arg10 : memref<!tpu.dma_semaphore, #tpu.memory_space<semaphore_mem>>) {add = true}
      %add3A_89 = arith.constant 3 : i32
      %add3A_90 = arith.addi %add3A_53, %add3A_89 : i32
      %ge3A_91 = arith.constant 4 : i32
      %ge3A_92 = arith.cmpi sge, %add3A_90, %ge3A_91 : i32
      %convert_element_type3A_93 = arith.extui %ge3A_92 : i1 to i32
      %cond3A_94 = arith.constant 0 : i32
      %cond3A_95 = arith.cmpi ne, %convert_element_type3A_93, %cond3A_94 : i32
      scf.if %cond3A_95 {
        %dma_wait3A_102 = arith.constant 0 : i32
        %dma_wait3A_103 = arith.constant 0 : i32
        %dma_wait3A_104 = tpu.memref_slice %arg4[%dma_wait3A_102, %dma_wait3A_103] : memref<80x128xi32, #tpu.memory_space<vmem>> -> memref<1x128xi32, #tpu.memory_space<vmem>>
        %dma_wait3A_105 = tpu.memref_squeeze %dma_wait3A_104 : memref<1x128xi32, #tpu.memory_space<vmem>> -> memref<128xi32, #tpu.memory_space<vmem>>
        %dma_wait3A_106 = arith.constant 0 : i32
        %dma_wait3A_107 = arith.constant 0 : i32
        %dma_wait3A_108 = tpu.memref_slice %arg7[%dma_wait3A_106, %dma_wait3A_107] : memref<10240x16xf32, #tpu.memory_space<vmem_shared>> -> memref<10240x16xf32, #tpu.memory_space<vmem_shared>>
        tpu.wait_indirect_dma semaphore(%arg11 : memref<!tpu.dma_semaphore, #tpu.memory_space<semaphore_mem>>) src(%arg5 : memref<128x16xf32, #tpu.memory_space<vmem>>) dst(%dma_wait3A_108 : memref<10240x16xf32, #tpu.memory_space<vmem_shared>>)
      } else {
      }
      %dma_start3A_96 = arith.constant 0 : i32
      %dma_start3A_97 = tpu.memref_slice %arg4[%add3A_90, %dma_start3A_96] : memref<80x128xi32, #tpu.memory_space<vmem>> -> memref<1x128xi32, #tpu.memory_space<vmem>>
      %dma_start3A_98 = tpu.memref_squeeze %dma_start3A_97 : memref<1x128xi32, #tpu.memory_space<vmem>> -> memref<128xi32, #tpu.memory_space<vmem>>
      %dma_start3A_99 = arith.constant 0 : i32
      %dma_start3A_100 = arith.constant 0 : i32
      %dma_start3A_101 = tpu.memref_slice %arg7[%dma_start3A_99, %dma_start3A_100] : memref<10240x16xf32, #tpu.memory_space<vmem_shared>> -> memref<10240x16xf32, #tpu.memory_space<vmem_shared>>
      tpu.enqueue_indirect_dma source(%arg5 : memref<128x16xf32, #tpu.memory_space<vmem>>) target(%dma_start3A_101 : memref<10240x16xf32, #tpu.memory_space<vmem_shared>>) offsets(%dma_start3A_98 : memref<128xi32, #tpu.memory_space<vmem>>) semaphore(%arg11 : memref<!tpu.dma_semaphore, #tpu.memory_space<semaphore_mem>>) {add = true}
    }
    %scan3A_16 = arith.constant 20 : i32
    %dma_wait3A = arith.constant 0 : i32
    %dma_wait3A_17 = arith.constant 0 : i32
    %dma_wait3A_18 = tpu.memref_slice %arg4[%dma_wait3A, %dma_wait3A_17] : memref<80x128xi32, #tpu.memory_space<vmem>> -> memref<1x128xi32, #tpu.memory_space<vmem>>
    %dma_wait3A_19 = tpu.memref_squeeze %dma_wait3A_18 : memref<1x128xi32, #tpu.memory_space<vmem>> -> memref<128xi32, #tpu.memory_space<vmem>>
    %dma_wait3A_20 = arith.constant 0 : i32
    %dma_wait3A_21 = arith.constant 0 : i32
    %dma_wait3A_22 = tpu.memref_slice %arg7[%dma_wait3A_20, %dma_wait3A_21] : memref<10240x16xf32, #tpu.memory_space<vmem_shared>> -> memref<10240x16xf32, #tpu.memory_space<vmem_shared>>
    tpu.wait_indirect_dma semaphore(%arg8 : memref<!tpu.dma_semaphore, #tpu.memory_space<semaphore_mem>>) src(%arg5 : memref<128x16xf32, #tpu.memory_space<vmem>>) dst(%dma_wait3A_22 : memref<10240x16xf32, #tpu.memory_space<vmem_shared>>)
    %dma_wait3A_23 = arith.constant 0 : i32
    %dma_wait3A_24 = arith.constant 0 : i32
    %dma_wait3A_25 = tpu.memref_slice %arg4[%dma_wait3A_23, %dma_wait3A_24] : memref<80x128xi32, #tpu.memory_space<vmem>> -> memref<1x128xi32, #tpu.memory_space<vmem>>
    %dma_wait3A_26 = tpu.memref_squeeze %dma_wait3A_25 : memref<1x128xi32, #tpu.memory_space<vmem>> -> memref<128xi32, #tpu.memory_space<vmem>>
    %dma_wait3A_27 = arith.constant 0 : i32
    %dma_wait3A_28 = arith.constant 0 : i32
    %dma_wait3A_29 = tpu.memref_slice %arg7[%dma_wait3A_27, %dma_wait3A_28] : memref<10240x16xf32, #tpu.memory_space<vmem_shared>> -> memref<10240x16xf32, #tpu.memory_space<vmem_shared>>
    tpu.wait_indirect_dma semaphore(%arg9 : memref<!tpu.dma_semaphore, #tpu.memory_space<semaphore_mem>>) src(%arg5 : memref<128x16xf32, #tpu.memory_space<vmem>>) dst(%dma_wait3A_29 : memref<10240x16xf32, #tpu.memory_space<vmem_shared>>)
    %dma_wait3A_30 = arith.constant 0 : i32
    %dma_wait3A_31 = arith.constant 0 : i32
    %dma_wait3A_32 = tpu.memref_slice %arg4[%dma_wait3A_30, %dma_wait3A_31] : memref<80x128xi32, #tpu.memory_space<vmem>> -> memref<1x128xi32, #tpu.memory_space<vmem>>
    %dma_wait3A_33 = tpu.memref_squeeze %dma_wait3A_32 : memref<1x128xi32, #tpu.memory_space<vmem>> -> memref<128xi32, #tpu.memory_space<vmem>>
    %dma_wait3A_34 = arith.constant 0 : i32
    %dma_wait3A_35 = arith.constant 0 : i32
    %dma_wait3A_36 = tpu.memref_slice %arg7[%dma_wait3A_34, %dma_wait3A_35] : memref<10240x16xf32, #tpu.memory_space<vmem_shared>> -> memref<10240x16xf32, #tpu.memory_space<vmem_shared>>
    tpu.wait_indirect_dma semaphore(%arg10 : memref<!tpu.dma_semaphore, #tpu.memory_space<semaphore_mem>>) src(%arg5 : memref<128x16xf32, #tpu.memory_space<vmem>>) dst(%dma_wait3A_36 : memref<10240x16xf32, #tpu.memory_space<vmem_shared>>)
    %dma_wait3A_37 = arith.constant 0 : i32
    %dma_wait3A_38 = arith.constant 0 : i32
    %dma_wait3A_39 = tpu.memref_slice %arg4[%dma_wait3A_37, %dma_wait3A_38] : memref<80x128xi32, #tpu.memory_space<vmem>> -> memref<1x128xi32, #tpu.memory_space<vmem>>
    %dma_wait3A_40 = tpu.memref_squeeze %dma_wait3A_39 : memref<1x128xi32, #tpu.memory_space<vmem>> -> memref<128xi32, #tpu.memory_space<vmem>>
    %dma_wait3A_41 = arith.constant 0 : i32
    %dma_wait3A_42 = arith.constant 0 : i32
    %dma_wait3A_43 = tpu.memref_slice %arg7[%dma_wait3A_41, %dma_wait3A_42] : memref<10240x16xf32, #tpu.memory_space<vmem_shared>> -> memref<10240x16xf32, #tpu.memory_space<vmem_shared>>
    tpu.wait_indirect_dma semaphore(%arg11 : memref<!tpu.dma_semaphore, #tpu.memory_space<semaphore_mem>>) src(%arg5 : memref<128x16xf32, #tpu.memory_space<vmem>>) dst(%dma_wait3A_43 : memref<10240x16xf32, #tpu.memory_space<vmem_shared>>)
    %barrier3A_44 = arith.constant 0 : index
    tpu.barrier barrier_id(%barrier3A_44)
    %mul3A_45 = arith.constant 640 : i32
    %mul3A_46 = arith.muli %arg1, %mul3A_45 : i32
    %mul3A_47 = arith.constant 640 : i32
    %mul3A_48 = arith.muli %arg1, %mul3A_47 : i32
    "tpu.region"() ({
      %run_scoped3A_49 = tpu.sem_alloc : memref<!tpu.dma_semaphore, #tpu.memory_space<semaphore_mem>>
      %dma_start3A = arith.constant 0 : i32
      %dma_start3A_50 = tpu.memref_slice %arg3[%arg0, %mul3A_48, %dma_start3A] : memref<2x10240x16xf32, #tpu.memory_space<hbm>> -> memref<1x640x16xf32, #tpu.memory_space<hbm>>
      %dma_start3A_51 = tpu.memref_squeeze %dma_start3A_50 : memref<1x640x16xf32, #tpu.memory_space<hbm>> -> memref<640x16xf32, #tpu.memory_space<hbm>>
      %dma_start3A_52 = arith.constant 0 : i32
      %dma_start3A_53 = tpu.memref_slice %arg7[%mul3A_46, %dma_start3A_52] : memref<10240x16xf32, #tpu.memory_space<vmem_shared>> -> memref<640x16xf32, #tpu.memory_space<vmem_shared>>
      tpu.enqueue_dma source(%dma_start3A_53 : memref<640x16xf32, #tpu.memory_space<vmem_shared>>) target(%dma_start3A_51 : memref<640x16xf32, #tpu.memory_space<hbm>>) target_semaphore(%run_scoped3A_49 : memref<!tpu.dma_semaphore, #tpu.memory_space<semaphore_mem>>)
      %dma_wait3A_54 = arith.constant 0 : i32
      %dma_wait3A_55 = tpu.memref_slice %arg3[%arg0, %mul3A_48, %dma_wait3A_54] : memref<2x10240x16xf32, #tpu.memory_space<hbm>> -> memref<1x640x16xf32, #tpu.memory_space<hbm>>
      %dma_wait3A_56 = tpu.memref_squeeze %dma_wait3A_55 : memref<1x640x16xf32, #tpu.memory_space<hbm>> -> memref<640x16xf32, #tpu.memory_space<hbm>>
      %dma_wait3A_57 = arith.constant 0 : i32
      %dma_wait3A_58 = tpu.memref_slice %arg7[%mul3A_46, %dma_wait3A_57] : memref<10240x16xf32, #tpu.memory_space<vmem_shared>> -> memref<640x16xf32, #tpu.memory_space<vmem_shared>>
      tpu.wait_dma2 semaphore(%run_scoped3A_49 : memref<!tpu.dma_semaphore, #tpu.memory_space<semaphore_mem>>) src(%dma_wait3A_58 : memref<640x16xf32, #tpu.memory_space<vmem_shared>>) dst(%dma_wait3A_56 : memref<640x16xf32, #tpu.memory_space<hbm>>)
      tpu.yield
    }) : () -> ()
    return
  }
}

#map = affine_map<(d0, d1) -> (0, 0, 0)>
#map1 = affine_map<(d0, d1) -> (0, 0, 0, 0)>
#map2 = affine_map<(d0, d1) -> (0, 0)>
module attributes {stable_mosaic.version = 14 : i64} {
  func.func @_layer1_kernel(%arg0: i32, %arg1: i32, %arg2: memref<2x10240x16xf32, #tpu.memory_space<hbm>>, %arg3: memref<1280x8x128xf32, #tpu.memory_space<hbm>>, %arg4: memref<2x32x80x128xi32, #tpu.memory_space<hbm>>, %arg5: memref<2x10240x16xf32, #tpu.memory_space<hbm>>, %arg6: memref<10240x16xf32, #tpu.memory_space<hbm>>, %arg7: memref<10240x16xf32, #tpu.memory_space<hbm>>, %arg8: memref<80x128xi32, #tpu.memory_space<vmem>>, %arg9: memref<80x128xi32, #tpu.memory_space<vmem>>, %arg10: memref<4x128x16xf32, #tpu.memory_space<vmem>>, %arg11: memref<640x16xf32, #tpu.memory_space<vmem>>, %arg12: memref<10240x16xf32, #tpu.memory_space<vmem_shared>>, %arg13: memref<10240x16xf32, #tpu.memory_space<vmem_shared>>, %arg14: memref<!tpu.dma_semaphore, #tpu.memory_space<semaphore_mem>>, %arg15: memref<!tpu.dma_semaphore, #tpu.memory_space<semaphore_mem>>, %arg16: memref<!tpu.dma_semaphore, #tpu.memory_space<semaphore_mem>>, %arg17: memref<!tpu.dma_semaphore, #tpu.memory_space<semaphore_mem>>, %arg18: memref<!tpu.dma_semaphore, #tpu.memory_space<semaphore_mem>>, %arg19: memref<!tpu.dma_semaphore, #tpu.memory_space<semaphore_mem>>, %arg20: memref<!tpu.dma_semaphore, #tpu.memory_space<semaphore_mem>>, %arg21: memref<!tpu.dma_semaphore, #tpu.memory_space<semaphore_mem>>, %arg22: memref<80x8x16xf32, #tpu.memory_space<vmem>>, %arg23: memref<640x16xf32, #tpu.memory_space<vmem>>, %arg24: memref<640x16xf32, #tpu.memory_space<vmem>>, %arg25: memref<640x16xf32, #tpu.memory_space<vmem>>) attributes {dimension_semantics = [#tpu.dimension_semantics<core_parallel>, #tpu.dimension_semantics<subcore_parallel>], iteration_bounds = array<i64: 2, 16>, scalar_prefetch = 0 : i64, scratch_operands = 18 : i64, tpu.core_type = #tpu.core_type<sc_vector_subcore>, window_params = [{transform_indices = #map}, {transform_indices = #map}, {transform_indices = #map1}, {transform_indices = #map}, {transform_indices = #map2}, {transform_indices = #map2}]} {
    %mul3A = arith.constant 16 : i32
    %mul3A_0 = arith.muli %arg0, %mul3A : i32
    %add3A = arith.addi %mul3A_0, %arg1 : i32
    %mul3A_1 = arith.constant 640 : i32
    %mul3A_2 = arith.muli %arg1, %mul3A_1 : i32
    %dma_start3A = arith.constant 0 : i32
    %dma_start3A_3 = arith.constant 0 : i32
    %dma_start3A_4 = arith.constant 0 : i32
    %dma_start3A_5 = tpu.memref_slice %arg4[%dma_start3A, %add3A, %dma_start3A_3, %dma_start3A_4] : memref<2x32x80x128xi32, #tpu.memory_space<hbm>> -> memref<1x1x80x128xi32, #tpu.memory_space<hbm>>
    %dma_start3A_6 = tpu.memref_squeeze %dma_start3A_5 : memref<1x1x80x128xi32, #tpu.memory_space<hbm>> -> memref<80x128xi32, #tpu.memory_space<hbm>>
    %dma_start3A_7 = arith.constant 0 : i32
    %dma_start3A_8 = arith.constant 0 : i32
    %dma_start3A_9 = tpu.memref_slice %arg4[%dma_start3A, %add3A, %dma_start3A_7, %dma_start3A_8] : memref<2x32x80x128xi32, #tpu.memory_space<hbm>> -> memref<1x1x80x128xi32, #tpu.memory_space<hbm>>
    %dma_start3A_10 = tpu.memref_squeeze %dma_start3A_9 : memref<1x1x80x128xi32, #tpu.memory_space<hbm>> -> memref<80x128xi32, #tpu.memory_space<hbm>>
    tpu.enqueue_dma source(%dma_start3A_10 : memref<80x128xi32, #tpu.memory_space<hbm>>) target(%arg8 : memref<80x128xi32, #tpu.memory_space<vmem>>) target_semaphore(%arg14 : memref<!tpu.dma_semaphore, #tpu.memory_space<semaphore_mem>>)
    %dma_start3A_11 = arith.constant 1 : i32
    %dma_start3A_12 = arith.constant 0 : i32
    %dma_start3A_13 = arith.constant 0 : i32
    %dma_start3A_14 = tpu.memref_slice %arg4[%dma_start3A_11, %add3A, %dma_start3A_12, %dma_start3A_13] : memref<2x32x80x128xi32, #tpu.memory_space<hbm>> -> memref<1x1x80x128xi32, #tpu.memory_space<hbm>>
    %dma_start3A_15 = tpu.memref_squeeze %dma_start3A_14 : memref<1x1x80x128xi32, #tpu.memory_space<hbm>> -> memref<80x128xi32, #tpu.memory_space<hbm>>
    %dma_start3A_16 = arith.constant 0 : i32
    %dma_start3A_17 = arith.constant 0 : i32
    %dma_start3A_18 = tpu.memref_slice %arg4[%dma_start3A_11, %add3A, %dma_start3A_16, %dma_start3A_17] : memref<2x32x80x128xi32, #tpu.memory_space<hbm>> -> memref<1x1x80x128xi32, #tpu.memory_space<hbm>>
    %dma_start3A_19 = tpu.memref_squeeze %dma_start3A_18 : memref<1x1x80x128xi32, #tpu.memory_space<hbm>> -> memref<80x128xi32, #tpu.memory_space<hbm>>
    tpu.enqueue_dma source(%dma_start3A_19 : memref<80x128xi32, #tpu.memory_space<hbm>>) target(%arg9 : memref<80x128xi32, #tpu.memory_space<vmem>>) target_semaphore(%arg15 : memref<!tpu.dma_semaphore, #tpu.memory_space<semaphore_mem>>)
    %mul3A_20 = arith.constant 80 : i32
    %mul3A_21 = arith.muli %arg1, %mul3A_20 : i32
    %dma_start3A_22 = arith.constant 0 : i32
    %dma_start3A_23 = arith.constant 0 : i32
    %dma_start3A_24 = tpu.memref_slice %arg3[%mul3A_21, %dma_start3A_22, %dma_start3A_23] : memref<1280x8x128xf32, #tpu.memory_space<hbm>> -> memref<80x8x16xf32, #tpu.memory_space<hbm>>
    %dma_start3A_25 = arith.constant 0 : i32
    %dma_start3A_26 = arith.constant 0 : i32
    %dma_start3A_27 = tpu.memref_slice %arg3[%mul3A_21, %dma_start3A_25, %dma_start3A_26] : memref<1280x8x128xf32, #tpu.memory_space<hbm>> -> memref<80x8x16xf32, #tpu.memory_space<hbm>>
    tpu.enqueue_dma source(%dma_start3A_27 : memref<80x8x16xf32, #tpu.memory_space<hbm>>) target(%arg22 : memref<80x8x16xf32, #tpu.memory_space<vmem>>) target_semaphore(%arg16 : memref<!tpu.dma_semaphore, #tpu.memory_space<semaphore_mem>>)
    %dma_start3A_28 = arith.constant 0 : i32
    %dma_start3A_29 = arith.constant 0 : i32
    %dma_start3A_30 = tpu.memref_slice %arg2[%dma_start3A_28, %mul3A_2, %dma_start3A_29] : memref<2x10240x16xf32, #tpu.memory_space<hbm>> -> memref<1x640x16xf32, #tpu.memory_space<hbm>>
    %dma_start3A_31 = tpu.memref_squeeze %dma_start3A_30 : memref<1x640x16xf32, #tpu.memory_space<hbm>> -> memref<640x16xf32, #tpu.memory_space<hbm>>
    %dma_start3A_32 = arith.constant 0 : i32
    %dma_start3A_33 = tpu.memref_slice %arg2[%dma_start3A_28, %mul3A_2, %dma_start3A_32] : memref<2x10240x16xf32, #tpu.memory_space<hbm>> -> memref<1x640x16xf32, #tpu.memory_space<hbm>>
    %dma_start3A_34 = tpu.memref_squeeze %dma_start3A_33 : memref<1x640x16xf32, #tpu.memory_space<hbm>> -> memref<640x16xf32, #tpu.memory_space<hbm>>
    tpu.enqueue_dma source(%dma_start3A_34 : memref<640x16xf32, #tpu.memory_space<hbm>>) target(%arg23 : memref<640x16xf32, #tpu.memory_space<vmem>>) target_semaphore(%arg17 : memref<!tpu.dma_semaphore, #tpu.memory_space<semaphore_mem>>)
    %dma_start3A_35 = arith.constant 1 : i32
    %dma_start3A_36 = arith.constant 0 : i32
    %dma_start3A_37 = tpu.memref_slice %arg2[%dma_start3A_35, %mul3A_2, %dma_start3A_36] : memref<2x10240x16xf32, #tpu.memory_space<hbm>> -> memref<1x640x16xf32, #tpu.memory_space<hbm>>
    %dma_start3A_38 = tpu.memref_squeeze %dma_start3A_37 : memref<1x640x16xf32, #tpu.memory_space<hbm>> -> memref<640x16xf32, #tpu.memory_space<hbm>>
    %dma_start3A_39 = arith.constant 0 : i32
    %dma_start3A_40 = tpu.memref_slice %arg2[%dma_start3A_35, %mul3A_2, %dma_start3A_39] : memref<2x10240x16xf32, #tpu.memory_space<hbm>> -> memref<1x640x16xf32, #tpu.memory_space<hbm>>
    %dma_start3A_41 = tpu.memref_squeeze %dma_start3A_40 : memref<1x640x16xf32, #tpu.memory_space<hbm>> -> memref<640x16xf32, #tpu.memory_space<hbm>>
    tpu.enqueue_dma source(%dma_start3A_41 : memref<640x16xf32, #tpu.memory_space<hbm>>) target(%arg24 : memref<640x16xf32, #tpu.memory_space<vmem>>) target_semaphore(%arg18 : memref<!tpu.dma_semaphore, #tpu.memory_space<semaphore_mem>>)
    %scan3A = arith.constant 0 : i32
    %scan3A_42 = arith.constant 640 : i32
    %scan3A_43 = arith.addi %scan3A, %scan3A_42 : i32
    %scan3A_44 = arith.constant 8 : i32
    scf.for %scan3A_176 = %scan3A to %scan3A_43 step %scan3A_44  : i32 {
      %mul3A_177 = arith.constant 1 : i32
      %mul3A_178 = arith.muli %scan3A_176, %mul3A_177 : i32
      %add3A_179 = arith.constant 0 : i32
      %add3A_180 = arith.addi %add3A_179, %mul3A_178 : i32
      %broadcast_in_dim3A = arith.constant 0.000000e+00 : f32
      %broadcast_in_dim3A_181 = vector.broadcast %broadcast_in_dim3A : f32 to vector<16xf32>
      %swap3A = arith.index_cast %add3A_180 : i32 to index
      %swap3A_182 = arith.constant 0 : index
      %swap3A_183 = tpu.vector_load %arg11[%swap3A, %swap3A_182] {strides = array<i32>} : memref<640x16xf32, #tpu.memory_space<vmem>>, vector<16xf32>,
      tpu.vector_store %arg11[%swap3A, %swap3A_182], %broadcast_in_dim3A_181 {strides = array<i32>} : memref<640x16xf32, #tpu.memory_space<vmem>>, vector<16xf32>,
      %scan3A_184 = arith.constant 1 : i32
      %scan3A_185 = arith.addi %scan3A_176, %scan3A_184 : i32
      %mul3A_186 = arith.constant 1 : i32
      %mul3A_187 = arith.muli %scan3A_185, %mul3A_186 : i32
      %add3A_188 = arith.constant 0 : i32
      %add3A_189 = arith.addi %add3A_188, %mul3A_187 : i32
      %broadcast_in_dim3A_190 = arith.constant 0.000000e+00 : f32
      %broadcast_in_dim3A_191 = vector.broadcast %broadcast_in_dim3A_190 : f32 to vector<16xf32>
      %swap3A_192 = arith.index_cast %add3A_189 : i32 to index
      %swap3A_193 = arith.constant 0 : index
      %swap3A_194 = tpu.vector_load %arg11[%swap3A_192, %swap3A_193] {strides = array<i32>} : memref<640x16xf32, #tpu.memory_space<vmem>>, vector<16xf32>,
      tpu.vector_store %arg11[%swap3A_192, %swap3A_193], %broadcast_in_dim3A_191 {strides = array<i32>} : memref<640x16xf32, #tpu.memory_space<vmem>>, vector<16xf32>,
      %scan3A_195 = arith.constant 2 : i32
      %scan3A_196 = arith.addi %scan3A_176, %scan3A_195 : i32
      %mul3A_197 = arith.constant 1 : i32
      %mul3A_198 = arith.muli %scan3A_196, %mul3A_197 : i32
      %add3A_199 = arith.constant 0 : i32
      %add3A_200 = arith.addi %add3A_199, %mul3A_198 : i32
      %broadcast_in_dim3A_201 = arith.constant 0.000000e+00 : f32
      %broadcast_in_dim3A_202 = vector.broadcast %broadcast_in_dim3A_201 : f32 to vector<16xf32>
      %swap3A_203 = arith.index_cast %add3A_200 : i32 to index
      %swap3A_204 = arith.constant 0 : index
      %swap3A_205 = tpu.vector_load %arg11[%swap3A_203, %swap3A_204] {strides = array<i32>} : memref<640x16xf32, #tpu.memory_space<vmem>>, vector<16xf32>,
      tpu.vector_store %arg11[%swap3A_203, %swap3A_204], %broadcast_in_dim3A_202 {strides = array<i32>} : memref<640x16xf32, #tpu.memory_space<vmem>>, vector<16xf32>,
      %scan3A_206 = arith.constant 3 : i32
      %scan3A_207 = arith.addi %scan3A_176, %scan3A_206 : i32
      %mul3A_208 = arith.constant 1 : i32
      %mul3A_209 = arith.muli %scan3A_207, %mul3A_208 : i32
      %add3A_210 = arith.constant 0 : i32
      %add3A_211 = arith.addi %add3A_210, %mul3A_209 : i32
      %broadcast_in_dim3A_212 = arith.constant 0.000000e+00 : f32
      %broadcast_in_dim3A_213 = vector.broadcast %broadcast_in_dim3A_212 : f32 to vector<16xf32>
      %swap3A_214 = arith.index_cast %add3A_211 : i32 to index
      %swap3A_215 = arith.constant 0 : index
      %swap3A_216 = tpu.vector_load %arg11[%swap3A_214, %swap3A_215] {strides = array<i32>} : memref<640x16xf32, #tpu.memory_space<vmem>>, vector<16xf32>,
      tpu.vector_store %arg11[%swap3A_214, %swap3A_215], %broadcast_in_dim3A_213 {strides = array<i32>} : memref<640x16xf32, #tpu.memory_space<vmem>>, vector<16xf32>,
      %scan3A_217 = arith.constant 4 : i32
      %scan3A_218 = arith.addi %scan3A_176, %scan3A_217 : i32
      %mul3A_219 = arith.constant 1 : i32
      %mul3A_220 = arith.muli %scan3A_218, %mul3A_219 : i32
      %add3A_221 = arith.constant 0 : i32
      %add3A_222 = arith.addi %add3A_221, %mul3A_220 : i32
      %broadcast_in_dim3A_223 = arith.constant 0.000000e+00 : f32
      %broadcast_in_dim3A_224 = vector.broadcast %broadcast_in_dim3A_223 : f32 to vector<16xf32>
      %swap3A_225 = arith.index_cast %add3A_222 : i32 to index
      %swap3A_226 = arith.constant 0 : index
      %swap3A_227 = tpu.vector_load %arg11[%swap3A_225, %swap3A_226] {strides = array<i32>} : memref<640x16xf32, #tpu.memory_space<vmem>>, vector<16xf32>,
      tpu.vector_store %arg11[%swap3A_225, %swap3A_226], %broadcast_in_dim3A_224 {strides = array<i32>} : memref<640x16xf32, #tpu.memory_space<vmem>>, vector<16xf32>,
      %scan3A_228 = arith.constant 5 : i32
      %scan3A_229 = arith.addi %scan3A_176, %scan3A_228 : i32
      %mul3A_230 = arith.constant 1 : i32
      %mul3A_231 = arith.muli %scan3A_229, %mul3A_230 : i32
      %add3A_232 = arith.constant 0 : i32
      %add3A_233 = arith.addi %add3A_232, %mul3A_231 : i32
      %broadcast_in_dim3A_234 = arith.constant 0.000000e+00 : f32
      %broadcast_in_dim3A_235 = vector.broadcast %broadcast_in_dim3A_234 : f32 to vector<16xf32>
      %swap3A_236 = arith.index_cast %add3A_233 : i32 to index
      %swap3A_237 = arith.constant 0 : index
      %swap3A_238 = tpu.vector_load %arg11[%swap3A_236, %swap3A_237] {strides = array<i32>} : memref<640x16xf32, #tpu.memory_space<vmem>>, vector<16xf32>,
      tpu.vector_store %arg11[%swap3A_236, %swap3A_237], %broadcast_in_dim3A_235 {strides = array<i32>} : memref<640x16xf32, #tpu.memory_space<vmem>>, vector<16xf32>,
      %scan3A_239 = arith.constant 6 : i32
      %scan3A_240 = arith.addi %scan3A_176, %scan3A_239 : i32
      %mul3A_241 = arith.constant 1 : i32
      %mul3A_242 = arith.muli %scan3A_240, %mul3A_241 : i32
      %add3A_243 = arith.constant 0 : i32
      %add3A_244 = arith.addi %add3A_243, %mul3A_242 : i32
      %broadcast_in_dim3A_245 = arith.constant 0.000000e+00 : f32
      %broadcast_in_dim3A_246 = vector.broadcast %broadcast_in_dim3A_245 : f32 to vector<16xf32>
      %swap3A_247 = arith.index_cast %add3A_244 : i32 to index
      %swap3A_248 = arith.constant 0 : index
      %swap3A_249 = tpu.vector_load %arg11[%swap3A_247, %swap3A_248] {strides = array<i32>} : memref<640x16xf32, #tpu.memory_space<vmem>>, vector<16xf32>,
      tpu.vector_store %arg11[%swap3A_247, %swap3A_248], %broadcast_in_dim3A_246 {strides = array<i32>} : memref<640x16xf32, #tpu.memory_space<vmem>>, vector<16xf32>,
      %scan3A_250 = arith.constant 7 : i32
      %scan3A_251 = arith.addi %scan3A_176, %scan3A_250 : i32
      %mul3A_252 = arith.constant 1 : i32
      %mul3A_253 = arith.muli %scan3A_251, %mul3A_252 : i32
      %add3A_254 = arith.constant 0 : i32
      %add3A_255 = arith.addi %add3A_254, %mul3A_253 : i32
      %broadcast_in_dim3A_256 = arith.constant 0.000000e+00 : f32
      %broadcast_in_dim3A_257 = vector.broadcast %broadcast_in_dim3A_256 : f32 to vector<16xf32>
      %swap3A_258 = arith.index_cast %add3A_255 : i32 to index
      %swap3A_259 = arith.constant 0 : index
      %swap3A_260 = tpu.vector_load %arg11[%swap3A_258, %swap3A_259] {strides = array<i32>} : memref<640x16xf32, #tpu.memory_space<vmem>>, vector<16xf32>,
      tpu.vector_store %arg11[%swap3A_258, %swap3A_259], %broadcast_in_dim3A_257 {strides = array<i32>} : memref<640x16xf32, #tpu.memory_space<vmem>>, vector<16xf32>,
    }
    %scan3A_45 = arith.constant 640 : i32
    %dma_start3A_46 = arith.constant 0 : i32
    %dma_start3A_47 = tpu.memref_slice %arg13[%mul3A_2, %dma_start3A_46] : memref<10240x16xf32, #tpu.memory_space<vmem_shared>> -> memref<640x16xf32, #tpu.memory_space<vmem_shared>>
    %dma_start3A_48 = arith.constant 0 : i32
    %dma_start3A_49 = tpu.memref_slice %arg13[%mul3A_2, %dma_start3A_48] : memref<10240x16xf32, #tpu.memory_space<vmem_shared>> -> memref<640x16xf32, #tpu.memory_space<vmem_shared>>
    tpu.enqueue_dma source(%arg11 : memref<640x16xf32, #tpu.memory_space<vmem>>) target(%dma_start3A_49 : memref<640x16xf32, #tpu.memory_space<vmem_shared>>) target_semaphore(%arg19 : memref<!tpu.dma_semaphore, #tpu.memory_space<semaphore_mem>>)
    %dma_wait3A = arith.constant 0 : i32
    %dma_wait3A_50 = arith.constant 0 : i32
    %dma_wait3A_51 = tpu.memref_slice %arg3[%mul3A_21, %dma_wait3A, %dma_wait3A_50] : memref<1280x8x128xf32, #tpu.memory_space<hbm>> -> memref<80x8x16xf32, #tpu.memory_space<hbm>>
    %dma_wait3A_52 = arith.constant 0 : i32
    %dma_wait3A_53 = arith.constant 0 : i32
    %dma_wait3A_54 = tpu.memref_slice %arg3[%mul3A_21, %dma_wait3A_52, %dma_wait3A_53] : memref<1280x8x128xf32, #tpu.memory_space<hbm>> -> memref<80x8x16xf32, #tpu.memory_space<hbm>>
    tpu.wait_dma2 semaphore(%arg16 : memref<!tpu.dma_semaphore, #tpu.memory_space<semaphore_mem>>) src(%dma_wait3A_54 : memref<80x8x16xf32, #tpu.memory_space<hbm>>) dst(%arg22 : memref<80x8x16xf32, #tpu.memory_space<vmem>>)
    %dma_wait3A_55 = arith.constant 0 : i32
    %dma_wait3A_56 = arith.constant 0 : i32
    %dma_wait3A_57 = tpu.memref_slice %arg2[%dma_wait3A_55, %mul3A_2, %dma_wait3A_56] : memref<2x10240x16xf32, #tpu.memory_space<hbm>> -> memref<1x640x16xf32, #tpu.memory_space<hbm>>
    %dma_wait3A_58 = tpu.memref_squeeze %dma_wait3A_57 : memref<1x640x16xf32, #tpu.memory_space<hbm>> -> memref<640x16xf32, #tpu.memory_space<hbm>>
    %dma_wait3A_59 = arith.constant 0 : i32
    %dma_wait3A_60 = tpu.memref_slice %arg2[%dma_wait3A_55, %mul3A_2, %dma_wait3A_59] : memref<2x10240x16xf32, #tpu.memory_space<hbm>> -> memref<1x640x16xf32, #tpu.memory_space<hbm>>
    %dma_wait3A_61 = tpu.memref_squeeze %dma_wait3A_60 : memref<1x640x16xf32, #tpu.memory_space<hbm>> -> memref<640x16xf32, #tpu.memory_space<hbm>>
    tpu.wait_dma2 semaphore(%arg17 : memref<!tpu.dma_semaphore, #tpu.memory_space<semaphore_mem>>) src(%dma_wait3A_61 : memref<640x16xf32, #tpu.memory_space<hbm>>) dst(%arg23 : memref<640x16xf32, #tpu.memory_space<vmem>>)
    %dma_wait3A_62 = arith.constant 1 : i32
    %dma_wait3A_63 = arith.constant 0 : i32
    %dma_wait3A_64 = tpu.memref_slice %arg2[%dma_wait3A_62, %mul3A_2, %dma_wait3A_63] : memref<2x10240x16xf32, #tpu.memory_space<hbm>> -> memref<1x640x16xf32, #tpu.memory_space<hbm>>
    %dma_wait3A_65 = tpu.memref_squeeze %dma_wait3A_64 : memref<1x640x16xf32, #tpu.memory_space<hbm>> -> memref<640x16xf32, #tpu.memory_space<hbm>>
    %dma_wait3A_66 = arith.constant 0 : i32
    %dma_wait3A_67 = tpu.memref_slice %arg2[%dma_wait3A_62, %mul3A_2, %dma_wait3A_66] : memref<2x10240x16xf32, #tpu.memory_space<hbm>> -> memref<1x640x16xf32, #tpu.memory_space<hbm>>
    %dma_wait3A_68 = tpu.memref_squeeze %dma_wait3A_67 : memref<1x640x16xf32, #tpu.memory_space<hbm>> -> memref<640x16xf32, #tpu.memory_space<hbm>>
    tpu.wait_dma2 semaphore(%arg18 : memref<!tpu.dma_semaphore, #tpu.memory_space<semaphore_mem>>) src(%dma_wait3A_68 : memref<640x16xf32, #tpu.memory_space<hbm>>) dst(%arg24 : memref<640x16xf32, #tpu.memory_space<vmem>>)
    %scan3A_69 = arith.constant 0 : i32
    %scan3A_70 = arith.constant 80 : i32
    %scan3A_71 = arith.addi %scan3A_69, %scan3A_70 : i32
    %scan3A_72 = arith.constant 1 : i32
    scf.for %scan3A_176 = %scan3A_69 to %scan3A_71 step %scan3A_72  : i32 {
      %mul3A_177 = arith.constant 1 : i32
      %mul3A_178 = arith.muli %scan3A_176, %mul3A_177 : i32
      %add3A_179 = arith.constant 0 : i32
      %add3A_180 = arith.addi %add3A_179, %mul3A_178 : i32
      %mul3A_181 = arith.constant 8 : i32
      %mul3A_182 = arith.muli %add3A_180, %mul3A_181 : i32
      %add3A_183 = arith.constant 0 : i32
      %add3A_184 = arith.addi %mul3A_182, %add3A_183 : i32
      %get3A = arith.index_cast %add3A_184 : i32 to index
      %get3A_185 = arith.constant 0 : index
      %get3A_186 = tpu.vector_load %arg23[%get3A, %get3A_185] {strides = array<i32>} : memref<640x16xf32, #tpu.memory_space<vmem>>, vector<16xf32>,
      %get3A_187 = arith.index_cast %add3A_184 : i32 to index
      %get3A_188 = arith.constant 0 : index
      %get3A_189 = tpu.vector_load %arg24[%get3A_187, %get3A_188] {strides = array<i32>} : memref<640x16xf32, #tpu.memory_space<vmem>>, vector<16xf32>,
      %add3A_190 = arith.addf %get3A_186, %get3A_189 : vector<16xf32>
      %add3A_191 = arith.constant 1.000000e+00 : f32
      %add3A_192 = vector.broadcast %add3A_191 : f32 to vector<16xf32>
      %add3A_193 = arith.addf %add3A_190, %add3A_192 : vector<16xf32>
      %bitcast3A = vector.bitcast %add3A_193 : vector<16xf32> to vector<16xi32>
      %shift_right_arithmetic3A = arith.constant 1 : i32
      %shift_right_arithmetic3A_194 = vector.broadcast %shift_right_arithmetic3A : i32 to vector<16xi32>
      %shift_right_arithmetic3A_195 = arith.shrsi %bitcast3A, %shift_right_arithmetic3A_194 : vector<16xi32>
      %sub3A = arith.constant 1597463007 : i32
      %sub3A_196 = vector.broadcast %sub3A : i32 to vector<16xi32>
      %sub3A_197 = arith.subi %sub3A_196, %shift_right_arithmetic3A_195 : vector<16xi32>
      %bitcast3A_198 = vector.bitcast %sub3A_197 : vector<16xi32> to vector<16xf32>
      %mul3A_199 = arith.constant 5.000000e-01 : f32
      %mul3A_200 = vector.broadcast %mul3A_199 : f32 to vector<16xf32>
      %mul3A_201 = arith.mulf %mul3A_200, %add3A_193 : vector<16xf32>
      %mul3A_202 = arith.mulf %mul3A_201, %bitcast3A_198 : vector<16xf32>
      %mul3A_203 = arith.mulf %mul3A_202, %bitcast3A_198 : vector<16xf32>
      %sub3A_204 = arith.constant 1.500000e+00 : f32
      %sub3A_205 = vector.broadcast %sub3A_204 : f32 to vector<16xf32>
      %sub3A_206 = arith.subf %sub3A_205, %mul3A_203 : vector<16xf32>
      %mul3A_207 = arith.mulf %bitcast3A_198, %sub3A_206 : vector<16xf32>
      %mul3A_208 = arith.constant 5.000000e-01 : f32
      %mul3A_209 = vector.broadcast %mul3A_208 : f32 to vector<16xf32>
      %mul3A_210 = arith.mulf %mul3A_209, %add3A_193 : vector<16xf32>
      %mul3A_211 = arith.mulf %mul3A_210, %mul3A_207 : vector<16xf32>
      %mul3A_212 = arith.mulf %mul3A_211, %mul3A_207 : vector<16xf32>
      %sub3A_213 = arith.constant 1.500000e+00 : f32
      %sub3A_214 = vector.broadcast %sub3A_213 : f32 to vector<16xf32>
      %sub3A_215 = arith.subf %sub3A_214, %mul3A_212 : vector<16xf32>
      %mul3A_216 = arith.mulf %mul3A_207, %sub3A_215 : vector<16xf32>
      %mul3A_217 = arith.constant 5.000000e-01 : f32
      %mul3A_218 = vector.broadcast %mul3A_217 : f32 to vector<16xf32>
      %mul3A_219 = arith.mulf %mul3A_218, %add3A_193 : vector<16xf32>
      %mul3A_220 = arith.mulf %mul3A_219, %mul3A_216 : vector<16xf32>
      %mul3A_221 = arith.mulf %mul3A_220, %mul3A_216 : vector<16xf32>
      %sub3A_222 = arith.constant 1.500000e+00 : f32
      %sub3A_223 = vector.broadcast %sub3A_222 : f32 to vector<16xf32>
      %sub3A_224 = arith.subf %sub3A_223, %mul3A_221 : vector<16xf32>
      %mul3A_225 = arith.mulf %mul3A_216, %sub3A_224 : vector<16xf32>
      %swap3A = arith.index_cast %add3A_184 : i32 to index
      %swap3A_226 = arith.constant 0 : index
      %swap3A_227 = tpu.vector_load %arg24[%swap3A, %swap3A_226] {strides = array<i32>} : memref<640x16xf32, #tpu.memory_space<vmem>>, vector<16xf32>,
      tpu.vector_store %arg24[%swap3A, %swap3A_226], %mul3A_225 {strides = array<i32>} : memref<640x16xf32, #tpu.memory_space<vmem>>, vector<16xf32>,
      %get3A_228 = arith.constant 0 : i32
      %get3A_229 = arith.index_cast %add3A_180 : i32 to index
      %get3A_230 = arith.index_cast %get3A_228 : i32 to index
      %get3A_231 = arith.constant 0 : index
      %get3A_232 = tpu.vector_load %arg22[%get3A_229, %get3A_230, %get3A_231] {strides = array<i32>} : memref<80x8x16xf32, #tpu.memory_space<vmem>>, vector<16xf32>,
      %mul3A_233 = arith.mulf %mul3A_225, %get3A_232 : vector<16xf32>
      %swap3A_234 = arith.index_cast %add3A_184 : i32 to index
      %swap3A_235 = arith.constant 0 : index
      %swap3A_236 = tpu.vector_load %arg25[%swap3A_234, %swap3A_235] {strides = array<i32>} : memref<640x16xf32, #tpu.memory_space<vmem>>, vector<16xf32>,
      tpu.vector_store %arg25[%swap3A_234, %swap3A_235], %mul3A_233 {strides = array<i32>} : memref<640x16xf32, #tpu.memory_space<vmem>>, vector<16xf32>,
      %mul3A_237 = arith.constant 8 : i32
      %mul3A_238 = arith.muli %add3A_180, %mul3A_237 : i32
      %add3A_239 = arith.constant 1 : i32
      %add3A_240 = arith.addi %mul3A_238, %add3A_239 : i32
      %get3A_241 = arith.index_cast %add3A_240 : i32 to index
      %get3A_242 = arith.constant 0 : index
      %get3A_243 = tpu.vector_load %arg23[%get3A_241, %get3A_242] {strides = array<i32>} : memref<640x16xf32, #tpu.memory_space<vmem>>, vector<16xf32>,
      %get3A_244 = arith.index_cast %add3A_240 : i32 to index
      %get3A_245 = arith.constant 0 : index
      %get3A_246 = tpu.vector_load %arg24[%get3A_244, %get3A_245] {strides = array<i32>} : memref<640x16xf32, #tpu.memory_space<vmem>>, vector<16xf32>,
      %add3A_247 = arith.addf %get3A_243, %get3A_246 : vector<16xf32>
      %add3A_248 = arith.constant 1.000000e+00 : f32
      %add3A_249 = vector.broadcast %add3A_248 : f32 to vector<16xf32>
      %add3A_250 = arith.addf %add3A_247, %add3A_249 : vector<16xf32>
      %bitcast3A_251 = vector.bitcast %add3A_250 : vector<16xf32> to vector<16xi32>
      %shift_right_arithmetic3A_252 = arith.constant 1 : i32
      %shift_right_arithmetic3A_253 = vector.broadcast %shift_right_arithmetic3A_252 : i32 to vector<16xi32>
      %shift_right_arithmetic3A_254 = arith.shrsi %bitcast3A_251, %shift_right_arithmetic3A_253 : vector<16xi32>
      %sub3A_255 = arith.constant 1597463007 : i32
      %sub3A_256 = vector.broadcast %sub3A_255 : i32 to vector<16xi32>
      %sub3A_257 = arith.subi %sub3A_256, %shift_right_arithmetic3A_254 : vector<16xi32>
      %bitcast3A_258 = vector.bitcast %sub3A_257 : vector<16xi32> to vector<16xf32>
      %mul3A_259 = arith.constant 5.000000e-01 : f32
      %mul3A_260 = vector.broadcast %mul3A_259 : f32 to vector<16xf32>
      %mul3A_261 = arith.mulf %mul3A_260, %add3A_250 : vector<16xf32>
      %mul3A_262 = arith.mulf %mul3A_261, %bitcast3A_258 : vector<16xf32>
      %mul3A_263 = arith.mulf %mul3A_262, %bitcast3A_258 : vector<16xf32>
      %sub3A_264 = arith.constant 1.500000e+00 : f32
      %sub3A_265 = vector.broadcast %sub3A_264 : f32 to vector<16xf32>
      %sub3A_266 = arith.subf %sub3A_265, %mul3A_263 : vector<16xf32>
      %mul3A_267 = arith.mulf %bitcast3A_258, %sub3A_266 : vector<16xf32>
      %mul3A_268 = arith.constant 5.000000e-01 : f32
      %mul3A_269 = vector.broadcast %mul3A_268 : f32 to vector<16xf32>
      %mul3A_270 = arith.mulf %mul3A_269, %add3A_250 : vector<16xf32>
      %mul3A_271 = arith.mulf %mul3A_270, %mul3A_267 : vector<16xf32>
      %mul3A_272 = arith.mulf %mul3A_271, %mul3A_267 : vector<16xf32>
      %sub3A_273 = arith.constant 1.500000e+00 : f32
      %sub3A_274 = vector.broadcast %sub3A_273 : f32 to vector<16xf32>
      %sub3A_275 = arith.subf %sub3A_274, %mul3A_272 : vector<16xf32>
      %mul3A_276 = arith.mulf %mul3A_267, %sub3A_275 : vector<16xf32>
      %mul3A_277 = arith.constant 5.000000e-01 : f32
      %mul3A_278 = vector.broadcast %mul3A_277 : f32 to vector<16xf32>
      %mul3A_279 = arith.mulf %mul3A_278, %add3A_250 : vector<16xf32>
      %mul3A_280 = arith.mulf %mul3A_279, %mul3A_276 : vector<16xf32>
      %mul3A_281 = arith.mulf %mul3A_280, %mul3A_276 : vector<16xf32>
      %sub3A_282 = arith.constant 1.500000e+00 : f32
      %sub3A_283 = vector.broadcast %sub3A_282 : f32 to vector<16xf32>
      %sub3A_284 = arith.subf %sub3A_283, %mul3A_281 : vector<16xf32>
      %mul3A_285 = arith.mulf %mul3A_276, %sub3A_284 : vector<16xf32>
      %swap3A_286 = arith.index_cast %add3A_240 : i32 to index
      %swap3A_287 = arith.constant 0 : index
      %swap3A_288 = tpu.vector_load %arg24[%swap3A_286, %swap3A_287] {strides = array<i32>} : memref<640x16xf32, #tpu.memory_space<vmem>>, vector<16xf32>,
      tpu.vector_store %arg24[%swap3A_286, %swap3A_287], %mul3A_285 {strides = array<i32>} : memref<640x16xf32, #tpu.memory_space<vmem>>, vector<16xf32>,
      %get3A_289 = arith.constant 1 : i32
      %get3A_290 = arith.index_cast %add3A_180 : i32 to index
      %get3A_291 = arith.index_cast %get3A_289 : i32 to index
      %get3A_292 = arith.constant 0 : index
      %get3A_293 = tpu.vector_load %arg22[%get3A_290, %get3A_291, %get3A_292] {strides = array<i32>} : memref<80x8x16xf32, #tpu.memory_space<vmem>>, vector<16xf32>,
      %mul3A_294 = arith.mulf %mul3A_285, %get3A_293 : vector<16xf32>
      %swap3A_295 = arith.index_cast %add3A_240 : i32 to index
      %swap3A_296 = arith.constant 0 : index
      %swap3A_297 = tpu.vector_load %arg25[%swap3A_295, %swap3A_296] {strides = array<i32>} : memref<640x16xf32, #tpu.memory_space<vmem>>, vector<16xf32>,
      tpu.vector_store %arg25[%swap3A_295, %swap3A_296], %mul3A_294 {strides = array<i32>} : memref<640x16xf32, #tpu.memory_space<vmem>>, vector<16xf32>,
      %mul3A_298 = arith.constant 8 : i32
      %mul3A_299 = arith.muli %add3A_180, %mul3A_298 : i32
      %add3A_300 = arith.constant 2 : i32
      %add3A_301 = arith.addi %mul3A_299, %add3A_300 : i32
      %get3A_302 = arith.index_cast %add3A_301 : i32 to index
      %get3A_303 = arith.constant 0 : index
      %get3A_304 = tpu.vector_load %arg23[%get3A_302, %get3A_303] {strides = array<i32>} : memref<640x16xf32, #tpu.memory_space<vmem>>, vector<16xf32>,
      %get3A_305 = arith.index_cast %add3A_301 : i32 to index
      %get3A_306 = arith.constant 0 : index
      %get3A_307 = tpu.vector_load %arg24[%get3A_305, %get3A_306] {strides = array<i32>} : memref<640x16xf32, #tpu.memory_space<vmem>>, vector<16xf32>,
      %add3A_308 = arith.addf %get3A_304, %get3A_307 : vector<16xf32>
      %add3A_309 = arith.constant 1.000000e+00 : f32
      %add3A_310 = vector.broadcast %add3A_309 : f32 to vector<16xf32>
      %add3A_311 = arith.addf %add3A_308, %add3A_310 : vector<16xf32>
      %bitcast3A_312 = vector.bitcast %add3A_311 : vector<16xf32> to vector<16xi32>
      %shift_right_arithmetic3A_313 = arith.constant 1 : i32
      %shift_right_arithmetic3A_314 = vector.broadcast %shift_right_arithmetic3A_313 : i32 to vector<16xi32>
      %shift_right_arithmetic3A_315 = arith.shrsi %bitcast3A_312, %shift_right_arithmetic3A_314 : vector<16xi32>
      %sub3A_316 = arith.constant 1597463007 : i32
      %sub3A_317 = vector.broadcast %sub3A_316 : i32 to vector<16xi32>
      %sub3A_318 = arith.subi %sub3A_317, %shift_right_arithmetic3A_315 : vector<16xi32>
      %bitcast3A_319 = vector.bitcast %sub3A_318 : vector<16xi32> to vector<16xf32>
      %mul3A_320 = arith.constant 5.000000e-01 : f32
      %mul3A_321 = vector.broadcast %mul3A_320 : f32 to vector<16xf32>
      %mul3A_322 = arith.mulf %mul3A_321, %add3A_311 : vector<16xf32>
      %mul3A_323 = arith.mulf %mul3A_322, %bitcast3A_319 : vector<16xf32>
      %mul3A_324 = arith.mulf %mul3A_323, %bitcast3A_319 : vector<16xf32>
      %sub3A_325 = arith.constant 1.500000e+00 : f32
      %sub3A_326 = vector.broadcast %sub3A_325 : f32 to vector<16xf32>
      %sub3A_327 = arith.subf %sub3A_326, %mul3A_324 : vector<16xf32>
      %mul3A_328 = arith.mulf %bitcast3A_319, %sub3A_327 : vector<16xf32>
      %mul3A_329 = arith.constant 5.000000e-01 : f32
      %mul3A_330 = vector.broadcast %mul3A_329 : f32 to vector<16xf32>
      %mul3A_331 = arith.mulf %mul3A_330, %add3A_311 : vector<16xf32>
      %mul3A_332 = arith.mulf %mul3A_331, %mul3A_328 : vector<16xf32>
      %mul3A_333 = arith.mulf %mul3A_332, %mul3A_328 : vector<16xf32>
      %sub3A_334 = arith.constant 1.500000e+00 : f32
      %sub3A_335 = vector.broadcast %sub3A_334 : f32 to vector<16xf32>
      %sub3A_336 = arith.subf %sub3A_335, %mul3A_333 : vector<16xf32>
      %mul3A_337 = arith.mulf %mul3A_328, %sub3A_336 : vector<16xf32>
      %mul3A_338 = arith.constant 5.000000e-01 : f32
      %mul3A_339 = vector.broadcast %mul3A_338 : f32 to vector<16xf32>
      %mul3A_340 = arith.mulf %mul3A_339, %add3A_311 : vector<16xf32>
      %mul3A_341 = arith.mulf %mul3A_340, %mul3A_337 : vector<16xf32>
      %mul3A_342 = arith.mulf %mul3A_341, %mul3A_337 : vector<16xf32>
      %sub3A_343 = arith.constant 1.500000e+00 : f32
      %sub3A_344 = vector.broadcast %sub3A_343 : f32 to vector<16xf32>
      %sub3A_345 = arith.subf %sub3A_344, %mul3A_342 : vector<16xf32>
      %mul3A_346 = arith.mulf %mul3A_337, %sub3A_345 : vector<16xf32>
      %swap3A_347 = arith.index_cast %add3A_301 : i32 to index
      %swap3A_348 = arith.constant 0 : index
      %swap3A_349 = tpu.vector_load %arg24[%swap3A_347, %swap3A_348] {strides = array<i32>} : memref<640x16xf32, #tpu.memory_space<vmem>>, vector<16xf32>,
      tpu.vector_store %arg24[%swap3A_347, %swap3A_348], %mul3A_346 {strides = array<i32>} : memref<640x16xf32, #tpu.memory_space<vmem>>, vector<16xf32>,
      %get3A_350 = arith.constant 2 : i32
      %get3A_351 = arith.index_cast %add3A_180 : i32 to index
      %get3A_352 = arith.index_cast %get3A_350 : i32 to index
      %get3A_353 = arith.constant 0 : index
      %get3A_354 = tpu.vector_load %arg22[%get3A_351, %get3A_352, %get3A_353] {strides = array<i32>} : memref<80x8x16xf32, #tpu.memory_space<vmem>>, vector<16xf32>,
      %mul3A_355 = arith.mulf %mul3A_346, %get3A_354 : vector<16xf32>
      %swap3A_356 = arith.index_cast %add3A_301 : i32 to index
      %swap3A_357 = arith.constant 0 : index
      %swap3A_358 = tpu.vector_load %arg25[%swap3A_356, %swap3A_357] {strides = array<i32>} : memref<640x16xf32, #tpu.memory_space<vmem>>, vector<16xf32>,
      tpu.vector_store %arg25[%swap3A_356, %swap3A_357], %mul3A_355 {strides = array<i32>} : memref<640x16xf32, #tpu.memory_space<vmem>>, vector<16xf32>,
      %mul3A_359 = arith.constant 8 : i32
      %mul3A_360 = arith.muli %add3A_180, %mul3A_359 : i32
      %add3A_361 = arith.constant 3 : i32
      %add3A_362 = arith.addi %mul3A_360, %add3A_361 : i32
      %get3A_363 = arith.index_cast %add3A_362 : i32 to index
      %get3A_364 = arith.constant 0 : index
      %get3A_365 = tpu.vector_load %arg23[%get3A_363, %get3A_364] {strides = array<i32>} : memref<640x16xf32, #tpu.memory_space<vmem>>, vector<16xf32>,
      %get3A_366 = arith.index_cast %add3A_362 : i32 to index
      %get3A_367 = arith.constant 0 : index
      %get3A_368 = tpu.vector_load %arg24[%get3A_366, %get3A_367] {strides = array<i32>} : memref<640x16xf32, #tpu.memory_space<vmem>>, vector<16xf32>,
      %add3A_369 = arith.addf %get3A_365, %get3A_368 : vector<16xf32>
      %add3A_370 = arith.constant 1.000000e+00 : f32
      %add3A_371 = vector.broadcast %add3A_370 : f32 to vector<16xf32>
      %add3A_372 = arith.addf %add3A_369, %add3A_371 : vector<16xf32>
      %bitcast3A_373 = vector.bitcast %add3A_372 : vector<16xf32> to vector<16xi32>
      %shift_right_arithmetic3A_374 = arith.constant 1 : i32
      %shift_right_arithmetic3A_375 = vector.broadcast %shift_right_arithmetic3A_374 : i32 to vector<16xi32>
      %shift_right_arithmetic3A_376 = arith.shrsi %bitcast3A_373, %shift_right_arithmetic3A_375 : vector<16xi32>
      %sub3A_377 = arith.constant 1597463007 : i32
      %sub3A_378 = vector.broadcast %sub3A_377 : i32 to vector<16xi32>
      %sub3A_379 = arith.subi %sub3A_378, %shift_right_arithmetic3A_376 : vector<16xi32>
      %bitcast3A_380 = vector.bitcast %sub3A_379 : vector<16xi32> to vector<16xf32>
      %mul3A_381 = arith.constant 5.000000e-01 : f32
      %mul3A_382 = vector.broadcast %mul3A_381 : f32 to vector<16xf32>
      %mul3A_383 = arith.mulf %mul3A_382, %add3A_372 : vector<16xf32>
      %mul3A_384 = arith.mulf %mul3A_383, %bitcast3A_380 : vector<16xf32>
      %mul3A_385 = arith.mulf %mul3A_384, %bitcast3A_380 : vector<16xf32>
      %sub3A_386 = arith.constant 1.500000e+00 : f32
      %sub3A_387 = vector.broadcast %sub3A_386 : f32 to vector<16xf32>
      %sub3A_388 = arith.subf %sub3A_387, %mul3A_385 : vector<16xf32>
      %mul3A_389 = arith.mulf %bitcast3A_380, %sub3A_388 : vector<16xf32>
      %mul3A_390 = arith.constant 5.000000e-01 : f32
      %mul3A_391 = vector.broadcast %mul3A_390 : f32 to vector<16xf32>
      %mul3A_392 = arith.mulf %mul3A_391, %add3A_372 : vector<16xf32>
      %mul3A_393 = arith.mulf %mul3A_392, %mul3A_389 : vector<16xf32>
      %mul3A_394 = arith.mulf %mul3A_393, %mul3A_389 : vector<16xf32>
      %sub3A_395 = arith.constant 1.500000e+00 : f32
      %sub3A_396 = vector.broadcast %sub3A_395 : f32 to vector<16xf32>
      %sub3A_397 = arith.subf %sub3A_396, %mul3A_394 : vector<16xf32>
      %mul3A_398 = arith.mulf %mul3A_389, %sub3A_397 : vector<16xf32>
      %mul3A_399 = arith.constant 5.000000e-01 : f32
      %mul3A_400 = vector.broadcast %mul3A_399 : f32 to vector<16xf32>
      %mul3A_401 = arith.mulf %mul3A_400, %add3A_372 : vector<16xf32>
      %mul3A_402 = arith.mulf %mul3A_401, %mul3A_398 : vector<16xf32>
      %mul3A_403 = arith.mulf %mul3A_402, %mul3A_398 : vector<16xf32>
      %sub3A_404 = arith.constant 1.500000e+00 : f32
      %sub3A_405 = vector.broadcast %sub3A_404 : f32 to vector<16xf32>
      %sub3A_406 = arith.subf %sub3A_405, %mul3A_403 : vector<16xf32>
      %mul3A_407 = arith.mulf %mul3A_398, %sub3A_406 : vector<16xf32>
      %swap3A_408 = arith.index_cast %add3A_362 : i32 to index
      %swap3A_409 = arith.constant 0 : index
      %swap3A_410 = tpu.vector_load %arg24[%swap3A_408, %swap3A_409] {strides = array<i32>} : memref<640x16xf32, #tpu.memory_space<vmem>>, vector<16xf32>,
      tpu.vector_store %arg24[%swap3A_408, %swap3A_409], %mul3A_407 {strides = array<i32>} : memref<640x16xf32, #tpu.memory_space<vmem>>, vector<16xf32>,
      %get3A_411 = arith.constant 3 : i32
      %get3A_412 = arith.index_cast %add3A_180 : i32 to index
      %get3A_413 = arith.index_cast %get3A_411 : i32 to index
      %get3A_414 = arith.constant 0 : index
      %get3A_415 = tpu.vector_load %arg22[%get3A_412, %get3A_413, %get3A_414] {strides = array<i32>} : memref<80x8x16xf32, #tpu.memory_space<vmem>>, vector<16xf32>,
      %mul3A_416 = arith.mulf %mul3A_407, %get3A_415 : vector<16xf32>
      %swap3A_417 = arith.index_cast %add3A_362 : i32 to index
      %swap3A_418 = arith.constant 0 : index
      %swap3A_419 = tpu.vector_load %arg25[%swap3A_417, %swap3A_418] {strides = array<i32>} : memref<640x16xf32, #tpu.memory_space<vmem>>, vector<16xf32>,
      tpu.vector_store %arg25[%swap3A_417, %swap3A_418], %mul3A_416 {strides = array<i32>} : memref<640x16xf32, #tpu.memory_space<vmem>>, vector<16xf32>,
      %mul3A_420 = arith.constant 8 : i32
      %mul3A_421 = arith.muli %add3A_180, %mul3A_420 : i32
      %add3A_422 = arith.constant 4 : i32
      %add3A_423 = arith.addi %mul3A_421, %add3A_422 : i32
      %get3A_424 = arith.index_cast %add3A_423 : i32 to index
      %get3A_425 = arith.constant 0 : index
      %get3A_426 = tpu.vector_load %arg23[%get3A_424, %get3A_425] {strides = array<i32>} : memref<640x16xf32, #tpu.memory_space<vmem>>, vector<16xf32>,
      %get3A_427 = arith.index_cast %add3A_423 : i32 to index
      %get3A_428 = arith.constant 0 : index
      %get3A_429 = tpu.vector_load %arg24[%get3A_427, %get3A_428] {strides = array<i32>} : memref<640x16xf32, #tpu.memory_space<vmem>>, vector<16xf32>,
      %add3A_430 = arith.addf %get3A_426, %get3A_429 : vector<16xf32>
      %add3A_431 = arith.constant 1.000000e+00 : f32
      %add3A_432 = vector.broadcast %add3A_431 : f32 to vector<16xf32>
      %add3A_433 = arith.addf %add3A_430, %add3A_432 : vector<16xf32>
      %bitcast3A_434 = vector.bitcast %add3A_433 : vector<16xf32> to vector<16xi32>
      %shift_right_arithmetic3A_435 = arith.constant 1 : i32
      %shift_right_arithmetic3A_436 = vector.broadcast %shift_right_arithmetic3A_435 : i32 to vector<16xi32>
      %shift_right_arithmetic3A_437 = arith.shrsi %bitcast3A_434, %shift_right_arithmetic3A_436 : vector<16xi32>
      %sub3A_438 = arith.constant 1597463007 : i32
      %sub3A_439 = vector.broadcast %sub3A_438 : i32 to vector<16xi32>
      %sub3A_440 = arith.subi %sub3A_439, %shift_right_arithmetic3A_437 : vector<16xi32>
      %bitcast3A_441 = vector.bitcast %sub3A_440 : vector<16xi32> to vector<16xf32>
      %mul3A_442 = arith.constant 5.000000e-01 : f32
      %mul3A_443 = vector.broadcast %mul3A_442 : f32 to vector<16xf32>
      %mul3A_444 = arith.mulf %mul3A_443, %add3A_433 : vector<16xf32>
      %mul3A_445 = arith.mulf %mul3A_444, %bitcast3A_441 : vector<16xf32>
      %mul3A_446 = arith.mulf %mul3A_445, %bitcast3A_441 : vector<16xf32>
      %sub3A_447 = arith.constant 1.500000e+00 : f32
      %sub3A_448 = vector.broadcast %sub3A_447 : f32 to vector<16xf32>
      %sub3A_449 = arith.subf %sub3A_448, %mul3A_446 : vector<16xf32>
      %mul3A_450 = arith.mulf %bitcast3A_441, %sub3A_449 : vector<16xf32>
      %mul3A_451 = arith.constant 5.000000e-01 : f32
      %mul3A_452 = vector.broadcast %mul3A_451 : f32 to vector<16xf32>
      %mul3A_453 = arith.mulf %mul3A_452, %add3A_433 : vector<16xf32>
      %mul3A_454 = arith.mulf %mul3A_453, %mul3A_450 : vector<16xf32>
      %mul3A_455 = arith.mulf %mul3A_454, %mul3A_450 : vector<16xf32>
      %sub3A_456 = arith.constant 1.500000e+00 : f32
      %sub3A_457 = vector.broadcast %sub3A_456 : f32 to vector<16xf32>
      %sub3A_458 = arith.subf %sub3A_457, %mul3A_455 : vector<16xf32>
      %mul3A_459 = arith.mulf %mul3A_450, %sub3A_458 : vector<16xf32>
      %mul3A_460 = arith.constant 5.000000e-01 : f32
      %mul3A_461 = vector.broadcast %mul3A_460 : f32 to vector<16xf32>
      %mul3A_462 = arith.mulf %mul3A_461, %add3A_433 : vector<16xf32>
      %mul3A_463 = arith.mulf %mul3A_462, %mul3A_459 : vector<16xf32>
      %mul3A_464 = arith.mulf %mul3A_463, %mul3A_459 : vector<16xf32>
      %sub3A_465 = arith.constant 1.500000e+00 : f32
      %sub3A_466 = vector.broadcast %sub3A_465 : f32 to vector<16xf32>
      %sub3A_467 = arith.subf %sub3A_466, %mul3A_464 : vector<16xf32>
      %mul3A_468 = arith.mulf %mul3A_459, %sub3A_467 : vector<16xf32>
      %swap3A_469 = arith.index_cast %add3A_423 : i32 to index
      %swap3A_470 = arith.constant 0 : index
      %swap3A_471 = tpu.vector_load %arg24[%swap3A_469, %swap3A_470] {strides = array<i32>} : memref<640x16xf32, #tpu.memory_space<vmem>>, vector<16xf32>,
      tpu.vector_store %arg24[%swap3A_469, %swap3A_470], %mul3A_468 {strides = array<i32>} : memref<640x16xf32, #tpu.memory_space<vmem>>, vector<16xf32>,
      %get3A_472 = arith.constant 4 : i32
      %get3A_473 = arith.index_cast %add3A_180 : i32 to index
      %get3A_474 = arith.index_cast %get3A_472 : i32 to index
      %get3A_475 = arith.constant 0 : index
      %get3A_476 = tpu.vector_load %arg22[%get3A_473, %get3A_474, %get3A_475] {strides = array<i32>} : memref<80x8x16xf32, #tpu.memory_space<vmem>>, vector<16xf32>,
      %mul3A_477 = arith.mulf %mul3A_468, %get3A_476 : vector<16xf32>
      %swap3A_478 = arith.index_cast %add3A_423 : i32 to index
      %swap3A_479 = arith.constant 0 : index
      %swap3A_480 = tpu.vector_load %arg25[%swap3A_478, %swap3A_479] {strides = array<i32>} : memref<640x16xf32, #tpu.memory_space<vmem>>, vector<16xf32>,
      tpu.vector_store %arg25[%swap3A_478, %swap3A_479], %mul3A_477 {strides = array<i32>} : memref<640x16xf32, #tpu.memory_space<vmem>>, vector<16xf32>,
      %mul3A_481 = arith.constant 8 : i32
      %mul3A_482 = arith.muli %add3A_180, %mul3A_481 : i32
      %add3A_483 = arith.constant 5 : i32
      %add3A_484 = arith.addi %mul3A_482, %add3A_483 : i32
      %get3A_485 = arith.index_cast %add3A_484 : i32 to index
      %get3A_486 = arith.constant 0 : index
      %get3A_487 = tpu.vector_load %arg23[%get3A_485, %get3A_486] {strides = array<i32>} : memref<640x16xf32, #tpu.memory_space<vmem>>, vector<16xf32>,
      %get3A_488 = arith.index_cast %add3A_484 : i32 to index
      %get3A_489 = arith.constant 0 : index
      %get3A_490 = tpu.vector_load %arg24[%get3A_488, %get3A_489] {strides = array<i32>} : memref<640x16xf32, #tpu.memory_space<vmem>>, vector<16xf32>,
      %add3A_491 = arith.addf %get3A_487, %get3A_490 : vector<16xf32>
      %add3A_492 = arith.constant 1.000000e+00 : f32
      %add3A_493 = vector.broadcast %add3A_492 : f32 to vector<16xf32>
      %add3A_494 = arith.addf %add3A_491, %add3A_493 : vector<16xf32>
      %bitcast3A_495 = vector.bitcast %add3A_494 : vector<16xf32> to vector<16xi32>
      %shift_right_arithmetic3A_496 = arith.constant 1 : i32
      %shift_right_arithmetic3A_497 = vector.broadcast %shift_right_arithmetic3A_496 : i32 to vector<16xi32>
      %shift_right_arithmetic3A_498 = arith.shrsi %bitcast3A_495, %shift_right_arithmetic3A_497 : vector<16xi32>
      %sub3A_499 = arith.constant 1597463007 : i32
      %sub3A_500 = vector.broadcast %sub3A_499 : i32 to vector<16xi32>
      %sub3A_501 = arith.subi %sub3A_500, %shift_right_arithmetic3A_498 : vector<16xi32>
      %bitcast3A_502 = vector.bitcast %sub3A_501 : vector<16xi32> to vector<16xf32>
      %mul3A_503 = arith.constant 5.000000e-01 : f32
      %mul3A_504 = vector.broadcast %mul3A_503 : f32 to vector<16xf32>
      %mul3A_505 = arith.mulf %mul3A_504, %add3A_494 : vector<16xf32>
      %mul3A_506 = arith.mulf %mul3A_505, %bitcast3A_502 : vector<16xf32>
      %mul3A_507 = arith.mulf %mul3A_506, %bitcast3A_502 : vector<16xf32>
      %sub3A_508 = arith.constant 1.500000e+00 : f32
      %sub3A_509 = vector.broadcast %sub3A_508 : f32 to vector<16xf32>
      %sub3A_510 = arith.subf %sub3A_509, %mul3A_507 : vector<16xf32>
      %mul3A_511 = arith.mulf %bitcast3A_502, %sub3A_510 : vector<16xf32>
      %mul3A_512 = arith.constant 5.000000e-01 : f32
      %mul3A_513 = vector.broadcast %mul3A_512 : f32 to vector<16xf32>
      %mul3A_514 = arith.mulf %mul3A_513, %add3A_494 : vector<16xf32>
      %mul3A_515 = arith.mulf %mul3A_514, %mul3A_511 : vector<16xf32>
      %mul3A_516 = arith.mulf %mul3A_515, %mul3A_511 : vector<16xf32>
      %sub3A_517 = arith.constant 1.500000e+00 : f32
      %sub3A_518 = vector.broadcast %sub3A_517 : f32 to vector<16xf32>
      %sub3A_519 = arith.subf %sub3A_518, %mul3A_516 : vector<16xf32>
      %mul3A_520 = arith.mulf %mul3A_511, %sub3A_519 : vector<16xf32>
      %mul3A_521 = arith.constant 5.000000e-01 : f32
      %mul3A_522 = vector.broadcast %mul3A_521 : f32 to vector<16xf32>
      %mul3A_523 = arith.mulf %mul3A_522, %add3A_494 : vector<16xf32>
      %mul3A_524 = arith.mulf %mul3A_523, %mul3A_520 : vector<16xf32>
      %mul3A_525 = arith.mulf %mul3A_524, %mul3A_520 : vector<16xf32>
      %sub3A_526 = arith.constant 1.500000e+00 : f32
      %sub3A_527 = vector.broadcast %sub3A_526 : f32 to vector<16xf32>
      %sub3A_528 = arith.subf %sub3A_527, %mul3A_525 : vector<16xf32>
      %mul3A_529 = arith.mulf %mul3A_520, %sub3A_528 : vector<16xf32>
      %swap3A_530 = arith.index_cast %add3A_484 : i32 to index
      %swap3A_531 = arith.constant 0 : index
      %swap3A_532 = tpu.vector_load %arg24[%swap3A_530, %swap3A_531] {strides = array<i32>} : memref<640x16xf32, #tpu.memory_space<vmem>>, vector<16xf32>,
      tpu.vector_store %arg24[%swap3A_530, %swap3A_531], %mul3A_529 {strides = array<i32>} : memref<640x16xf32, #tpu.memory_space<vmem>>, vector<16xf32>,
      %get3A_533 = arith.constant 5 : i32
      %get3A_534 = arith.index_cast %add3A_180 : i32 to index
      %get3A_535 = arith.index_cast %get3A_533 : i32 to index
      %get3A_536 = arith.constant 0 : index
      %get3A_537 = tpu.vector_load %arg22[%get3A_534, %get3A_535, %get3A_536] {strides = array<i32>} : memref<80x8x16xf32, #tpu.memory_space<vmem>>, vector<16xf32>,
      %mul3A_538 = arith.mulf %mul3A_529, %get3A_537 : vector<16xf32>
      %swap3A_539 = arith.index_cast %add3A_484 : i32 to index
      %swap3A_540 = arith.constant 0 : index
      %swap3A_541 = tpu.vector_load %arg25[%swap3A_539, %swap3A_540] {strides = array<i32>} : memref<640x16xf32, #tpu.memory_space<vmem>>, vector<16xf32>,
      tpu.vector_store %arg25[%swap3A_539, %swap3A_540], %mul3A_538 {strides = array<i32>} : memref<640x16xf32, #tpu.memory_space<vmem>>, vector<16xf32>,
      %mul3A_542 = arith.constant 8 : i32
      %mul3A_543 = arith.muli %add3A_180, %mul3A_542 : i32
      %add3A_544 = arith.constant 6 : i32
      %add3A_545 = arith.addi %mul3A_543, %add3A_544 : i32
      %get3A_546 = arith.index_cast %add3A_545 : i32 to index
      %get3A_547 = arith.constant 0 : index
      %get3A_548 = tpu.vector_load %arg23[%get3A_546, %get3A_547] {strides = array<i32>} : memref<640x16xf32, #tpu.memory_space<vmem>>, vector<16xf32>,
      %get3A_549 = arith.index_cast %add3A_545 : i32 to index
      %get3A_550 = arith.constant 0 : index
      %get3A_551 = tpu.vector_load %arg24[%get3A_549, %get3A_550] {strides = array<i32>} : memref<640x16xf32, #tpu.memory_space<vmem>>, vector<16xf32>,
      %add3A_552 = arith.addf %get3A_548, %get3A_551 : vector<16xf32>
      %add3A_553 = arith.constant 1.000000e+00 : f32
      %add3A_554 = vector.broadcast %add3A_553 : f32 to vector<16xf32>
      %add3A_555 = arith.addf %add3A_552, %add3A_554 : vector<16xf32>
      %bitcast3A_556 = vector.bitcast %add3A_555 : vector<16xf32> to vector<16xi32>
      %shift_right_arithmetic3A_557 = arith.constant 1 : i32
      %shift_right_arithmetic3A_558 = vector.broadcast %shift_right_arithmetic3A_557 : i32 to vector<16xi32>
      %shift_right_arithmetic3A_559 = arith.shrsi %bitcast3A_556, %shift_right_arithmetic3A_558 : vector<16xi32>
      %sub3A_560 = arith.constant 1597463007 : i32
      %sub3A_561 = vector.broadcast %sub3A_560 : i32 to vector<16xi32>
      %sub3A_562 = arith.subi %sub3A_561, %shift_right_arithmetic3A_559 : vector<16xi32>
      %bitcast3A_563 = vector.bitcast %sub3A_562 : vector<16xi32> to vector<16xf32>
      %mul3A_564 = arith.constant 5.000000e-01 : f32
      %mul3A_565 = vector.broadcast %mul3A_564 : f32 to vector<16xf32>
      %mul3A_566 = arith.mulf %mul3A_565, %add3A_555 : vector<16xf32>
      %mul3A_567 = arith.mulf %mul3A_566, %bitcast3A_563 : vector<16xf32>
      %mul3A_568 = arith.mulf %mul3A_567, %bitcast3A_563 : vector<16xf32>
      %sub3A_569 = arith.constant 1.500000e+00 : f32
      %sub3A_570 = vector.broadcast %sub3A_569 : f32 to vector<16xf32>
      %sub3A_571 = arith.subf %sub3A_570, %mul3A_568 : vector<16xf32>
      %mul3A_572 = arith.mulf %bitcast3A_563, %sub3A_571 : vector<16xf32>
      %mul3A_573 = arith.constant 5.000000e-01 : f32
      %mul3A_574 = vector.broadcast %mul3A_573 : f32 to vector<16xf32>
      %mul3A_575 = arith.mulf %mul3A_574, %add3A_555 : vector<16xf32>
      %mul3A_576 = arith.mulf %mul3A_575, %mul3A_572 : vector<16xf32>
      %mul3A_577 = arith.mulf %mul3A_576, %mul3A_572 : vector<16xf32>
      %sub3A_578 = arith.constant 1.500000e+00 : f32
      %sub3A_579 = vector.broadcast %sub3A_578 : f32 to vector<16xf32>
      %sub3A_580 = arith.subf %sub3A_579, %mul3A_577 : vector<16xf32>
      %mul3A_581 = arith.mulf %mul3A_572, %sub3A_580 : vector<16xf32>
      %mul3A_582 = arith.constant 5.000000e-01 : f32
      %mul3A_583 = vector.broadcast %mul3A_582 : f32 to vector<16xf32>
      %mul3A_584 = arith.mulf %mul3A_583, %add3A_555 : vector<16xf32>
      %mul3A_585 = arith.mulf %mul3A_584, %mul3A_581 : vector<16xf32>
      %mul3A_586 = arith.mulf %mul3A_585, %mul3A_581 : vector<16xf32>
      %sub3A_587 = arith.constant 1.500000e+00 : f32
      %sub3A_588 = vector.broadcast %sub3A_587 : f32 to vector<16xf32>
      %sub3A_589 = arith.subf %sub3A_588, %mul3A_586 : vector<16xf32>
      %mul3A_590 = arith.mulf %mul3A_581, %sub3A_589 : vector<16xf32>
      %swap3A_591 = arith.index_cast %add3A_545 : i32 to index
      %swap3A_592 = arith.constant 0 : index
      %swap3A_593 = tpu.vector_load %arg24[%swap3A_591, %swap3A_592] {strides = array<i32>} : memref<640x16xf32, #tpu.memory_space<vmem>>, vector<16xf32>,
      tpu.vector_store %arg24[%swap3A_591, %swap3A_592], %mul3A_590 {strides = array<i32>} : memref<640x16xf32, #tpu.memory_space<vmem>>, vector<16xf32>,
      %get3A_594 = arith.constant 6 : i32
      %get3A_595 = arith.index_cast %add3A_180 : i32 to index
      %get3A_596 = arith.index_cast %get3A_594 : i32 to index
      %get3A_597 = arith.constant 0 : index
      %get3A_598 = tpu.vector_load %arg22[%get3A_595, %get3A_596, %get3A_597] {strides = array<i32>} : memref<80x8x16xf32, #tpu.memory_space<vmem>>, vector<16xf32>,
      %mul3A_599 = arith.mulf %mul3A_590, %get3A_598 : vector<16xf32>
      %swap3A_600 = arith.index_cast %add3A_545 : i32 to index
      %swap3A_601 = arith.constant 0 : index
      %swap3A_602 = tpu.vector_load %arg25[%swap3A_600, %swap3A_601] {strides = array<i32>} : memref<640x16xf32, #tpu.memory_space<vmem>>, vector<16xf32>,
      tpu.vector_store %arg25[%swap3A_600, %swap3A_601], %mul3A_599 {strides = array<i32>} : memref<640x16xf32, #tpu.memory_space<vmem>>, vector<16xf32>,
      %mul3A_603 = arith.constant 8 : i32
      %mul3A_604 = arith.muli %add3A_180, %mul3A_603 : i32
      %add3A_605 = arith.constant 7 : i32
      %add3A_606 = arith.addi %mul3A_604, %add3A_605 : i32
      %get3A_607 = arith.index_cast %add3A_606 : i32 to index
      %get3A_608 = arith.constant 0 : index
      %get3A_609 = tpu.vector_load %arg23[%get3A_607, %get3A_608] {strides = array<i32>} : memref<640x16xf32, #tpu.memory_space<vmem>>, vector<16xf32>,
      %get3A_610 = arith.index_cast %add3A_606 : i32 to index
      %get3A_611 = arith.constant 0 : index
      %get3A_612 = tpu.vector_load %arg24[%get3A_610, %get3A_611] {strides = array<i32>} : memref<640x16xf32, #tpu.memory_space<vmem>>, vector<16xf32>,
      %add3A_613 = arith.addf %get3A_609, %get3A_612 : vector<16xf32>
      %add3A_614 = arith.constant 1.000000e+00 : f32
      %add3A_615 = vector.broadcast %add3A_614 : f32 to vector<16xf32>
      %add3A_616 = arith.addf %add3A_613, %add3A_615 : vector<16xf32>
      %bitcast3A_617 = vector.bitcast %add3A_616 : vector<16xf32> to vector<16xi32>
      %shift_right_arithmetic3A_618 = arith.constant 1 : i32
      %shift_right_arithmetic3A_619 = vector.broadcast %shift_right_arithmetic3A_618 : i32 to vector<16xi32>
      %shift_right_arithmetic3A_620 = arith.shrsi %bitcast3A_617, %shift_right_arithmetic3A_619 : vector<16xi32>
      %sub3A_621 = arith.constant 1597463007 : i32
      %sub3A_622 = vector.broadcast %sub3A_621 : i32 to vector<16xi32>
      %sub3A_623 = arith.subi %sub3A_622, %shift_right_arithmetic3A_620 : vector<16xi32>
      %bitcast3A_624 = vector.bitcast %sub3A_623 : vector<16xi32> to vector<16xf32>
      %mul3A_625 = arith.constant 5.000000e-01 : f32
      %mul3A_626 = vector.broadcast %mul3A_625 : f32 to vector<16xf32>
      %mul3A_627 = arith.mulf %mul3A_626, %add3A_616 : vector<16xf32>
      %mul3A_628 = arith.mulf %mul3A_627, %bitcast3A_624 : vector<16xf32>
      %mul3A_629 = arith.mulf %mul3A_628, %bitcast3A_624 : vector<16xf32>
      %sub3A_630 = arith.constant 1.500000e+00 : f32
      %sub3A_631 = vector.broadcast %sub3A_630 : f32 to vector<16xf32>
      %sub3A_632 = arith.subf %sub3A_631, %mul3A_629 : vector<16xf32>
      %mul3A_633 = arith.mulf %bitcast3A_624, %sub3A_632 : vector<16xf32>
      %mul3A_634 = arith.constant 5.000000e-01 : f32
      %mul3A_635 = vector.broadcast %mul3A_634 : f32 to vector<16xf32>
      %mul3A_636 = arith.mulf %mul3A_635, %add3A_616 : vector<16xf32>
      %mul3A_637 = arith.mulf %mul3A_636, %mul3A_633 : vector<16xf32>
      %mul3A_638 = arith.mulf %mul3A_637, %mul3A_633 : vector<16xf32>
      %sub3A_639 = arith.constant 1.500000e+00 : f32
      %sub3A_640 = vector.broadcast %sub3A_639 : f32 to vector<16xf32>
      %sub3A_641 = arith.subf %sub3A_640, %mul3A_638 : vector<16xf32>
      %mul3A_642 = arith.mulf %mul3A_633, %sub3A_641 : vector<16xf32>
      %mul3A_643 = arith.constant 5.000000e-01 : f32
      %mul3A_644 = vector.broadcast %mul3A_643 : f32 to vector<16xf32>
      %mul3A_645 = arith.mulf %mul3A_644, %add3A_616 : vector<16xf32>
      %mul3A_646 = arith.mulf %mul3A_645, %mul3A_642 : vector<16xf32>
      %mul3A_647 = arith.mulf %mul3A_646, %mul3A_642 : vector<16xf32>
      %sub3A_648 = arith.constant 1.500000e+00 : f32
      %sub3A_649 = vector.broadcast %sub3A_648 : f32 to vector<16xf32>
      %sub3A_650 = arith.subf %sub3A_649, %mul3A_647 : vector<16xf32>
      %mul3A_651 = arith.mulf %mul3A_642, %sub3A_650 : vector<16xf32>
      %swap3A_652 = arith.index_cast %add3A_606 : i32 to index
      %swap3A_653 = arith.constant 0 : index
      %swap3A_654 = tpu.vector_load %arg24[%swap3A_652, %swap3A_653] {strides = array<i32>} : memref<640x16xf32, #tpu.memory_space<vmem>>, vector<16xf32>,
      tpu.vector_store %arg24[%swap3A_652, %swap3A_653], %mul3A_651 {strides = array<i32>} : memref<640x16xf32, #tpu.memory_space<vmem>>, vector<16xf32>,
      %get3A_655 = arith.constant 7 : i32
      %get3A_656 = arith.index_cast %add3A_180 : i32 to index
      %get3A_657 = arith.index_cast %get3A_655 : i32 to index
      %get3A_658 = arith.constant 0 : index
      %get3A_659 = tpu.vector_load %arg22[%get3A_656, %get3A_657, %get3A_658] {strides = array<i32>} : memref<80x8x16xf32, #tpu.memory_space<vmem>>, vector<16xf32>,
      %mul3A_660 = arith.mulf %mul3A_651, %get3A_659 : vector<16xf32>
      %swap3A_661 = arith.index_cast %add3A_606 : i32 to index
      %swap3A_662 = arith.constant 0 : index
      %swap3A_663 = tpu.vector_load %arg25[%swap3A_661, %swap3A_662] {strides = array<i32>} : memref<640x16xf32, #tpu.memory_space<vmem>>, vector<16xf32>,
      tpu.vector_store %arg25[%swap3A_661, %swap3A_662], %mul3A_660 {strides = array<i32>} : memref<640x16xf32, #tpu.memory_space<vmem>>, vector<16xf32>,
    }
    %scan3A_73 = arith.constant 80 : i32
    "tpu.region"() ({
      %run_scoped3A = tpu.sem_alloc : memref<!tpu.dma_semaphore, #tpu.memory_space<semaphore_mem>>
      %dma_start3A_176 = arith.constant 0 : i32
      %dma_start3A_177 = tpu.memref_slice %arg12[%mul3A_2, %dma_start3A_176] : memref<10240x16xf32, #tpu.memory_space<vmem_shared>> -> memref<640x16xf32, #tpu.memory_space<vmem_shared>>
      %dma_start3A_178 = arith.constant 0 : i32
      %dma_start3A_179 = tpu.memref_slice %arg12[%mul3A_2, %dma_start3A_178] : memref<10240x16xf32, #tpu.memory_space<vmem_shared>> -> memref<640x16xf32, #tpu.memory_space<vmem_shared>>
      tpu.enqueue_dma source(%arg25 : memref<640x16xf32, #tpu.memory_space<vmem>>) target(%dma_start3A_179 : memref<640x16xf32, #tpu.memory_space<vmem_shared>>) target_semaphore(%run_scoped3A : memref<!tpu.dma_semaphore, #tpu.memory_space<semaphore_mem>>)
      %dma_wait3A_180 = arith.constant 0 : i32
      %dma_wait3A_181 = tpu.memref_slice %arg12[%mul3A_2, %dma_wait3A_180] : memref<10240x16xf32, #tpu.memory_space<vmem_shared>> -> memref<640x16xf32, #tpu.memory_space<vmem_shared>>
      %dma_wait3A_182 = arith.constant 0 : i32
      %dma_wait3A_183 = tpu.memref_slice %arg12[%mul3A_2, %dma_wait3A_182] : memref<10240x16xf32, #tpu.memory_space<vmem_shared>> -> memref<640x16xf32, #tpu.memory_space<vmem_shared>>
      tpu.wait_dma2 semaphore(%run_scoped3A : memref<!tpu.dma_semaphore, #tpu.memory_space<semaphore_mem>>) src(%arg25 : memref<640x16xf32, #tpu.memory_space<vmem>>) dst(%dma_wait3A_183 : memref<640x16xf32, #tpu.memory_space<vmem_shared>>)
      tpu.yield
    }) : () -> ()
    %eq3A = arith.constant 0 : i32
    %eq3A_74 = arith.cmpi eq, %arg0, %eq3A : i32
    %convert_element_type3A = arith.extui %eq3A_74 : i1 to i32
    %cond3A = arith.constant 0 : i32
    %cond3A_75 = arith.cmpi ne, %convert_element_type3A, %cond3A : i32
    scf.if %cond3A_75 {
      "tpu.region"() ({
        %run_scoped3A = tpu.sem_alloc : memref<!tpu.dma_semaphore, #tpu.memory_space<semaphore_mem>>
        %dma_start3A_176 = arith.constant 0 : i32
        %dma_start3A_177 = tpu.memref_slice %arg6[%mul3A_2, %dma_start3A_176] : memref<10240x16xf32, #tpu.memory_space<hbm>> -> memref<640x16xf32, #tpu.memory_space<hbm>>
        %dma_start3A_178 = arith.constant 0 : i32
        %dma_start3A_179 = tpu.memref_slice %arg6[%mul3A_2, %dma_start3A_178] : memref<10240x16xf32, #tpu.memory_space<hbm>> -> memref<640x16xf32, #tpu.memory_space<hbm>>
        tpu.enqueue_dma source(%arg25 : memref<640x16xf32, #tpu.memory_space<vmem>>) target(%dma_start3A_179 : memref<640x16xf32, #tpu.memory_space<hbm>>) target_semaphore(%run_scoped3A : memref<!tpu.dma_semaphore, #tpu.memory_space<semaphore_mem>>)
        %dma_wait3A_180 = arith.constant 0 : i32
        %dma_wait3A_181 = tpu.memref_slice %arg6[%mul3A_2, %dma_wait3A_180] : memref<10240x16xf32, #tpu.memory_space<hbm>> -> memref<640x16xf32, #tpu.memory_space<hbm>>
        %dma_wait3A_182 = arith.constant 0 : i32
        %dma_wait3A_183 = tpu.memref_slice %arg6[%mul3A_2, %dma_wait3A_182] : memref<10240x16xf32, #tpu.memory_space<hbm>> -> memref<640x16xf32, #tpu.memory_space<hbm>>
        tpu.wait_dma2 semaphore(%run_scoped3A : memref<!tpu.dma_semaphore, #tpu.memory_space<semaphore_mem>>) src(%arg25 : memref<640x16xf32, #tpu.memory_space<vmem>>) dst(%dma_wait3A_183 : memref<640x16xf32, #tpu.memory_space<hbm>>)
        tpu.yield
      }) : () -> ()
      "tpu.region"() ({
        %run_scoped3A = tpu.sem_alloc : memref<!tpu.dma_semaphore, #tpu.memory_space<semaphore_mem>>
        %dma_start3A_176 = arith.constant 0 : i32
        %dma_start3A_177 = tpu.memref_slice %arg7[%mul3A_2, %dma_start3A_176] : memref<10240x16xf32, #tpu.memory_space<hbm>> -> memref<640x16xf32, #tpu.memory_space<hbm>>
        %dma_start3A_178 = arith.constant 0 : i32
        %dma_start3A_179 = tpu.memref_slice %arg7[%mul3A_2, %dma_start3A_178] : memref<10240x16xf32, #tpu.memory_space<hbm>> -> memref<640x16xf32, #tpu.memory_space<hbm>>
        tpu.enqueue_dma source(%arg24 : memref<640x16xf32, #tpu.memory_space<vmem>>) target(%dma_start3A_179 : memref<640x16xf32, #tpu.memory_space<hbm>>) target_semaphore(%run_scoped3A : memref<!tpu.dma_semaphore, #tpu.memory_space<semaphore_mem>>)
        %dma_wait3A_180 = arith.constant 0 : i32
        %dma_wait3A_181 = tpu.memref_slice %arg7[%mul3A_2, %dma_wait3A_180] : memref<10240x16xf32, #tpu.memory_space<hbm>> -> memref<640x16xf32, #tpu.memory_space<hbm>>
        %dma_wait3A_182 = arith.constant 0 : i32
        %dma_wait3A_183 = tpu.memref_slice %arg7[%mul3A_2, %dma_wait3A_182] : memref<10240x16xf32, #tpu.memory_space<hbm>> -> memref<640x16xf32, #tpu.memory_space<hbm>>
        tpu.wait_dma2 semaphore(%run_scoped3A : memref<!tpu.dma_semaphore, #tpu.memory_space<semaphore_mem>>) src(%arg24 : memref<640x16xf32, #tpu.memory_space<vmem>>) dst(%dma_wait3A_183 : memref<640x16xf32, #tpu.memory_space<hbm>>)
        tpu.yield
      }) : () -> ()
    } else {
    }
    %dma_wait3A_76 = arith.constant 0 : i32
    %dma_wait3A_77 = arith.constant 0 : i32
    %dma_wait3A_78 = arith.constant 0 : i32
    %dma_wait3A_79 = tpu.memref_slice %arg4[%dma_wait3A_76, %add3A, %dma_wait3A_77, %dma_wait3A_78] : memref<2x32x80x128xi32, #tpu.memory_space<hbm>> -> memref<1x1x80x128xi32, #tpu.memory_space<hbm>>
    %dma_wait3A_80 = tpu.memref_squeeze %dma_wait3A_79 : memref<1x1x80x128xi32, #tpu.memory_space<hbm>> -> memref<80x128xi32, #tpu.memory_space<hbm>>
    %dma_wait3A_81 = arith.constant 0 : i32
    %dma_wait3A_82 = arith.constant 0 : i32
    %dma_wait3A_83 = tpu.memref_slice %arg4[%dma_wait3A_76, %add3A, %dma_wait3A_81, %dma_wait3A_82] : memref<2x32x80x128xi32, #tpu.memory_space<hbm>> -> memref<1x1x80x128xi32, #tpu.memory_space<hbm>>
    %dma_wait3A_84 = tpu.memref_squeeze %dma_wait3A_83 : memref<1x1x80x128xi32, #tpu.memory_space<hbm>> -> memref<80x128xi32, #tpu.memory_space<hbm>>
    tpu.wait_dma2 semaphore(%arg14 : memref<!tpu.dma_semaphore, #tpu.memory_space<semaphore_mem>>) src(%dma_wait3A_84 : memref<80x128xi32, #tpu.memory_space<hbm>>) dst(%arg8 : memref<80x128xi32, #tpu.memory_space<vmem>>)
    %dma_wait3A_85 = arith.constant 1 : i32
    %dma_wait3A_86 = arith.constant 0 : i32
    %dma_wait3A_87 = arith.constant 0 : i32
    %dma_wait3A_88 = tpu.memref_slice %arg4[%dma_wait3A_85, %add3A, %dma_wait3A_86, %dma_wait3A_87] : memref<2x32x80x128xi32, #tpu.memory_space<hbm>> -> memref<1x1x80x128xi32, #tpu.memory_space<hbm>>
    %dma_wait3A_89 = tpu.memref_squeeze %dma_wait3A_88 : memref<1x1x80x128xi32, #tpu.memory_space<hbm>> -> memref<80x128xi32, #tpu.memory_space<hbm>>
    %dma_wait3A_90 = arith.constant 0 : i32
    %dma_wait3A_91 = arith.constant 0 : i32
    %dma_wait3A_92 = tpu.memref_slice %arg4[%dma_wait3A_85, %add3A, %dma_wait3A_90, %dma_wait3A_91] : memref<2x32x80x128xi32, #tpu.memory_space<hbm>> -> memref<1x1x80x128xi32, #tpu.memory_space<hbm>>
    %dma_wait3A_93 = tpu.memref_squeeze %dma_wait3A_92 : memref<1x1x80x128xi32, #tpu.memory_space<hbm>> -> memref<80x128xi32, #tpu.memory_space<hbm>>
    tpu.wait_dma2 semaphore(%arg15 : memref<!tpu.dma_semaphore, #tpu.memory_space<semaphore_mem>>) src(%dma_wait3A_93 : memref<80x128xi32, #tpu.memory_space<hbm>>) dst(%arg9 : memref<80x128xi32, #tpu.memory_space<vmem>>)
    %dma_wait3A_94 = arith.constant 0 : i32
    %dma_wait3A_95 = tpu.memref_slice %arg13[%mul3A_2, %dma_wait3A_94] : memref<10240x16xf32, #tpu.memory_space<vmem_shared>> -> memref<640x16xf32, #tpu.memory_space<vmem_shared>>
    %dma_wait3A_96 = arith.constant 0 : i32
    %dma_wait3A_97 = tpu.memref_slice %arg13[%mul3A_2, %dma_wait3A_96] : memref<10240x16xf32, #tpu.memory_space<vmem_shared>> -> memref<640x16xf32, #tpu.memory_space<vmem_shared>>
    tpu.wait_dma2 semaphore(%arg19 : memref<!tpu.dma_semaphore, #tpu.memory_space<semaphore_mem>>) src(%arg11 : memref<640x16xf32, #tpu.memory_space<vmem>>) dst(%dma_wait3A_97 : memref<640x16xf32, #tpu.memory_space<vmem_shared>>)
    %barrier3A = arith.constant 0 : index
    tpu.barrier barrier_id(%barrier3A)
    %dma_start3A_98 = arith.constant 0 : i32
    %dma_start3A_99 = arith.constant 0 : i32
    %dma_start3A_100 = arith.constant 0 : i32
    %dma_start3A_101 = arith.constant 0 : i32
    %dma_start3A_102 = tpu.memref_slice %arg10[%dma_start3A_99, %dma_start3A_100, %dma_start3A_101] : memref<4x128x16xf32, #tpu.memory_space<vmem>> -> memref<1x128x16xf32, #tpu.memory_space<vmem>>
    %dma_start3A_103 = tpu.memref_squeeze %dma_start3A_102 : memref<1x128x16xf32, #tpu.memory_space<vmem>> -> memref<128x16xf32, #tpu.memory_space<vmem>>
    %dma_start3A_104 = arith.constant 0 : i32
    %dma_start3A_105 = tpu.memref_slice %arg8[%dma_start3A_98, %dma_start3A_104] : memref<80x128xi32, #tpu.memory_space<vmem>> -> memref<1x128xi32, #tpu.memory_space<vmem>>
    %dma_start3A_106 = tpu.memref_squeeze %dma_start3A_105 : memref<1x128xi32, #tpu.memory_space<vmem>> -> memref<128xi32, #tpu.memory_space<vmem>>
    %dma_start3A_107 = arith.constant 0 : i32
    %dma_start3A_108 = arith.constant 0 : i32
    %dma_start3A_109 = tpu.memref_slice %arg12[%dma_start3A_107, %dma_start3A_108] : memref<10240x16xf32, #tpu.memory_space<vmem_shared>> -> memref<10240x16xf32, #tpu.memory_space<vmem_shared>>
    tpu.enqueue_indirect_dma source(%dma_start3A_109 : memref<10240x16xf32, #tpu.memory_space<vmem_shared>>) target(%dma_start3A_103 : memref<128x16xf32, #tpu.memory_space<vmem>>) offsets(%dma_start3A_106 : memref<128xi32, #tpu.memory_space<vmem>>) semaphore(%arg14 : memref<!tpu.dma_semaphore, #tpu.memory_space<semaphore_mem>>)
    %dma_start3A_110 = arith.constant 1 : i32
    %dma_start3A_111 = arith.constant 1 : i32
    %dma_start3A_112 = arith.constant 0 : i32
    %dma_start3A_113 = arith.constant 0 : i32
    %dma_start3A_114 = tpu.memref_slice %arg10[%dma_start3A_111, %dma_start3A_112, %dma_start3A_113] : memref<4x128x16xf32, #tpu.memory_space<vmem>> -> memref<1x128x16xf32, #tpu.memory_space<vmem>>
    %dma_start3A_115 = tpu.memref_squeeze %dma_start3A_114 : memref<1x128x16xf32, #tpu.memory_space<vmem>> -> memref<128x16xf32, #tpu.memory_space<vmem>>
    %dma_start3A_116 = arith.constant 0 : i32
    %dma_start3A_117 = tpu.memref_slice %arg8[%dma_start3A_110, %dma_start3A_116] : memref<80x128xi32, #tpu.memory_space<vmem>> -> memref<1x128xi32, #tpu.memory_space<vmem>>
    %dma_start3A_118 = tpu.memref_squeeze %dma_start3A_117 : memref<1x128xi32, #tpu.memory_space<vmem>> -> memref<128xi32, #tpu.memory_space<vmem>>
    %dma_start3A_119 = arith.constant 0 : i32
    %dma_start3A_120 = arith.constant 0 : i32
    %dma_start3A_121 = tpu.memref_slice %arg12[%dma_start3A_119, %dma_start3A_120] : memref<10240x16xf32, #tpu.memory_space<vmem_shared>> -> memref<10240x16xf32, #tpu.memory_space<vmem_shared>>
    tpu.enqueue_indirect_dma source(%dma_start3A_121 : memref<10240x16xf32, #tpu.memory_space<vmem_shared>>) target(%dma_start3A_115 : memref<128x16xf32, #tpu.memory_space<vmem>>) offsets(%dma_start3A_118 : memref<128xi32, #tpu.memory_space<vmem>>) semaphore(%arg15 : memref<!tpu.dma_semaphore, #tpu.memory_space<semaphore_mem>>)
    %scan3A_122 = arith.constant 0 : i32
    %scan3A_123 = arith.constant 20 : i32
    %scan3A_124 = arith.addi %scan3A_122, %scan3A_123 : i32
    %scan3A_125 = arith.constant 1 : i32
    scf.for %scan3A_176 = %scan3A_122 to %scan3A_124 step %scan3A_125  : i32 {
      %mul3A_177 = arith.constant 4 : i32
      %mul3A_178 = arith.muli %scan3A_176, %mul3A_177 : i32
      %add3A_179 = arith.constant 0 : i32
      %add3A_180 = arith.addi %add3A_179, %mul3A_178 : i32
      %add3A_181 = arith.constant 0 : i32
      %add3A_182 = arith.addi %add3A_180, %add3A_181 : i32
      %dma_wait3A_183 = arith.constant 0 : i32
      %dma_wait3A_184 = arith.constant 0 : i32
      %dma_wait3A_185 = arith.constant 0 : i32
      %dma_wait3A_186 = arith.constant 0 : i32
      %dma_wait3A_187 = tpu.memref_slice %arg10[%dma_wait3A_184, %dma_wait3A_185, %dma_wait3A_186] : memref<4x128x16xf32, #tpu.memory_space<vmem>> -> memref<1x128x16xf32, #tpu.memory_space<vmem>>
      %dma_wait3A_188 = tpu.memref_squeeze %dma_wait3A_187 : memref<1x128x16xf32, #tpu.memory_space<vmem>> -> memref<128x16xf32, #tpu.memory_space<vmem>>
      %dma_wait3A_189 = arith.constant 0 : i32
      %dma_wait3A_190 = tpu.memref_slice %arg8[%dma_wait3A_183, %dma_wait3A_189] : memref<80x128xi32, #tpu.memory_space<vmem>> -> memref<1x128xi32, #tpu.memory_space<vmem>>
      %dma_wait3A_191 = tpu.memref_squeeze %dma_wait3A_190 : memref<1x128xi32, #tpu.memory_space<vmem>> -> memref<128xi32, #tpu.memory_space<vmem>>
      %dma_wait3A_192 = arith.constant 0 : i32
      %dma_wait3A_193 = arith.constant 0 : i32
      %dma_wait3A_194 = tpu.memref_slice %arg12[%dma_wait3A_192, %dma_wait3A_193] : memref<10240x16xf32, #tpu.memory_space<vmem_shared>> -> memref<10240x16xf32, #tpu.memory_space<vmem_shared>>
      tpu.wait_indirect_dma semaphore(%arg14 : memref<!tpu.dma_semaphore, #tpu.memory_space<semaphore_mem>>) src(%dma_wait3A_194 : memref<10240x16xf32, #tpu.memory_space<vmem_shared>>) dst(%dma_wait3A_188 : memref<128x16xf32, #tpu.memory_space<vmem>>)
      %dma_start3A_195 = arith.constant 0 : i32
      %dma_start3A_196 = arith.constant 0 : i32
      %dma_start3A_197 = arith.constant 0 : i32
      %dma_start3A_198 = tpu.memref_slice %arg10[%dma_start3A_195, %dma_start3A_196, %dma_start3A_197] : memref<4x128x16xf32, #tpu.memory_space<vmem>> -> memref<1x128x16xf32, #tpu.memory_space<vmem>>
      %dma_start3A_199 = tpu.memref_squeeze %dma_start3A_198 : memref<1x128x16xf32, #tpu.memory_space<vmem>> -> memref<128x16xf32, #tpu.memory_space<vmem>>
      %dma_start3A_200 = arith.constant 0 : i32
      %dma_start3A_201 = tpu.memref_slice %arg9[%add3A_182, %dma_start3A_200] : memref<80x128xi32, #tpu.memory_space<vmem>> -> memref<1x128xi32, #tpu.memory_space<vmem>>
      %dma_start3A_202 = tpu.memref_squeeze %dma_start3A_201 : memref<1x128xi32, #tpu.memory_space<vmem>> -> memref<128xi32, #tpu.memory_space<vmem>>
      %dma_start3A_203 = arith.constant 0 : i32
      %dma_start3A_204 = arith.constant 0 : i32
      %dma_start3A_205 = tpu.memref_slice %arg13[%dma_start3A_203, %dma_start3A_204] : memref<10240x16xf32, #tpu.memory_space<vmem_shared>> -> memref<10240x16xf32, #tpu.memory_space<vmem_shared>>
      tpu.enqueue_indirect_dma source(%dma_start3A_199 : memref<128x16xf32, #tpu.memory_space<vmem>>) target(%dma_start3A_205 : memref<10240x16xf32, #tpu.memory_space<vmem_shared>>) offsets(%dma_start3A_202 : memref<128xi32, #tpu.memory_space<vmem>>) semaphore(%arg18 : memref<!tpu.dma_semaphore, #tpu.memory_space<semaphore_mem>>) {add = true}
      %add3A_206 = arith.constant 2 : i32
      %add3A_207 = arith.addi %add3A_182, %add3A_206 : i32
      %lt3A = arith.constant 80 : i32
      %lt3A_208 = arith.cmpi slt, %add3A_207, %lt3A : i32
      %convert_element_type3A_209 = arith.extui %lt3A_208 : i1 to i32
      %cond3A_210 = arith.constant 0 : i32
      %cond3A_211 = arith.cmpi ne, %convert_element_type3A_209, %cond3A_210 : i32
      scf.if %cond3A_211 {
        %ge3A = arith.constant 2 : i32
        %ge3A_308 = arith.cmpi sge, %add3A_182, %ge3A : i32
        %convert_element_type3A_309 = arith.extui %ge3A_308 : i1 to i32
        %cond3A_310 = arith.constant 0 : i32
        %cond3A_311 = arith.cmpi ne, %convert_element_type3A_309, %cond3A_310 : i32
        scf.if %cond3A_311 {
          %dma_wait3A_325 = arith.constant 2 : i32
          %dma_wait3A_326 = arith.constant 0 : i32
          %dma_wait3A_327 = arith.constant 0 : i32
          %dma_wait3A_328 = arith.constant 0 : i32
          %dma_wait3A_329 = tpu.memref_slice %arg10[%dma_wait3A_325, %dma_wait3A_327, %dma_wait3A_328] : memref<4x128x16xf32, #tpu.memory_space<vmem>> -> memref<1x128x16xf32, #tpu.memory_space<vmem>>
          %dma_wait3A_330 = tpu.memref_squeeze %dma_wait3A_329 : memref<1x128x16xf32, #tpu.memory_space<vmem>> -> memref<128x16xf32, #tpu.memory_space<vmem>>
          %dma_wait3A_331 = arith.constant 0 : i32
          %dma_wait3A_332 = tpu.memref_slice %arg9[%dma_wait3A_326, %dma_wait3A_331] : memref<80x128xi32, #tpu.memory_space<vmem>> -> memref<1x128xi32, #tpu.memory_space<vmem>>
          %dma_wait3A_333 = tpu.memref_squeeze %dma_wait3A_332 : memref<1x128xi32, #tpu.memory_space<vmem>> -> memref<128xi32, #tpu.memory_space<vmem>>
          %dma_wait3A_334 = arith.constant 0 : i32
          %dma_wait3A_335 = arith.constant 0 : i32
          %dma_wait3A_336 = tpu.memref_slice %arg13[%dma_wait3A_334, %dma_wait3A_335] : memref<10240x16xf32, #tpu.memory_space<vmem_shared>> -> memref<10240x16xf32, #tpu.memory_space<vmem_shared>>
          tpu.wait_indirect_dma semaphore(%arg20 : memref<!tpu.dma_semaphore, #tpu.memory_space<semaphore_mem>>) src(%dma_wait3A_330 : memref<128x16xf32, #tpu.memory_space<vmem>>) dst(%dma_wait3A_336 : memref<10240x16xf32, #tpu.memory_space<vmem_shared>>)
        } else {
        }
        %add3A_312 = arith.constant 2 : i32
        %add3A_313 = arith.addi %add3A_182, %add3A_312 : i32
        %dma_start3A_314 = arith.constant 2 : i32
        %dma_start3A_315 = arith.constant 0 : i32
        %dma_start3A_316 = arith.constant 0 : i32
        %dma_start3A_317 = tpu.memref_slice %arg10[%dma_start3A_314, %dma_start3A_315, %dma_start3A_316] : memref<4x128x16xf32, #tpu.memory_space<vmem>> -> memref<1x128x16xf32, #tpu.memory_space<vmem>>
        %dma_start3A_318 = tpu.memref_squeeze %dma_start3A_317 : memref<1x128x16xf32, #tpu.memory_space<vmem>> -> memref<128x16xf32, #tpu.memory_space<vmem>>
        %dma_start3A_319 = arith.constant 0 : i32
        %dma_start3A_320 = tpu.memref_slice %arg8[%add3A_313, %dma_start3A_319] : memref<80x128xi32, #tpu.memory_space<vmem>> -> memref<1x128xi32, #tpu.memory_space<vmem>>
        %dma_start3A_321 = tpu.memref_squeeze %dma_start3A_320 : memref<1x128xi32, #tpu.memory_space<vmem>> -> memref<128xi32, #tpu.memory_space<vmem>>
        %dma_start3A_322 = arith.constant 0 : i32
        %dma_start3A_323 = arith.constant 0 : i32
        %dma_start3A_324 = tpu.memref_slice %arg12[%dma_start3A_322, %dma_start3A_323] : memref<10240x16xf32, #tpu.memory_space<vmem_shared>> -> memref<10240x16xf32, #tpu.memory_space<vmem_shared>>
        tpu.enqueue_indirect_dma source(%dma_start3A_324 : memref<10240x16xf32, #tpu.memory_space<vmem_shared>>) target(%dma_start3A_318 : memref<128x16xf32, #tpu.memory_space<vmem>>) offsets(%dma_start3A_321 : memref<128xi32, #tpu.memory_space<vmem>>) semaphore(%arg16 : memref<!tpu.dma_semaphore, #tpu.memory_space<semaphore_mem>>)
      } else {
      }
      %add3A_212 = arith.constant 1 : i32
      %add3A_213 = arith.addi %add3A_180, %add3A_212 : i32
      %dma_wait3A_214 = arith.constant 0 : i32
      %dma_wait3A_215 = arith.constant 1 : i32
      %dma_wait3A_216 = arith.constant 0 : i32
      %dma_wait3A_217 = arith.constant 0 : i32
      %dma_wait3A_218 = tpu.memref_slice %arg10[%dma_wait3A_215, %dma_wait3A_216, %dma_wait3A_217] : memref<4x128x16xf32, #tpu.memory_space<vmem>> -> memref<1x128x16xf32, #tpu.memory_space<vmem>>
      %dma_wait3A_219 = tpu.memref_squeeze %dma_wait3A_218 : memref<1x128x16xf32, #tpu.memory_space<vmem>> -> memref<128x16xf32, #tpu.memory_space<vmem>>
      %dma_wait3A_220 = arith.constant 0 : i32
      %dma_wait3A_221 = tpu.memref_slice %arg8[%dma_wait3A_214, %dma_wait3A_220] : memref<80x128xi32, #tpu.memory_space<vmem>> -> memref<1x128xi32, #tpu.memory_space<vmem>>
      %dma_wait3A_222 = tpu.memref_squeeze %dma_wait3A_221 : memref<1x128xi32, #tpu.memory_space<vmem>> -> memref<128xi32, #tpu.memory_space<vmem>>
      %dma_wait3A_223 = arith.constant 0 : i32
      %dma_wait3A_224 = arith.constant 0 : i32
      %dma_wait3A_225 = tpu.memref_slice %arg12[%dma_wait3A_223, %dma_wait3A_224] : memref<10240x16xf32, #tpu.memory_space<vmem_shared>> -> memref<10240x16xf32, #tpu.memory_space<vmem_shared>>
      tpu.wait_indirect_dma semaphore(%arg15 : memref<!tpu.dma_semaphore, #tpu.memory_space<semaphore_mem>>) src(%dma_wait3A_225 : memref<10240x16xf32, #tpu.memory_space<vmem_shared>>) dst(%dma_wait3A_219 : memref<128x16xf32, #tpu.memory_space<vmem>>)
      %dma_start3A_226 = arith.constant 1 : i32
      %dma_start3A_227 = arith.constant 0 : i32
      %dma_start3A_228 = arith.constant 0 : i32
      %dma_start3A_229 = tpu.memref_slice %arg10[%dma_start3A_226, %dma_start3A_227, %dma_start3A_228] : memref<4x128x16xf32, #tpu.memory_space<vmem>> -> memref<1x128x16xf32, #tpu.memory_space<vmem>>
      %dma_start3A_230 = tpu.memref_squeeze %dma_start3A_229 : memref<1x128x16xf32, #tpu.memory_space<vmem>> -> memref<128x16xf32, #tpu.memory_space<vmem>>
      %dma_start3A_231 = arith.constant 0 : i32
      %dma_start3A_232 = tpu.memref_slice %arg9[%add3A_213, %dma_start3A_231] : memref<80x128xi32, #tpu.memory_space<vmem>> -> memref<1x128xi32, #tpu.memory_space<vmem>>
      %dma_start3A_233 = tpu.memref_squeeze %dma_start3A_232 : memref<1x128xi32, #tpu.memory_space<vmem>> -> memref<128xi32, #tpu.memory_space<vmem>>
      %dma_start3A_234 = arith.constant 0 : i32
      %dma_start3A_235 = arith.constant 0 : i32
      %dma_start3A_236 = tpu.memref_slice %arg13[%dma_start3A_234, %dma_start3A_235] : memref<10240x16xf32, #tpu.memory_space<vmem_shared>> -> memref<10240x16xf32, #tpu.memory_space<vmem_shared>>
      tpu.enqueue_indirect_dma source(%dma_start3A_230 : memref<128x16xf32, #tpu.memory_space<vmem>>) target(%dma_start3A_236 : memref<10240x16xf32, #tpu.memory_space<vmem_shared>>) offsets(%dma_start3A_233 : memref<128xi32, #tpu.memory_space<vmem>>) semaphore(%arg19 : memref<!tpu.dma_semaphore, #tpu.memory_space<semaphore_mem>>) {add = true}
      %add3A_237 = arith.constant 2 : i32
      %add3A_238 = arith.addi %add3A_213, %add3A_237 : i32
      %lt3A_239 = arith.constant 80 : i32
      %lt3A_240 = arith.cmpi slt, %add3A_238, %lt3A_239 : i32
      %convert_element_type3A_241 = arith.extui %lt3A_240 : i1 to i32
      %cond3A_242 = arith.constant 0 : i32
      %cond3A_243 = arith.cmpi ne, %convert_element_type3A_241, %cond3A_242 : i32
      scf.if %cond3A_243 {
        %ge3A = arith.constant 2 : i32
        %ge3A_308 = arith.cmpi sge, %add3A_213, %ge3A : i32
        %convert_element_type3A_309 = arith.extui %ge3A_308 : i1 to i32
        %cond3A_310 = arith.constant 0 : i32
        %cond3A_311 = arith.cmpi ne, %convert_element_type3A_309, %cond3A_310 : i32
        scf.if %cond3A_311 {
          %dma_wait3A_325 = arith.constant 3 : i32
          %dma_wait3A_326 = arith.constant 0 : i32
          %dma_wait3A_327 = arith.constant 0 : i32
          %dma_wait3A_328 = arith.constant 0 : i32
          %dma_wait3A_329 = tpu.memref_slice %arg10[%dma_wait3A_325, %dma_wait3A_327, %dma_wait3A_328] : memref<4x128x16xf32, #tpu.memory_space<vmem>> -> memref<1x128x16xf32, #tpu.memory_space<vmem>>
          %dma_wait3A_330 = tpu.memref_squeeze %dma_wait3A_329 : memref<1x128x16xf32, #tpu.memory_space<vmem>> -> memref<128x16xf32, #tpu.memory_space<vmem>>
          %dma_wait3A_331 = arith.constant 0 : i32
          %dma_wait3A_332 = tpu.memref_slice %arg9[%dma_wait3A_326, %dma_wait3A_331] : memref<80x128xi32, #tpu.memory_space<vmem>> -> memref<1x128xi32, #tpu.memory_space<vmem>>
          %dma_wait3A_333 = tpu.memref_squeeze %dma_wait3A_332 : memref<1x128xi32, #tpu.memory_space<vmem>> -> memref<128xi32, #tpu.memory_space<vmem>>
          %dma_wait3A_334 = arith.constant 0 : i32
          %dma_wait3A_335 = arith.constant 0 : i32
          %dma_wait3A_336 = tpu.memref_slice %arg13[%dma_wait3A_334, %dma_wait3A_335] : memref<10240x16xf32, #tpu.memory_space<vmem_shared>> -> memref<10240x16xf32, #tpu.memory_space<vmem_shared>>
          tpu.wait_indirect_dma semaphore(%arg21 : memref<!tpu.dma_semaphore, #tpu.memory_space<semaphore_mem>>) src(%dma_wait3A_330 : memref<128x16xf32, #tpu.memory_space<vmem>>) dst(%dma_wait3A_336 : memref<10240x16xf32, #tpu.memory_space<vmem_shared>>)
        } else {
        }
        %add3A_312 = arith.constant 2 : i32
        %add3A_313 = arith.addi %add3A_213, %add3A_312 : i32
        %dma_start3A_314 = arith.constant 3 : i32
        %dma_start3A_315 = arith.constant 0 : i32
        %dma_start3A_316 = arith.constant 0 : i32
        %dma_start3A_317 = tpu.memref_slice %arg10[%dma_start3A_314, %dma_start3A_315, %dma_start3A_316] : memref<4x128x16xf32, #tpu.memory_space<vmem>> -> memref<1x128x16xf32, #tpu.memory_space<vmem>>
        %dma_start3A_318 = tpu.memref_squeeze %dma_start3A_317 : memref<1x128x16xf32, #tpu.memory_space<vmem>> -> memref<128x16xf32, #tpu.memory_space<vmem>>
        %dma_start3A_319 = arith.constant 0 : i32
        %dma_start3A_320 = tpu.memref_slice %arg8[%add3A_313, %dma_start3A_319] : memref<80x128xi32, #tpu.memory_space<vmem>> -> memref<1x128xi32, #tpu.memory_space<vmem>>
        %dma_start3A_321 = tpu.memref_squeeze %dma_start3A_320 : memref<1x128xi32, #tpu.memory_space<vmem>> -> memref<128xi32, #tpu.memory_space<vmem>>
        %dma_start3A_322 = arith.constant 0 : i32
        %dma_start3A_323 = arith.constant 0 : i32
        %dma_start3A_324 = tpu.memref_slice %arg12[%dma_start3A_322, %dma_start3A_323] : memref<10240x16xf32, #tpu.memory_space<vmem_shared>> -> memref<10240x16xf32, #tpu.memory_space<vmem_shared>>
        tpu.enqueue_indirect_dma source(%dma_start3A_324 : memref<10240x16xf32, #tpu.memory_space<vmem_shared>>) target(%dma_start3A_318 : memref<128x16xf32, #tpu.memory_space<vmem>>) offsets(%dma_start3A_321 : memref<128xi32, #tpu.memory_space<vmem>>) semaphore(%arg17 : memref<!tpu.dma_semaphore, #tpu.memory_space<semaphore_mem>>)
      } else {
      }
      %add3A_244 = arith.constant 2 : i32
      %add3A_245 = arith.addi %add3A_180, %add3A_244 : i32
      %dma_wait3A_246 = arith.constant 0 : i32
      %dma_wait3A_247 = arith.constant 2 : i32
      %dma_wait3A_248 = arith.constant 0 : i32
      %dma_wait3A_249 = arith.constant 0 : i32
      %dma_wait3A_250 = tpu.memref_slice %arg10[%dma_wait3A_247, %dma_wait3A_248, %dma_wait3A_249] : memref<4x128x16xf32, #tpu.memory_space<vmem>> -> memref<1x128x16xf32, #tpu.memory_space<vmem>>
      %dma_wait3A_251 = tpu.memref_squeeze %dma_wait3A_250 : memref<1x128x16xf32, #tpu.memory_space<vmem>> -> memref<128x16xf32, #tpu.memory_space<vmem>>
      %dma_wait3A_252 = arith.constant 0 : i32
      %dma_wait3A_253 = tpu.memref_slice %arg8[%dma_wait3A_246, %dma_wait3A_252] : memref<80x128xi32, #tpu.memory_space<vmem>> -> memref<1x128xi32, #tpu.memory_space<vmem>>
      %dma_wait3A_254 = tpu.memref_squeeze %dma_wait3A_253 : memref<1x128xi32, #tpu.memory_space<vmem>> -> memref<128xi32, #tpu.memory_space<vmem>>
      %dma_wait3A_255 = arith.constant 0 : i32
      %dma_wait3A_256 = arith.constant 0 : i32
      %dma_wait3A_257 = tpu.memref_slice %arg12[%dma_wait3A_255, %dma_wait3A_256] : memref<10240x16xf32, #tpu.memory_space<vmem_shared>> -> memref<10240x16xf32, #tpu.memory_space<vmem_shared>>
      tpu.wait_indirect_dma semaphore(%arg16 : memref<!tpu.dma_semaphore, #tpu.memory_space<semaphore_mem>>) src(%dma_wait3A_257 : memref<10240x16xf32, #tpu.memory_space<vmem_shared>>) dst(%dma_wait3A_251 : memref<128x16xf32, #tpu.memory_space<vmem>>)
      %dma_start3A_258 = arith.constant 2 : i32
      %dma_start3A_259 = arith.constant 0 : i32
      %dma_start3A_260 = arith.constant 0 : i32
      %dma_start3A_261 = tpu.memref_slice %arg10[%dma_start3A_258, %dma_start3A_259, %dma_start3A_260] : memref<4x128x16xf32, #tpu.memory_space<vmem>> -> memref<1x128x16xf32, #tpu.memory_space<vmem>>
      %dma_start3A_262 = tpu.memref_squeeze %dma_start3A_261 : memref<1x128x16xf32, #tpu.memory_space<vmem>> -> memref<128x16xf32, #tpu.memory_space<vmem>>
      %dma_start3A_263 = arith.constant 0 : i32
      %dma_start3A_264 = tpu.memref_slice %arg9[%add3A_245, %dma_start3A_263] : memref<80x128xi32, #tpu.memory_space<vmem>> -> memref<1x128xi32, #tpu.memory_space<vmem>>
      %dma_start3A_265 = tpu.memref_squeeze %dma_start3A_264 : memref<1x128xi32, #tpu.memory_space<vmem>> -> memref<128xi32, #tpu.memory_space<vmem>>
      %dma_start3A_266 = arith.constant 0 : i32
      %dma_start3A_267 = arith.constant 0 : i32
      %dma_start3A_268 = tpu.memref_slice %arg13[%dma_start3A_266, %dma_start3A_267] : memref<10240x16xf32, #tpu.memory_space<vmem_shared>> -> memref<10240x16xf32, #tpu.memory_space<vmem_shared>>
      tpu.enqueue_indirect_dma source(%dma_start3A_262 : memref<128x16xf32, #tpu.memory_space<vmem>>) target(%dma_start3A_268 : memref<10240x16xf32, #tpu.memory_space<vmem_shared>>) offsets(%dma_start3A_265 : memref<128xi32, #tpu.memory_space<vmem>>) semaphore(%arg20 : memref<!tpu.dma_semaphore, #tpu.memory_space<semaphore_mem>>) {add = true}
      %add3A_269 = arith.constant 2 : i32
      %add3A_270 = arith.addi %add3A_245, %add3A_269 : i32
      %lt3A_271 = arith.constant 80 : i32
      %lt3A_272 = arith.cmpi slt, %add3A_270, %lt3A_271 : i32
      %convert_element_type3A_273 = arith.extui %lt3A_272 : i1 to i32
      %cond3A_274 = arith.constant 0 : i32
      %cond3A_275 = arith.cmpi ne, %convert_element_type3A_273, %cond3A_274 : i32
      scf.if %cond3A_275 {
        %ge3A = arith.constant 2 : i32
        %ge3A_308 = arith.cmpi sge, %add3A_245, %ge3A : i32
        %convert_element_type3A_309 = arith.extui %ge3A_308 : i1 to i32
        %cond3A_310 = arith.constant 0 : i32
        %cond3A_311 = arith.cmpi ne, %convert_element_type3A_309, %cond3A_310 : i32
        scf.if %cond3A_311 {
          %dma_wait3A_325 = arith.constant 0 : i32
          %dma_wait3A_326 = arith.constant 0 : i32
          %dma_wait3A_327 = arith.constant 0 : i32
          %dma_wait3A_328 = arith.constant 0 : i32
          %dma_wait3A_329 = tpu.memref_slice %arg10[%dma_wait3A_325, %dma_wait3A_327, %dma_wait3A_328] : memref<4x128x16xf32, #tpu.memory_space<vmem>> -> memref<1x128x16xf32, #tpu.memory_space<vmem>>
          %dma_wait3A_330 = tpu.memref_squeeze %dma_wait3A_329 : memref<1x128x16xf32, #tpu.memory_space<vmem>> -> memref<128x16xf32, #tpu.memory_space<vmem>>
          %dma_wait3A_331 = arith.constant 0 : i32
          %dma_wait3A_332 = tpu.memref_slice %arg9[%dma_wait3A_326, %dma_wait3A_331] : memref<80x128xi32, #tpu.memory_space<vmem>> -> memref<1x128xi32, #tpu.memory_space<vmem>>
          %dma_wait3A_333 = tpu.memref_squeeze %dma_wait3A_332 : memref<1x128xi32, #tpu.memory_space<vmem>> -> memref<128xi32, #tpu.memory_space<vmem>>
          %dma_wait3A_334 = arith.constant 0 : i32
          %dma_wait3A_335 = arith.constant 0 : i32
          %dma_wait3A_336 = tpu.memref_slice %arg13[%dma_wait3A_334, %dma_wait3A_335] : memref<10240x16xf32, #tpu.memory_space<vmem_shared>> -> memref<10240x16xf32, #tpu.memory_space<vmem_shared>>
          tpu.wait_indirect_dma semaphore(%arg18 : memref<!tpu.dma_semaphore, #tpu.memory_space<semaphore_mem>>) src(%dma_wait3A_330 : memref<128x16xf32, #tpu.memory_space<vmem>>) dst(%dma_wait3A_336 : memref<10240x16xf32, #tpu.memory_space<vmem_shared>>)
        } else {
        }
        %add3A_312 = arith.constant 2 : i32
        %add3A_313 = arith.addi %add3A_245, %add3A_312 : i32
        %dma_start3A_314 = arith.constant 0 : i32
        %dma_start3A_315 = arith.constant 0 : i32
        %dma_start3A_316 = arith.constant 0 : i32
        %dma_start3A_317 = tpu.memref_slice %arg10[%dma_start3A_314, %dma_start3A_315, %dma_start3A_316] : memref<4x128x16xf32, #tpu.memory_space<vmem>> -> memref<1x128x16xf32, #tpu.memory_space<vmem>>
        %dma_start3A_318 = tpu.memref_squeeze %dma_start3A_317 : memref<1x128x16xf32, #tpu.memory_space<vmem>> -> memref<128x16xf32, #tpu.memory_space<vmem>>
        %dma_start3A_319 = arith.constant 0 : i32
        %dma_start3A_320 = tpu.memref_slice %arg8[%add3A_313, %dma_start3A_319] : memref<80x128xi32, #tpu.memory_space<vmem>> -> memref<1x128xi32, #tpu.memory_space<vmem>>
        %dma_start3A_321 = tpu.memref_squeeze %dma_start3A_320 : memref<1x128xi32, #tpu.memory_space<vmem>> -> memref<128xi32, #tpu.memory_space<vmem>>
        %dma_start3A_322 = arith.constant 0 : i32
        %dma_start3A_323 = arith.constant 0 : i32
        %dma_start3A_324 = tpu.memref_slice %arg12[%dma_start3A_322, %dma_start3A_323] : memref<10240x16xf32, #tpu.memory_space<vmem_shared>> -> memref<10240x16xf32, #tpu.memory_space<vmem_shared>>
        tpu.enqueue_indirect_dma source(%dma_start3A_324 : memref<10240x16xf32, #tpu.memory_space<vmem_shared>>) target(%dma_start3A_318 : memref<128x16xf32, #tpu.memory_space<vmem>>) offsets(%dma_start3A_321 : memref<128xi32, #tpu.memory_space<vmem>>) semaphore(%arg14 : memref<!tpu.dma_semaphore, #tpu.memory_space<semaphore_mem>>)
      } else {
      }
      %add3A_276 = arith.constant 3 : i32
      %add3A_277 = arith.addi %add3A_180, %add3A_276 : i32
      %dma_wait3A_278 = arith.constant 0 : i32
      %dma_wait3A_279 = arith.constant 3 : i32
      %dma_wait3A_280 = arith.constant 0 : i32
      %dma_wait3A_281 = arith.constant 0 : i32
      %dma_wait3A_282 = tpu.memref_slice %arg10[%dma_wait3A_279, %dma_wait3A_280, %dma_wait3A_281] : memref<4x128x16xf32, #tpu.memory_space<vmem>> -> memref<1x128x16xf32, #tpu.memory_space<vmem>>
      %dma_wait3A_283 = tpu.memref_squeeze %dma_wait3A_282 : memref<1x128x16xf32, #tpu.memory_space<vmem>> -> memref<128x16xf32, #tpu.memory_space<vmem>>
      %dma_wait3A_284 = arith.constant 0 : i32
      %dma_wait3A_285 = tpu.memref_slice %arg8[%dma_wait3A_278, %dma_wait3A_284] : memref<80x128xi32, #tpu.memory_space<vmem>> -> memref<1x128xi32, #tpu.memory_space<vmem>>
      %dma_wait3A_286 = tpu.memref_squeeze %dma_wait3A_285 : memref<1x128xi32, #tpu.memory_space<vmem>> -> memref<128xi32, #tpu.memory_space<vmem>>
      %dma_wait3A_287 = arith.constant 0 : i32
      %dma_wait3A_288 = arith.constant 0 : i32
      %dma_wait3A_289 = tpu.memref_slice %arg12[%dma_wait3A_287, %dma_wait3A_288] : memref<10240x16xf32, #tpu.memory_space<vmem_shared>> -> memref<10240x16xf32, #tpu.memory_space<vmem_shared>>
      tpu.wait_indirect_dma semaphore(%arg17 : memref<!tpu.dma_semaphore, #tpu.memory_space<semaphore_mem>>) src(%dma_wait3A_289 : memref<10240x16xf32, #tpu.memory_space<vmem_shared>>) dst(%dma_wait3A_283 : memref<128x16xf32, #tpu.memory_space<vmem>>)
      %dma_start3A_290 = arith.constant 3 : i32
      %dma_start3A_291 = arith.constant 0 : i32
      %dma_start3A_292 = arith.constant 0 : i32
      %dma_start3A_293 = tpu.memref_slice %arg10[%dma_start3A_290, %dma_start3A_291, %dma_start3A_292] : memref<4x128x16xf32, #tpu.memory_space<vmem>> -> memref<1x128x16xf32, #tpu.memory_space<vmem>>
      %dma_start3A_294 = tpu.memref_squeeze %dma_start3A_293 : memref<1x128x16xf32, #tpu.memory_space<vmem>> -> memref<128x16xf32, #tpu.memory_space<vmem>>
      %dma_start3A_295 = arith.constant 0 : i32
      %dma_start3A_296 = tpu.memref_slice %arg9[%add3A_277, %dma_start3A_295] : memref<80x128xi32, #tpu.memory_space<vmem>> -> memref<1x128xi32, #tpu.memory_space<vmem>>
      %dma_start3A_297 = tpu.memref_squeeze %dma_start3A_296 : memref<1x128xi32, #tpu.memory_space<vmem>> -> memref<128xi32, #tpu.memory_space<vmem>>
      %dma_start3A_298 = arith.constant 0 : i32
      %dma_start3A_299 = arith.constant 0 : i32
      %dma_start3A_300 = tpu.memref_slice %arg13[%dma_start3A_298, %dma_start3A_299] : memref<10240x16xf32, #tpu.memory_space<vmem_shared>> -> memref<10240x16xf32, #tpu.memory_space<vmem_shared>>
      tpu.enqueue_indirect_dma source(%dma_start3A_294 : memref<128x16xf32, #tpu.memory_space<vmem>>) target(%dma_start3A_300 : memref<10240x16xf32, #tpu.memory_space<vmem_shared>>) offsets(%dma_start3A_297 : memref<128xi32, #tpu.memory_space<vmem>>) semaphore(%arg21 : memref<!tpu.dma_semaphore, #tpu.memory_space<semaphore_mem>>) {add = true}
      %add3A_301 = arith.constant 2 : i32
      %add3A_302 = arith.addi %add3A_277, %add3A_301 : i32
      %lt3A_303 = arith.constant 80 : i32
      %lt3A_304 = arith.cmpi slt, %add3A_302, %lt3A_303 : i32
      %convert_element_type3A_305 = arith.extui %lt3A_304 : i1 to i32
      %cond3A_306 = arith.constant 0 : i32
      %cond3A_307 = arith.cmpi ne, %convert_element_type3A_305, %cond3A_306 : i32
      scf.if %cond3A_307 {
        %ge3A = arith.constant 2 : i32
        %ge3A_308 = arith.cmpi sge, %add3A_277, %ge3A : i32
        %convert_element_type3A_309 = arith.extui %ge3A_308 : i1 to i32
        %cond3A_310 = arith.constant 0 : i32
        %cond3A_311 = arith.cmpi ne, %convert_element_type3A_309, %cond3A_310 : i32
        scf.if %cond3A_311 {
          %dma_wait3A_325 = arith.constant 1 : i32
          %dma_wait3A_326 = arith.constant 0 : i32
          %dma_wait3A_327 = arith.constant 0 : i32
          %dma_wait3A_328 = arith.constant 0 : i32
          %dma_wait3A_329 = tpu.memref_slice %arg10[%dma_wait3A_325, %dma_wait3A_327, %dma_wait3A_328] : memref<4x128x16xf32, #tpu.memory_space<vmem>> -> memref<1x128x16xf32, #tpu.memory_space<vmem>>
          %dma_wait3A_330 = tpu.memref_squeeze %dma_wait3A_329 : memref<1x128x16xf32, #tpu.memory_space<vmem>> -> memref<128x16xf32, #tpu.memory_space<vmem>>
          %dma_wait3A_331 = arith.constant 0 : i32
          %dma_wait3A_332 = tpu.memref_slice %arg9[%dma_wait3A_326, %dma_wait3A_331] : memref<80x128xi32, #tpu.memory_space<vmem>> -> memref<1x128xi32, #tpu.memory_space<vmem>>
          %dma_wait3A_333 = tpu.memref_squeeze %dma_wait3A_332 : memref<1x128xi32, #tpu.memory_space<vmem>> -> memref<128xi32, #tpu.memory_space<vmem>>
          %dma_wait3A_334 = arith.constant 0 : i32
          %dma_wait3A_335 = arith.constant 0 : i32
          %dma_wait3A_336 = tpu.memref_slice %arg13[%dma_wait3A_334, %dma_wait3A_335] : memref<10240x16xf32, #tpu.memory_space<vmem_shared>> -> memref<10240x16xf32, #tpu.memory_space<vmem_shared>>
          tpu.wait_indirect_dma semaphore(%arg19 : memref<!tpu.dma_semaphore, #tpu.memory_space<semaphore_mem>>) src(%dma_wait3A_330 : memref<128x16xf32, #tpu.memory_space<vmem>>) dst(%dma_wait3A_336 : memref<10240x16xf32, #tpu.memory_space<vmem_shared>>)
        } else {
        }
        %add3A_312 = arith.constant 2 : i32
        %add3A_313 = arith.addi %add3A_277, %add3A_312 : i32
        %dma_start3A_314 = arith.constant 1 : i32
        %dma_start3A_315 = arith.constant 0 : i32
        %dma_start3A_316 = arith.constant 0 : i32
        %dma_start3A_317 = tpu.memref_slice %arg10[%dma_start3A_314, %dma_start3A_315, %dma_start3A_316] : memref<4x128x16xf32, #tpu.memory_space<vmem>> -> memref<1x128x16xf32, #tpu.memory_space<vmem>>
        %dma_start3A_318 = tpu.memref_squeeze %dma_start3A_317 : memref<1x128x16xf32, #tpu.memory_space<vmem>> -> memref<128x16xf32, #tpu.memory_space<vmem>>
        %dma_start3A_319 = arith.constant 0 : i32
        %dma_start3A_320 = tpu.memref_slice %arg8[%add3A_313, %dma_start3A_319] : memref<80x128xi32, #tpu.memory_space<vmem>> -> memref<1x128xi32, #tpu.memory_space<vmem>>
        %dma_start3A_321 = tpu.memref_squeeze %dma_start3A_320 : memref<1x128xi32, #tpu.memory_space<vmem>> -> memref<128xi32, #tpu.memory_space<vmem>>
        %dma_start3A_322 = arith.constant 0 : i32
        %dma_start3A_323 = arith.constant 0 : i32
        %dma_start3A_324 = tpu.memref_slice %arg12[%dma_start3A_322, %dma_start3A_323] : memref<10240x16xf32, #tpu.memory_space<vmem_shared>> -> memref<10240x16xf32, #tpu.memory_space<vmem_shared>>
        tpu.enqueue_indirect_dma source(%dma_start3A_324 : memref<10240x16xf32, #tpu.memory_space<vmem_shared>>) target(%dma_start3A_318 : memref<128x16xf32, #tpu.memory_space<vmem>>) offsets(%dma_start3A_321 : memref<128xi32, #tpu.memory_space<vmem>>) semaphore(%arg15 : memref<!tpu.dma_semaphore, #tpu.memory_space<semaphore_mem>>)
      } else {
      }
    }
    %scan3A_126 = arith.constant 20 : i32
    %dma_wait3A_127 = arith.constant 0 : i32
    %dma_wait3A_128 = arith.constant 0 : i32
    %dma_wait3A_129 = arith.constant 0 : i32
    %dma_wait3A_130 = arith.constant 0 : i32
    %dma_wait3A_131 = tpu.memref_slice %arg10[%dma_wait3A_127, %dma_wait3A_129, %dma_wait3A_130] : memref<4x128x16xf32, #tpu.memory_space<vmem>> -> memref<1x128x16xf32, #tpu.memory_space<vmem>>
    %dma_wait3A_132 = tpu.memref_squeeze %dma_wait3A_131 : memref<1x128x16xf32, #tpu.memory_space<vmem>> -> memref<128x16xf32, #tpu.memory_space<vmem>>
    %dma_wait3A_133 = arith.constant 0 : i32
    %dma_wait3A_134 = tpu.memref_slice %arg9[%dma_wait3A_128, %dma_wait3A_133] : memref<80x128xi32, #tpu.memory_space<vmem>> -> memref<1x128xi32, #tpu.memory_space<vmem>>
    %dma_wait3A_135 = tpu.memref_squeeze %dma_wait3A_134 : memref<1x128xi32, #tpu.memory_space<vmem>> -> memref<128xi32, #tpu.memory_space<vmem>>
    %dma_wait3A_136 = arith.constant 0 : i32
    %dma_wait3A_137 = arith.constant 0 : i32
    %dma_wait3A_138 = tpu.memref_slice %arg13[%dma_wait3A_136, %dma_wait3A_137] : memref<10240x16xf32, #tpu.memory_space<vmem_shared>> -> memref<10240x16xf32, #tpu.memory_space<vmem_shared>>
    tpu.wait_indirect_dma semaphore(%arg18 : memref<!tpu.dma_semaphore, #tpu.memory_space<semaphore_mem>>) src(%dma_wait3A_132 : memref<128x16xf32, #tpu.memory_space<vmem>>) dst(%dma_wait3A_138 : memref<10240x16xf32, #tpu.memory_space<vmem_shared>>)
    %dma_wait3A_139 = arith.constant 1 : i32
    %dma_wait3A_140 = arith.constant 0 : i32
    %dma_wait3A_141 = arith.constant 0 : i32
    %dma_wait3A_142 = arith.constant 0 : i32
    %dma_wait3A_143 = tpu.memref_slice %arg10[%dma_wait3A_139, %dma_wait3A_141, %dma_wait3A_142] : memref<4x128x16xf32, #tpu.memory_space<vmem>> -> memref<1x128x16xf32, #tpu.memory_space<vmem>>
    %dma_wait3A_144 = tpu.memref_squeeze %dma_wait3A_143 : memref<1x128x16xf32, #tpu.memory_space<vmem>> -> memref<128x16xf32, #tpu.memory_space<vmem>>
    %dma_wait3A_145 = arith.constant 0 : i32
    %dma_wait3A_146 = tpu.memref_slice %arg9[%dma_wait3A_140, %dma_wait3A_145] : memref<80x128xi32, #tpu.memory_space<vmem>> -> memref<1x128xi32, #tpu.memory_space<vmem>>
    %dma_wait3A_147 = tpu.memref_squeeze %dma_wait3A_146 : memref<1x128xi32, #tpu.memory_space<vmem>> -> memref<128xi32, #tpu.memory_space<vmem>>
    %dma_wait3A_148 = arith.constant 0 : i32
    %dma_wait3A_149 = arith.constant 0 : i32
    %dma_wait3A_150 = tpu.memref_slice %arg13[%dma_wait3A_148, %dma_wait3A_149] : memref<10240x16xf32, #tpu.memory_space<vmem_shared>> -> memref<10240x16xf32, #tpu.memory_space<vmem_shared>>
    tpu.wait_indirect_dma semaphore(%arg19 : memref<!tpu.dma_semaphore, #tpu.memory_space<semaphore_mem>>) src(%dma_wait3A_144 : memref<128x16xf32, #tpu.memory_space<vmem>>) dst(%dma_wait3A_150 : memref<10240x16xf32, #tpu.memory_space<vmem_shared>>)
    %dma_wait3A_151 = arith.constant 2 : i32
    %dma_wait3A_152 = arith.constant 0 : i32
    %dma_wait3A_153 = arith.constant 0 : i32
    %dma_wait3A_154 = arith.constant 0 : i32
    %dma_wait3A_155 = tpu.memref_slice %arg10[%dma_wait3A_151, %dma_wait3A_153, %dma_wait3A_154] : memref<4x128x16xf32, #tpu.memory_space<vmem>> -> memref<1x128x16xf32, #tpu.memory_space<vmem>>
    %dma_wait3A_156 = tpu.memref_squeeze %dma_wait3A_155 : memref<1x128x16xf32, #tpu.memory_space<vmem>> -> memref<128x16xf32, #tpu.memory_space<vmem>>
    %dma_wait3A_157 = arith.constant 0 : i32
    %dma_wait3A_158 = tpu.memref_slice %arg9[%dma_wait3A_152, %dma_wait3A_157] : memref<80x128xi32, #tpu.memory_space<vmem>> -> memref<1x128xi32, #tpu.memory_space<vmem>>
    %dma_wait3A_159 = tpu.memref_squeeze %dma_wait3A_158 : memref<1x128xi32, #tpu.memory_space<vmem>> -> memref<128xi32, #tpu.memory_space<vmem>>
    %dma_wait3A_160 = arith.constant 0 : i32
    %dma_wait3A_161 = arith.constant 0 : i32
    %dma_wait3A_162 = tpu.memref_slice %arg13[%dma_wait3A_160, %dma_wait3A_161] : memref<10240x16xf32, #tpu.memory_space<vmem_shared>> -> memref<10240x16xf32, #tpu.memory_space<vmem_shared>>
    tpu.wait_indirect_dma semaphore(%arg20 : memref<!tpu.dma_semaphore, #tpu.memory_space<semaphore_mem>>) src(%dma_wait3A_156 : memref<128x16xf32, #tpu.memory_space<vmem>>) dst(%dma_wait3A_162 : memref<10240x16xf32, #tpu.memory_space<vmem_shared>>)
    %dma_wait3A_163 = arith.constant 3 : i32
    %dma_wait3A_164 = arith.constant 0 : i32
    %dma_wait3A_165 = arith.constant 0 : i32
    %dma_wait3A_166 = arith.constant 0 : i32
    %dma_wait3A_167 = tpu.memref_slice %arg10[%dma_wait3A_163, %dma_wait3A_165, %dma_wait3A_166] : memref<4x128x16xf32, #tpu.memory_space<vmem>> -> memref<1x128x16xf32, #tpu.memory_space<vmem>>
    %dma_wait3A_168 = tpu.memref_squeeze %dma_wait3A_167 : memref<1x128x16xf32, #tpu.memory_space<vmem>> -> memref<128x16xf32, #tpu.memory_space<vmem>>
    %dma_wait3A_169 = arith.constant 0 : i32
    %dma_wait3A_170 = tpu.memref_slice %arg9[%dma_wait3A_164, %dma_wait3A_169] : memref<80x128xi32, #tpu.memory_space<vmem>> -> memref<1x128xi32, #tpu.memory_space<vmem>>
    %dma_wait3A_171 = tpu.memref_squeeze %dma_wait3A_170 : memref<1x128xi32, #tpu.memory_space<vmem>> -> memref<128xi32, #tpu.memory_space<vmem>>
    %dma_wait3A_172 = arith.constant 0 : i32
    %dma_wait3A_173 = arith.constant 0 : i32
    %dma_wait3A_174 = tpu.memref_slice %arg13[%dma_wait3A_172, %dma_wait3A_173] : memref<10240x16xf32, #tpu.memory_space<vmem_shared>> -> memref<10240x16xf32, #tpu.memory_space<vmem_shared>>
    tpu.wait_indirect_dma semaphore(%arg21 : memref<!tpu.dma_semaphore, #tpu.memory_space<semaphore_mem>>) src(%dma_wait3A_168 : memref<128x16xf32, #tpu.memory_space<vmem>>) dst(%dma_wait3A_174 : memref<10240x16xf32, #tpu.memory_space<vmem_shared>>)
    %barrier3A_175 = arith.constant 0 : index
    tpu.barrier barrier_id(%barrier3A_175)
    "tpu.region"() ({
      %run_scoped3A = tpu.sem_alloc : memref<!tpu.dma_semaphore, #tpu.memory_space<semaphore_mem>>
      %dma_start3A_176 = arith.constant 0 : i32
      %dma_start3A_177 = tpu.memref_slice %arg5[%arg0, %mul3A_2, %dma_start3A_176] : memref<2x10240x16xf32, #tpu.memory_space<hbm>> -> memref<1x640x16xf32, #tpu.memory_space<hbm>>
      %dma_start3A_178 = tpu.memref_squeeze %dma_start3A_177 : memref<1x640x16xf32, #tpu.memory_space<hbm>> -> memref<640x16xf32, #tpu.memory_space<hbm>>
      %dma_start3A_179 = arith.constant 0 : i32
      %dma_start3A_180 = tpu.memref_slice %arg13[%mul3A_2, %dma_start3A_179] : memref<10240x16xf32, #tpu.memory_space<vmem_shared>> -> memref<640x16xf32, #tpu.memory_space<vmem_shared>>
      tpu.enqueue_dma source(%dma_start3A_180 : memref<640x16xf32, #tpu.memory_space<vmem_shared>>) target(%dma_start3A_178 : memref<640x16xf32, #tpu.memory_space<hbm>>) target_semaphore(%run_scoped3A : memref<!tpu.dma_semaphore, #tpu.memory_space<semaphore_mem>>)
      %dma_wait3A_181 = arith.constant 0 : i32
      %dma_wait3A_182 = tpu.memref_slice %arg5[%arg0, %mul3A_2, %dma_wait3A_181] : memref<2x10240x16xf32, #tpu.memory_space<hbm>> -> memref<1x640x16xf32, #tpu.memory_space<hbm>>
      %dma_wait3A_183 = tpu.memref_squeeze %dma_wait3A_182 : memref<1x640x16xf32, #tpu.memory_space<hbm>> -> memref<640x16xf32, #tpu.memory_space<hbm>>
      %dma_wait3A_184 = arith.constant 0 : i32
      %dma_wait3A_185 = tpu.memref_slice %arg13[%mul3A_2, %dma_wait3A_184] : memref<10240x16xf32, #tpu.memory_space<vmem_shared>> -> memref<640x16xf32, #tpu.memory_space<vmem_shared>>
      tpu.wait_dma2 semaphore(%run_scoped3A : memref<!tpu.dma_semaphore, #tpu.memory_space<semaphore_mem>>) src(%dma_wait3A_185 : memref<640x16xf32, #tpu.memory_space<vmem_shared>>) dst(%dma_wait3A_183 : memref<640x16xf32, #tpu.memory_space<hbm>>)
      tpu.yield
    }) : () -> ()
    return
  }
}

#map = affine_map<(d0, d1) -> (0, 0, 0)>
#map1 = affine_map<(d0, d1) -> (0, 0)>
#map2 = affine_map<(d0, d1) -> (0)>
#map3 = affine_map<(d0, d1) -> (0, 0, 0, 0)>
module attributes {stable_mosaic.version = 14 : i64} {
  func.func @_layer2_kernel(%arg0: i32, %arg1: i32, %arg2: memref<2x10240x16xf32, #tpu.memory_space<hbm>>, %arg3: memref<10240x16xf32, #tpu.memory_space<hbm>>, %arg4: memref<10240x16xf32, #tpu.memory_space<hbm>>, %arg5: memref<16xf32, #tpu.memory_space<hbm>>, %arg6: memref<2x32x80x128xi32, #tpu.memory_space<hbm>>, %arg7: memref<2x10240x16xf32, #tpu.memory_space<hbm>>, %arg8: memref<80x128xi32, #tpu.memory_space<vmem>>, %arg9: memref<80x128xi32, #tpu.memory_space<vmem>>, %arg10: memref<4x128x16xf32, #tpu.memory_space<vmem>>, %arg11: memref<640x16xf32, #tpu.memory_space<vmem>>, %arg12: memref<10240x16xf32, #tpu.memory_space<vmem_shared>>, %arg13: memref<10240x16xf32, #tpu.memory_space<vmem_shared>>, %arg14: memref<!tpu.dma_semaphore, #tpu.memory_space<semaphore_mem>>, %arg15: memref<!tpu.dma_semaphore, #tpu.memory_space<semaphore_mem>>, %arg16: memref<!tpu.dma_semaphore, #tpu.memory_space<semaphore_mem>>, %arg17: memref<!tpu.dma_semaphore, #tpu.memory_space<semaphore_mem>>, %arg18: memref<!tpu.dma_semaphore, #tpu.memory_space<semaphore_mem>>, %arg19: memref<!tpu.dma_semaphore, #tpu.memory_space<semaphore_mem>>, %arg20: memref<!tpu.dma_semaphore, #tpu.memory_space<semaphore_mem>>, %arg21: memref<!tpu.dma_semaphore, #tpu.memory_space<semaphore_mem>>, %arg22: memref<640x16xf32, #tpu.memory_space<vmem>>, %arg23: memref<640x16xf32, #tpu.memory_space<vmem>>, %arg24: memref<640x16xf32, #tpu.memory_space<vmem>>, %arg25: memref<640x16xf32, #tpu.memory_space<vmem>>, %arg26: memref<640x16xf32, #tpu.memory_space<vmem>>, %arg27: memref<16xf32, #tpu.memory_space<vmem>>) attributes {dimension_semantics = [#tpu.dimension_semantics<core_parallel>, #tpu.dimension_semantics<subcore_parallel>], iteration_bounds = array<i64: 2, 16>, scalar_prefetch = 0 : i64, scratch_operands = 20 : i64, tpu.core_type = #tpu.core_type<sc_vector_subcore>, window_params = [{transform_indices = #map}, {transform_indices = #map1}, {transform_indices = #map1}, {transform_indices = #map2}, {transform_indices = #map3}, {transform_indices = #map}]} {
    %mul3A = arith.constant 16 : i32
    %mul3A_0 = arith.muli %arg0, %mul3A : i32
    %add3A = arith.addi %mul3A_0, %arg1 : i32
    %mul3A_1 = arith.constant 640 : i32
    %mul3A_2 = arith.muli %arg1, %mul3A_1 : i32
    %dma_start3A = arith.constant 0 : i32
    %dma_start3A_3 = arith.constant 0 : i32
    %dma_start3A_4 = arith.constant 0 : i32
    %dma_start3A_5 = tpu.memref_slice %arg6[%dma_start3A, %add3A, %dma_start3A_3, %dma_start3A_4] : memref<2x32x80x128xi32, #tpu.memory_space<hbm>> -> memref<1x1x80x128xi32, #tpu.memory_space<hbm>>
    %dma_start3A_6 = tpu.memref_squeeze %dma_start3A_5 : memref<1x1x80x128xi32, #tpu.memory_space<hbm>> -> memref<80x128xi32, #tpu.memory_space<hbm>>
    %dma_start3A_7 = arith.constant 0 : i32
    %dma_start3A_8 = arith.constant 0 : i32
    %dma_start3A_9 = tpu.memref_slice %arg6[%dma_start3A, %add3A, %dma_start3A_7, %dma_start3A_8] : memref<2x32x80x128xi32, #tpu.memory_space<hbm>> -> memref<1x1x80x128xi32, #tpu.memory_space<hbm>>
    %dma_start3A_10 = tpu.memref_squeeze %dma_start3A_9 : memref<1x1x80x128xi32, #tpu.memory_space<hbm>> -> memref<80x128xi32, #tpu.memory_space<hbm>>
    tpu.enqueue_dma source(%dma_start3A_10 : memref<80x128xi32, #tpu.memory_space<hbm>>) target(%arg8 : memref<80x128xi32, #tpu.memory_space<vmem>>) target_semaphore(%arg14 : memref<!tpu.dma_semaphore, #tpu.memory_space<semaphore_mem>>)
    %dma_start3A_11 = arith.constant 1 : i32
    %dma_start3A_12 = arith.constant 0 : i32
    %dma_start3A_13 = arith.constant 0 : i32
    %dma_start3A_14 = tpu.memref_slice %arg6[%dma_start3A_11, %add3A, %dma_start3A_12, %dma_start3A_13] : memref<2x32x80x128xi32, #tpu.memory_space<hbm>> -> memref<1x1x80x128xi32, #tpu.memory_space<hbm>>
    %dma_start3A_15 = tpu.memref_squeeze %dma_start3A_14 : memref<1x1x80x128xi32, #tpu.memory_space<hbm>> -> memref<80x128xi32, #tpu.memory_space<hbm>>
    %dma_start3A_16 = arith.constant 0 : i32
    %dma_start3A_17 = arith.constant 0 : i32
    %dma_start3A_18 = tpu.memref_slice %arg6[%dma_start3A_11, %add3A, %dma_start3A_16, %dma_start3A_17] : memref<2x32x80x128xi32, #tpu.memory_space<hbm>> -> memref<1x1x80x128xi32, #tpu.memory_space<hbm>>
    %dma_start3A_19 = tpu.memref_squeeze %dma_start3A_18 : memref<1x1x80x128xi32, #tpu.memory_space<hbm>> -> memref<80x128xi32, #tpu.memory_space<hbm>>
    tpu.enqueue_dma source(%dma_start3A_19 : memref<80x128xi32, #tpu.memory_space<hbm>>) target(%arg9 : memref<80x128xi32, #tpu.memory_space<vmem>>) target_semaphore(%arg15 : memref<!tpu.dma_semaphore, #tpu.memory_space<semaphore_mem>>)
    %dma_start3A_20 = arith.constant 0 : i32
    %dma_start3A_21 = arith.constant 0 : i32
    %dma_start3A_22 = tpu.memref_slice %arg2[%dma_start3A_20, %mul3A_2, %dma_start3A_21] : memref<2x10240x16xf32, #tpu.memory_space<hbm>> -> memref<1x640x16xf32, #tpu.memory_space<hbm>>
    %dma_start3A_23 = tpu.memref_squeeze %dma_start3A_22 : memref<1x640x16xf32, #tpu.memory_space<hbm>> -> memref<640x16xf32, #tpu.memory_space<hbm>>
    %dma_start3A_24 = arith.constant 0 : i32
    %dma_start3A_25 = tpu.memref_slice %arg2[%dma_start3A_20, %mul3A_2, %dma_start3A_24] : memref<2x10240x16xf32, #tpu.memory_space<hbm>> -> memref<1x640x16xf32, #tpu.memory_space<hbm>>
    %dma_start3A_26 = tpu.memref_squeeze %dma_start3A_25 : memref<1x640x16xf32, #tpu.memory_space<hbm>> -> memref<640x16xf32, #tpu.memory_space<hbm>>
    tpu.enqueue_dma source(%dma_start3A_26 : memref<640x16xf32, #tpu.memory_space<hbm>>) target(%arg22 : memref<640x16xf32, #tpu.memory_space<vmem>>) target_semaphore(%arg16 : memref<!tpu.dma_semaphore, #tpu.memory_space<semaphore_mem>>)
    %dma_start3A_27 = arith.constant 1 : i32
    %dma_start3A_28 = arith.constant 0 : i32
    %dma_start3A_29 = tpu.memref_slice %arg2[%dma_start3A_27, %mul3A_2, %dma_start3A_28] : memref<2x10240x16xf32, #tpu.memory_space<hbm>> -> memref<1x640x16xf32, #tpu.memory_space<hbm>>
    %dma_start3A_30 = tpu.memref_squeeze %dma_start3A_29 : memref<1x640x16xf32, #tpu.memory_space<hbm>> -> memref<640x16xf32, #tpu.memory_space<hbm>>
    %dma_start3A_31 = arith.constant 0 : i32
    %dma_start3A_32 = tpu.memref_slice %arg2[%dma_start3A_27, %mul3A_2, %dma_start3A_31] : memref<2x10240x16xf32, #tpu.memory_space<hbm>> -> memref<1x640x16xf32, #tpu.memory_space<hbm>>
    %dma_start3A_33 = tpu.memref_squeeze %dma_start3A_32 : memref<1x640x16xf32, #tpu.memory_space<hbm>> -> memref<640x16xf32, #tpu.memory_space<hbm>>
    tpu.enqueue_dma source(%dma_start3A_33 : memref<640x16xf32, #tpu.memory_space<hbm>>) target(%arg23 : memref<640x16xf32, #tpu.memory_space<vmem>>) target_semaphore(%arg17 : memref<!tpu.dma_semaphore, #tpu.memory_space<semaphore_mem>>)
    %dma_start3A_34 = arith.constant 0 : i32
    %dma_start3A_35 = tpu.memref_slice %arg3[%mul3A_2, %dma_start3A_34] : memref<10240x16xf32, #tpu.memory_space<hbm>> -> memref<640x16xf32, #tpu.memory_space<hbm>>
    %dma_start3A_36 = arith.constant 0 : i32
    %dma_start3A_37 = tpu.memref_slice %arg3[%mul3A_2, %dma_start3A_36] : memref<10240x16xf32, #tpu.memory_space<hbm>> -> memref<640x16xf32, #tpu.memory_space<hbm>>
    tpu.enqueue_dma source(%dma_start3A_37 : memref<640x16xf32, #tpu.memory_space<hbm>>) target(%arg24 : memref<640x16xf32, #tpu.memory_space<vmem>>) target_semaphore(%arg18 : memref<!tpu.dma_semaphore, #tpu.memory_space<semaphore_mem>>)
    %dma_start3A_38 = arith.constant 0 : i32
    %dma_start3A_39 = tpu.memref_slice %arg4[%mul3A_2, %dma_start3A_38] : memref<10240x16xf32, #tpu.memory_space<hbm>> -> memref<640x16xf32, #tpu.memory_space<hbm>>
    %dma_start3A_40 = arith.constant 0 : i32
    %dma_start3A_41 = tpu.memref_slice %arg4[%mul3A_2, %dma_start3A_40] : memref<10240x16xf32, #tpu.memory_space<hbm>> -> memref<640x16xf32, #tpu.memory_space<hbm>>
    tpu.enqueue_dma source(%dma_start3A_41 : memref<640x16xf32, #tpu.memory_space<hbm>>) target(%arg25 : memref<640x16xf32, #tpu.memory_space<vmem>>) target_semaphore(%arg19 : memref<!tpu.dma_semaphore, #tpu.memory_space<semaphore_mem>>)
    tpu.enqueue_dma source(%arg5 : memref<16xf32, #tpu.memory_space<hbm>>) target(%arg27 : memref<16xf32, #tpu.memory_space<vmem>>) target_semaphore(%arg20 : memref<!tpu.dma_semaphore, #tpu.memory_space<semaphore_mem>>)
    %scan3A = arith.constant 0 : i32
    %scan3A_42 = arith.constant 640 : i32
    %scan3A_43 = arith.addi %scan3A, %scan3A_42 : i32
    %scan3A_44 = arith.constant 8 : i32
    scf.for %scan3A_182 = %scan3A to %scan3A_43 step %scan3A_44  : i32 {
      %mul3A_183 = arith.constant 1 : i32
      %mul3A_184 = arith.muli %scan3A_182, %mul3A_183 : i32
      %add3A_185 = arith.constant 0 : i32
      %add3A_186 = arith.addi %add3A_185, %mul3A_184 : i32
      %broadcast_in_dim3A = arith.constant 0.000000e+00 : f32
      %broadcast_in_dim3A_187 = vector.broadcast %broadcast_in_dim3A : f32 to vector<16xf32>
      %swap3A = arith.index_cast %add3A_186 : i32 to index
      %swap3A_188 = arith.constant 0 : index
      %swap3A_189 = tpu.vector_load %arg11[%swap3A, %swap3A_188] {strides = array<i32>} : memref<640x16xf32, #tpu.memory_space<vmem>>, vector<16xf32>,
      tpu.vector_store %arg11[%swap3A, %swap3A_188], %broadcast_in_dim3A_187 {strides = array<i32>} : memref<640x16xf32, #tpu.memory_space<vmem>>, vector<16xf32>,
      %scan3A_190 = arith.constant 1 : i32
      %scan3A_191 = arith.addi %scan3A_182, %scan3A_190 : i32
      %mul3A_192 = arith.constant 1 : i32
      %mul3A_193 = arith.muli %scan3A_191, %mul3A_192 : i32
      %add3A_194 = arith.constant 0 : i32
      %add3A_195 = arith.addi %add3A_194, %mul3A_193 : i32
      %broadcast_in_dim3A_196 = arith.constant 0.000000e+00 : f32
      %broadcast_in_dim3A_197 = vector.broadcast %broadcast_in_dim3A_196 : f32 to vector<16xf32>
      %swap3A_198 = arith.index_cast %add3A_195 : i32 to index
      %swap3A_199 = arith.constant 0 : index
      %swap3A_200 = tpu.vector_load %arg11[%swap3A_198, %swap3A_199] {strides = array<i32>} : memref<640x16xf32, #tpu.memory_space<vmem>>, vector<16xf32>,
      tpu.vector_store %arg11[%swap3A_198, %swap3A_199], %broadcast_in_dim3A_197 {strides = array<i32>} : memref<640x16xf32, #tpu.memory_space<vmem>>, vector<16xf32>,
      %scan3A_201 = arith.constant 2 : i32
      %scan3A_202 = arith.addi %scan3A_182, %scan3A_201 : i32
      %mul3A_203 = arith.constant 1 : i32
      %mul3A_204 = arith.muli %scan3A_202, %mul3A_203 : i32
      %add3A_205 = arith.constant 0 : i32
      %add3A_206 = arith.addi %add3A_205, %mul3A_204 : i32
      %broadcast_in_dim3A_207 = arith.constant 0.000000e+00 : f32
      %broadcast_in_dim3A_208 = vector.broadcast %broadcast_in_dim3A_207 : f32 to vector<16xf32>
      %swap3A_209 = arith.index_cast %add3A_206 : i32 to index
      %swap3A_210 = arith.constant 0 : index
      %swap3A_211 = tpu.vector_load %arg11[%swap3A_209, %swap3A_210] {strides = array<i32>} : memref<640x16xf32, #tpu.memory_space<vmem>>, vector<16xf32>,
      tpu.vector_store %arg11[%swap3A_209, %swap3A_210], %broadcast_in_dim3A_208 {strides = array<i32>} : memref<640x16xf32, #tpu.memory_space<vmem>>, vector<16xf32>,
      %scan3A_212 = arith.constant 3 : i32
      %scan3A_213 = arith.addi %scan3A_182, %scan3A_212 : i32
      %mul3A_214 = arith.constant 1 : i32
      %mul3A_215 = arith.muli %scan3A_213, %mul3A_214 : i32
      %add3A_216 = arith.constant 0 : i32
      %add3A_217 = arith.addi %add3A_216, %mul3A_215 : i32
      %broadcast_in_dim3A_218 = arith.constant 0.000000e+00 : f32
      %broadcast_in_dim3A_219 = vector.broadcast %broadcast_in_dim3A_218 : f32 to vector<16xf32>
      %swap3A_220 = arith.index_cast %add3A_217 : i32 to index
      %swap3A_221 = arith.constant 0 : index
      %swap3A_222 = tpu.vector_load %arg11[%swap3A_220, %swap3A_221] {strides = array<i32>} : memref<640x16xf32, #tpu.memory_space<vmem>>, vector<16xf32>,
      tpu.vector_store %arg11[%swap3A_220, %swap3A_221], %broadcast_in_dim3A_219 {strides = array<i32>} : memref<640x16xf32, #tpu.memory_space<vmem>>, vector<16xf32>,
      %scan3A_223 = arith.constant 4 : i32
      %scan3A_224 = arith.addi %scan3A_182, %scan3A_223 : i32
      %mul3A_225 = arith.constant 1 : i32
      %mul3A_226 = arith.muli %scan3A_224, %mul3A_225 : i32
      %add3A_227 = arith.constant 0 : i32
      %add3A_228 = arith.addi %add3A_227, %mul3A_226 : i32
      %broadcast_in_dim3A_229 = arith.constant 0.000000e+00 : f32
      %broadcast_in_dim3A_230 = vector.broadcast %broadcast_in_dim3A_229 : f32 to vector<16xf32>
      %swap3A_231 = arith.index_cast %add3A_228 : i32 to index
      %swap3A_232 = arith.constant 0 : index
      %swap3A_233 = tpu.vector_load %arg11[%swap3A_231, %swap3A_232] {strides = array<i32>} : memref<640x16xf32, #tpu.memory_space<vmem>>, vector<16xf32>,
      tpu.vector_store %arg11[%swap3A_231, %swap3A_232], %broadcast_in_dim3A_230 {strides = array<i32>} : memref<640x16xf32, #tpu.memory_space<vmem>>, vector<16xf32>,
      %scan3A_234 = arith.constant 5 : i32
      %scan3A_235 = arith.addi %scan3A_182, %scan3A_234 : i32
      %mul3A_236 = arith.constant 1 : i32
      %mul3A_237 = arith.muli %scan3A_235, %mul3A_236 : i32
      %add3A_238 = arith.constant 0 : i32
      %add3A_239 = arith.addi %add3A_238, %mul3A_237 : i32
      %broadcast_in_dim3A_240 = arith.constant 0.000000e+00 : f32
      %broadcast_in_dim3A_241 = vector.broadcast %broadcast_in_dim3A_240 : f32 to vector<16xf32>
      %swap3A_242 = arith.index_cast %add3A_239 : i32 to index
      %swap3A_243 = arith.constant 0 : index
      %swap3A_244 = tpu.vector_load %arg11[%swap3A_242, %swap3A_243] {strides = array<i32>} : memref<640x16xf32, #tpu.memory_space<vmem>>, vector<16xf32>,
      tpu.vector_store %arg11[%swap3A_242, %swap3A_243], %broadcast_in_dim3A_241 {strides = array<i32>} : memref<640x16xf32, #tpu.memory_space<vmem>>, vector<16xf32>,
      %scan3A_245 = arith.constant 6 : i32
      %scan3A_246 = arith.addi %scan3A_182, %scan3A_245 : i32
      %mul3A_247 = arith.constant 1 : i32
      %mul3A_248 = arith.muli %scan3A_246, %mul3A_247 : i32
      %add3A_249 = arith.constant 0 : i32
      %add3A_250 = arith.addi %add3A_249, %mul3A_248 : i32
      %broadcast_in_dim3A_251 = arith.constant 0.000000e+00 : f32
      %broadcast_in_dim3A_252 = vector.broadcast %broadcast_in_dim3A_251 : f32 to vector<16xf32>
      %swap3A_253 = arith.index_cast %add3A_250 : i32 to index
      %swap3A_254 = arith.constant 0 : index
      %swap3A_255 = tpu.vector_load %arg11[%swap3A_253, %swap3A_254] {strides = array<i32>} : memref<640x16xf32, #tpu.memory_space<vmem>>, vector<16xf32>,
      tpu.vector_store %arg11[%swap3A_253, %swap3A_254], %broadcast_in_dim3A_252 {strides = array<i32>} : memref<640x16xf32, #tpu.memory_space<vmem>>, vector<16xf32>,
      %scan3A_256 = arith.constant 7 : i32
      %scan3A_257 = arith.addi %scan3A_182, %scan3A_256 : i32
      %mul3A_258 = arith.constant 1 : i32
      %mul3A_259 = arith.muli %scan3A_257, %mul3A_258 : i32
      %add3A_260 = arith.constant 0 : i32
      %add3A_261 = arith.addi %add3A_260, %mul3A_259 : i32
      %broadcast_in_dim3A_262 = arith.constant 0.000000e+00 : f32
      %broadcast_in_dim3A_263 = vector.broadcast %broadcast_in_dim3A_262 : f32 to vector<16xf32>
      %swap3A_264 = arith.index_cast %add3A_261 : i32 to index
      %swap3A_265 = arith.constant 0 : index
      %swap3A_266 = tpu.vector_load %arg11[%swap3A_264, %swap3A_265] {strides = array<i32>} : memref<640x16xf32, #tpu.memory_space<vmem>>, vector<16xf32>,
      tpu.vector_store %arg11[%swap3A_264, %swap3A_265], %broadcast_in_dim3A_263 {strides = array<i32>} : memref<640x16xf32, #tpu.memory_space<vmem>>, vector<16xf32>,
    }
    %scan3A_45 = arith.constant 640 : i32
    %dma_start3A_46 = arith.constant 0 : i32
    %dma_start3A_47 = tpu.memref_slice %arg13[%mul3A_2, %dma_start3A_46] : memref<10240x16xf32, #tpu.memory_space<vmem_shared>> -> memref<640x16xf32, #tpu.memory_space<vmem_shared>>
    %dma_start3A_48 = arith.constant 0 : i32
    %dma_start3A_49 = tpu.memref_slice %arg13[%mul3A_2, %dma_start3A_48] : memref<10240x16xf32, #tpu.memory_space<vmem_shared>> -> memref<640x16xf32, #tpu.memory_space<vmem_shared>>
    tpu.enqueue_dma source(%arg11 : memref<640x16xf32, #tpu.memory_space<vmem>>) target(%dma_start3A_49 : memref<640x16xf32, #tpu.memory_space<vmem_shared>>) target_semaphore(%arg21 : memref<!tpu.dma_semaphore, #tpu.memory_space<semaphore_mem>>)
    %dma_wait3A = arith.constant 0 : i32
    %dma_wait3A_50 = arith.constant 0 : i32
    %dma_wait3A_51 = tpu.memref_slice %arg2[%dma_wait3A, %mul3A_2, %dma_wait3A_50] : memref<2x10240x16xf32, #tpu.memory_space<hbm>> -> memref<1x640x16xf32, #tpu.memory_space<hbm>>
    %dma_wait3A_52 = tpu.memref_squeeze %dma_wait3A_51 : memref<1x640x16xf32, #tpu.memory_space<hbm>> -> memref<640x16xf32, #tpu.memory_space<hbm>>
    %dma_wait3A_53 = arith.constant 0 : i32
    %dma_wait3A_54 = tpu.memref_slice %arg2[%dma_wait3A, %mul3A_2, %dma_wait3A_53] : memref<2x10240x16xf32, #tpu.memory_space<hbm>> -> memref<1x640x16xf32, #tpu.memory_space<hbm>>
    %dma_wait3A_55 = tpu.memref_squeeze %dma_wait3A_54 : memref<1x640x16xf32, #tpu.memory_space<hbm>> -> memref<640x16xf32, #tpu.memory_space<hbm>>
    tpu.wait_dma2 semaphore(%arg16 : memref<!tpu.dma_semaphore, #tpu.memory_space<semaphore_mem>>) src(%dma_wait3A_55 : memref<640x16xf32, #tpu.memory_space<hbm>>) dst(%arg22 : memref<640x16xf32, #tpu.memory_space<vmem>>)
    %dma_wait3A_56 = arith.constant 1 : i32
    %dma_wait3A_57 = arith.constant 0 : i32
    %dma_wait3A_58 = tpu.memref_slice %arg2[%dma_wait3A_56, %mul3A_2, %dma_wait3A_57] : memref<2x10240x16xf32, #tpu.memory_space<hbm>> -> memref<1x640x16xf32, #tpu.memory_space<hbm>>
    %dma_wait3A_59 = tpu.memref_squeeze %dma_wait3A_58 : memref<1x640x16xf32, #tpu.memory_space<hbm>> -> memref<640x16xf32, #tpu.memory_space<hbm>>
    %dma_wait3A_60 = arith.constant 0 : i32
    %dma_wait3A_61 = tpu.memref_slice %arg2[%dma_wait3A_56, %mul3A_2, %dma_wait3A_60] : memref<2x10240x16xf32, #tpu.memory_space<hbm>> -> memref<1x640x16xf32, #tpu.memory_space<hbm>>
    %dma_wait3A_62 = tpu.memref_squeeze %dma_wait3A_61 : memref<1x640x16xf32, #tpu.memory_space<hbm>> -> memref<640x16xf32, #tpu.memory_space<hbm>>
    tpu.wait_dma2 semaphore(%arg17 : memref<!tpu.dma_semaphore, #tpu.memory_space<semaphore_mem>>) src(%dma_wait3A_62 : memref<640x16xf32, #tpu.memory_space<hbm>>) dst(%arg23 : memref<640x16xf32, #tpu.memory_space<vmem>>)
    %dma_wait3A_63 = arith.constant 0 : i32
    %dma_wait3A_64 = tpu.memref_slice %arg3[%mul3A_2, %dma_wait3A_63] : memref<10240x16xf32, #tpu.memory_space<hbm>> -> memref<640x16xf32, #tpu.memory_space<hbm>>
    %dma_wait3A_65 = arith.constant 0 : i32
    %dma_wait3A_66 = tpu.memref_slice %arg3[%mul3A_2, %dma_wait3A_65] : memref<10240x16xf32, #tpu.memory_space<hbm>> -> memref<640x16xf32, #tpu.memory_space<hbm>>
    tpu.wait_dma2 semaphore(%arg18 : memref<!tpu.dma_semaphore, #tpu.memory_space<semaphore_mem>>) src(%dma_wait3A_66 : memref<640x16xf32, #tpu.memory_space<hbm>>) dst(%arg24 : memref<640x16xf32, #tpu.memory_space<vmem>>)
    %dma_wait3A_67 = arith.constant 0 : i32
    %dma_wait3A_68 = tpu.memref_slice %arg4[%mul3A_2, %dma_wait3A_67] : memref<10240x16xf32, #tpu.memory_space<hbm>> -> memref<640x16xf32, #tpu.memory_space<hbm>>
    %dma_wait3A_69 = arith.constant 0 : i32
    %dma_wait3A_70 = tpu.memref_slice %arg4[%mul3A_2, %dma_wait3A_69] : memref<10240x16xf32, #tpu.memory_space<hbm>> -> memref<640x16xf32, #tpu.memory_space<hbm>>
    tpu.wait_dma2 semaphore(%arg19 : memref<!tpu.dma_semaphore, #tpu.memory_space<semaphore_mem>>) src(%dma_wait3A_70 : memref<640x16xf32, #tpu.memory_space<hbm>>) dst(%arg25 : memref<640x16xf32, #tpu.memory_space<vmem>>)
    tpu.wait_dma2 semaphore(%arg20 : memref<!tpu.dma_semaphore, #tpu.memory_space<semaphore_mem>>) src(%arg5 : memref<16xf32, #tpu.memory_space<hbm>>) dst(%arg27 : memref<16xf32, #tpu.memory_space<vmem>>)
    %scan3A_71 = arith.constant 0 : i32
    %scan3A_72 = arith.constant 640 : i32
    %scan3A_73 = arith.addi %scan3A_71, %scan3A_72 : i32
    %scan3A_74 = arith.constant 8 : i32
    scf.for %scan3A_182 = %scan3A_71 to %scan3A_73 step %scan3A_74  : i32 {
      %mul3A_183 = arith.constant 1 : i32
      %mul3A_184 = arith.muli %scan3A_182, %mul3A_183 : i32
      %add3A_185 = arith.constant 0 : i32
      %add3A_186 = arith.addi %add3A_185, %mul3A_184 : i32
      %get3A = arith.index_cast %add3A_186 : i32 to index
      %get3A_187 = arith.constant 0 : index
      %get3A_188 = tpu.vector_load %arg25[%get3A, %get3A_187] {strides = array<i32>} : memref<640x16xf32, #tpu.memory_space<vmem>>, vector<16xf32>,
      %get3A_189 = arith.index_cast %add3A_186 : i32 to index
      %get3A_190 = arith.constant 0 : index
      %get3A_191 = tpu.vector_load %arg22[%get3A_189, %get3A_190] {strides = array<i32>} : memref<640x16xf32, #tpu.memory_space<vmem>>, vector<16xf32>,
      %get3A_192 = arith.index_cast %add3A_186 : i32 to index
      %get3A_193 = arith.constant 0 : index
      %get3A_194 = tpu.vector_load %arg23[%get3A_192, %get3A_193] {strides = array<i32>} : memref<640x16xf32, #tpu.memory_space<vmem>>, vector<16xf32>,
      %add3A_195 = arith.addf %get3A_191, %get3A_194 : vector<16xf32>
      %get3A_196 = arith.index_cast %add3A_186 : i32 to index
      %get3A_197 = arith.constant 0 : index
      %get3A_198 = tpu.vector_load %arg24[%get3A_196, %get3A_197] {strides = array<i32>} : memref<640x16xf32, #tpu.memory_space<vmem>>, vector<16xf32>,
      %add3A_199 = arith.addf %add3A_195, %get3A_198 : vector<16xf32>
      %mul3A_200 = arith.mulf %get3A_188, %add3A_199 : vector<16xf32>
      %get3A_201 = arith.constant 0 : index
      %get3A_202 = tpu.vector_load %arg27[%get3A_201] {strides = array<i32>} : memref<16xf32, #tpu.memory_space<vmem>>, vector<16xf32>,
      %add3A_203 = arith.addf %mul3A_200, %get3A_202 : vector<16xf32>
      %max3A = arith.constant 0.000000e+00 : f32
      %max3A_204 = vector.broadcast %max3A : f32 to vector<16xf32>
      %max3A_205 = arith.maximumf %add3A_203, %max3A_204 : vector<16xf32>
      %mul3A_206 = arith.mulf %get3A_188, %max3A_205 : vector<16xf32>
      %swap3A = arith.index_cast %add3A_186 : i32 to index
      %swap3A_207 = arith.constant 0 : index
      %swap3A_208 = tpu.vector_load %arg26[%swap3A, %swap3A_207] {strides = array<i32>} : memref<640x16xf32, #tpu.memory_space<vmem>>, vector<16xf32>,
      tpu.vector_store %arg26[%swap3A, %swap3A_207], %mul3A_206 {strides = array<i32>} : memref<640x16xf32, #tpu.memory_space<vmem>>, vector<16xf32>,
      %scan3A_209 = arith.constant 1 : i32
      %scan3A_210 = arith.addi %scan3A_182, %scan3A_209 : i32
      %mul3A_211 = arith.constant 1 : i32
      %mul3A_212 = arith.muli %scan3A_210, %mul3A_211 : i32
      %add3A_213 = arith.constant 0 : i32
      %add3A_214 = arith.addi %add3A_213, %mul3A_212 : i32
      %get3A_215 = arith.index_cast %add3A_214 : i32 to index
      %get3A_216 = arith.constant 0 : index
      %get3A_217 = tpu.vector_load %arg25[%get3A_215, %get3A_216] {strides = array<i32>} : memref<640x16xf32, #tpu.memory_space<vmem>>, vector<16xf32>,
      %get3A_218 = arith.index_cast %add3A_214 : i32 to index
      %get3A_219 = arith.constant 0 : index
      %get3A_220 = tpu.vector_load %arg22[%get3A_218, %get3A_219] {strides = array<i32>} : memref<640x16xf32, #tpu.memory_space<vmem>>, vector<16xf32>,
      %get3A_221 = arith.index_cast %add3A_214 : i32 to index
      %get3A_222 = arith.constant 0 : index
      %get3A_223 = tpu.vector_load %arg23[%get3A_221, %get3A_222] {strides = array<i32>} : memref<640x16xf32, #tpu.memory_space<vmem>>, vector<16xf32>,
      %add3A_224 = arith.addf %get3A_220, %get3A_223 : vector<16xf32>
      %get3A_225 = arith.index_cast %add3A_214 : i32 to index
      %get3A_226 = arith.constant 0 : index
      %get3A_227 = tpu.vector_load %arg24[%get3A_225, %get3A_226] {strides = array<i32>} : memref<640x16xf32, #tpu.memory_space<vmem>>, vector<16xf32>,
      %add3A_228 = arith.addf %add3A_224, %get3A_227 : vector<16xf32>
      %mul3A_229 = arith.mulf %get3A_217, %add3A_228 : vector<16xf32>
      %get3A_230 = arith.constant 0 : index
      %get3A_231 = tpu.vector_load %arg27[%get3A_230] {strides = array<i32>} : memref<16xf32, #tpu.memory_space<vmem>>, vector<16xf32>,
      %add3A_232 = arith.addf %mul3A_229, %get3A_231 : vector<16xf32>
      %max3A_233 = arith.constant 0.000000e+00 : f32
      %max3A_234 = vector.broadcast %max3A_233 : f32 to vector<16xf32>
      %max3A_235 = arith.maximumf %add3A_232, %max3A_234 : vector<16xf32>
      %mul3A_236 = arith.mulf %get3A_217, %max3A_235 : vector<16xf32>
      %swap3A_237 = arith.index_cast %add3A_214 : i32 to index
      %swap3A_238 = arith.constant 0 : index
      %swap3A_239 = tpu.vector_load %arg26[%swap3A_237, %swap3A_238] {strides = array<i32>} : memref<640x16xf32, #tpu.memory_space<vmem>>, vector<16xf32>,
      tpu.vector_store %arg26[%swap3A_237, %swap3A_238], %mul3A_236 {strides = array<i32>} : memref<640x16xf32, #tpu.memory_space<vmem>>, vector<16xf32>,
      %scan3A_240 = arith.constant 2 : i32
      %scan3A_241 = arith.addi %scan3A_182, %scan3A_240 : i32
      %mul3A_242 = arith.constant 1 : i32
      %mul3A_243 = arith.muli %scan3A_241, %mul3A_242 : i32
      %add3A_244 = arith.constant 0 : i32
      %add3A_245 = arith.addi %add3A_244, %mul3A_243 : i32
      %get3A_246 = arith.index_cast %add3A_245 : i32 to index
      %get3A_247 = arith.constant 0 : index
      %get3A_248 = tpu.vector_load %arg25[%get3A_246, %get3A_247] {strides = array<i32>} : memref<640x16xf32, #tpu.memory_space<vmem>>, vector<16xf32>,
      %get3A_249 = arith.index_cast %add3A_245 : i32 to index
      %get3A_250 = arith.constant 0 : index
      %get3A_251 = tpu.vector_load %arg22[%get3A_249, %get3A_250] {strides = array<i32>} : memref<640x16xf32, #tpu.memory_space<vmem>>, vector<16xf32>,
      %get3A_252 = arith.index_cast %add3A_245 : i32 to index
      %get3A_253 = arith.constant 0 : index
      %get3A_254 = tpu.vector_load %arg23[%get3A_252, %get3A_253] {strides = array<i32>} : memref<640x16xf32, #tpu.memory_space<vmem>>, vector<16xf32>,
      %add3A_255 = arith.addf %get3A_251, %get3A_254 : vector<16xf32>
      %get3A_256 = arith.index_cast %add3A_245 : i32 to index
      %get3A_257 = arith.constant 0 : index
      %get3A_258 = tpu.vector_load %arg24[%get3A_256, %get3A_257] {strides = array<i32>} : memref<640x16xf32, #tpu.memory_space<vmem>>, vector<16xf32>,
      %add3A_259 = arith.addf %add3A_255, %get3A_258 : vector<16xf32>
      %mul3A_260 = arith.mulf %get3A_248, %add3A_259 : vector<16xf32>
      %get3A_261 = arith.constant 0 : index
      %get3A_262 = tpu.vector_load %arg27[%get3A_261] {strides = array<i32>} : memref<16xf32, #tpu.memory_space<vmem>>, vector<16xf32>,
      %add3A_263 = arith.addf %mul3A_260, %get3A_262 : vector<16xf32>
      %max3A_264 = arith.constant 0.000000e+00 : f32
      %max3A_265 = vector.broadcast %max3A_264 : f32 to vector<16xf32>
      %max3A_266 = arith.maximumf %add3A_263, %max3A_265 : vector<16xf32>
      %mul3A_267 = arith.mulf %get3A_248, %max3A_266 : vector<16xf32>
      %swap3A_268 = arith.index_cast %add3A_245 : i32 to index
      %swap3A_269 = arith.constant 0 : index
      %swap3A_270 = tpu.vector_load %arg26[%swap3A_268, %swap3A_269] {strides = array<i32>} : memref<640x16xf32, #tpu.memory_space<vmem>>, vector<16xf32>,
      tpu.vector_store %arg26[%swap3A_268, %swap3A_269], %mul3A_267 {strides = array<i32>} : memref<640x16xf32, #tpu.memory_space<vmem>>, vector<16xf32>,
      %scan3A_271 = arith.constant 3 : i32
      %scan3A_272 = arith.addi %scan3A_182, %scan3A_271 : i32
      %mul3A_273 = arith.constant 1 : i32
      %mul3A_274 = arith.muli %scan3A_272, %mul3A_273 : i32
      %add3A_275 = arith.constant 0 : i32
      %add3A_276 = arith.addi %add3A_275, %mul3A_274 : i32
      %get3A_277 = arith.index_cast %add3A_276 : i32 to index
      %get3A_278 = arith.constant 0 : index
      %get3A_279 = tpu.vector_load %arg25[%get3A_277, %get3A_278] {strides = array<i32>} : memref<640x16xf32, #tpu.memory_space<vmem>>, vector<16xf32>,
      %get3A_280 = arith.index_cast %add3A_276 : i32 to index
      %get3A_281 = arith.constant 0 : index
      %get3A_282 = tpu.vector_load %arg22[%get3A_280, %get3A_281] {strides = array<i32>} : memref<640x16xf32, #tpu.memory_space<vmem>>, vector<16xf32>,
      %get3A_283 = arith.index_cast %add3A_276 : i32 to index
      %get3A_284 = arith.constant 0 : index
      %get3A_285 = tpu.vector_load %arg23[%get3A_283, %get3A_284] {strides = array<i32>} : memref<640x16xf32, #tpu.memory_space<vmem>>, vector<16xf32>,
      %add3A_286 = arith.addf %get3A_282, %get3A_285 : vector<16xf32>
      %get3A_287 = arith.index_cast %add3A_276 : i32 to index
      %get3A_288 = arith.constant 0 : index
      %get3A_289 = tpu.vector_load %arg24[%get3A_287, %get3A_288] {strides = array<i32>} : memref<640x16xf32, #tpu.memory_space<vmem>>, vector<16xf32>,
      %add3A_290 = arith.addf %add3A_286, %get3A_289 : vector<16xf32>
      %mul3A_291 = arith.mulf %get3A_279, %add3A_290 : vector<16xf32>
      %get3A_292 = arith.constant 0 : index
      %get3A_293 = tpu.vector_load %arg27[%get3A_292] {strides = array<i32>} : memref<16xf32, #tpu.memory_space<vmem>>, vector<16xf32>,
      %add3A_294 = arith.addf %mul3A_291, %get3A_293 : vector<16xf32>
      %max3A_295 = arith.constant 0.000000e+00 : f32
      %max3A_296 = vector.broadcast %max3A_295 : f32 to vector<16xf32>
      %max3A_297 = arith.maximumf %add3A_294, %max3A_296 : vector<16xf32>
      %mul3A_298 = arith.mulf %get3A_279, %max3A_297 : vector<16xf32>
      %swap3A_299 = arith.index_cast %add3A_276 : i32 to index
      %swap3A_300 = arith.constant 0 : index
      %swap3A_301 = tpu.vector_load %arg26[%swap3A_299, %swap3A_300] {strides = array<i32>} : memref<640x16xf32, #tpu.memory_space<vmem>>, vector<16xf32>,
      tpu.vector_store %arg26[%swap3A_299, %swap3A_300], %mul3A_298 {strides = array<i32>} : memref<640x16xf32, #tpu.memory_space<vmem>>, vector<16xf32>,
      %scan3A_302 = arith.constant 4 : i32
      %scan3A_303 = arith.addi %scan3A_182, %scan3A_302 : i32
      %mul3A_304 = arith.constant 1 : i32
      %mul3A_305 = arith.muli %scan3A_303, %mul3A_304 : i32
      %add3A_306 = arith.constant 0 : i32
      %add3A_307 = arith.addi %add3A_306, %mul3A_305 : i32
      %get3A_308 = arith.index_cast %add3A_307 : i32 to index
      %get3A_309 = arith.constant 0 : index
      %get3A_310 = tpu.vector_load %arg25[%get3A_308, %get3A_309] {strides = array<i32>} : memref<640x16xf32, #tpu.memory_space<vmem>>, vector<16xf32>,
      %get3A_311 = arith.index_cast %add3A_307 : i32 to index
      %get3A_312 = arith.constant 0 : index
      %get3A_313 = tpu.vector_load %arg22[%get3A_311, %get3A_312] {strides = array<i32>} : memref<640x16xf32, #tpu.memory_space<vmem>>, vector<16xf32>,
      %get3A_314 = arith.index_cast %add3A_307 : i32 to index
      %get3A_315 = arith.constant 0 : index
      %get3A_316 = tpu.vector_load %arg23[%get3A_314, %get3A_315] {strides = array<i32>} : memref<640x16xf32, #tpu.memory_space<vmem>>, vector<16xf32>,
      %add3A_317 = arith.addf %get3A_313, %get3A_316 : vector<16xf32>
      %get3A_318 = arith.index_cast %add3A_307 : i32 to index
      %get3A_319 = arith.constant 0 : index
      %get3A_320 = tpu.vector_load %arg24[%get3A_318, %get3A_319] {strides = array<i32>} : memref<640x16xf32, #tpu.memory_space<vmem>>, vector<16xf32>,
      %add3A_321 = arith.addf %add3A_317, %get3A_320 : vector<16xf32>
      %mul3A_322 = arith.mulf %get3A_310, %add3A_321 : vector<16xf32>
      %get3A_323 = arith.constant 0 : index
      %get3A_324 = tpu.vector_load %arg27[%get3A_323] {strides = array<i32>} : memref<16xf32, #tpu.memory_space<vmem>>, vector<16xf32>,
      %add3A_325 = arith.addf %mul3A_322, %get3A_324 : vector<16xf32>
      %max3A_326 = arith.constant 0.000000e+00 : f32
      %max3A_327 = vector.broadcast %max3A_326 : f32 to vector<16xf32>
      %max3A_328 = arith.maximumf %add3A_325, %max3A_327 : vector<16xf32>
      %mul3A_329 = arith.mulf %get3A_310, %max3A_328 : vector<16xf32>
      %swap3A_330 = arith.index_cast %add3A_307 : i32 to index
      %swap3A_331 = arith.constant 0 : index
      %swap3A_332 = tpu.vector_load %arg26[%swap3A_330, %swap3A_331] {strides = array<i32>} : memref<640x16xf32, #tpu.memory_space<vmem>>, vector<16xf32>,
      tpu.vector_store %arg26[%swap3A_330, %swap3A_331], %mul3A_329 {strides = array<i32>} : memref<640x16xf32, #tpu.memory_space<vmem>>, vector<16xf32>,
      %scan3A_333 = arith.constant 5 : i32
      %scan3A_334 = arith.addi %scan3A_182, %scan3A_333 : i32
      %mul3A_335 = arith.constant 1 : i32
      %mul3A_336 = arith.muli %scan3A_334, %mul3A_335 : i32
      %add3A_337 = arith.constant 0 : i32
      %add3A_338 = arith.addi %add3A_337, %mul3A_336 : i32
      %get3A_339 = arith.index_cast %add3A_338 : i32 to index
      %get3A_340 = arith.constant 0 : index
      %get3A_341 = tpu.vector_load %arg25[%get3A_339, %get3A_340] {strides = array<i32>} : memref<640x16xf32, #tpu.memory_space<vmem>>, vector<16xf32>,
      %get3A_342 = arith.index_cast %add3A_338 : i32 to index
      %get3A_343 = arith.constant 0 : index
      %get3A_344 = tpu.vector_load %arg22[%get3A_342, %get3A_343] {strides = array<i32>} : memref<640x16xf32, #tpu.memory_space<vmem>>, vector<16xf32>,
      %get3A_345 = arith.index_cast %add3A_338 : i32 to index
      %get3A_346 = arith.constant 0 : index
      %get3A_347 = tpu.vector_load %arg23[%get3A_345, %get3A_346] {strides = array<i32>} : memref<640x16xf32, #tpu.memory_space<vmem>>, vector<16xf32>,
      %add3A_348 = arith.addf %get3A_344, %get3A_347 : vector<16xf32>
      %get3A_349 = arith.index_cast %add3A_338 : i32 to index
      %get3A_350 = arith.constant 0 : index
      %get3A_351 = tpu.vector_load %arg24[%get3A_349, %get3A_350] {strides = array<i32>} : memref<640x16xf32, #tpu.memory_space<vmem>>, vector<16xf32>,
      %add3A_352 = arith.addf %add3A_348, %get3A_351 : vector<16xf32>
      %mul3A_353 = arith.mulf %get3A_341, %add3A_352 : vector<16xf32>
      %get3A_354 = arith.constant 0 : index
      %get3A_355 = tpu.vector_load %arg27[%get3A_354] {strides = array<i32>} : memref<16xf32, #tpu.memory_space<vmem>>, vector<16xf32>,
      %add3A_356 = arith.addf %mul3A_353, %get3A_355 : vector<16xf32>
      %max3A_357 = arith.constant 0.000000e+00 : f32
      %max3A_358 = vector.broadcast %max3A_357 : f32 to vector<16xf32>
      %max3A_359 = arith.maximumf %add3A_356, %max3A_358 : vector<16xf32>
      %mul3A_360 = arith.mulf %get3A_341, %max3A_359 : vector<16xf32>
      %swap3A_361 = arith.index_cast %add3A_338 : i32 to index
      %swap3A_362 = arith.constant 0 : index
      %swap3A_363 = tpu.vector_load %arg26[%swap3A_361, %swap3A_362] {strides = array<i32>} : memref<640x16xf32, #tpu.memory_space<vmem>>, vector<16xf32>,
      tpu.vector_store %arg26[%swap3A_361, %swap3A_362], %mul3A_360 {strides = array<i32>} : memref<640x16xf32, #tpu.memory_space<vmem>>, vector<16xf32>,
      %scan3A_364 = arith.constant 6 : i32
      %scan3A_365 = arith.addi %scan3A_182, %scan3A_364 : i32
      %mul3A_366 = arith.constant 1 : i32
      %mul3A_367 = arith.muli %scan3A_365, %mul3A_366 : i32
      %add3A_368 = arith.constant 0 : i32
      %add3A_369 = arith.addi %add3A_368, %mul3A_367 : i32
      %get3A_370 = arith.index_cast %add3A_369 : i32 to index
      %get3A_371 = arith.constant 0 : index
      %get3A_372 = tpu.vector_load %arg25[%get3A_370, %get3A_371] {strides = array<i32>} : memref<640x16xf32, #tpu.memory_space<vmem>>, vector<16xf32>,
      %get3A_373 = arith.index_cast %add3A_369 : i32 to index
      %get3A_374 = arith.constant 0 : index
      %get3A_375 = tpu.vector_load %arg22[%get3A_373, %get3A_374] {strides = array<i32>} : memref<640x16xf32, #tpu.memory_space<vmem>>, vector<16xf32>,
      %get3A_376 = arith.index_cast %add3A_369 : i32 to index
      %get3A_377 = arith.constant 0 : index
      %get3A_378 = tpu.vector_load %arg23[%get3A_376, %get3A_377] {strides = array<i32>} : memref<640x16xf32, #tpu.memory_space<vmem>>, vector<16xf32>,
      %add3A_379 = arith.addf %get3A_375, %get3A_378 : vector<16xf32>
      %get3A_380 = arith.index_cast %add3A_369 : i32 to index
      %get3A_381 = arith.constant 0 : index
      %get3A_382 = tpu.vector_load %arg24[%get3A_380, %get3A_381] {strides = array<i32>} : memref<640x16xf32, #tpu.memory_space<vmem>>, vector<16xf32>,
      %add3A_383 = arith.addf %add3A_379, %get3A_382 : vector<16xf32>
      %mul3A_384 = arith.mulf %get3A_372, %add3A_383 : vector<16xf32>
      %get3A_385 = arith.constant 0 : index
      %get3A_386 = tpu.vector_load %arg27[%get3A_385] {strides = array<i32>} : memref<16xf32, #tpu.memory_space<vmem>>, vector<16xf32>,
      %add3A_387 = arith.addf %mul3A_384, %get3A_386 : vector<16xf32>
      %max3A_388 = arith.constant 0.000000e+00 : f32
      %max3A_389 = vector.broadcast %max3A_388 : f32 to vector<16xf32>
      %max3A_390 = arith.maximumf %add3A_387, %max3A_389 : vector<16xf32>
      %mul3A_391 = arith.mulf %get3A_372, %max3A_390 : vector<16xf32>
      %swap3A_392 = arith.index_cast %add3A_369 : i32 to index
      %swap3A_393 = arith.constant 0 : index
      %swap3A_394 = tpu.vector_load %arg26[%swap3A_392, %swap3A_393] {strides = array<i32>} : memref<640x16xf32, #tpu.memory_space<vmem>>, vector<16xf32>,
      tpu.vector_store %arg26[%swap3A_392, %swap3A_393], %mul3A_391 {strides = array<i32>} : memref<640x16xf32, #tpu.memory_space<vmem>>, vector<16xf32>,
      %scan3A_395 = arith.constant 7 : i32
      %scan3A_396 = arith.addi %scan3A_182, %scan3A_395 : i32
      %mul3A_397 = arith.constant 1 : i32
      %mul3A_398 = arith.muli %scan3A_396, %mul3A_397 : i32
      %add3A_399 = arith.constant 0 : i32
      %add3A_400 = arith.addi %add3A_399, %mul3A_398 : i32
      %get3A_401 = arith.index_cast %add3A_400 : i32 to index
      %get3A_402 = arith.constant 0 : index
      %get3A_403 = tpu.vector_load %arg25[%get3A_401, %get3A_402] {strides = array<i32>} : memref<640x16xf32, #tpu.memory_space<vmem>>, vector<16xf32>,
      %get3A_404 = arith.index_cast %add3A_400 : i32 to index
      %get3A_405 = arith.constant 0 : index
      %get3A_406 = tpu.vector_load %arg22[%get3A_404, %get3A_405] {strides = array<i32>} : memref<640x16xf32, #tpu.memory_space<vmem>>, vector<16xf32>,
      %get3A_407 = arith.index_cast %add3A_400 : i32 to index
      %get3A_408 = arith.constant 0 : index
      %get3A_409 = tpu.vector_load %arg23[%get3A_407, %get3A_408] {strides = array<i32>} : memref<640x16xf32, #tpu.memory_space<vmem>>, vector<16xf32>,
      %add3A_410 = arith.addf %get3A_406, %get3A_409 : vector<16xf32>
      %get3A_411 = arith.index_cast %add3A_400 : i32 to index
      %get3A_412 = arith.constant 0 : index
      %get3A_413 = tpu.vector_load %arg24[%get3A_411, %get3A_412] {strides = array<i32>} : memref<640x16xf32, #tpu.memory_space<vmem>>, vector<16xf32>,
      %add3A_414 = arith.addf %add3A_410, %get3A_413 : vector<16xf32>
      %mul3A_415 = arith.mulf %get3A_403, %add3A_414 : vector<16xf32>
      %get3A_416 = arith.constant 0 : index
      %get3A_417 = tpu.vector_load %arg27[%get3A_416] {strides = array<i32>} : memref<16xf32, #tpu.memory_space<vmem>>, vector<16xf32>,
      %add3A_418 = arith.addf %mul3A_415, %get3A_417 : vector<16xf32>
      %max3A_419 = arith.constant 0.000000e+00 : f32
      %max3A_420 = vector.broadcast %max3A_419 : f32 to vector<16xf32>
      %max3A_421 = arith.maximumf %add3A_418, %max3A_420 : vector<16xf32>
      %mul3A_422 = arith.mulf %get3A_403, %max3A_421 : vector<16xf32>
      %swap3A_423 = arith.index_cast %add3A_400 : i32 to index
      %swap3A_424 = arith.constant 0 : index
      %swap3A_425 = tpu.vector_load %arg26[%swap3A_423, %swap3A_424] {strides = array<i32>} : memref<640x16xf32, #tpu.memory_space<vmem>>, vector<16xf32>,
      tpu.vector_store %arg26[%swap3A_423, %swap3A_424], %mul3A_422 {strides = array<i32>} : memref<640x16xf32, #tpu.memory_space<vmem>>, vector<16xf32>,
    }
    %scan3A_75 = arith.constant 640 : i32
    "tpu.region"() ({
      %run_scoped3A = tpu.sem_alloc : memref<!tpu.dma_semaphore, #tpu.memory_space<semaphore_mem>>
      %dma_start3A_182 = arith.constant 0 : i32
      %dma_start3A_183 = tpu.memref_slice %arg12[%mul3A_2, %dma_start3A_182] : memref<10240x16xf32, #tpu.memory_space<vmem_shared>> -> memref<640x16xf32, #tpu.memory_space<vmem_shared>>
      %dma_start3A_184 = arith.constant 0 : i32
      %dma_start3A_185 = tpu.memref_slice %arg12[%mul3A_2, %dma_start3A_184] : memref<10240x16xf32, #tpu.memory_space<vmem_shared>> -> memref<640x16xf32, #tpu.memory_space<vmem_shared>>
      tpu.enqueue_dma source(%arg26 : memref<640x16xf32, #tpu.memory_space<vmem>>) target(%dma_start3A_185 : memref<640x16xf32, #tpu.memory_space<vmem_shared>>) target_semaphore(%run_scoped3A : memref<!tpu.dma_semaphore, #tpu.memory_space<semaphore_mem>>)
      %dma_wait3A_186 = arith.constant 0 : i32
      %dma_wait3A_187 = tpu.memref_slice %arg12[%mul3A_2, %dma_wait3A_186] : memref<10240x16xf32, #tpu.memory_space<vmem_shared>> -> memref<640x16xf32, #tpu.memory_space<vmem_shared>>
      %dma_wait3A_188 = arith.constant 0 : i32
      %dma_wait3A_189 = tpu.memref_slice %arg12[%mul3A_2, %dma_wait3A_188] : memref<10240x16xf32, #tpu.memory_space<vmem_shared>> -> memref<640x16xf32, #tpu.memory_space<vmem_shared>>
      tpu.wait_dma2 semaphore(%run_scoped3A : memref<!tpu.dma_semaphore, #tpu.memory_space<semaphore_mem>>) src(%arg26 : memref<640x16xf32, #tpu.memory_space<vmem>>) dst(%dma_wait3A_189 : memref<640x16xf32, #tpu.memory_space<vmem_shared>>)
      tpu.yield
    }) : () -> ()
    %dma_wait3A_76 = arith.constant 0 : i32
    %dma_wait3A_77 = arith.constant 0 : i32
    %dma_wait3A_78 = arith.constant 0 : i32
    %dma_wait3A_79 = tpu.memref_slice %arg6[%dma_wait3A_76, %add3A, %dma_wait3A_77, %dma_wait3A_78] : memref<2x32x80x128xi32, #tpu.memory_space<hbm>> -> memref<1x1x80x128xi32, #tpu.memory_space<hbm>>
    %dma_wait3A_80 = tpu.memref_squeeze %dma_wait3A_79 : memref<1x1x80x128xi32, #tpu.memory_space<hbm>> -> memref<80x128xi32, #tpu.memory_space<hbm>>
    %dma_wait3A_81 = arith.constant 0 : i32
    %dma_wait3A_82 = arith.constant 0 : i32
    %dma_wait3A_83 = tpu.memref_slice %arg6[%dma_wait3A_76, %add3A, %dma_wait3A_81, %dma_wait3A_82] : memref<2x32x80x128xi32, #tpu.memory_space<hbm>> -> memref<1x1x80x128xi32, #tpu.memory_space<hbm>>
    %dma_wait3A_84 = tpu.memref_squeeze %dma_wait3A_83 : memref<1x1x80x128xi32, #tpu.memory_space<hbm>> -> memref<80x128xi32, #tpu.memory_space<hbm>>
    tpu.wait_dma2 semaphore(%arg14 : memref<!tpu.dma_semaphore, #tpu.memory_space<semaphore_mem>>) src(%dma_wait3A_84 : memref<80x128xi32, #tpu.memory_space<hbm>>) dst(%arg8 : memref<80x128xi32, #tpu.memory_space<vmem>>)
    %dma_wait3A_85 = arith.constant 1 : i32
    %dma_wait3A_86 = arith.constant 0 : i32
    %dma_wait3A_87 = arith.constant 0 : i32
    %dma_wait3A_88 = tpu.memref_slice %arg6[%dma_wait3A_85, %add3A, %dma_wait3A_86, %dma_wait3A_87] : memref<2x32x80x128xi32, #tpu.memory_space<hbm>> -> memref<1x1x80x128xi32, #tpu.memory_space<hbm>>
    %dma_wait3A_89 = tpu.memref_squeeze %dma_wait3A_88 : memref<1x1x80x128xi32, #tpu.memory_space<hbm>> -> memref<80x128xi32, #tpu.memory_space<hbm>>
    %dma_wait3A_90 = arith.constant 0 : i32
    %dma_wait3A_91 = arith.constant 0 : i32
    %dma_wait3A_92 = tpu.memref_slice %arg6[%dma_wait3A_85, %add3A, %dma_wait3A_90, %dma_wait3A_91] : memref<2x32x80x128xi32, #tpu.memory_space<hbm>> -> memref<1x1x80x128xi32, #tpu.memory_space<hbm>>
    %dma_wait3A_93 = tpu.memref_squeeze %dma_wait3A_92 : memref<1x1x80x128xi32, #tpu.memory_space<hbm>> -> memref<80x128xi32, #tpu.memory_space<hbm>>
    tpu.wait_dma2 semaphore(%arg15 : memref<!tpu.dma_semaphore, #tpu.memory_space<semaphore_mem>>) src(%dma_wait3A_93 : memref<80x128xi32, #tpu.memory_space<hbm>>) dst(%arg9 : memref<80x128xi32, #tpu.memory_space<vmem>>)
    %dma_wait3A_94 = arith.constant 0 : i32
    %dma_wait3A_95 = tpu.memref_slice %arg13[%mul3A_2, %dma_wait3A_94] : memref<10240x16xf32, #tpu.memory_space<vmem_shared>> -> memref<640x16xf32, #tpu.memory_space<vmem_shared>>
    %dma_wait3A_96 = arith.constant 0 : i32
    %dma_wait3A_97 = tpu.memref_slice %arg13[%mul3A_2, %dma_wait3A_96] : memref<10240x16xf32, #tpu.memory_space<vmem_shared>> -> memref<640x16xf32, #tpu.memory_space<vmem_shared>>
    tpu.wait_dma2 semaphore(%arg21 : memref<!tpu.dma_semaphore, #tpu.memory_space<semaphore_mem>>) src(%arg11 : memref<640x16xf32, #tpu.memory_space<vmem>>) dst(%dma_wait3A_97 : memref<640x16xf32, #tpu.memory_space<vmem_shared>>)
    %barrier3A = arith.constant 0 : index
    tpu.barrier barrier_id(%barrier3A)
    %dma_start3A_98 = arith.constant 0 : i32
    %dma_start3A_99 = arith.constant 0 : i32
    %dma_start3A_100 = arith.constant 0 : i32
    %dma_start3A_101 = arith.constant 0 : i32
    %dma_start3A_102 = tpu.memref_slice %arg10[%dma_start3A_99, %dma_start3A_100, %dma_start3A_101] : memref<4x128x16xf32, #tpu.memory_space<vmem>> -> memref<1x128x16xf32, #tpu.memory_space<vmem>>
    %dma_start3A_103 = tpu.memref_squeeze %dma_start3A_102 : memref<1x128x16xf32, #tpu.memory_space<vmem>> -> memref<128x16xf32, #tpu.memory_space<vmem>>
    %dma_start3A_104 = arith.constant 0 : i32
    %dma_start3A_105 = tpu.memref_slice %arg8[%dma_start3A_98, %dma_start3A_104] : memref<80x128xi32, #tpu.memory_space<vmem>> -> memref<1x128xi32, #tpu.memory_space<vmem>>
    %dma_start3A_106 = tpu.memref_squeeze %dma_start3A_105 : memref<1x128xi32, #tpu.memory_space<vmem>> -> memref<128xi32, #tpu.memory_space<vmem>>
    %dma_start3A_107 = arith.constant 0 : i32
    %dma_start3A_108 = arith.constant 0 : i32
    %dma_start3A_109 = tpu.memref_slice %arg12[%dma_start3A_107, %dma_start3A_108] : memref<10240x16xf32, #tpu.memory_space<vmem_shared>> -> memref<10240x16xf32, #tpu.memory_space<vmem_shared>>
    tpu.enqueue_indirect_dma source(%dma_start3A_109 : memref<10240x16xf32, #tpu.memory_space<vmem_shared>>) target(%dma_start3A_103 : memref<128x16xf32, #tpu.memory_space<vmem>>) offsets(%dma_start3A_106 : memref<128xi32, #tpu.memory_space<vmem>>) semaphore(%arg14 : memref<!tpu.dma_semaphore, #tpu.memory_space<semaphore_mem>>)
    %dma_start3A_110 = arith.constant 1 : i32
    %dma_start3A_111 = arith.constant 1 : i32
    %dma_start3A_112 = arith.constant 0 : i32
    %dma_start3A_113 = arith.constant 0 : i32
    %dma_start3A_114 = tpu.memref_slice %arg10[%dma_start3A_111, %dma_start3A_112, %dma_start3A_113] : memref<4x128x16xf32, #tpu.memory_space<vmem>> -> memref<1x128x16xf32, #tpu.memory_space<vmem>>
    %dma_start3A_115 = tpu.memref_squeeze %dma_start3A_114 : memref<1x128x16xf32, #tpu.memory_space<vmem>> -> memref<128x16xf32, #tpu.memory_space<vmem>>
    %dma_start3A_116 = arith.constant 0 : i32
    %dma_start3A_117 = tpu.memref_slice %arg8[%dma_start3A_110, %dma_start3A_116] : memref<80x128xi32, #tpu.memory_space<vmem>> -> memref<1x128xi32, #tpu.memory_space<vmem>>
    %dma_start3A_118 = tpu.memref_squeeze %dma_start3A_117 : memref<1x128xi32, #tpu.memory_space<vmem>> -> memref<128xi32, #tpu.memory_space<vmem>>
    %dma_start3A_119 = arith.constant 0 : i32
    %dma_start3A_120 = arith.constant 0 : i32
    %dma_start3A_121 = tpu.memref_slice %arg12[%dma_start3A_119, %dma_start3A_120] : memref<10240x16xf32, #tpu.memory_space<vmem_shared>> -> memref<10240x16xf32, #tpu.memory_space<vmem_shared>>
    tpu.enqueue_indirect_dma source(%dma_start3A_121 : memref<10240x16xf32, #tpu.memory_space<vmem_shared>>) target(%dma_start3A_115 : memref<128x16xf32, #tpu.memory_space<vmem>>) offsets(%dma_start3A_118 : memref<128xi32, #tpu.memory_space<vmem>>) semaphore(%arg15 : memref<!tpu.dma_semaphore, #tpu.memory_space<semaphore_mem>>)
    %scan3A_122 = arith.constant 0 : i32
    %scan3A_123 = arith.constant 20 : i32
    %scan3A_124 = arith.addi %scan3A_122, %scan3A_123 : i32
    %scan3A_125 = arith.constant 1 : i32
    scf.for %scan3A_182 = %scan3A_122 to %scan3A_124 step %scan3A_125  : i32 {
      %mul3A_183 = arith.constant 4 : i32
      %mul3A_184 = arith.muli %scan3A_182, %mul3A_183 : i32
      %add3A_185 = arith.constant 0 : i32
      %add3A_186 = arith.addi %add3A_185, %mul3A_184 : i32
      %add3A_187 = arith.constant 0 : i32
      %add3A_188 = arith.addi %add3A_186, %add3A_187 : i32
      %dma_wait3A_189 = arith.constant 0 : i32
      %dma_wait3A_190 = arith.constant 0 : i32
      %dma_wait3A_191 = arith.constant 0 : i32
      %dma_wait3A_192 = arith.constant 0 : i32
      %dma_wait3A_193 = tpu.memref_slice %arg10[%dma_wait3A_190, %dma_wait3A_191, %dma_wait3A_192] : memref<4x128x16xf32, #tpu.memory_space<vmem>> -> memref<1x128x16xf32, #tpu.memory_space<vmem>>
      %dma_wait3A_194 = tpu.memref_squeeze %dma_wait3A_193 : memref<1x128x16xf32, #tpu.memory_space<vmem>> -> memref<128x16xf32, #tpu.memory_space<vmem>>
      %dma_wait3A_195 = arith.constant 0 : i32
      %dma_wait3A_196 = tpu.memref_slice %arg8[%dma_wait3A_189, %dma_wait3A_195] : memref<80x128xi32, #tpu.memory_space<vmem>> -> memref<1x128xi32, #tpu.memory_space<vmem>>
      %dma_wait3A_197 = tpu.memref_squeeze %dma_wait3A_196 : memref<1x128xi32, #tpu.memory_space<vmem>> -> memref<128xi32, #tpu.memory_space<vmem>>
      %dma_wait3A_198 = arith.constant 0 : i32
      %dma_wait3A_199 = arith.constant 0 : i32
      %dma_wait3A_200 = tpu.memref_slice %arg12[%dma_wait3A_198, %dma_wait3A_199] : memref<10240x16xf32, #tpu.memory_space<vmem_shared>> -> memref<10240x16xf32, #tpu.memory_space<vmem_shared>>
      tpu.wait_indirect_dma semaphore(%arg14 : memref<!tpu.dma_semaphore, #tpu.memory_space<semaphore_mem>>) src(%dma_wait3A_200 : memref<10240x16xf32, #tpu.memory_space<vmem_shared>>) dst(%dma_wait3A_194 : memref<128x16xf32, #tpu.memory_space<vmem>>)
      %dma_start3A_201 = arith.constant 0 : i32
      %dma_start3A_202 = arith.constant 0 : i32
      %dma_start3A_203 = arith.constant 0 : i32
      %dma_start3A_204 = tpu.memref_slice %arg10[%dma_start3A_201, %dma_start3A_202, %dma_start3A_203] : memref<4x128x16xf32, #tpu.memory_space<vmem>> -> memref<1x128x16xf32, #tpu.memory_space<vmem>>
      %dma_start3A_205 = tpu.memref_squeeze %dma_start3A_204 : memref<1x128x16xf32, #tpu.memory_space<vmem>> -> memref<128x16xf32, #tpu.memory_space<vmem>>
      %dma_start3A_206 = arith.constant 0 : i32
      %dma_start3A_207 = tpu.memref_slice %arg9[%add3A_188, %dma_start3A_206] : memref<80x128xi32, #tpu.memory_space<vmem>> -> memref<1x128xi32, #tpu.memory_space<vmem>>
      %dma_start3A_208 = tpu.memref_squeeze %dma_start3A_207 : memref<1x128xi32, #tpu.memory_space<vmem>> -> memref<128xi32, #tpu.memory_space<vmem>>
      %dma_start3A_209 = arith.constant 0 : i32
      %dma_start3A_210 = arith.constant 0 : i32
      %dma_start3A_211 = tpu.memref_slice %arg13[%dma_start3A_209, %dma_start3A_210] : memref<10240x16xf32, #tpu.memory_space<vmem_shared>> -> memref<10240x16xf32, #tpu.memory_space<vmem_shared>>
      tpu.enqueue_indirect_dma source(%dma_start3A_205 : memref<128x16xf32, #tpu.memory_space<vmem>>) target(%dma_start3A_211 : memref<10240x16xf32, #tpu.memory_space<vmem_shared>>) offsets(%dma_start3A_208 : memref<128xi32, #tpu.memory_space<vmem>>) semaphore(%arg18 : memref<!tpu.dma_semaphore, #tpu.memory_space<semaphore_mem>>) {add = true}
      %add3A_212 = arith.constant 2 : i32
      %add3A_213 = arith.addi %add3A_188, %add3A_212 : i32
      %lt3A = arith.constant 80 : i32
      %lt3A_214 = arith.cmpi slt, %add3A_213, %lt3A : i32
      %convert_element_type3A_215 = arith.extui %lt3A_214 : i1 to i32
      %cond3A_216 = arith.constant 0 : i32
      %cond3A_217 = arith.cmpi ne, %convert_element_type3A_215, %cond3A_216 : i32
      scf.if %cond3A_217 {
        %ge3A = arith.constant 2 : i32
        %ge3A_314 = arith.cmpi sge, %add3A_188, %ge3A : i32
        %convert_element_type3A_315 = arith.extui %ge3A_314 : i1 to i32
        %cond3A_316 = arith.constant 0 : i32
        %cond3A_317 = arith.cmpi ne, %convert_element_type3A_315, %cond3A_316 : i32
        scf.if %cond3A_317 {
          %dma_wait3A_331 = arith.constant 2 : i32
          %dma_wait3A_332 = arith.constant 0 : i32
          %dma_wait3A_333 = arith.constant 0 : i32
          %dma_wait3A_334 = arith.constant 0 : i32
          %dma_wait3A_335 = tpu.memref_slice %arg10[%dma_wait3A_331, %dma_wait3A_333, %dma_wait3A_334] : memref<4x128x16xf32, #tpu.memory_space<vmem>> -> memref<1x128x16xf32, #tpu.memory_space<vmem>>
          %dma_wait3A_336 = tpu.memref_squeeze %dma_wait3A_335 : memref<1x128x16xf32, #tpu.memory_space<vmem>> -> memref<128x16xf32, #tpu.memory_space<vmem>>
          %dma_wait3A_337 = arith.constant 0 : i32
          %dma_wait3A_338 = tpu.memref_slice %arg9[%dma_wait3A_332, %dma_wait3A_337] : memref<80x128xi32, #tpu.memory_space<vmem>> -> memref<1x128xi32, #tpu.memory_space<vmem>>
          %dma_wait3A_339 = tpu.memref_squeeze %dma_wait3A_338 : memref<1x128xi32, #tpu.memory_space<vmem>> -> memref<128xi32, #tpu.memory_space<vmem>>
          %dma_wait3A_340 = arith.constant 0 : i32
          %dma_wait3A_341 = arith.constant 0 : i32
          %dma_wait3A_342 = tpu.memref_slice %arg13[%dma_wait3A_340, %dma_wait3A_341] : memref<10240x16xf32, #tpu.memory_space<vmem_shared>> -> memref<10240x16xf32, #tpu.memory_space<vmem_shared>>
          tpu.wait_indirect_dma semaphore(%arg20 : memref<!tpu.dma_semaphore, #tpu.memory_space<semaphore_mem>>) src(%dma_wait3A_336 : memref<128x16xf32, #tpu.memory_space<vmem>>) dst(%dma_wait3A_342 : memref<10240x16xf32, #tpu.memory_space<vmem_shared>>)
        } else {
        }
        %add3A_318 = arith.constant 2 : i32
        %add3A_319 = arith.addi %add3A_188, %add3A_318 : i32
        %dma_start3A_320 = arith.constant 2 : i32
        %dma_start3A_321 = arith.constant 0 : i32
        %dma_start3A_322 = arith.constant 0 : i32
        %dma_start3A_323 = tpu.memref_slice %arg10[%dma_start3A_320, %dma_start3A_321, %dma_start3A_322] : memref<4x128x16xf32, #tpu.memory_space<vmem>> -> memref<1x128x16xf32, #tpu.memory_space<vmem>>
        %dma_start3A_324 = tpu.memref_squeeze %dma_start3A_323 : memref<1x128x16xf32, #tpu.memory_space<vmem>> -> memref<128x16xf32, #tpu.memory_space<vmem>>
        %dma_start3A_325 = arith.constant 0 : i32
        %dma_start3A_326 = tpu.memref_slice %arg8[%add3A_319, %dma_start3A_325] : memref<80x128xi32, #tpu.memory_space<vmem>> -> memref<1x128xi32, #tpu.memory_space<vmem>>
        %dma_start3A_327 = tpu.memref_squeeze %dma_start3A_326 : memref<1x128xi32, #tpu.memory_space<vmem>> -> memref<128xi32, #tpu.memory_space<vmem>>
        %dma_start3A_328 = arith.constant 0 : i32
        %dma_start3A_329 = arith.constant 0 : i32
        %dma_start3A_330 = tpu.memref_slice %arg12[%dma_start3A_328, %dma_start3A_329] : memref<10240x16xf32, #tpu.memory_space<vmem_shared>> -> memref<10240x16xf32, #tpu.memory_space<vmem_shared>>
        tpu.enqueue_indirect_dma source(%dma_start3A_330 : memref<10240x16xf32, #tpu.memory_space<vmem_shared>>) target(%dma_start3A_324 : memref<128x16xf32, #tpu.memory_space<vmem>>) offsets(%dma_start3A_327 : memref<128xi32, #tpu.memory_space<vmem>>) semaphore(%arg16 : memref<!tpu.dma_semaphore, #tpu.memory_space<semaphore_mem>>)
      } else {
      }
      %add3A_218 = arith.constant 1 : i32
      %add3A_219 = arith.addi %add3A_186, %add3A_218 : i32
      %dma_wait3A_220 = arith.constant 0 : i32
      %dma_wait3A_221 = arith.constant 1 : i32
      %dma_wait3A_222 = arith.constant 0 : i32
      %dma_wait3A_223 = arith.constant 0 : i32
      %dma_wait3A_224 = tpu.memref_slice %arg10[%dma_wait3A_221, %dma_wait3A_222, %dma_wait3A_223] : memref<4x128x16xf32, #tpu.memory_space<vmem>> -> memref<1x128x16xf32, #tpu.memory_space<vmem>>
      %dma_wait3A_225 = tpu.memref_squeeze %dma_wait3A_224 : memref<1x128x16xf32, #tpu.memory_space<vmem>> -> memref<128x16xf32, #tpu.memory_space<vmem>>
      %dma_wait3A_226 = arith.constant 0 : i32
      %dma_wait3A_227 = tpu.memref_slice %arg8[%dma_wait3A_220, %dma_wait3A_226] : memref<80x128xi32, #tpu.memory_space<vmem>> -> memref<1x128xi32, #tpu.memory_space<vmem>>
      %dma_wait3A_228 = tpu.memref_squeeze %dma_wait3A_227 : memref<1x128xi32, #tpu.memory_space<vmem>> -> memref<128xi32, #tpu.memory_space<vmem>>
      %dma_wait3A_229 = arith.constant 0 : i32
      %dma_wait3A_230 = arith.constant 0 : i32
      %dma_wait3A_231 = tpu.memref_slice %arg12[%dma_wait3A_229, %dma_wait3A_230] : memref<10240x16xf32, #tpu.memory_space<vmem_shared>> -> memref<10240x16xf32, #tpu.memory_space<vmem_shared>>
      tpu.wait_indirect_dma semaphore(%arg15 : memref<!tpu.dma_semaphore, #tpu.memory_space<semaphore_mem>>) src(%dma_wait3A_231 : memref<10240x16xf32, #tpu.memory_space<vmem_shared>>) dst(%dma_wait3A_225 : memref<128x16xf32, #tpu.memory_space<vmem>>)
      %dma_start3A_232 = arith.constant 1 : i32
      %dma_start3A_233 = arith.constant 0 : i32
      %dma_start3A_234 = arith.constant 0 : i32
      %dma_start3A_235 = tpu.memref_slice %arg10[%dma_start3A_232, %dma_start3A_233, %dma_start3A_234] : memref<4x128x16xf32, #tpu.memory_space<vmem>> -> memref<1x128x16xf32, #tpu.memory_space<vmem>>
      %dma_start3A_236 = tpu.memref_squeeze %dma_start3A_235 : memref<1x128x16xf32, #tpu.memory_space<vmem>> -> memref<128x16xf32, #tpu.memory_space<vmem>>
      %dma_start3A_237 = arith.constant 0 : i32
      %dma_start3A_238 = tpu.memref_slice %arg9[%add3A_219, %dma_start3A_237] : memref<80x128xi32, #tpu.memory_space<vmem>> -> memref<1x128xi32, #tpu.memory_space<vmem>>
      %dma_start3A_239 = tpu.memref_squeeze %dma_start3A_238 : memref<1x128xi32, #tpu.memory_space<vmem>> -> memref<128xi32, #tpu.memory_space<vmem>>
      %dma_start3A_240 = arith.constant 0 : i32
      %dma_start3A_241 = arith.constant 0 : i32
      %dma_start3A_242 = tpu.memref_slice %arg13[%dma_start3A_240, %dma_start3A_241] : memref<10240x16xf32, #tpu.memory_space<vmem_shared>> -> memref<10240x16xf32, #tpu.memory_space<vmem_shared>>
      tpu.enqueue_indirect_dma source(%dma_start3A_236 : memref<128x16xf32, #tpu.memory_space<vmem>>) target(%dma_start3A_242 : memref<10240x16xf32, #tpu.memory_space<vmem_shared>>) offsets(%dma_start3A_239 : memref<128xi32, #tpu.memory_space<vmem>>) semaphore(%arg19 : memref<!tpu.dma_semaphore, #tpu.memory_space<semaphore_mem>>) {add = true}
      %add3A_243 = arith.constant 2 : i32
      %add3A_244 = arith.addi %add3A_219, %add3A_243 : i32
      %lt3A_245 = arith.constant 80 : i32
      %lt3A_246 = arith.cmpi slt, %add3A_244, %lt3A_245 : i32
      %convert_element_type3A_247 = arith.extui %lt3A_246 : i1 to i32
      %cond3A_248 = arith.constant 0 : i32
      %cond3A_249 = arith.cmpi ne, %convert_element_type3A_247, %cond3A_248 : i32
      scf.if %cond3A_249 {
        %ge3A = arith.constant 2 : i32
        %ge3A_314 = arith.cmpi sge, %add3A_219, %ge3A : i32
        %convert_element_type3A_315 = arith.extui %ge3A_314 : i1 to i32
        %cond3A_316 = arith.constant 0 : i32
        %cond3A_317 = arith.cmpi ne, %convert_element_type3A_315, %cond3A_316 : i32
        scf.if %cond3A_317 {
          %dma_wait3A_331 = arith.constant 3 : i32
          %dma_wait3A_332 = arith.constant 0 : i32
          %dma_wait3A_333 = arith.constant 0 : i32
          %dma_wait3A_334 = arith.constant 0 : i32
          %dma_wait3A_335 = tpu.memref_slice %arg10[%dma_wait3A_331, %dma_wait3A_333, %dma_wait3A_334] : memref<4x128x16xf32, #tpu.memory_space<vmem>> -> memref<1x128x16xf32, #tpu.memory_space<vmem>>
          %dma_wait3A_336 = tpu.memref_squeeze %dma_wait3A_335 : memref<1x128x16xf32, #tpu.memory_space<vmem>> -> memref<128x16xf32, #tpu.memory_space<vmem>>
          %dma_wait3A_337 = arith.constant 0 : i32
          %dma_wait3A_338 = tpu.memref_slice %arg9[%dma_wait3A_332, %dma_wait3A_337] : memref<80x128xi32, #tpu.memory_space<vmem>> -> memref<1x128xi32, #tpu.memory_space<vmem>>
          %dma_wait3A_339 = tpu.memref_squeeze %dma_wait3A_338 : memref<1x128xi32, #tpu.memory_space<vmem>> -> memref<128xi32, #tpu.memory_space<vmem>>
          %dma_wait3A_340 = arith.constant 0 : i32
          %dma_wait3A_341 = arith.constant 0 : i32
          %dma_wait3A_342 = tpu.memref_slice %arg13[%dma_wait3A_340, %dma_wait3A_341] : memref<10240x16xf32, #tpu.memory_space<vmem_shared>> -> memref<10240x16xf32, #tpu.memory_space<vmem_shared>>
          tpu.wait_indirect_dma semaphore(%arg21 : memref<!tpu.dma_semaphore, #tpu.memory_space<semaphore_mem>>) src(%dma_wait3A_336 : memref<128x16xf32, #tpu.memory_space<vmem>>) dst(%dma_wait3A_342 : memref<10240x16xf32, #tpu.memory_space<vmem_shared>>)
        } else {
        }
        %add3A_318 = arith.constant 2 : i32
        %add3A_319 = arith.addi %add3A_219, %add3A_318 : i32
        %dma_start3A_320 = arith.constant 3 : i32
        %dma_start3A_321 = arith.constant 0 : i32
        %dma_start3A_322 = arith.constant 0 : i32
        %dma_start3A_323 = tpu.memref_slice %arg10[%dma_start3A_320, %dma_start3A_321, %dma_start3A_322] : memref<4x128x16xf32, #tpu.memory_space<vmem>> -> memref<1x128x16xf32, #tpu.memory_space<vmem>>
        %dma_start3A_324 = tpu.memref_squeeze %dma_start3A_323 : memref<1x128x16xf32, #tpu.memory_space<vmem>> -> memref<128x16xf32, #tpu.memory_space<vmem>>
        %dma_start3A_325 = arith.constant 0 : i32
        %dma_start3A_326 = tpu.memref_slice %arg8[%add3A_319, %dma_start3A_325] : memref<80x128xi32, #tpu.memory_space<vmem>> -> memref<1x128xi32, #tpu.memory_space<vmem>>
        %dma_start3A_327 = tpu.memref_squeeze %dma_start3A_326 : memref<1x128xi32, #tpu.memory_space<vmem>> -> memref<128xi32, #tpu.memory_space<vmem>>
        %dma_start3A_328 = arith.constant 0 : i32
        %dma_start3A_329 = arith.constant 0 : i32
        %dma_start3A_330 = tpu.memref_slice %arg12[%dma_start3A_328, %dma_start3A_329] : memref<10240x16xf32, #tpu.memory_space<vmem_shared>> -> memref<10240x16xf32, #tpu.memory_space<vmem_shared>>
        tpu.enqueue_indirect_dma source(%dma_start3A_330 : memref<10240x16xf32, #tpu.memory_space<vmem_shared>>) target(%dma_start3A_324 : memref<128x16xf32, #tpu.memory_space<vmem>>) offsets(%dma_start3A_327 : memref<128xi32, #tpu.memory_space<vmem>>) semaphore(%arg17 : memref<!tpu.dma_semaphore, #tpu.memory_space<semaphore_mem>>)
      } else {
      }
      %add3A_250 = arith.constant 2 : i32
      %add3A_251 = arith.addi %add3A_186, %add3A_250 : i32
      %dma_wait3A_252 = arith.constant 0 : i32
      %dma_wait3A_253 = arith.constant 2 : i32
      %dma_wait3A_254 = arith.constant 0 : i32
      %dma_wait3A_255 = arith.constant 0 : i32
      %dma_wait3A_256 = tpu.memref_slice %arg10[%dma_wait3A_253, %dma_wait3A_254, %dma_wait3A_255] : memref<4x128x16xf32, #tpu.memory_space<vmem>> -> memref<1x128x16xf32, #tpu.memory_space<vmem>>
      %dma_wait3A_257 = tpu.memref_squeeze %dma_wait3A_256 : memref<1x128x16xf32, #tpu.memory_space<vmem>> -> memref<128x16xf32, #tpu.memory_space<vmem>>
      %dma_wait3A_258 = arith.constant 0 : i32
      %dma_wait3A_259 = tpu.memref_slice %arg8[%dma_wait3A_252, %dma_wait3A_258] : memref<80x128xi32, #tpu.memory_space<vmem>> -> memref<1x128xi32, #tpu.memory_space<vmem>>
      %dma_wait3A_260 = tpu.memref_squeeze %dma_wait3A_259 : memref<1x128xi32, #tpu.memory_space<vmem>> -> memref<128xi32, #tpu.memory_space<vmem>>
      %dma_wait3A_261 = arith.constant 0 : i32
      %dma_wait3A_262 = arith.constant 0 : i32
      %dma_wait3A_263 = tpu.memref_slice %arg12[%dma_wait3A_261, %dma_wait3A_262] : memref<10240x16xf32, #tpu.memory_space<vmem_shared>> -> memref<10240x16xf32, #tpu.memory_space<vmem_shared>>
      tpu.wait_indirect_dma semaphore(%arg16 : memref<!tpu.dma_semaphore, #tpu.memory_space<semaphore_mem>>) src(%dma_wait3A_263 : memref<10240x16xf32, #tpu.memory_space<vmem_shared>>) dst(%dma_wait3A_257 : memref<128x16xf32, #tpu.memory_space<vmem>>)
      %dma_start3A_264 = arith.constant 2 : i32
      %dma_start3A_265 = arith.constant 0 : i32
      %dma_start3A_266 = arith.constant 0 : i32
      %dma_start3A_267 = tpu.memref_slice %arg10[%dma_start3A_264, %dma_start3A_265, %dma_start3A_266] : memref<4x128x16xf32, #tpu.memory_space<vmem>> -> memref<1x128x16xf32, #tpu.memory_space<vmem>>
      %dma_start3A_268 = tpu.memref_squeeze %dma_start3A_267 : memref<1x128x16xf32, #tpu.memory_space<vmem>> -> memref<128x16xf32, #tpu.memory_space<vmem>>
      %dma_start3A_269 = arith.constant 0 : i32
      %dma_start3A_270 = tpu.memref_slice %arg9[%add3A_251, %dma_start3A_269] : memref<80x128xi32, #tpu.memory_space<vmem>> -> memref<1x128xi32, #tpu.memory_space<vmem>>
      %dma_start3A_271 = tpu.memref_squeeze %dma_start3A_270 : memref<1x128xi32, #tpu.memory_space<vmem>> -> memref<128xi32, #tpu.memory_space<vmem>>
      %dma_start3A_272 = arith.constant 0 : i32
      %dma_start3A_273 = arith.constant 0 : i32
      %dma_start3A_274 = tpu.memref_slice %arg13[%dma_start3A_272, %dma_start3A_273] : memref<10240x16xf32, #tpu.memory_space<vmem_shared>> -> memref<10240x16xf32, #tpu.memory_space<vmem_shared>>
      tpu.enqueue_indirect_dma source(%dma_start3A_268 : memref<128x16xf32, #tpu.memory_space<vmem>>) target(%dma_start3A_274 : memref<10240x16xf32, #tpu.memory_space<vmem_shared>>) offsets(%dma_start3A_271 : memref<128xi32, #tpu.memory_space<vmem>>) semaphore(%arg20 : memref<!tpu.dma_semaphore, #tpu.memory_space<semaphore_mem>>) {add = true}
      %add3A_275 = arith.constant 2 : i32
      %add3A_276 = arith.addi %add3A_251, %add3A_275 : i32
      %lt3A_277 = arith.constant 80 : i32
      %lt3A_278 = arith.cmpi slt, %add3A_276, %lt3A_277 : i32
      %convert_element_type3A_279 = arith.extui %lt3A_278 : i1 to i32
      %cond3A_280 = arith.constant 0 : i32
      %cond3A_281 = arith.cmpi ne, %convert_element_type3A_279, %cond3A_280 : i32
      scf.if %cond3A_281 {
        %ge3A = arith.constant 2 : i32
        %ge3A_314 = arith.cmpi sge, %add3A_251, %ge3A : i32
        %convert_element_type3A_315 = arith.extui %ge3A_314 : i1 to i32
        %cond3A_316 = arith.constant 0 : i32
        %cond3A_317 = arith.cmpi ne, %convert_element_type3A_315, %cond3A_316 : i32
        scf.if %cond3A_317 {
          %dma_wait3A_331 = arith.constant 0 : i32
          %dma_wait3A_332 = arith.constant 0 : i32
          %dma_wait3A_333 = arith.constant 0 : i32
          %dma_wait3A_334 = arith.constant 0 : i32
          %dma_wait3A_335 = tpu.memref_slice %arg10[%dma_wait3A_331, %dma_wait3A_333, %dma_wait3A_334] : memref<4x128x16xf32, #tpu.memory_space<vmem>> -> memref<1x128x16xf32, #tpu.memory_space<vmem>>
          %dma_wait3A_336 = tpu.memref_squeeze %dma_wait3A_335 : memref<1x128x16xf32, #tpu.memory_space<vmem>> -> memref<128x16xf32, #tpu.memory_space<vmem>>
          %dma_wait3A_337 = arith.constant 0 : i32
          %dma_wait3A_338 = tpu.memref_slice %arg9[%dma_wait3A_332, %dma_wait3A_337] : memref<80x128xi32, #tpu.memory_space<vmem>> -> memref<1x128xi32, #tpu.memory_space<vmem>>
          %dma_wait3A_339 = tpu.memref_squeeze %dma_wait3A_338 : memref<1x128xi32, #tpu.memory_space<vmem>> -> memref<128xi32, #tpu.memory_space<vmem>>
          %dma_wait3A_340 = arith.constant 0 : i32
          %dma_wait3A_341 = arith.constant 0 : i32
          %dma_wait3A_342 = tpu.memref_slice %arg13[%dma_wait3A_340, %dma_wait3A_341] : memref<10240x16xf32, #tpu.memory_space<vmem_shared>> -> memref<10240x16xf32, #tpu.memory_space<vmem_shared>>
          tpu.wait_indirect_dma semaphore(%arg18 : memref<!tpu.dma_semaphore, #tpu.memory_space<semaphore_mem>>) src(%dma_wait3A_336 : memref<128x16xf32, #tpu.memory_space<vmem>>) dst(%dma_wait3A_342 : memref<10240x16xf32, #tpu.memory_space<vmem_shared>>)
        } else {
        }
        %add3A_318 = arith.constant 2 : i32
        %add3A_319 = arith.addi %add3A_251, %add3A_318 : i32
        %dma_start3A_320 = arith.constant 0 : i32
        %dma_start3A_321 = arith.constant 0 : i32
        %dma_start3A_322 = arith.constant 0 : i32
        %dma_start3A_323 = tpu.memref_slice %arg10[%dma_start3A_320, %dma_start3A_321, %dma_start3A_322] : memref<4x128x16xf32, #tpu.memory_space<vmem>> -> memref<1x128x16xf32, #tpu.memory_space<vmem>>
        %dma_start3A_324 = tpu.memref_squeeze %dma_start3A_323 : memref<1x128x16xf32, #tpu.memory_space<vmem>> -> memref<128x16xf32, #tpu.memory_space<vmem>>
        %dma_start3A_325 = arith.constant 0 : i32
        %dma_start3A_326 = tpu.memref_slice %arg8[%add3A_319, %dma_start3A_325] : memref<80x128xi32, #tpu.memory_space<vmem>> -> memref<1x128xi32, #tpu.memory_space<vmem>>
        %dma_start3A_327 = tpu.memref_squeeze %dma_start3A_326 : memref<1x128xi32, #tpu.memory_space<vmem>> -> memref<128xi32, #tpu.memory_space<vmem>>
        %dma_start3A_328 = arith.constant 0 : i32
        %dma_start3A_329 = arith.constant 0 : i32
        %dma_start3A_330 = tpu.memref_slice %arg12[%dma_start3A_328, %dma_start3A_329] : memref<10240x16xf32, #tpu.memory_space<vmem_shared>> -> memref<10240x16xf32, #tpu.memory_space<vmem_shared>>
        tpu.enqueue_indirect_dma source(%dma_start3A_330 : memref<10240x16xf32, #tpu.memory_space<vmem_shared>>) target(%dma_start3A_324 : memref<128x16xf32, #tpu.memory_space<vmem>>) offsets(%dma_start3A_327 : memref<128xi32, #tpu.memory_space<vmem>>) semaphore(%arg14 : memref<!tpu.dma_semaphore, #tpu.memory_space<semaphore_mem>>)
      } else {
      }
      %add3A_282 = arith.constant 3 : i32
      %add3A_283 = arith.addi %add3A_186, %add3A_282 : i32
      %dma_wait3A_284 = arith.constant 0 : i32
      %dma_wait3A_285 = arith.constant 3 : i32
      %dma_wait3A_286 = arith.constant 0 : i32
      %dma_wait3A_287 = arith.constant 0 : i32
      %dma_wait3A_288 = tpu.memref_slice %arg10[%dma_wait3A_285, %dma_wait3A_286, %dma_wait3A_287] : memref<4x128x16xf32, #tpu.memory_space<vmem>> -> memref<1x128x16xf32, #tpu.memory_space<vmem>>
      %dma_wait3A_289 = tpu.memref_squeeze %dma_wait3A_288 : memref<1x128x16xf32, #tpu.memory_space<vmem>> -> memref<128x16xf32, #tpu.memory_space<vmem>>
      %dma_wait3A_290 = arith.constant 0 : i32
      %dma_wait3A_291 = tpu.memref_slice %arg8[%dma_wait3A_284, %dma_wait3A_290] : memref<80x128xi32, #tpu.memory_space<vmem>> -> memref<1x128xi32, #tpu.memory_space<vmem>>
      %dma_wait3A_292 = tpu.memref_squeeze %dma_wait3A_291 : memref<1x128xi32, #tpu.memory_space<vmem>> -> memref<128xi32, #tpu.memory_space<vmem>>
      %dma_wait3A_293 = arith.constant 0 : i32
      %dma_wait3A_294 = arith.constant 0 : i32
      %dma_wait3A_295 = tpu.memref_slice %arg12[%dma_wait3A_293, %dma_wait3A_294] : memref<10240x16xf32, #tpu.memory_space<vmem_shared>> -> memref<10240x16xf32, #tpu.memory_space<vmem_shared>>
      tpu.wait_indirect_dma semaphore(%arg17 : memref<!tpu.dma_semaphore, #tpu.memory_space<semaphore_mem>>) src(%dma_wait3A_295 : memref<10240x16xf32, #tpu.memory_space<vmem_shared>>) dst(%dma_wait3A_289 : memref<128x16xf32, #tpu.memory_space<vmem>>)
      %dma_start3A_296 = arith.constant 3 : i32
      %dma_start3A_297 = arith.constant 0 : i32
      %dma_start3A_298 = arith.constant 0 : i32
      %dma_start3A_299 = tpu.memref_slice %arg10[%dma_start3A_296, %dma_start3A_297, %dma_start3A_298] : memref<4x128x16xf32, #tpu.memory_space<vmem>> -> memref<1x128x16xf32, #tpu.memory_space<vmem>>
      %dma_start3A_300 = tpu.memref_squeeze %dma_start3A_299 : memref<1x128x16xf32, #tpu.memory_space<vmem>> -> memref<128x16xf32, #tpu.memory_space<vmem>>
      %dma_start3A_301 = arith.constant 0 : i32
      %dma_start3A_302 = tpu.memref_slice %arg9[%add3A_283, %dma_start3A_301] : memref<80x128xi32, #tpu.memory_space<vmem>> -> memref<1x128xi32, #tpu.memory_space<vmem>>
      %dma_start3A_303 = tpu.memref_squeeze %dma_start3A_302 : memref<1x128xi32, #tpu.memory_space<vmem>> -> memref<128xi32, #tpu.memory_space<vmem>>
      %dma_start3A_304 = arith.constant 0 : i32
      %dma_start3A_305 = arith.constant 0 : i32
      %dma_start3A_306 = tpu.memref_slice %arg13[%dma_start3A_304, %dma_start3A_305] : memref<10240x16xf32, #tpu.memory_space<vmem_shared>> -> memref<10240x16xf32, #tpu.memory_space<vmem_shared>>
      tpu.enqueue_indirect_dma source(%dma_start3A_300 : memref<128x16xf32, #tpu.memory_space<vmem>>) target(%dma_start3A_306 : memref<10240x16xf32, #tpu.memory_space<vmem_shared>>) offsets(%dma_start3A_303 : memref<128xi32, #tpu.memory_space<vmem>>) semaphore(%arg21 : memref<!tpu.dma_semaphore, #tpu.memory_space<semaphore_mem>>) {add = true}
      %add3A_307 = arith.constant 2 : i32
      %add3A_308 = arith.addi %add3A_283, %add3A_307 : i32
      %lt3A_309 = arith.constant 80 : i32
      %lt3A_310 = arith.cmpi slt, %add3A_308, %lt3A_309 : i32
      %convert_element_type3A_311 = arith.extui %lt3A_310 : i1 to i32
      %cond3A_312 = arith.constant 0 : i32
      %cond3A_313 = arith.cmpi ne, %convert_element_type3A_311, %cond3A_312 : i32
      scf.if %cond3A_313 {
        %ge3A = arith.constant 2 : i32
        %ge3A_314 = arith.cmpi sge, %add3A_283, %ge3A : i32
        %convert_element_type3A_315 = arith.extui %ge3A_314 : i1 to i32
        %cond3A_316 = arith.constant 0 : i32
        %cond3A_317 = arith.cmpi ne, %convert_element_type3A_315, %cond3A_316 : i32
        scf.if %cond3A_317 {
          %dma_wait3A_331 = arith.constant 1 : i32
          %dma_wait3A_332 = arith.constant 0 : i32
          %dma_wait3A_333 = arith.constant 0 : i32
          %dma_wait3A_334 = arith.constant 0 : i32
          %dma_wait3A_335 = tpu.memref_slice %arg10[%dma_wait3A_331, %dma_wait3A_333, %dma_wait3A_334] : memref<4x128x16xf32, #tpu.memory_space<vmem>> -> memref<1x128x16xf32, #tpu.memory_space<vmem>>
          %dma_wait3A_336 = tpu.memref_squeeze %dma_wait3A_335 : memref<1x128x16xf32, #tpu.memory_space<vmem>> -> memref<128x16xf32, #tpu.memory_space<vmem>>
          %dma_wait3A_337 = arith.constant 0 : i32
          %dma_wait3A_338 = tpu.memref_slice %arg9[%dma_wait3A_332, %dma_wait3A_337] : memref<80x128xi32, #tpu.memory_space<vmem>> -> memref<1x128xi32, #tpu.memory_space<vmem>>
          %dma_wait3A_339 = tpu.memref_squeeze %dma_wait3A_338 : memref<1x128xi32, #tpu.memory_space<vmem>> -> memref<128xi32, #tpu.memory_space<vmem>>
          %dma_wait3A_340 = arith.constant 0 : i32
          %dma_wait3A_341 = arith.constant 0 : i32
          %dma_wait3A_342 = tpu.memref_slice %arg13[%dma_wait3A_340, %dma_wait3A_341] : memref<10240x16xf32, #tpu.memory_space<vmem_shared>> -> memref<10240x16xf32, #tpu.memory_space<vmem_shared>>
          tpu.wait_indirect_dma semaphore(%arg19 : memref<!tpu.dma_semaphore, #tpu.memory_space<semaphore_mem>>) src(%dma_wait3A_336 : memref<128x16xf32, #tpu.memory_space<vmem>>) dst(%dma_wait3A_342 : memref<10240x16xf32, #tpu.memory_space<vmem_shared>>)
        } else {
        }
        %add3A_318 = arith.constant 2 : i32
        %add3A_319 = arith.addi %add3A_283, %add3A_318 : i32
        %dma_start3A_320 = arith.constant 1 : i32
        %dma_start3A_321 = arith.constant 0 : i32
        %dma_start3A_322 = arith.constant 0 : i32
        %dma_start3A_323 = tpu.memref_slice %arg10[%dma_start3A_320, %dma_start3A_321, %dma_start3A_322] : memref<4x128x16xf32, #tpu.memory_space<vmem>> -> memref<1x128x16xf32, #tpu.memory_space<vmem>>
        %dma_start3A_324 = tpu.memref_squeeze %dma_start3A_323 : memref<1x128x16xf32, #tpu.memory_space<vmem>> -> memref<128x16xf32, #tpu.memory_space<vmem>>
        %dma_start3A_325 = arith.constant 0 : i32
        %dma_start3A_326 = tpu.memref_slice %arg8[%add3A_319, %dma_start3A_325] : memref<80x128xi32, #tpu.memory_space<vmem>> -> memref<1x128xi32, #tpu.memory_space<vmem>>
        %dma_start3A_327 = tpu.memref_squeeze %dma_start3A_326 : memref<1x128xi32, #tpu.memory_space<vmem>> -> memref<128xi32, #tpu.memory_space<vmem>>
        %dma_start3A_328 = arith.constant 0 : i32
        %dma_start3A_329 = arith.constant 0 : i32
        %dma_start3A_330 = tpu.memref_slice %arg12[%dma_start3A_328, %dma_start3A_329] : memref<10240x16xf32, #tpu.memory_space<vmem_shared>> -> memref<10240x16xf32, #tpu.memory_space<vmem_shared>>
        tpu.enqueue_indirect_dma source(%dma_start3A_330 : memref<10240x16xf32, #tpu.memory_space<vmem_shared>>) target(%dma_start3A_324 : memref<128x16xf32, #tpu.memory_space<vmem>>) offsets(%dma_start3A_327 : memref<128xi32, #tpu.memory_space<vmem>>) semaphore(%arg15 : memref<!tpu.dma_semaphore, #tpu.memory_space<semaphore_mem>>)
      } else {
      }
    }
    %scan3A_126 = arith.constant 20 : i32
    %dma_wait3A_127 = arith.constant 0 : i32
    %dma_wait3A_128 = arith.constant 0 : i32
    %dma_wait3A_129 = arith.constant 0 : i32
    %dma_wait3A_130 = arith.constant 0 : i32
    %dma_wait3A_131 = tpu.memref_slice %arg10[%dma_wait3A_127, %dma_wait3A_129, %dma_wait3A_130] : memref<4x128x16xf32, #tpu.memory_space<vmem>> -> memref<1x128x16xf32, #tpu.memory_space<vmem>>
    %dma_wait3A_132 = tpu.memref_squeeze %dma_wait3A_131 : memref<1x128x16xf32, #tpu.memory_space<vmem>> -> memref<128x16xf32, #tpu.memory_space<vmem>>
    %dma_wait3A_133 = arith.constant 0 : i32
    %dma_wait3A_134 = tpu.memref_slice %arg9[%dma_wait3A_128, %dma_wait3A_133] : memref<80x128xi32, #tpu.memory_space<vmem>> -> memref<1x128xi32, #tpu.memory_space<vmem>>
    %dma_wait3A_135 = tpu.memref_squeeze %dma_wait3A_134 : memref<1x128xi32, #tpu.memory_space<vmem>> -> memref<128xi32, #tpu.memory_space<vmem>>
    %dma_wait3A_136 = arith.constant 0 : i32
    %dma_wait3A_137 = arith.constant 0 : i32
    %dma_wait3A_138 = tpu.memref_slice %arg13[%dma_wait3A_136, %dma_wait3A_137] : memref<10240x16xf32, #tpu.memory_space<vmem_shared>> -> memref<10240x16xf32, #tpu.memory_space<vmem_shared>>
    tpu.wait_indirect_dma semaphore(%arg18 : memref<!tpu.dma_semaphore, #tpu.memory_space<semaphore_mem>>) src(%dma_wait3A_132 : memref<128x16xf32, #tpu.memory_space<vmem>>) dst(%dma_wait3A_138 : memref<10240x16xf32, #tpu.memory_space<vmem_shared>>)
    %dma_wait3A_139 = arith.constant 1 : i32
    %dma_wait3A_140 = arith.constant 0 : i32
    %dma_wait3A_141 = arith.constant 0 : i32
    %dma_wait3A_142 = arith.constant 0 : i32
    %dma_wait3A_143 = tpu.memref_slice %arg10[%dma_wait3A_139, %dma_wait3A_141, %dma_wait3A_142] : memref<4x128x16xf32, #tpu.memory_space<vmem>> -> memref<1x128x16xf32, #tpu.memory_space<vmem>>
    %dma_wait3A_144 = tpu.memref_squeeze %dma_wait3A_143 : memref<1x128x16xf32, #tpu.memory_space<vmem>> -> memref<128x16xf32, #tpu.memory_space<vmem>>
    %dma_wait3A_145 = arith.constant 0 : i32
    %dma_wait3A_146 = tpu.memref_slice %arg9[%dma_wait3A_140, %dma_wait3A_145] : memref<80x128xi32, #tpu.memory_space<vmem>> -> memref<1x128xi32, #tpu.memory_space<vmem>>
    %dma_wait3A_147 = tpu.memref_squeeze %dma_wait3A_146 : memref<1x128xi32, #tpu.memory_space<vmem>> -> memref<128xi32, #tpu.memory_space<vmem>>
    %dma_wait3A_148 = arith.constant 0 : i32
    %dma_wait3A_149 = arith.constant 0 : i32
    %dma_wait3A_150 = tpu.memref_slice %arg13[%dma_wait3A_148, %dma_wait3A_149] : memref<10240x16xf32, #tpu.memory_space<vmem_shared>> -> memref<10240x16xf32, #tpu.memory_space<vmem_shared>>
    tpu.wait_indirect_dma semaphore(%arg19 : memref<!tpu.dma_semaphore, #tpu.memory_space<semaphore_mem>>) src(%dma_wait3A_144 : memref<128x16xf32, #tpu.memory_space<vmem>>) dst(%dma_wait3A_150 : memref<10240x16xf32, #tpu.memory_space<vmem_shared>>)
    %dma_wait3A_151 = arith.constant 2 : i32
    %dma_wait3A_152 = arith.constant 0 : i32
    %dma_wait3A_153 = arith.constant 0 : i32
    %dma_wait3A_154 = arith.constant 0 : i32
    %dma_wait3A_155 = tpu.memref_slice %arg10[%dma_wait3A_151, %dma_wait3A_153, %dma_wait3A_154] : memref<4x128x16xf32, #tpu.memory_space<vmem>> -> memref<1x128x16xf32, #tpu.memory_space<vmem>>
    %dma_wait3A_156 = tpu.memref_squeeze %dma_wait3A_155 : memref<1x128x16xf32, #tpu.memory_space<vmem>> -> memref<128x16xf32, #tpu.memory_space<vmem>>
    %dma_wait3A_157 = arith.constant 0 : i32
    %dma_wait3A_158 = tpu.memref_slice %arg9[%dma_wait3A_152, %dma_wait3A_157] : memref<80x128xi32, #tpu.memory_space<vmem>> -> memref<1x128xi32, #tpu.memory_space<vmem>>
    %dma_wait3A_159 = tpu.memref_squeeze %dma_wait3A_158 : memref<1x128xi32, #tpu.memory_space<vmem>> -> memref<128xi32, #tpu.memory_space<vmem>>
    %dma_wait3A_160 = arith.constant 0 : i32
    %dma_wait3A_161 = arith.constant 0 : i32
    %dma_wait3A_162 = tpu.memref_slice %arg13[%dma_wait3A_160, %dma_wait3A_161] : memref<10240x16xf32, #tpu.memory_space<vmem_shared>> -> memref<10240x16xf32, #tpu.memory_space<vmem_shared>>
    tpu.wait_indirect_dma semaphore(%arg20 : memref<!tpu.dma_semaphore, #tpu.memory_space<semaphore_mem>>) src(%dma_wait3A_156 : memref<128x16xf32, #tpu.memory_space<vmem>>) dst(%dma_wait3A_162 : memref<10240x16xf32, #tpu.memory_space<vmem_shared>>)
    %dma_wait3A_163 = arith.constant 3 : i32
    %dma_wait3A_164 = arith.constant 0 : i32
    %dma_wait3A_165 = arith.constant 0 : i32
    %dma_wait3A_166 = arith.constant 0 : i32
    %dma_wait3A_167 = tpu.memref_slice %arg10[%dma_wait3A_163, %dma_wait3A_165, %dma_wait3A_166] : memref<4x128x16xf32, #tpu.memory_space<vmem>> -> memref<1x128x16xf32, #tpu.memory_space<vmem>>
    %dma_wait3A_168 = tpu.memref_squeeze %dma_wait3A_167 : memref<1x128x16xf32, #tpu.memory_space<vmem>> -> memref<128x16xf32, #tpu.memory_space<vmem>>
    %dma_wait3A_169 = arith.constant 0 : i32
    %dma_wait3A_170 = tpu.memref_slice %arg9[%dma_wait3A_164, %dma_wait3A_169] : memref<80x128xi32, #tpu.memory_space<vmem>> -> memref<1x128xi32, #tpu.memory_space<vmem>>
    %dma_wait3A_171 = tpu.memref_squeeze %dma_wait3A_170 : memref<1x128xi32, #tpu.memory_space<vmem>> -> memref<128xi32, #tpu.memory_space<vmem>>
    %dma_wait3A_172 = arith.constant 0 : i32
    %dma_wait3A_173 = arith.constant 0 : i32
    %dma_wait3A_174 = tpu.memref_slice %arg13[%dma_wait3A_172, %dma_wait3A_173] : memref<10240x16xf32, #tpu.memory_space<vmem_shared>> -> memref<10240x16xf32, #tpu.memory_space<vmem_shared>>
    tpu.wait_indirect_dma semaphore(%arg21 : memref<!tpu.dma_semaphore, #tpu.memory_space<semaphore_mem>>) src(%dma_wait3A_168 : memref<128x16xf32, #tpu.memory_space<vmem>>) dst(%dma_wait3A_174 : memref<10240x16xf32, #tpu.memory_space<vmem_shared>>)
    %barrier3A_175 = arith.constant 0 : index
    tpu.barrier barrier_id(%barrier3A_175)
    "tpu.region"() ({
      %run_scoped3A = tpu.sem_alloc : memref<!tpu.dma_semaphore, #tpu.memory_space<semaphore_mem>>
      %dma_start3A_182 = arith.constant 0 : i32
      %dma_start3A_183 = tpu.memref_slice %arg13[%mul3A_2, %dma_start3A_182] : memref<10240x16xf32, #tpu.memory_space<vmem_shared>> -> memref<640x16xf32, #tpu.memory_space<vmem_shared>>
      %dma_start3A_184 = arith.constant 0 : i32
      %dma_start3A_185 = tpu.memref_slice %arg13[%mul3A_2, %dma_start3A_184] : memref<10240x16xf32, #tpu.memory_space<vmem_shared>> -> memref<640x16xf32, #tpu.memory_space<vmem_shared>>
      tpu.enqueue_dma source(%dma_start3A_185 : memref<640x16xf32, #tpu.memory_space<vmem_shared>>) target(%arg22 : memref<640x16xf32, #tpu.memory_space<vmem>>) target_semaphore(%run_scoped3A : memref<!tpu.dma_semaphore, #tpu.memory_space<semaphore_mem>>)
      %dma_wait3A_186 = arith.constant 0 : i32
      %dma_wait3A_187 = tpu.memref_slice %arg13[%mul3A_2, %dma_wait3A_186] : memref<10240x16xf32, #tpu.memory_space<vmem_shared>> -> memref<640x16xf32, #tpu.memory_space<vmem_shared>>
      %dma_wait3A_188 = arith.constant 0 : i32
      %dma_wait3A_189 = tpu.memref_slice %arg13[%mul3A_2, %dma_wait3A_188] : memref<10240x16xf32, #tpu.memory_space<vmem_shared>> -> memref<640x16xf32, #tpu.memory_space<vmem_shared>>
      tpu.wait_dma2 semaphore(%run_scoped3A : memref<!tpu.dma_semaphore, #tpu.memory_space<semaphore_mem>>) src(%dma_wait3A_189 : memref<640x16xf32, #tpu.memory_space<vmem_shared>>) dst(%arg22 : memref<640x16xf32, #tpu.memory_space<vmem>>)
      tpu.yield
    }) : () -> ()
    %eq3A = arith.constant 0 : i32
    %eq3A_176 = arith.cmpi eq, %arg0, %eq3A : i32
    %convert_element_type3A = arith.extui %eq3A_176 : i1 to i32
    %cond3A = arith.constant 0 : i32
    %cond3A_177 = arith.cmpi ne, %convert_element_type3A, %cond3A : i32
    scf.if %cond3A_177 {
      %scan3A_182 = arith.constant 0 : i32
      %scan3A_183 = arith.constant 640 : i32
      %scan3A_184 = arith.addi %scan3A_182, %scan3A_183 : i32
      %scan3A_185 = arith.constant 8 : i32
      scf.for %scan3A_187 = %scan3A_182 to %scan3A_184 step %scan3A_185  : i32 {
        %mul3A_188 = arith.constant 1 : i32
        %mul3A_189 = arith.muli %scan3A_187, %mul3A_188 : i32
        %add3A_190 = arith.constant 0 : i32
        %add3A_191 = arith.addi %add3A_190, %mul3A_189 : i32
        %get3A = arith.index_cast %add3A_191 : i32 to index
        %get3A_192 = arith.constant 0 : index
        %get3A_193 = tpu.vector_load %arg25[%get3A, %get3A_192] {strides = array<i32>} : memref<640x16xf32, #tpu.memory_space<vmem>>, vector<16xf32>,
        %get3A_194 = arith.index_cast %add3A_191 : i32 to index
        %get3A_195 = arith.constant 0 : index
        %get3A_196 = tpu.vector_load %arg22[%get3A_194, %get3A_195] {strides = array<i32>} : memref<640x16xf32, #tpu.memory_space<vmem>>, vector<16xf32>,
        %get3A_197 = arith.index_cast %add3A_191 : i32 to index
        %get3A_198 = arith.constant 0 : index
        %get3A_199 = tpu.vector_load %arg26[%get3A_197, %get3A_198] {strides = array<i32>} : memref<640x16xf32, #tpu.memory_space<vmem>>, vector<16xf32>,
        %add3A_200 = arith.addf %get3A_196, %get3A_199 : vector<16xf32>
        %mul3A_201 = arith.mulf %get3A_193, %add3A_200 : vector<16xf32>
        %swap3A = arith.index_cast %add3A_191 : i32 to index
        %swap3A_202 = arith.constant 0 : index
        %swap3A_203 = tpu.vector_load %arg22[%swap3A, %swap3A_202] {strides = array<i32>} : memref<640x16xf32, #tpu.memory_space<vmem>>, vector<16xf32>,
        tpu.vector_store %arg22[%swap3A, %swap3A_202], %mul3A_201 {strides = array<i32>} : memref<640x16xf32, #tpu.memory_space<vmem>>, vector<16xf32>,
        %scan3A_204 = arith.constant 1 : i32
        %scan3A_205 = arith.addi %scan3A_187, %scan3A_204 : i32
        %mul3A_206 = arith.constant 1 : i32
        %mul3A_207 = arith.muli %scan3A_205, %mul3A_206 : i32
        %add3A_208 = arith.constant 0 : i32
        %add3A_209 = arith.addi %add3A_208, %mul3A_207 : i32
        %get3A_210 = arith.index_cast %add3A_209 : i32 to index
        %get3A_211 = arith.constant 0 : index
        %get3A_212 = tpu.vector_load %arg25[%get3A_210, %get3A_211] {strides = array<i32>} : memref<640x16xf32, #tpu.memory_space<vmem>>, vector<16xf32>,
        %get3A_213 = arith.index_cast %add3A_209 : i32 to index
        %get3A_214 = arith.constant 0 : index
        %get3A_215 = tpu.vector_load %arg22[%get3A_213, %get3A_214] {strides = array<i32>} : memref<640x16xf32, #tpu.memory_space<vmem>>, vector<16xf32>,
        %get3A_216 = arith.index_cast %add3A_209 : i32 to index
        %get3A_217 = arith.constant 0 : index
        %get3A_218 = tpu.vector_load %arg26[%get3A_216, %get3A_217] {strides = array<i32>} : memref<640x16xf32, #tpu.memory_space<vmem>>, vector<16xf32>,
        %add3A_219 = arith.addf %get3A_215, %get3A_218 : vector<16xf32>
        %mul3A_220 = arith.mulf %get3A_212, %add3A_219 : vector<16xf32>
        %swap3A_221 = arith.index_cast %add3A_209 : i32 to index
        %swap3A_222 = arith.constant 0 : index
        %swap3A_223 = tpu.vector_load %arg22[%swap3A_221, %swap3A_222] {strides = array<i32>} : memref<640x16xf32, #tpu.memory_space<vmem>>, vector<16xf32>,
        tpu.vector_store %arg22[%swap3A_221, %swap3A_222], %mul3A_220 {strides = array<i32>} : memref<640x16xf32, #tpu.memory_space<vmem>>, vector<16xf32>,
        %scan3A_224 = arith.constant 2 : i32
        %scan3A_225 = arith.addi %scan3A_187, %scan3A_224 : i32
        %mul3A_226 = arith.constant 1 : i32
        %mul3A_227 = arith.muli %scan3A_225, %mul3A_226 : i32
        %add3A_228 = arith.constant 0 : i32
        %add3A_229 = arith.addi %add3A_228, %mul3A_227 : i32
        %get3A_230 = arith.index_cast %add3A_229 : i32 to index
        %get3A_231 = arith.constant 0 : index
        %get3A_232 = tpu.vector_load %arg25[%get3A_230, %get3A_231] {strides = array<i32>} : memref<640x16xf32, #tpu.memory_space<vmem>>, vector<16xf32>,
        %get3A_233 = arith.index_cast %add3A_229 : i32 to index
        %get3A_234 = arith.constant 0 : index
        %get3A_235 = tpu.vector_load %arg22[%get3A_233, %get3A_234] {strides = array<i32>} : memref<640x16xf32, #tpu.memory_space<vmem>>, vector<16xf32>,
        %get3A_236 = arith.index_cast %add3A_229 : i32 to index
        %get3A_237 = arith.constant 0 : index
        %get3A_238 = tpu.vector_load %arg26[%get3A_236, %get3A_237] {strides = array<i32>} : memref<640x16xf32, #tpu.memory_space<vmem>>, vector<16xf32>,
        %add3A_239 = arith.addf %get3A_235, %get3A_238 : vector<16xf32>
        %mul3A_240 = arith.mulf %get3A_232, %add3A_239 : vector<16xf32>
        %swap3A_241 = arith.index_cast %add3A_229 : i32 to index
        %swap3A_242 = arith.constant 0 : index
        %swap3A_243 = tpu.vector_load %arg22[%swap3A_241, %swap3A_242] {strides = array<i32>} : memref<640x16xf32, #tpu.memory_space<vmem>>, vector<16xf32>,
        tpu.vector_store %arg22[%swap3A_241, %swap3A_242], %mul3A_240 {strides = array<i32>} : memref<640x16xf32, #tpu.memory_space<vmem>>, vector<16xf32>,
        %scan3A_244 = arith.constant 3 : i32
        %scan3A_245 = arith.addi %scan3A_187, %scan3A_244 : i32
        %mul3A_246 = arith.constant 1 : i32
        %mul3A_247 = arith.muli %scan3A_245, %mul3A_246 : i32
        %add3A_248 = arith.constant 0 : i32
        %add3A_249 = arith.addi %add3A_248, %mul3A_247 : i32
        %get3A_250 = arith.index_cast %add3A_249 : i32 to index
        %get3A_251 = arith.constant 0 : index
        %get3A_252 = tpu.vector_load %arg25[%get3A_250, %get3A_251] {strides = array<i32>} : memref<640x16xf32, #tpu.memory_space<vmem>>, vector<16xf32>,
        %get3A_253 = arith.index_cast %add3A_249 : i32 to index
        %get3A_254 = arith.constant 0 : index
        %get3A_255 = tpu.vector_load %arg22[%get3A_253, %get3A_254] {strides = array<i32>} : memref<640x16xf32, #tpu.memory_space<vmem>>, vector<16xf32>,
        %get3A_256 = arith.index_cast %add3A_249 : i32 to index
        %get3A_257 = arith.constant 0 : index
        %get3A_258 = tpu.vector_load %arg26[%get3A_256, %get3A_257] {strides = array<i32>} : memref<640x16xf32, #tpu.memory_space<vmem>>, vector<16xf32>,
        %add3A_259 = arith.addf %get3A_255, %get3A_258 : vector<16xf32>
        %mul3A_260 = arith.mulf %get3A_252, %add3A_259 : vector<16xf32>
        %swap3A_261 = arith.index_cast %add3A_249 : i32 to index
        %swap3A_262 = arith.constant 0 : index
        %swap3A_263 = tpu.vector_load %arg22[%swap3A_261, %swap3A_262] {strides = array<i32>} : memref<640x16xf32, #tpu.memory_space<vmem>>, vector<16xf32>,
        tpu.vector_store %arg22[%swap3A_261, %swap3A_262], %mul3A_260 {strides = array<i32>} : memref<640x16xf32, #tpu.memory_space<vmem>>, vector<16xf32>,
        %scan3A_264 = arith.constant 4 : i32
        %scan3A_265 = arith.addi %scan3A_187, %scan3A_264 : i32
        %mul3A_266 = arith.constant 1 : i32
        %mul3A_267 = arith.muli %scan3A_265, %mul3A_266 : i32
        %add3A_268 = arith.constant 0 : i32
        %add3A_269 = arith.addi %add3A_268, %mul3A_267 : i32
        %get3A_270 = arith.index_cast %add3A_269 : i32 to index
        %get3A_271 = arith.constant 0 : index
        %get3A_272 = tpu.vector_load %arg25[%get3A_270, %get3A_271] {strides = array<i32>} : memref<640x16xf32, #tpu.memory_space<vmem>>, vector<16xf32>,
        %get3A_273 = arith.index_cast %add3A_269 : i32 to index
        %get3A_274 = arith.constant 0 : index
        %get3A_275 = tpu.vector_load %arg22[%get3A_273, %get3A_274] {strides = array<i32>} : memref<640x16xf32, #tpu.memory_space<vmem>>, vector<16xf32>,
        %get3A_276 = arith.index_cast %add3A_269 : i32 to index
        %get3A_277 = arith.constant 0 : index
        %get3A_278 = tpu.vector_load %arg26[%get3A_276, %get3A_277] {strides = array<i32>} : memref<640x16xf32, #tpu.memory_space<vmem>>, vector<16xf32>,
        %add3A_279 = arith.addf %get3A_275, %get3A_278 : vector<16xf32>
        %mul3A_280 = arith.mulf %get3A_272, %add3A_279 : vector<16xf32>
        %swap3A_281 = arith.index_cast %add3A_269 : i32 to index
        %swap3A_282 = arith.constant 0 : index
        %swap3A_283 = tpu.vector_load %arg22[%swap3A_281, %swap3A_282] {strides = array<i32>} : memref<640x16xf32, #tpu.memory_space<vmem>>, vector<16xf32>,
        tpu.vector_store %arg22[%swap3A_281, %swap3A_282], %mul3A_280 {strides = array<i32>} : memref<640x16xf32, #tpu.memory_space<vmem>>, vector<16xf32>,
        %scan3A_284 = arith.constant 5 : i32
        %scan3A_285 = arith.addi %scan3A_187, %scan3A_284 : i32
        %mul3A_286 = arith.constant 1 : i32
        %mul3A_287 = arith.muli %scan3A_285, %mul3A_286 : i32
        %add3A_288 = arith.constant 0 : i32
        %add3A_289 = arith.addi %add3A_288, %mul3A_287 : i32
        %get3A_290 = arith.index_cast %add3A_289 : i32 to index
        %get3A_291 = arith.constant 0 : index
        %get3A_292 = tpu.vector_load %arg25[%get3A_290, %get3A_291] {strides = array<i32>} : memref<640x16xf32, #tpu.memory_space<vmem>>, vector<16xf32>,
        %get3A_293 = arith.index_cast %add3A_289 : i32 to index
        %get3A_294 = arith.constant 0 : index
        %get3A_295 = tpu.vector_load %arg22[%get3A_293, %get3A_294] {strides = array<i32>} : memref<640x16xf32, #tpu.memory_space<vmem>>, vector<16xf32>,
        %get3A_296 = arith.index_cast %add3A_289 : i32 to index
        %get3A_297 = arith.constant 0 : index
        %get3A_298 = tpu.vector_load %arg26[%get3A_296, %get3A_297] {strides = array<i32>} : memref<640x16xf32, #tpu.memory_space<vmem>>, vector<16xf32>,
        %add3A_299 = arith.addf %get3A_295, %get3A_298 : vector<16xf32>
        %mul3A_300 = arith.mulf %get3A_292, %add3A_299 : vector<16xf32>
        %swap3A_301 = arith.index_cast %add3A_289 : i32 to index
        %swap3A_302 = arith.constant 0 : index
        %swap3A_303 = tpu.vector_load %arg22[%swap3A_301, %swap3A_302] {strides = array<i32>} : memref<640x16xf32, #tpu.memory_space<vmem>>, vector<16xf32>,
        tpu.vector_store %arg22[%swap3A_301, %swap3A_302], %mul3A_300 {strides = array<i32>} : memref<640x16xf32, #tpu.memory_space<vmem>>, vector<16xf32>,
        %scan3A_304 = arith.constant 6 : i32
        %scan3A_305 = arith.addi %scan3A_187, %scan3A_304 : i32
        %mul3A_306 = arith.constant 1 : i32
        %mul3A_307 = arith.muli %scan3A_305, %mul3A_306 : i32
        %add3A_308 = arith.constant 0 : i32
        %add3A_309 = arith.addi %add3A_308, %mul3A_307 : i32
        %get3A_310 = arith.index_cast %add3A_309 : i32 to index
        %get3A_311 = arith.constant 0 : index
        %get3A_312 = tpu.vector_load %arg25[%get3A_310, %get3A_311] {strides = array<i32>} : memref<640x16xf32, #tpu.memory_space<vmem>>, vector<16xf32>,
        %get3A_313 = arith.index_cast %add3A_309 : i32 to index
        %get3A_314 = arith.constant 0 : index
        %get3A_315 = tpu.vector_load %arg22[%get3A_313, %get3A_314] {strides = array<i32>} : memref<640x16xf32, #tpu.memory_space<vmem>>, vector<16xf32>,
        %get3A_316 = arith.index_cast %add3A_309 : i32 to index
        %get3A_317 = arith.constant 0 : index
        %get3A_318 = tpu.vector_load %arg26[%get3A_316, %get3A_317] {strides = array<i32>} : memref<640x16xf32, #tpu.memory_space<vmem>>, vector<16xf32>,
        %add3A_319 = arith.addf %get3A_315, %get3A_318 : vector<16xf32>
        %mul3A_320 = arith.mulf %get3A_312, %add3A_319 : vector<16xf32>
        %swap3A_321 = arith.index_cast %add3A_309 : i32 to index
        %swap3A_322 = arith.constant 0 : index
        %swap3A_323 = tpu.vector_load %arg22[%swap3A_321, %swap3A_322] {strides = array<i32>} : memref<640x16xf32, #tpu.memory_space<vmem>>, vector<16xf32>,
        tpu.vector_store %arg22[%swap3A_321, %swap3A_322], %mul3A_320 {strides = array<i32>} : memref<640x16xf32, #tpu.memory_space<vmem>>, vector<16xf32>,
        %scan3A_324 = arith.constant 7 : i32
        %scan3A_325 = arith.addi %scan3A_187, %scan3A_324 : i32
        %mul3A_326 = arith.constant 1 : i32
        %mul3A_327 = arith.muli %scan3A_325, %mul3A_326 : i32
        %add3A_328 = arith.constant 0 : i32
        %add3A_329 = arith.addi %add3A_328, %mul3A_327 : i32
        %get3A_330 = arith.index_cast %add3A_329 : i32 to index
        %get3A_331 = arith.constant 0 : index
        %get3A_332 = tpu.vector_load %arg25[%get3A_330, %get3A_331] {strides = array<i32>} : memref<640x16xf32, #tpu.memory_space<vmem>>, vector<16xf32>,
        %get3A_333 = arith.index_cast %add3A_329 : i32 to index
        %get3A_334 = arith.constant 0 : index
        %get3A_335 = tpu.vector_load %arg22[%get3A_333, %get3A_334] {strides = array<i32>} : memref<640x16xf32, #tpu.memory_space<vmem>>, vector<16xf32>,
        %get3A_336 = arith.index_cast %add3A_329 : i32 to index
        %get3A_337 = arith.constant 0 : index
        %get3A_338 = tpu.vector_load %arg26[%get3A_336, %get3A_337] {strides = array<i32>} : memref<640x16xf32, #tpu.memory_space<vmem>>, vector<16xf32>,
        %add3A_339 = arith.addf %get3A_335, %get3A_338 : vector<16xf32>
        %mul3A_340 = arith.mulf %get3A_332, %add3A_339 : vector<16xf32>
        %swap3A_341 = arith.index_cast %add3A_329 : i32 to index
        %swap3A_342 = arith.constant 0 : index
        %swap3A_343 = tpu.vector_load %arg22[%swap3A_341, %swap3A_342] {strides = array<i32>} : memref<640x16xf32, #tpu.memory_space<vmem>>, vector<16xf32>,
        tpu.vector_store %arg22[%swap3A_341, %swap3A_342], %mul3A_340 {strides = array<i32>} : memref<640x16xf32, #tpu.memory_space<vmem>>, vector<16xf32>,
      }
      %scan3A_186 = arith.constant 640 : i32
    } else {
    }
    %ne3A = arith.constant 0 : i32
    %ne3A_178 = arith.cmpi ne, %arg0, %ne3A : i32
    %convert_element_type3A_179 = arith.extui %ne3A_178 : i1 to i32
    %cond3A_180 = arith.constant 0 : i32
    %cond3A_181 = arith.cmpi ne, %convert_element_type3A_179, %cond3A_180 : i32
    scf.if %cond3A_181 {
      %scan3A_182 = arith.constant 0 : i32
      %scan3A_183 = arith.constant 640 : i32
      %scan3A_184 = arith.addi %scan3A_182, %scan3A_183 : i32
      %scan3A_185 = arith.constant 8 : i32
      scf.for %scan3A_187 = %scan3A_182 to %scan3A_184 step %scan3A_185  : i32 {
        %mul3A_188 = arith.constant 1 : i32
        %mul3A_189 = arith.muli %scan3A_187, %mul3A_188 : i32
        %add3A_190 = arith.constant 0 : i32
        %add3A_191 = arith.addi %add3A_190, %mul3A_189 : i32
        %get3A = arith.index_cast %add3A_191 : i32 to index
        %get3A_192 = arith.constant 0 : index
        %get3A_193 = tpu.vector_load %arg25[%get3A, %get3A_192] {strides = array<i32>} : memref<640x16xf32, #tpu.memory_space<vmem>>, vector<16xf32>,
        %get3A_194 = arith.index_cast %add3A_191 : i32 to index
        %get3A_195 = arith.constant 0 : index
        %get3A_196 = tpu.vector_load %arg22[%get3A_194, %get3A_195] {strides = array<i32>} : memref<640x16xf32, #tpu.memory_space<vmem>>, vector<16xf32>,
        %mul3A_197 = arith.mulf %get3A_193, %get3A_196 : vector<16xf32>
        %swap3A = arith.index_cast %add3A_191 : i32 to index
        %swap3A_198 = arith.constant 0 : index
        %swap3A_199 = tpu.vector_load %arg22[%swap3A, %swap3A_198] {strides = array<i32>} : memref<640x16xf32, #tpu.memory_space<vmem>>, vector<16xf32>,
        tpu.vector_store %arg22[%swap3A, %swap3A_198], %mul3A_197 {strides = array<i32>} : memref<640x16xf32, #tpu.memory_space<vmem>>, vector<16xf32>,
        %scan3A_200 = arith.constant 1 : i32
        %scan3A_201 = arith.addi %scan3A_187, %scan3A_200 : i32
        %mul3A_202 = arith.constant 1 : i32
        %mul3A_203 = arith.muli %scan3A_201, %mul3A_202 : i32
        %add3A_204 = arith.constant 0 : i32
        %add3A_205 = arith.addi %add3A_204, %mul3A_203 : i32
        %get3A_206 = arith.index_cast %add3A_205 : i32 to index
        %get3A_207 = arith.constant 0 : index
        %get3A_208 = tpu.vector_load %arg25[%get3A_206, %get3A_207] {strides = array<i32>} : memref<640x16xf32, #tpu.memory_space<vmem>>, vector<16xf32>,
        %get3A_209 = arith.index_cast %add3A_205 : i32 to index
        %get3A_210 = arith.constant 0 : index
        %get3A_211 = tpu.vector_load %arg22[%get3A_209, %get3A_210] {strides = array<i32>} : memref<640x16xf32, #tpu.memory_space<vmem>>, vector<16xf32>,
        %mul3A_212 = arith.mulf %get3A_208, %get3A_211 : vector<16xf32>
        %swap3A_213 = arith.index_cast %add3A_205 : i32 to index
        %swap3A_214 = arith.constant 0 : index
        %swap3A_215 = tpu.vector_load %arg22[%swap3A_213, %swap3A_214] {strides = array<i32>} : memref<640x16xf32, #tpu.memory_space<vmem>>, vector<16xf32>,
        tpu.vector_store %arg22[%swap3A_213, %swap3A_214], %mul3A_212 {strides = array<i32>} : memref<640x16xf32, #tpu.memory_space<vmem>>, vector<16xf32>,
        %scan3A_216 = arith.constant 2 : i32
        %scan3A_217 = arith.addi %scan3A_187, %scan3A_216 : i32
        %mul3A_218 = arith.constant 1 : i32
        %mul3A_219 = arith.muli %scan3A_217, %mul3A_218 : i32
        %add3A_220 = arith.constant 0 : i32
        %add3A_221 = arith.addi %add3A_220, %mul3A_219 : i32
        %get3A_222 = arith.index_cast %add3A_221 : i32 to index
        %get3A_223 = arith.constant 0 : index
        %get3A_224 = tpu.vector_load %arg25[%get3A_222, %get3A_223] {strides = array<i32>} : memref<640x16xf32, #tpu.memory_space<vmem>>, vector<16xf32>,
        %get3A_225 = arith.index_cast %add3A_221 : i32 to index
        %get3A_226 = arith.constant 0 : index
        %get3A_227 = tpu.vector_load %arg22[%get3A_225, %get3A_226] {strides = array<i32>} : memref<640x16xf32, #tpu.memory_space<vmem>>, vector<16xf32>,
        %mul3A_228 = arith.mulf %get3A_224, %get3A_227 : vector<16xf32>
        %swap3A_229 = arith.index_cast %add3A_221 : i32 to index
        %swap3A_230 = arith.constant 0 : index
        %swap3A_231 = tpu.vector_load %arg22[%swap3A_229, %swap3A_230] {strides = array<i32>} : memref<640x16xf32, #tpu.memory_space<vmem>>, vector<16xf32>,
        tpu.vector_store %arg22[%swap3A_229, %swap3A_230], %mul3A_228 {strides = array<i32>} : memref<640x16xf32, #tpu.memory_space<vmem>>, vector<16xf32>,
        %scan3A_232 = arith.constant 3 : i32
        %scan3A_233 = arith.addi %scan3A_187, %scan3A_232 : i32
        %mul3A_234 = arith.constant 1 : i32
        %mul3A_235 = arith.muli %scan3A_233, %mul3A_234 : i32
        %add3A_236 = arith.constant 0 : i32
        %add3A_237 = arith.addi %add3A_236, %mul3A_235 : i32
        %get3A_238 = arith.index_cast %add3A_237 : i32 to index
        %get3A_239 = arith.constant 0 : index
        %get3A_240 = tpu.vector_load %arg25[%get3A_238, %get3A_239] {strides = array<i32>} : memref<640x16xf32, #tpu.memory_space<vmem>>, vector<16xf32>,
        %get3A_241 = arith.index_cast %add3A_237 : i32 to index
        %get3A_242 = arith.constant 0 : index
        %get3A_243 = tpu.vector_load %arg22[%get3A_241, %get3A_242] {strides = array<i32>} : memref<640x16xf32, #tpu.memory_space<vmem>>, vector<16xf32>,
        %mul3A_244 = arith.mulf %get3A_240, %get3A_243 : vector<16xf32>
        %swap3A_245 = arith.index_cast %add3A_237 : i32 to index
        %swap3A_246 = arith.constant 0 : index
        %swap3A_247 = tpu.vector_load %arg22[%swap3A_245, %swap3A_246] {strides = array<i32>} : memref<640x16xf32, #tpu.memory_space<vmem>>, vector<16xf32>,
        tpu.vector_store %arg22[%swap3A_245, %swap3A_246], %mul3A_244 {strides = array<i32>} : memref<640x16xf32, #tpu.memory_space<vmem>>, vector<16xf32>,
        %scan3A_248 = arith.constant 4 : i32
        %scan3A_249 = arith.addi %scan3A_187, %scan3A_248 : i32
        %mul3A_250 = arith.constant 1 : i32
        %mul3A_251 = arith.muli %scan3A_249, %mul3A_250 : i32
        %add3A_252 = arith.constant 0 : i32
        %add3A_253 = arith.addi %add3A_252, %mul3A_251 : i32
        %get3A_254 = arith.index_cast %add3A_253 : i32 to index
        %get3A_255 = arith.constant 0 : index
        %get3A_256 = tpu.vector_load %arg25[%get3A_254, %get3A_255] {strides = array<i32>} : memref<640x16xf32, #tpu.memory_space<vmem>>, vector<16xf32>,
        %get3A_257 = arith.index_cast %add3A_253 : i32 to index
        %get3A_258 = arith.constant 0 : index
        %get3A_259 = tpu.vector_load %arg22[%get3A_257, %get3A_258] {strides = array<i32>} : memref<640x16xf32, #tpu.memory_space<vmem>>, vector<16xf32>,
        %mul3A_260 = arith.mulf %get3A_256, %get3A_259 : vector<16xf32>
        %swap3A_261 = arith.index_cast %add3A_253 : i32 to index
        %swap3A_262 = arith.constant 0 : index
        %swap3A_263 = tpu.vector_load %arg22[%swap3A_261, %swap3A_262] {strides = array<i32>} : memref<640x16xf32, #tpu.memory_space<vmem>>, vector<16xf32>,
        tpu.vector_store %arg22[%swap3A_261, %swap3A_262], %mul3A_260 {strides = array<i32>} : memref<640x16xf32, #tpu.memory_space<vmem>>, vector<16xf32>,
        %scan3A_264 = arith.constant 5 : i32
        %scan3A_265 = arith.addi %scan3A_187, %scan3A_264 : i32
        %mul3A_266 = arith.constant 1 : i32
        %mul3A_267 = arith.muli %scan3A_265, %mul3A_266 : i32
        %add3A_268 = arith.constant 0 : i32
        %add3A_269 = arith.addi %add3A_268, %mul3A_267 : i32
        %get3A_270 = arith.index_cast %add3A_269 : i32 to index
        %get3A_271 = arith.constant 0 : index
        %get3A_272 = tpu.vector_load %arg25[%get3A_270, %get3A_271] {strides = array<i32>} : memref<640x16xf32, #tpu.memory_space<vmem>>, vector<16xf32>,
        %get3A_273 = arith.index_cast %add3A_269 : i32 to index
        %get3A_274 = arith.constant 0 : index
        %get3A_275 = tpu.vector_load %arg22[%get3A_273, %get3A_274] {strides = array<i32>} : memref<640x16xf32, #tpu.memory_space<vmem>>, vector<16xf32>,
        %mul3A_276 = arith.mulf %get3A_272, %get3A_275 : vector<16xf32>
        %swap3A_277 = arith.index_cast %add3A_269 : i32 to index
        %swap3A_278 = arith.constant 0 : index
        %swap3A_279 = tpu.vector_load %arg22[%swap3A_277, %swap3A_278] {strides = array<i32>} : memref<640x16xf32, #tpu.memory_space<vmem>>, vector<16xf32>,
        tpu.vector_store %arg22[%swap3A_277, %swap3A_278], %mul3A_276 {strides = array<i32>} : memref<640x16xf32, #tpu.memory_space<vmem>>, vector<16xf32>,
        %scan3A_280 = arith.constant 6 : i32
        %scan3A_281 = arith.addi %scan3A_187, %scan3A_280 : i32
        %mul3A_282 = arith.constant 1 : i32
        %mul3A_283 = arith.muli %scan3A_281, %mul3A_282 : i32
        %add3A_284 = arith.constant 0 : i32
        %add3A_285 = arith.addi %add3A_284, %mul3A_283 : i32
        %get3A_286 = arith.index_cast %add3A_285 : i32 to index
        %get3A_287 = arith.constant 0 : index
        %get3A_288 = tpu.vector_load %arg25[%get3A_286, %get3A_287] {strides = array<i32>} : memref<640x16xf32, #tpu.memory_space<vmem>>, vector<16xf32>,
        %get3A_289 = arith.index_cast %add3A_285 : i32 to index
        %get3A_290 = arith.constant 0 : index
        %get3A_291 = tpu.vector_load %arg22[%get3A_289, %get3A_290] {strides = array<i32>} : memref<640x16xf32, #tpu.memory_space<vmem>>, vector<16xf32>,
        %mul3A_292 = arith.mulf %get3A_288, %get3A_291 : vector<16xf32>
        %swap3A_293 = arith.index_cast %add3A_285 : i32 to index
        %swap3A_294 = arith.constant 0 : index
        %swap3A_295 = tpu.vector_load %arg22[%swap3A_293, %swap3A_294] {strides = array<i32>} : memref<640x16xf32, #tpu.memory_space<vmem>>, vector<16xf32>,
        tpu.vector_store %arg22[%swap3A_293, %swap3A_294], %mul3A_292 {strides = array<i32>} : memref<640x16xf32, #tpu.memory_space<vmem>>, vector<16xf32>,
        %scan3A_296 = arith.constant 7 : i32
        %scan3A_297 = arith.addi %scan3A_187, %scan3A_296 : i32
        %mul3A_298 = arith.constant 1 : i32
        %mul3A_299 = arith.muli %scan3A_297, %mul3A_298 : i32
        %add3A_300 = arith.constant 0 : i32
        %add3A_301 = arith.addi %add3A_300, %mul3A_299 : i32
        %get3A_302 = arith.index_cast %add3A_301 : i32 to index
        %get3A_303 = arith.constant 0 : index
        %get3A_304 = tpu.vector_load %arg25[%get3A_302, %get3A_303] {strides = array<i32>} : memref<640x16xf32, #tpu.memory_space<vmem>>, vector<16xf32>,
        %get3A_305 = arith.index_cast %add3A_301 : i32 to index
        %get3A_306 = arith.constant 0 : index
        %get3A_307 = tpu.vector_load %arg22[%get3A_305, %get3A_306] {strides = array<i32>} : memref<640x16xf32, #tpu.memory_space<vmem>>, vector<16xf32>,
        %mul3A_308 = arith.mulf %get3A_304, %get3A_307 : vector<16xf32>
        %swap3A_309 = arith.index_cast %add3A_301 : i32 to index
        %swap3A_310 = arith.constant 0 : index
        %swap3A_311 = tpu.vector_load %arg22[%swap3A_309, %swap3A_310] {strides = array<i32>} : memref<640x16xf32, #tpu.memory_space<vmem>>, vector<16xf32>,
        tpu.vector_store %arg22[%swap3A_309, %swap3A_310], %mul3A_308 {strides = array<i32>} : memref<640x16xf32, #tpu.memory_space<vmem>>, vector<16xf32>,
      }
      %scan3A_186 = arith.constant 640 : i32
    } else {
    }
    "tpu.region"() ({
      %run_scoped3A = tpu.sem_alloc : memref<!tpu.dma_semaphore, #tpu.memory_space<semaphore_mem>>
      %dma_start3A_182 = arith.constant 0 : i32
      %dma_start3A_183 = tpu.memref_slice %arg7[%arg0, %mul3A_2, %dma_start3A_182] : memref<2x10240x16xf32, #tpu.memory_space<hbm>> -> memref<1x640x16xf32, #tpu.memory_space<hbm>>
      %dma_start3A_184 = tpu.memref_squeeze %dma_start3A_183 : memref<1x640x16xf32, #tpu.memory_space<hbm>> -> memref<640x16xf32, #tpu.memory_space<hbm>>
      %dma_start3A_185 = arith.constant 0 : i32
      %dma_start3A_186 = tpu.memref_slice %arg7[%arg0, %mul3A_2, %dma_start3A_185] : memref<2x10240x16xf32, #tpu.memory_space<hbm>> -> memref<1x640x16xf32, #tpu.memory_space<hbm>>
      %dma_start3A_187 = tpu.memref_squeeze %dma_start3A_186 : memref<1x640x16xf32, #tpu.memory_space<hbm>> -> memref<640x16xf32, #tpu.memory_space<hbm>>
      tpu.enqueue_dma source(%arg22 : memref<640x16xf32, #tpu.memory_space<vmem>>) target(%dma_start3A_187 : memref<640x16xf32, #tpu.memory_space<hbm>>) target_semaphore(%run_scoped3A : memref<!tpu.dma_semaphore, #tpu.memory_space<semaphore_mem>>)
      %dma_wait3A_188 = arith.constant 0 : i32
      %dma_wait3A_189 = tpu.memref_slice %arg7[%arg0, %mul3A_2, %dma_wait3A_188] : memref<2x10240x16xf32, #tpu.memory_space<hbm>> -> memref<1x640x16xf32, #tpu.memory_space<hbm>>
      %dma_wait3A_190 = tpu.memref_squeeze %dma_wait3A_189 : memref<1x640x16xf32, #tpu.memory_space<hbm>> -> memref<640x16xf32, #tpu.memory_space<hbm>>
      %dma_wait3A_191 = arith.constant 0 : i32
      %dma_wait3A_192 = tpu.memref_slice %arg7[%arg0, %mul3A_2, %dma_wait3A_191] : memref<2x10240x16xf32, #tpu.memory_space<hbm>> -> memref<1x640x16xf32, #tpu.memory_space<hbm>>
      %dma_wait3A_193 = tpu.memref_squeeze %dma_wait3A_192 : memref<1x640x16xf32, #tpu.memory_space<hbm>> -> memref<640x16xf32, #tpu.memory_space<hbm>>
      tpu.wait_dma2 semaphore(%run_scoped3A : memref<!tpu.dma_semaphore, #tpu.memory_space<semaphore_mem>>) src(%arg22 : memref<640x16xf32, #tpu.memory_space<vmem>>) dst(%dma_wait3A_193 : memref<640x16xf32, #tpu.memory_space<hbm>>)
      tpu.yield
    }) : () -> ()
    return
  }
}

module attributes {stable_mosaic.version = 14 : i64} {
  func.func @_edge_body(%arg0: memref<2x320000xi32, #tpu.memory_space<vmem>>, %arg1: memref<2x2560x128xi32, #tpu.memory_space<vmem>>) attributes {dimension_semantics = [], scalar_prefetch = 0 : i64, scratch_operands = 0 : i64, tpu.core_type = #tpu.core_type<tc>} {
    %get3A = arith.constant 0 : index
    %get3A_0 = arith.constant 0 : index
    %get3A_1 = vector.load %arg0[%get3A, %get3A_0] : memref<2x320000xi32, #tpu.memory_space<vmem>>, vector<2x320000xi32>
    %reshape3A = vector.shape_cast %get3A_1 : vector<2x320000xi32> to vector<2x2500x128xi32>
    %swap3A = arith.constant 0 : index
    %swap3A_2 = arith.constant 0 : index
    %swap3A_3 = arith.constant 0 : index
    %swap3A_4 = vector.load %arg1[%swap3A, %swap3A_2, %swap3A_3] : memref<2x2560x128xi32, #tpu.memory_space<vmem>>, vector<2x2500x128xi32>
    tpu.vector_store %arg1[%swap3A, %swap3A_2, %swap3A_3], %reshape3A {strides = array<i32>} : memref<2x2560x128xi32, #tpu.memory_space<vmem>>, vector<2x2500x128xi32>,
    %iota3A = tpu.iota {dimensions = array<i32: 2>} : vector<2x60x128xi32>
    %iota3A_5 = tpu.iota {dimensions = array<i32: 1>} : vector<2x60x128xi32>
    %mul3A = arith.constant 128 : i32
    %mul3A_6 = vector.broadcast %mul3A : i32 to vector<2x60x128xi32>
    %mul3A_7 = arith.muli %iota3A_5, %mul3A_6 : vector<2x60x128xi32>
    %add3A = arith.addi %mul3A_7, %iota3A : vector<2x60x128xi32>
    %jit3A = arith.constant 240 : i32
    %eq3A = arith.constant 0 : i32
    %eq3A_8 = arith.cmpi eq, %jit3A, %eq3A : i32
    %jit3A_9 = arith.constant 1 : i32
    %select_n3A = arith.select %eq3A_8, %jit3A_9, %jit3A : i32
    %rem3A = vector.broadcast %select_n3A : i32 to vector<2x60x128xi32>
    %rem3A_10 = arith.remsi %add3A, %rem3A : vector<2x60x128xi32>
    %ne3A = arith.constant 0 : i32
    %ne3A_11 = vector.broadcast %ne3A : i32 to vector<2x60x128xi32>
    %ne3A_12 = arith.cmpi ne, %rem3A_10, %ne3A_11 : vector<2x60x128xi32>
    %lt3A = arith.constant 0 : i32
    %lt3A_13 = vector.broadcast %lt3A : i32 to vector<2x60x128xi32>
    %lt3A_14 = arith.cmpi slt, %rem3A_10, %lt3A_13 : vector<2x60x128xi32>
    %lt3A_15 = arith.constant 0 : i32
    %lt3A_16 = arith.cmpi slt, %select_n3A, %lt3A_15 : i32
    %ne3A_17 = vector.broadcast %lt3A_16 : i1 to vector<2x60x128xi1>
    %ne3A_18 = vector.broadcast %ne3A_17 : vector<2x60x128xi1> to vector<2x60x128xi1>
    %ne3A_19 = arith.xori %lt3A_14, %ne3A_18 : vector<2x60x128xi1>
    %and3A = arith.andi %ne3A_19, %ne3A_12 : vector<2x60x128xi1>
    %add3A_20 = vector.broadcast %select_n3A : i32 to vector<2x60x128xi32>
    %add3A_21 = arith.addi %rem3A_10, %add3A_20 : vector<2x60x128xi32>
    %select_n3A_22 = arith.select %and3A, %add3A_21, %rem3A_10 : vector<2x60x128xi1>, vector<2x60x128xi32>
    %add3A_23 = arith.constant 10000 : i32
    %add3A_24 = vector.broadcast %add3A_23 : i32 to vector<2x60x128xi32>
    %add3A_25 = arith.addi %add3A_24, %select_n3A_22 : vector<2x60x128xi32>
    %swap3A_26 = arith.constant 0 : index
    %swap3A_27 = arith.constant 2500 : index
    %swap3A_28 = arith.constant 0 : index
    %swap3A_29 = vector.load %arg1[%swap3A_26, %swap3A_27, %swap3A_28] : memref<2x2560x128xi32, #tpu.memory_space<vmem>>, vector<2x60x128xi32>
    tpu.vector_store %arg1[%swap3A_26, %swap3A_27, %swap3A_28], %add3A_25 {strides = array<i32>} : memref<2x2560x128xi32, #tpu.memory_space<vmem>>, vector<2x60x128xi32>,
    return
  }
}

module attributes {stable_mosaic.version = 14 : i64} {
  func.func @_mm1_body(%arg0: i32, %arg1: memref<2048x128xf32, #tpu.memory_space<vmem>>, %arg2: memref<128x16xf32, #tpu.memory_space<vmem>>, %arg3: memref<256x8x128xf32, #tpu.memory_space<vmem>>) attributes {dimension_semantics = [#tpu.dimension_semantics<arbitrary>], iteration_bounds = array<i64: 5>, scalar_prefetch = 0 : i64, scratch_operands = 0 : i64, tpu.core_type = #tpu.core_type<tc>, window_params = [{transform_indices = @transform_0, window_bounds = array<i64: 2048, 128>}, {pipeline_mode = #tpu.pipeline_mode<synchronous>, transform_indices = @transform_1, window_bounds = array<i64: 128, 16>}, {transform_indices = @transform_2, window_bounds = array<i64: 256, 8, 128>}]} {
    %get3A = arith.constant 0 : index
    %get3A_0 = arith.constant 0 : index
    %get3A_1 = vector.load %arg1[%get3A, %get3A_0] : memref<2048x128xf32, #tpu.memory_space<vmem>>, vector<2048x128xf32>
    %get3A_2 = arith.constant 0 : index
    %get3A_3 = arith.constant 0 : index
    %get3A_4 = vector.load %arg2[%get3A_2, %get3A_3] : memref<128x16xf32, #tpu.memory_space<vmem>>, vector<128x16xf32>
    %dot_general3A = arith.constant dense<0.000000e+00> : vector<2048x16xf32>
    %dot_general3A_5 = tpu.matmul %get3A_1, %get3A_4, %dot_general3A {dimension_numbers = #tpu.dot_dimension_numbers<[1], [0], [0], [1], [0, 0, 1, 1], [], []>, transpose_lhs_hint = false} : vector<2048x128xf32>, vector<128x16xf32>, vector<2048x16xf32> -> vector<2048x16xf32>
    %iota3A = tpu.iota {dimensions = array<i32: 0>} : vector<2048x16xi32>
    %lt3A = arith.constant 4 : i32
    %lt3A_6 = arith.cmpi slt, %arg0, %lt3A : i32
    %lt3A_7 = arith.constant 1808 : i32
    %lt3A_8 = vector.broadcast %lt3A_7 : i32 to vector<2048x16xi32>
    %lt3A_9 = arith.cmpi slt, %iota3A, %lt3A_8 : vector<2048x16xi32>
    %or3A = vector.broadcast %lt3A_6 : i1 to vector<2048x16xi1>
    %or3A_10 = arith.ori %or3A, %lt3A_9 : vector<2048x16xi1>
    %jit3A = arith.constant 0.000000e+00 : f32
    %broadcast_in_dim3A = vector.broadcast %jit3A : f32 to vector<2048x16xf32>
    %select_n3A = arith.select %or3A_10, %dot_general3A_5, %broadcast_in_dim3A : vector<2048x16xi1>, vector<2048x16xf32>
    %reshape3A = vector.shape_cast %select_n3A : vector<2048x16xf32> to vector<256x8x16xf32>
    %swap3A = arith.constant 0 : index
    %swap3A_11 = arith.constant 0 : index
    %swap3A_12 = arith.constant 0 : index
    %swap3A_13 = vector.load %arg3[%swap3A, %swap3A_11, %swap3A_12] : memref<256x8x128xf32, #tpu.memory_space<vmem>>, vector<256x8x16xf32>
    tpu.vector_store %arg3[%swap3A, %swap3A_11, %swap3A_12], %reshape3A {strides = array<i32>} : memref<256x8x128xf32, #tpu.memory_space<vmem>>, vector<256x8x16xf32>,
    return
  }
  func.func @transform_0(%arg0: i32) -> (i32, i32) {
    %c0_i32 = arith.constant 0 : i32
    %c0_i32_0 = arith.constant 0 : i32
    return %arg0, %c0_i32 : i32, i32
  }
  func.func @transform_1(%arg0: i32) -> (i32, i32) {
    %c0_i32 = arith.constant 0 : i32
    %c0_i32_0 = arith.constant 0 : i32
    %c0_i32_1 = arith.constant 0 : i32
    return %c0_i32, %c0_i32_0 : i32, i32
  }
  func.func @transform_2(%arg0: i32) -> (i32, i32, i32) {
    %c0_i32 = arith.constant 0 : i32
    %c0_i32_0 = arith.constant 0 : i32
    %c0_i32_1 = arith.constant 0 : i32
    return %arg0, %c0_i32, %c0_i32_0 : i32, i32, i32
  }
}

module attributes {stable_mosaic.version = 14 : i64} {
  func.func @_mm2_body(%arg0: i32, %arg1: memref<2x256x128xf32, #tpu.memory_space<vmem>>, %arg2: memref<128x384xf32, #tpu.memory_space<vmem>>, %arg3: memref<1x384xf32, #tpu.memory_space<vmem>>, %arg4: memref<384x8xf32, #tpu.memory_space<vmem>>, %arg5: memref<8x384xf32, #tpu.memory_space<vmem>>, %arg6: memref<256x384xf32, #tpu.memory_space<vmem>>) attributes {dimension_semantics = [#tpu.dimension_semantics<arbitrary>], iteration_bounds = array<i64: 5>, scalar_prefetch = 0 : i64, scratch_operands = 0 : i64, tpu.core_type = #tpu.core_type<tc>, window_params = [{transform_indices = @transform_0, window_bounds = array<i64: 2, 256, 128>}, {pipeline_mode = #tpu.pipeline_mode<synchronous>, transform_indices = @transform_1, window_bounds = array<i64: 128, 384>}, {pipeline_mode = #tpu.pipeline_mode<synchronous>, transform_indices = @transform_2, window_bounds = array<i64: 1, 384>}, {pipeline_mode = #tpu.pipeline_mode<synchronous>, transform_indices = @transform_3, window_bounds = array<i64: 384, 8>}, {pipeline_mode = #tpu.pipeline_mode<synchronous>, transform_indices = @transform_4, window_bounds = array<i64: 8, 384>}, {transform_indices = @transform_5, window_bounds = array<i64: 256, 384>}]} {
    %get3A = arith.constant 0 : index
    %get3A_0 = arith.constant 0 : index
    %get3A_1 = arith.constant 0 : index
    %get3A_2 = vector.load %arg1[%get3A, %get3A_0, %get3A_1] : memref<2x256x128xf32, #tpu.memory_space<vmem>>, vector<1x256x128xf32>
    %get3A_3 = vector.shape_cast %get3A_2 : vector<1x256x128xf32> to vector<256x128xf32>
    %get3A_4 = arith.constant 1 : index
    %get3A_5 = arith.constant 0 : index
    %get3A_6 = arith.constant 0 : index
    %get3A_7 = vector.load %arg1[%get3A_4, %get3A_5, %get3A_6] : memref<2x256x128xf32, #tpu.memory_space<vmem>>, vector<1x256x128xf32>
    %get3A_8 = vector.shape_cast %get3A_7 : vector<1x256x128xf32> to vector<256x128xf32>
    %add3A = arith.addf %get3A_3, %get3A_8 : vector<256x128xf32>
    %get3A_9 = arith.constant 0 : index
    %get3A_10 = arith.constant 0 : index
    %get3A_11 = vector.load %arg2[%get3A_9, %get3A_10] : memref<128x384xf32, #tpu.memory_space<vmem>>, vector<128x384xf32>
    %dot_general3A = arith.constant dense<0.000000e+00> : vector<256x384xf32>
    %dot_general3A_12 = tpu.matmul %add3A, %get3A_11, %dot_general3A {dimension_numbers = #tpu.dot_dimension_numbers<[1], [0], [0], [1], [0, 0, 1, 1], [], []>, transpose_lhs_hint = false} : vector<256x128xf32>, vector<128x384xf32>, vector<256x384xf32> -> vector<256x384xf32>
    %get3A_13 = arith.constant 0 : index
    %get3A_14 = arith.constant 0 : index
    %get3A_15 = vector.load %arg3[%get3A_13, %get3A_14] : memref<1x384xf32, #tpu.memory_space<vmem>>, vector<1x384xf32>
    %add3A_16 = vector.broadcast %get3A_15 : vector<1x384xf32> to vector<256x384xf32>
    %add3A_17 = arith.addf %dot_general3A_12, %add3A_16 : vector<256x384xf32>
    %reduce_max3A = arith.constant dense<0xFF800000> : vector<256xf32>
    %reduce_max3A_18 = vector.multi_reduction <maximumf>, %add3A_17, %reduce_max3A [1] : vector<256x384xf32> to vector<256xf32>
    %broadcast_in_dim3A = vector.shape_cast %reduce_max3A_18 : vector<256xf32> to vector<256x1xf32>
    %sub3A = vector.broadcast %broadcast_in_dim3A : vector<256x1xf32> to vector<256x384xf32>
    %sub3A_19 = arith.subf %add3A_17, %sub3A : vector<256x384xf32>
    %exp3A = math.exp %sub3A_19 : vector<256x384xf32>
    %get3A_20 = arith.constant 0 : index
    %get3A_21 = arith.constant 0 : index
    %get3A_22 = vector.load %arg4[%get3A_20, %get3A_21] : memref<384x8xf32, #tpu.memory_space<vmem>>, vector<384x8xf32>
    %dot_general3A_23 = arith.constant dense<0.000000e+00> : vector<256x8xf32>
    %dot_general3A_24 = tpu.matmul %exp3A, %get3A_22, %dot_general3A_23 {dimension_numbers = #tpu.dot_dimension_numbers<[1], [0], [0], [1], [0, 0, 1, 1], [], []>, transpose_lhs_hint = false} : vector<256x384xf32>, vector<384x8xf32>, vector<256x8xf32> -> vector<256x8xf32>
    %log3A = math.log %dot_general3A_24 : vector<256x8xf32>
    %sub3A_25 = vector.broadcast %broadcast_in_dim3A : vector<256x1xf32> to vector<256x384xf32>
    %sub3A_26 = arith.subf %add3A_17, %sub3A_25 : vector<256x384xf32>
    %get3A_27 = arith.constant 0 : index
    %get3A_28 = arith.constant 0 : index
    %get3A_29 = vector.load %arg5[%get3A_27, %get3A_28] : memref<8x384xf32, #tpu.memory_space<vmem>>, vector<8x384xf32>
    %dot_general3A_30 = arith.constant dense<0.000000e+00> : vector<256x384xf32>
    %dot_general3A_31 = tpu.matmul %log3A, %get3A_29, %dot_general3A_30 {dimension_numbers = #tpu.dot_dimension_numbers<[1], [0], [0], [1], [0, 0, 1, 1], [], []>, transpose_lhs_hint = false} : vector<256x8xf32>, vector<8x384xf32>, vector<256x384xf32> -> vector<256x384xf32>
    %sub3A_32 = arith.subf %sub3A_26, %dot_general3A_31 : vector<256x384xf32>
    %swap3A = arith.constant 0 : index
    %swap3A_33 = arith.constant 0 : index
    %swap3A_34 = vector.load %arg6[%swap3A, %swap3A_33] : memref<256x384xf32, #tpu.memory_space<vmem>>, vector<256x384xf32>
    tpu.vector_store %arg6[%swap3A, %swap3A_33], %sub3A_32 {strides = array<i32>} : memref<256x384xf32, #tpu.memory_space<vmem>>, vector<256x384xf32>,
    return
  }
  func.func @transform_0(%arg0: i32) -> (i32, i32, i32) {
    %c0_i32 = arith.constant 0 : i32
    %c0_i32_0 = arith.constant 0 : i32
    %c0_i32_1 = arith.constant 0 : i32
    return %c0_i32, %arg0, %c0_i32_0 : i32, i32, i32
  }
  func.func @transform_1(%arg0: i32) -> (i32, i32) {
    %c0_i32 = arith.constant 0 : i32
    %c0_i32_0 = arith.constant 0 : i32
    %c0_i32_1 = arith.constant 0 : i32
    return %c0_i32, %c0_i32_0 : i32, i32
  }
  func.func @transform_2(%arg0: i32) -> (i32, i32) {
    %c0_i32 = arith.constant 0 : i32
    %c0_i32_0 = arith.constant 0 : i32
    %c0_i32_1 = arith.constant 0 : i32
    return %c0_i32, %c0_i32_0 : i32, i32
  }
  func.func @transform_3(%arg0: i32) -> (i32, i32) {
    %c0_i32 = arith.constant 0 : i32
    %c0_i32_0 = arith.constant 0 : i32
    %c0_i32_1 = arith.constant 0 : i32
    return %c0_i32, %c0_i32_0 : i32, i32
  }
  func.func @transform_4(%arg0: i32) -> (i32, i32) {
    %c0_i32 = arith.constant 0 : i32
    %c0_i32_0 = arith.constant 0 : i32
    %c0_i32_1 = arith.constant 0 : i32
    return %c0_i32, %c0_i32_0 : i32, i32
  }
  func.func @transform_5(%arg0: i32) -> (i32, i32) {
    %c0_i32 = arith.constant 0 : i32
    %c0_i32_0 = arith.constant 0 : i32
    return %arg0, %c0_i32 : i32, i32
  }
}

</mosaic_0001>

<sc_bundles>
// kernel: kernel.11.cloned.1.call-start
scs
__scs_entry_jumppad:
0x0: {  	(pc) =	sbr.rel $0x88, $3  }
0x1: {  	(tag) =	ssettag $0x0;
	lr =	simm.s32 $0x1  }
0x2: {  	[smem:$0x3F9B] =	sst lr;
	_ =	strace $0xD0000000  }
0x3: {  	_ = 	snop  }
0x4: {  	_ = 	snop  }
0x5: {  	_ = 	snop  }
0x6: {  	_ = 	snop  }
0x7: {  	_ = 	snop  }
__scs_overlays_trampoline_lowered:
0x8: {  	[smem:$0x3FAA] =	sst s0  }
0x9: {  	[smem:$0x3FAB] =	sst s1  }
0xa: {  	[smem:$0x3FAC] =	sst s2  }
0xb: {  	[smem:$0x3FAD] =	sst s3  }
0xc: {  	[smem:$0x3FAE] =	sst s4  }
0xd: {  	[smem:$0x3FAF] =	sst s5  }
0xe: {  	[smem:$0x3FB0] =	sst s6  }
0xf: {  	[smem:$0x3FB1] =	sst s7  }
0x10: {  	[smem:$0x3FB2] =	sst s8  }
0x11: {  	[smem:$0x3FB3] =	sst s9;
	s0 =	simm.s32 @!p0 $0x0  }
0x12: {  	s1 =	sld [smem:$0x3F99];
	s0 =	simm.s32 @p0 $0x1  }
0x13: {  	[smem:$0x3FB4] =	sst s0;
	s0 =	simm.s32 @!p1 $0x0  }
0x14: {  	s2 =	sld [smem:$0x3F98];
	s0 =	simm.s32 @p1 $0x1  }
0x15: {  	[smem:$0x3FB5] =	sst s0;
	s0 =	simm.s32 @!p2 $0x0  }
0x16: {  	s3 =	sld [smem:$0x3FDB];
	s0 =	simm.s32 @p2 $0x1  }
0x17: {  	s4 =	simm.s32 $0x1BF5;
	[smem:$0x3FB7] =	sst s0  }
0x18: {  	s0 =	sld [smem:$0x3F9A];
	_ =	swait.ge [sflag:s4], $0x0  }
0x19: {  	s7 =	sld [smem:$0x3F9B]  }
0x1a: {  	s8 =	sadd.s32 $0xFFFFE003, lr  }
0x1b: {  	s9 =	sadd.s32 $0xFFFFFEF7, lr;
	s5 =	simm.s32 $0xFFFFFFFF;
	p2 =	slt.u32 s8, $0xFFFFF086  }
0x1c: {  	p1 =	slt.u32 s9, $0xF7A;
	s5 =	simm.s32 @!p2 $0x0  }
0x1d: {  	s5 =	simm.s32 @p1 $0x1;
	p0 =	seq.s32 s7, s2  }
0x1e: {  	s7 =	smul.u32 @!p0 $0xF7A, s2;
	p2 =	seq.s32 @!p0 s5, $0x0  }
0x1f: {  	s9 =	smul.u32 $0xF7A, s1;
	s8 =	simm.s32 @!p0 $0x1BF5;
	p2 =	por !p2, p0  }
0x20: {  	[sflag:s8] =	ssyncset.s32 @!p0 $0xFFFFF086;
	s6 =	sadd.s32 @!p0 s3, s7;
	s7 =	simm.s32 @!p0 $0x108  }
0x21: {  	s3 =	sadd.s32 s3, s9;
	s6 =	sadd.s32 @!p0 $0x88, s6;
	s7 =	simm.s32 @p2 $0x1082  }
0x22: {  	[simem:s7], [sflag:s8] =	dma.local @!p0 [hbm:s6], $0xF7A  }
0x23: {  	s9 =	sor.u32 $0xD0000000, s2;
	s6 =	simm.s32 $0x108;
	_ =	swait.ge @!p0 [sflag:s8], $0x0  }
0x24: {  	s3 =	sadd.s32 $0x88, s3;
	s6 =	simm.s32 @!p1 $0x1082;
	[sflag:s4] =	ssyncset.s32 $0xFFFFF086  }
0x25: {  	[simem:s6], [sflag:s4] =	dma.local [hbm:s3], $0xF7A  }
0x26: {  	[smem:$0x3F9B] =	sst s1;
	(tag) =	ssettag s2;
	_ =	strace s9  }
0x27: {  	s1 =	sld [smem:$0x3FAB]  }
0x28: {  	s2 =	sld [smem:$0x3FAC]  }
0x29: {  	s4 =	sld [smem:$0x3FAE]  }
0x2a: {  	p0 =	seq.s32 s5, $0x0;
	s5 =	sld [smem:$0x3FAF]  }
0x2b: {  	s6 =	sld [smem:$0x3FB0]  }
0x2c: {  	s7 =	sld [smem:$0x3FB1]  }
0x2d: {  	s3 =	simm.s32 $0x108;
	s8 =	sld [smem:$0x3FB2]  }
0x2e: {  	s3 =	simm.s32 @!p0 $0x1082;
	s9 =	sld [smem:$0x3FB3]  }
0x2f: {  	lr =	sadd.s32 s0, s3;
	s0 =	sld [smem:$0x3FAA]  }
0x30: {  	s3 =	sld [smem:$0x3FAD]  }
0x31: {  	[smem:$0x3FB6] =	sst s10  }
0x32: {  	s10 =	sld [smem:$0x3FB4];
	_ =	sdelay $0x3  }
0x33: {  	p0 =	seq.s32 s10, $0x1;
	s10 =	sld [smem:$0x3FB6];
	_ =	sdelay $0x3  }
0x34: {  	[smem:$0x3FB6] =	sst s10  }
0x35: {  	s10 =	sld [smem:$0x3FB5];
	_ =	sdelay $0x3  }
0x36: {  	p1 =	seq.s32 s10, $0x1;
	s10 =	sld [smem:$0x3FB6];
	_ =	sdelay $0x3  }
0x37: {  	[smem:$0x3FB6] =	sst s10  }
0x38: {  	s10 =	sld [smem:$0x3FB7]  }
0x39: {  	_ = 	snop;
	(pc) =	sbr.ind lr, $3  }
0x3a: {  	_ = 	snop  }
0x3b: {  	_ = 	snop  }
0x3c: {  	p2 =	seq.s32 s10, $0x1;
	s10 =	sld [smem:$0x3FB6]  }
0x3d: {  	_ =	shalt  }
0x3e: {  	_ =	shalt  }
0x3f: {  	_ =	shalt  }
0x40: {  	_ =	shalt  }
0x41: {  	_ =	shalt  }
0x42: {  	_ =	shalt  }
0x43: {  	_ =	shalt  }
0x44: {  	_ =	shalt  }
0x45: {  	_ =	shalt  }
0x46: {  	_ =	shalt  }
0x47: {  	_ =	shalt  }
0x48: {  	_ =	shalt  }
0x49: {  	_ =	shalt  }
0x4a: {  	_ =	shalt  }
0x4b: {  	_ =	shalt  }
0x4c: {  	_ =	shalt  }
0x4d: {  	_ =	shalt  }
0x4e: {  	_ =	shalt  }
0x4f: {  	_ =	shalt  }
0x50: {  	_ =	shalt  }
0x51: {  	_ =	shalt  }
0x52: {  	_ =	shalt  }
0x53: {  	_ =	shalt  }
0x54: {  	_ =	shalt  }
0x55: {  	_ =	shalt  }
0x56: {  	_ =	shalt  }
0x57: {  	_ =	shalt  }
0x58: {  	_ =	shalt  }
0x59: {  	_ =	shalt  }
0x5a: {  	_ =	shalt  }
0x5b: {  	_ =	shalt  }
0x5c: {  	_ =	shalt  }
0x5d: {  	_ =	shalt  }
0x5e: {  	_ =	shalt  }
0x5f: {  	_ =	shalt  }
0x60: {  	_ =	shalt  }
0x61: {  	_ =	shalt  }
0x62: {  	_ =	shalt  }
0x63: {  	_ =	shalt  }
0x64: {  	_ =	shalt  }
0x65: {  	_ =	shalt  }
0x66: {  	_ =	shalt  }
0x67: {  	_ =	shalt  }
0x68: {  	_ =	shalt  }
0x69: {  	_ =	shalt  }
0x6a: {  	_ =	shalt  }
0x6b: {  	_ =	shalt  }
0x6c: {  	_ =	shalt  }
0x6d: {  	_ =	shalt  }
0x6e: {  	_ =	shalt  }
0x6f: {  	_ =	shalt  }
0x70: {  	_ =	shalt  }
0x71: {  	_ =	shalt  }
0x72: {  	_ =	shalt  }
0x73: {  	_ =	shalt  }
0x74: {  	_ =	shalt  }
0x75: {  	_ =	shalt  }
0x76: {  	_ =	shalt  }
0x77: {  	_ =	shalt  }
0x78: {  	_ =	shalt  }
0x79: {  	_ =	shalt  }
0x7a: {  	_ =	shalt  }
0x7b: {  	_ =	shalt  }
0x7c: {  	_ =	shalt  }
0x7d: {  	_ =	shalt  }
0x7e: {  	_ =	shalt  }
0x7f: {  	_ =	shalt  }
0x80: {  	_ =	shalt  }
0x81: {  	_ =	shalt  }
0x82: {  	_ =	shalt  }
0x83: {  	_ =	shalt  }
0x84: {  	_ =	shalt  }
0x85: {  	_ =	shalt  }
0x86: {  	_ =	shalt  }
0x87: {  	_ =	shalt  }
.Lfunc_end0:
.L_simem_size_0:
called_computation.1_lowered:
.L_overlay_start_0:
0x88: {  	s2 =	sld [smem:$0x3FD9]  }
0x89: {  	s3 =	sld [smem:$0x3FFE];
	_ =	sdelay $0x1  }
0x8a: {  	s1 =	srdreg.scid  }
0x8b: {  	s0 =	sand.u32 $0x1, s1  }
0x8c: {  	s17 =	sshll.u32 s0, $0xA;
	s2 =	sadd.s32 s3, s2  }
0x8d: {  	s2 =	sadd.s32 s2, s17  }
0x8e: {  	[smem:$0x3FC2] =	sst s2  }
0x8f: {  	_ = 	snop  }
0x90: {  	s2 =	sld [smem:$0x3FD0];
	(tm) =	ssettm $0x1  }
0x91: {  	s18 =	sld [smem:$0x3FFB];
	_ =	sdelay $0x3  }
0x92: {  	_ =	strace s18  }
0x93: {  	s3 =	sld [smem:$0x3FFC];
	_ =	sdelay $0x3  }
0x94: {  	_ =	strace s3  }
0x95: {  	s3 =	sld [smem:$0x3FFD];
	_ =	sdelay $0x3  }
0x96: {  	_ =	strace s3  }
0x97: {  	_ =	strace $0x8FFFFFFF  }
0x98: {  	s19 =	sld [smem:$0x3FDB];
	_ =	sdelay $0x1  }
0x99: {  	s4 =	simm.s32 $_scs_section_size  }
0x9a: {  	s5 =	simm.s32 $_size__tile_overlayer_lowered;
	s6 =	simm.s32 $_tile_overlayer_lowered  }
0x9b: {  	s22 =	simm.s32 $0x1BFF;
	s21 =	sshll.u32 s6, $0x1;
	s3 =	sadd.s32 s4, s19  }
0x9c: {  	s7 =	simm.s32 $0x0;
	s20 =	sshll.u32 s5, $0x1;
	s5 =	sadd.s32 s21, s3  }
0x9d: {  	[timem:s7], [sflag:s22] =	dma.local [hbm:s5], s20  }
0x9e: {  	_ =	swait.ge [sflag:s22], s20  }
0x9f: {  	s4 =	ssub.s32 $0x0, s20;
	[sflag:s22] =	ssyncset.done $0x0  }
0xa0: {  	[sflag:s22] =	ssyncadd.s32 s4;
	_ =	sdelay $0x1  }
0xa1: {  	s23 =	simm.s32 $0x1B8B  }
0xa2: {  	_ =	swait.ge [sflag:s23], $0x1  }
0xa3: {  	[sflag:s23] =	ssyncset.done $0x0  }
0xa4: {  	s25 =	simm.s32 $0x1B8E;
	s24 =	sld [smem:$0x3FFE];
	[sflag:s23] =	ssyncadd.s32 $0xFFFFFFFF  }
0xa5: {  	s26 =	simm.s32 $execute0_lowered;
	[smem:$0x3FD2] =	sst s25  }
0xa6: {  	s5 =	sshll.u32 s26, $0x1;
	_ =	strace $0x80000049;
	[dreg:$0x1] =	wrdreg $0xFFFFFFFF  }
0xa7: {  	s28 =	simm.s32 $_size_execute0_lowered;
	s3 =	sadd.s32 s3, s5;
	[dreg:$0x0] =	wrdreg $0x0  }
0xa8: {  	s5 =	sshll.u32 s28, $0x1;
	[dreg:$0x2] =	wrdreg s3  }
0xa9: {  	[dreg:$0x3] =	wrdreg s5  }
0xaa: {  	[dreg:$0x4] =	wrdreg $0xC0  }
0xab: {  	_ =	task [dreg:s7], $0x5FFFF  }
0xac: {  	[dreg:$0x1] =	wrdreg $0xFFFFFFFF  }
0xad: {  	[dreg:$0x0] =	wrdreg $0x60  }
0xae: {  	[dreg:$0x2] =	wrdreg s2  }
0xaf: {  	[dreg:$0x3] =	wrdreg s24  }
0xb0: {  	[dreg:$0x4] =	wrdreg $0xC0000  }
0xb1: {  	[dreg:$0x5] =	wrdreg $0x98000  }
0xb2: {  	[dreg:$0x6] =	wrdreg $0x9  }
0xb3: {  	_ =	task.clear_ibuf [dreg:s7], $0x7FFFF;
	_ =	strace $0x90000049  }
0xb4: {  	s29 =	simm.s32 $0x9;
	_ =	strace $0x8000004B  }
0xb5: {  	_ =	swait.ge [sflag:s29], $0x1  }
0xb6: {  	[sflag:s29] =	ssyncadd.s32 $0xFFFFFFFF  }
0xb7: {  	_ =	strace $0x9000004B  }
0xb8: {  	_ =	sfence  }
0xb9: {  	s30 =	sld [smem:$0x0];
	_ =	sdelay $0x2  }
0xba: {  	s31 =	sshll.u32 s1, $0xD;
	s1 =	sshrl.u32 s1, $0x2  }
0xbb: {  	s3 =	sand.u32 $0x4000, s31;
	s1 =	sadd.s32 s1, s30  }
0xbc: {  	s0 =	sor.u32 s3, s0;
	s1 =	sshll.u32 s1, $0x11  }
0xbd: {  	s0 =	sor.u32 s1, s0  }
0xbe: {  	s0 =	sadd.s32 $0x8F2B, s0  }
0xbf: {  	[sflag:s0] =	ssyncadd.remote.s32 $0x1  }
0xc0: {  	_ =	sfence.sel $0xFFFF  }
0xc1: {  	[dreg:$0x0] =	wrdreg $0xFFFFFFFF;
	(pc) =	sbr.abs _section_cstart, $3  }
0xc2: {  	[dreg:$0x1] =	wrdreg $0xFFFFFFFF  }
0xc3: {  	_ =	task.clear_ibuf [dreg:s7], $0x2FFFF;
	_ =	strace $0x9FFFFFFF  }
0xc4: {  	(tm) =	ssettm $0x7FFFFFFF  }
0xc5: {  	_ =	shalt  }
tec
execute0_lowered:
.L_overlay_start_1:
0x0: {  	(tag) =	ssettag $0x1  }
0x1: {  	s0 =	rddreg [dreg:$0x0]  }
0x2: {  	s1 =	srdreg.scid;
	s5 =	rddreg [dreg:$0x1]  }
0x3: {  	s2 =	rddreg [dreg:$0x2];
	s6 =	stileid.u32  }
0x4: {  	s3 =	rddreg [dreg:$0x3];
	s18 =	simm.s32 $0x80;
	s28 =	simm.s32 $0x9  }
0x5: {  	s29 =	simm.s32 $0x1;
	s30 =	simm.s32 $0x2;
	s31 =	simm.s32 $0x6  }
0x6: {  	s17 =	simm.s32 $0x5800;
	s20 =	simm.s32 $0x6000;
	s19 =	simm.s32 $0x7  }
0x7: {  	s21 =	simm.s32 $0x8;
	s1 =	sand.u32 $0x1, s1;
	s11 =	smul.u32 $0x2800, s6  }
0x8: {  	s4 =	sshll.u32 s1, $0x4;
	s7 =	smul.u32 $0x28000, s1;
	s10 =	ssub.s32 $0x2, s1  }
0x9: {  	p0 =	sne.s32 s1, $0x0;
	s1 =	simm.s32 $0x5000;
	s6 =	sor.u32 s6, s4  }
0xa: {  	s4 =	simm.s32 $0x0;
	s8 =	sadd.s32 s11, s5;
	s23 =	sshrl.u32 s11, $0x3  }
0xb: {  	s24 =	sshrl.u32 s10, $0x1;
	s6 =	smul.u32 $0x2800, s6;
	[smem:$0x7FF] =	sst s4  }
0xc: {  	s22 =	sadd.s32 s11, s7;
	s15 =	ssub.s32 s10, s24;
	s8 =	sadd.s32 $0x16A00, s8  }
0xd: {  	s10 =	sadd.s32 s11, s2;
	s11 =	sadd.s32 s11, s3;
	s24 =	simm.s32 $0x4  }
0xe: {  	_ =	strace $0x8000004A;
	s15 =	smax.u32 s15, $0x1;
	s6 =	sshrl.u32 s6, $0x3  }
0xf: {  	s9 =	sadd.s32 s6, s5;
	s6 =	sshrl.u32 s22, $0x3;
	s22 =	simm.s32 $0x0  }
.Ltmp0:
0x10: {  	s14 =	sadd.s32 s6, s5;
	s25 =	sadd.s32 $0x2A00, s9;
	(pc) =	sbr.rel .LBB2_1-.Ltmp0, $4  }
0x11: {  	s5 =	sadd.s32 s23, s5;
	s26 =	sadd.s32 $0xCA00, s9;
	[dreg:$0x5] =	wrdreg s25  }
0x12: {  	s6 =	sadd.s32 s0, s23;
	s23 =	simm.s32 $0x3;
	[dreg:$0x6] =	wrdreg s26  }
0x13: {  	s9 =	sadd.s32 $0x5000, s6;
	s12 =	sadd.s32 $0x48A00, s5;
	s13 =	sadd.s32 $0x4DA00, s5  }
0x14: {  	v0 =	vimm.f32 $0.0e+00;
	s14 =	sadd.s32 $0x3EA00, s14;
	s25 =	simm.s32 $0x5;
	s26 =	simm.s32 $0x6800  }
.LBB2_8:
0x15: {  	_ =	swait.ge [sflag:s24], $0x800  }
0x16: {  	[sflag:s24] =	ssyncset.done $0x0  }
0x17: {  	[sflag:s24] =	ssyncadd.s32 $0xFFFFF800  }
0x18: {  	[spmem:s2] =	stream.indirect.scatter.add.f32 [tilespmem:s26], [sflag:$0x8], $0x10, s16, s18, $0xb8;
	[tilespmem:$0x18800] =	vst v63  }
0x19: {  	_ =	swait.ge [sflag:s25], $0x800  }
0x1a: {  	[sflag:s25] =	ssyncset.done $0x0  }
0x1b: {  	[sflag:s25] =	ssyncadd.s32 $0xFFFFF800  }
0x1c: {  	_ =	swait.ge [sflag:s31], $0x800  }
0x1d: {  	[sflag:s31] =	ssyncset.done $0x0  }
0x1e: {  	[sflag:s31] =	ssyncadd.s32 $0xFFFFF800  }
0x1f: {  	_ =	swait.ge [sflag:s19], $0x800  }
0x20: {  	[sflag:s19] =	ssyncset.done $0x0  }
0x21: {  	[sflag:s19] =	ssyncadd.s32 $0xFFFFF800  }
0x22: {  	s0 =	stileid.u32;
	_ =	swait.ge [sflag:s21], $0x800  }
0x23: {  	s5 =	sshrl.u32 s10, $0x3;
	s22 =	sadd.s32 $0x1, s22;
	[sflag:s21] =	ssyncset.done $0x0  }
0x24: {  	s0 =	sshll.u32 s0, $0x6;
	p1 =	sne.s32 s22, s15;
	[sflag:s21] =	ssyncadd.s32 $0xFFFFF800  }
.Ltmp1:
0x25: {  	s0 =	sor.u32 $0x1C09, s0;
	[bflag:$0x0] =	sbarrier.arrive $0xFFFF;
	(pc) =	sbr.rel @!p1 .LBB2_9-.Ltmp1, $4  }
0x26: {  	[hbm:s14], [sflag:s0] =	dma.local [spmem:s5], $0x500  }
0x27: {  	_ =	swait.ge [sflag:s28], $0x500  }
0x28: {  	[sflag:s28] =	ssyncset.done $0x0  }
0x29: {  	[sflag:s28] =	ssyncadd.s32 $0xFFFFFB00  }
.LBB2_1:
0x2a: {  	s0 =	rddreg [dreg:$0x5]  }
0x2b: {  	[tilespmem:s4], [sflag:$0x1] =	stream.linear.gather [hbm4b:s0+s4], $0x2800, $0x38;
	[tilespmem:$0x18800] =	vst v63  }
0x2c: {  	s16 =	rddreg [dreg:$0x6];
	s5 =	simm.s32 $0x2800  }
0x2d: {  	[tilespmem:s5], [sflag:$0x2] =	stream.linear.gather [hbm4b:s16+s4], $0x2800, $0x38;
	[tilespmem:$0x18800] =	vst v63  }
0x2e: {  	s7 =	simm.s32 $0x10;
	s16 =	simm.s32 $0xE800  }
0x2f: {  	[tilespmem:s16], [sflag:$0x3] =	stream.strided.gather [hbm4b:s8+s7], $0x2800, s18, s7, $0x38;
	[tilespmem:$0x18800] =	vst v63  }
0x30: {  	s7 =	simm.s32 $0x11000  }
0x31: {  	[tilespmem:s7], [sflag:$0x4] =	stream.linear.gather [hbm4b:s6+s4], $0x2800, $0x38;
	[tilespmem:$0x18800] =	vst v63  }
0x32: {  	s0 =	simm.s32 $0x7040;
	s16 =	simm.s32 $0x13800  }
0x33: {  	[tilespmem:s16], [sflag:$0x5] =	stream.linear.gather [hbm4b:s9+s4], $0x2800, $0x38;
	[tilespmem:$0x18800] =	vst v63  }
0x34: {  	[tilespmem:s0+$0xFFFFFFC0] =	vst v0  }
0x35: {  	[tilespmem:s0+$0x30] =	vst v0  }
0x36: {  	[tilespmem:s0+$0x20] =	vst v0  }
0x37: {  	[tilespmem:s0+$0x10] =	vst v0  }
0x38: {  	[tilespmem:s0+$0x0] =	vst v0  }
0x39: {  	[tilespmem:s0+$0xFFFFFFF0] =	vst v0  }
0x3a: {  	s5 =	simm.s32 $0x0;
	[tilespmem:s0+$0xFFFFFFE0] =	vst v0  }
.LBB2_2:
0x3b: {  	s5 =	sadd.s32 $0x8, s5;
	[tilespmem:s0+$0xFFFFFFD0] =	vst v0;
	s0 =	sadd.s32 $0x80, s0  }
0x3c: {  	[tilespmem:s0+$0xFFFFFFC0] =	vst v0;
	p1 =	slt.u32 s5, $0x278  }
0x3d: {  	[tilespmem:s0+$0x30] =	vst v0  }
.Ltmp2:
0x3e: {  	[tilespmem:s0+$0x20] =	vst v0;
	(pc) =	sbr.rel @p1 .LBB2_2-.Ltmp2, $4  }
0x3f: {  	[tilespmem:s0+$0x10] =	vst v0  }
0x40: {  	[tilespmem:s0+$0x0] =	vst v0  }
0x41: {  	[tilespmem:s0+$0xFFFFFFF0] =	vst v0  }
0x42: {  	[tilespmem:s0+$0xFFFFFFE0] =	vst v0  }
0x43: {  	[tilespmem:s0+$0xFFFFFFD0] =	vst v0;
	s16 =	simm.s32 $0x7000  }
0x44: {  	[spmem:s10] =	stream.linear.scatter [tilespmem:s16], [sflag:$0x6], $0x2800, $0x38;
	[tilespmem:$0x18800] =	vst v63  }
0x45: {  	_ =	swait.ge [sflag:s23], $0x2800  }
0x46: {  	[sflag:s23] =	ssyncset.done $0x0  }
0x47: {  	[sflag:s23] =	ssyncadd.s32 $0xFFFFD800  }
0x48: {  	_ =	swait.ge [sflag:s24], $0x2800  }
0x49: {  	[sflag:s24] =	ssyncset.done $0x0  }
0x4a: {  	[sflag:s24] =	ssyncadd.s32 $0xFFFFD800  }
0x4b: {  	_ =	swait.ge [sflag:s25], $0x2800  }
0x4c: {  	[sflag:s25] =	ssyncset.done $0x0  }
0x4d: {  	s0 =	simm.s32 $0x0;
	[sflag:s25] =	ssyncadd.s32 $0xFFFFD800  }
0x4e: {  	v1 =	vld [tilespmem:s0+$0x11070]  }
0x4f: {  	v2 =	vld [tilespmem:s0+$0x11000]  }
0x50: {  	v4 =	vld [tilespmem:s0+$0x11010]  }
0x51: {  	v3 =	vld [tilespmem:s0+$0x13800]  }
0x52: {  	v6 =	vld [tilespmem:s0+$0x13860]  }
0x53: {  	v7 =	vld [tilespmem:s0+$0x11060]  }
0x54: {  	v8 =	vld [tilespmem:s0+$0x13870]  }
0x55: {  	v10 =	vld [tilespmem:s0+$0x13810]  }
0x56: {  	v5 =	vld [tilespmem:s0+$0x11020];
	v2 =	vadd.f32 v3, v2  }
0x57: {  	v9 =	vld [tilespmem:s0+$0x11050]  }
0x58: {  	v3 =	vld [tilespmem:s0+$0x13830];
	v2 =	vadd.f32 $1.000000000e+00, v2  }
0x59: {  	v6 =	vadd.f32 v6, v7;
	v7 =	vld [tilespmem:s0+$0x11030];
	v1 =	vadd.f32 v8, v1  }
0x5a: {  	v4 =	vadd.f32 v10, v4;
	v11 =	vshra.s32 v2, $0x1;
	v12 =	vmul.f32 $5.000000000e-01, v2;
	v2 =	vld [tilespmem:s0+$0x13850]  }
0x5b: {  	v14 =	vld [tilespmem:s0+$0x11040];
	v6 =	vadd.f32 $1.000000000e+00, v6;
	v1 =	vadd.f32 $1.000000000e+00, v1;
	v8 =	vsub.s32 $0x5F3759DF, v11  }
0x5c: {  	v4 =	vadd.f32 $1.000000000e+00, v4;
	v11 =	vld [tilespmem:s0+$0x13820];
	v13 =	vmul.f32 v8, v12  }
0x5d: {  	v15 =	vld [tilespmem:s0+$0x13840];
	v16 =	vshra.s32 v6, $0x1;
	v17 =	vmul.f32 $5.000000000e-01, v6;
	v6 =	vshra.s32 v1, $0x1  }
0x5e: {  	v18 =	vshra.s32 v4, $0x1;
	v7 =	vadd.f32 v3, v7;
	v13 =	vmul.f32 v8, v13  }
0x5f: {  	v3 =	vmul.f32 $5.000000000e-01, v1;
	v1 =	vadd.f32 v2, v9;
	v9 =	vsub.s32 $0x5F3759DF, v16  }
0x60: {  	v16 =	vsub.s32 $0x5F3759DF, v6;
	v2 =	vsub.f32 $1.500000000e+00, v13;
	v6 =	vmul.f32 v9, v17  }
0x61: {  	v7 =	vadd.f32 $1.000000000e+00, v7;
	v5 =	vadd.f32 v11, v5;
	v10 =	vmul.f32 v16, v3  }
0x62: {  	v11 =	vadd.f32 v15, v14;
	v8 =	vmul.f32 v8, v2;
	v6 =	vmul.f32 v9, v6  }
0x63: {  	v15 =	vshra.s32 v7, $0x1;
	v13 =	vadd.f32 $1.000000000e+00, v1;
	v5 =	vadd.f32 $1.000000000e+00, v5  }
0x64: {  	v10 =	vmul.f32 v16, v10;
	v14 =	vmul.f32 v8, v12;
	v6 =	vsub.f32 $1.500000000e+00, v6  }
0x65: {  	v15 =	vsub.s32 $0x5F3759DF, v15;
	v2 =	vmul.f32 $5.000000000e-01, v13;
	v1 =	vmul.f32 $5.000000000e-01, v5  }
0x66: {  	v11 =	vadd.f32 $1.000000000e+00, v11;
	v14 =	vmul.f32 v14, v8;
	v9 =	vmul.f32 v9, v6  }
0x67: {  	v19 =	vshra.s32 v5, $0x1;
	v5 =	vmul.f32 $5.000000000e-01, v7;
	v6 =	vmul.f32 $5.000000000e-01, v4  }
0x68: {  	v7 =	vsub.s32 $0x5F3759DF, v18;
	v14 =	vsub.f32 $1.500000000e+00, v14;
	v4 =	vmul.f32 v9, v17  }
0x69: {  	v18 =	vshra.s32 v11, $0x1;
	v10 =	vsub.f32 $1.500000000e+00, v10;
	v20 =	vmul.f32 v7, v6  }
0x6a: {  	v21 =	vsub.s32 $0x5F3759DF, v18;
	v14 =	vmul.f32 v14, v8;
	v4 =	vmul.f32 v4, v9  }
0x6b: {  	v8 =	vsub.s32 $0x5F3759DF, v19;
	v18 =	vmul.f32 v7, v20;
	v19 =	vmul.f32 v15, v5  }
0x6c: {  	v20 =	vmul.f32 v8, v1;
	v12 =	vmul.f32 v14, v12;
	v22 =	vsub.f32 $1.500000000e+00, v4  }
0x6d: {  	v18 =	vsub.f32 $1.500000000e+00, v18;
	v19 =	vmul.f32 v15, v19;
	v4 =	vmul.f32 $5.000000000e-01, v11  }
0x6e: {  	v20 =	vmul.f32 v8, v20;
	v11 =	vmul.f32 v12, v14;
	v12 =	vshra.s32 v13, $0x1  }
0x6f: {  	v23 =	vmul.f32 v21, v4;
	v13 =	vmul.f32 v16, v10;
	v24 =	vsub.s32 $0x5F3759DF, v12  }
0x70: {  	v10 =	vmul.f32 v22, v9;
	v12 =	vmul.f32 v24, v2  }
0x71: {  	v9 =	vmul.f32 v7, v18;
	v7 =	vsub.f32 $1.500000000e+00, v19;
	v16 =	vmul.f32 v21, v23  }
0x72: {  	v11 =	vsub.f32 $1.500000000e+00, v11;
	v17 =	vmul.f32 v10, v17;
	v19 =	vmul.f32 v24, v12  }
0x73: {  	v12 =	vmul.f32 v15, v7;
	v7 =	vmul.f32 v13, v3  }
0x74: {  	v14 =	vmul.f32 v11, v14;
	v11 =	vmul.f32 v9, v6;
	v22 =	vsub.f32 $1.500000000e+00, v16  }
0x75: {  	v16 =	vld [tilespmem:s0+$0xE800];
	v18 =	vmul.f32 v12, v5;
	v23 =	vsub.f32 $1.500000000e+00, v19;
	v25 =	vmul.f32 v7, v13  }
0x76: {  	v15 =	vsub.f32 $1.500000000e+00, v20;
	v7 =	vmul.f32 v21, v22;
	v19 =	vmul.f32 v17, v10  }
0x77: {  	s5 =	simm.s32 $0x200;
	[tilespmem:s0+$0x13800] =	vst v14;
	v17 =	vmul.f32 v11, v9;
	v11 =	vmul.f32 v24, v23;
	v20 =	vsub.f32 $1.500000000e+00, v25  }
.LBB2_4:
0x78: {  	s16 =	sshra.s32 s5, $0x2;
	p1 =	sne.s32 s5, $0x9E00;
	s5 =	sadd.s32 $0x200, s5;
	v18 =	vmul.f32 v18, v12;
	v21 =	vmul.f32 v7, v4;
	v22 =	vld [tilespmem:s0+$0xE860]  }
0x79: {  	v8 =	vmul.f32 v8, v15;
	v15 =	vsub.f32 $1.500000000e+00, v19;
	v23 =	vld [tilespmem:s16+$0x11070];
	v13 =	vmul.f32 v20, v13  }
0x7a: {  	v19 =	vld [tilespmem:s16+$0x11000];
	v14 =	vmul.f32 v14, v16;
	v16 =	vsub.f32 $1.500000000e+00, v17;
	v17 =	vmul.f32 v11, v2  }
0x7b: {  	v20 =	vmul.f32 v8, v1;
	v18 =	vsub.f32 $1.500000000e+00, v18;
	v10 =	vmul.f32 v15, v10  }
0x7c: {  	v15 =	vld [tilespmem:s16+$0x11010];
	[tilespmem:s0+$0x16000] =	vst v14;
	v9 =	vmul.f32 v16, v9;
	v14 =	vmul.f32 v17, v11  }
0x7d: {  	v3 =	vmul.f32 v13, v3;
	v12 =	vmul.f32 v18, v12;
	v16 =	vld [tilespmem:s16+$0x13800];
	[tilespmem:s0+$0x13860] =	vst v10  }
0x7e: {  	v10 =	vmul.f32 v10, v22;
	v6 =	vmul.f32 v9, v6;
	v14 =	vsub.f32 $1.500000000e+00, v14  }
0x7f: {  	v18 =	vmul.f32 v20, v8;
	v5 =	vmul.f32 v12, v5;
	v17 =	vld [tilespmem:s16+$0x11020]  }
0x80: {  	v21 =	vmul.f32 v21, v7;
	v3 =	vmul.f32 v3, v13;
	v20 =	vld [tilespmem:s0+$0xE830];
	[tilespmem:s0+$0x16060] =	vst v10  }
0x81: {  	v10 =	vsub.f32 $1.500000000e+00, v18;
	v5 =	vmul.f32 v5, v12;
	v11 =	vmul.f32 v14, v11;
	v18 =	vld [tilespmem:s0+$0xE840]  }
0x82: {  	v21 =	vsub.f32 $1.500000000e+00, v21;
	v3 =	vsub.f32 $1.500000000e+00, v3;
	v6 =	vmul.f32 v6, v9;
	v14 =	vld [tilespmem:s16+$0x13860]  }
0x83: {  	v8 =	vmul.f32 v10, v8;
	v5 =	vsub.f32 $1.500000000e+00, v5;
	v2 =	vmul.f32 v11, v2;
	v10 =	vld [tilespmem:s0+$0xE850]  }
0x84: {  	v7 =	vmul.f32 v21, v7;
	v3 =	vmul.f32 v3, v13;
	v16 =	vadd.f32 v16, v19;
	v13 =	vld [tilespmem:s0+$0xE870]  }
0x85: {  	v6 =	vsub.f32 $1.500000000e+00, v6;
	v1 =	vmul.f32 v8, v1;
	v5 =	vmul.f32 v5, v12;
	v19 =	vld [tilespmem:s0+$0xE810]  }
0x86: {  	v4 =	vmul.f32 v7, v4;
	v2 =	vmul.f32 v2, v11;
	v12 =	vld [tilespmem:s16+$0x11060];
	[tilespmem:s0+$0x13870] =	vst v3  }
0x87: {  	v1 =	vmul.f32 v1, v8;
	v21 =	vld [tilespmem:s16+$0x13870];
	[tilespmem:s0+$0x13830] =	vst v5;
	v5 =	vmul.f32 v5, v20  }
0x88: {  	v4 =	vmul.f32 v4, v7;
	v6 =	vmul.f32 v6, v9;
	v2 =	vsub.f32 $1.500000000e+00, v2;
	v9 =	vld [tilespmem:s0+$0xE820]  }
0x89: {  	v16 =	vadd.f32 $1.000000000e+00, v16;
	v1 =	vsub.f32 $1.500000000e+00, v1;
	v20 =	vld [tilespmem:s16+$0x11050];
	[tilespmem:s0+$0x16030] =	vst v5;
	v3 =	vmul.f32 v3, v13  }
0x8a: {  	v4 =	vsub.f32 $1.500000000e+00, v4;
	v2 =	vmul.f32 v2, v11;
	v5 =	vld [tilespmem:s16+$0x13830];
	[tilespmem:s0+$0x13810] =	vst v6;
	v6 =	vmul.f32 v6, v19  }
0x8b: {  	v11 =	vshra.s32 v16, $0x1;
	v1 =	vmul.f32 v1, v8;
	v13 =	vld [tilespmem:s16+$0x13810];
	v12 =	vadd.f32 v14, v12;
	[tilespmem:s0+$0x16070] =	vst v3  }
0x8c: {  	v8 =	vsub.s32 $0x5F3759DF, v11;
	v3 =	vld [tilespmem:s16+$0x11030];
	v11 =	vadd.f32 v21, v23;
	[tilespmem:s0+$0x13850] =	vst v2;
	v2 =	vmul.f32 v2, v10  }
0x8d: {  	v4 =	vmul.f32 v4, v7;
	v10 =	vmul.f32 $5.000000000e-01, v16;
	v14 =	vld [tilespmem:s16+$0x13850];
	[tilespmem:s0+$0x13820] =	vst v1  }
0x8e: {  	v12 =	vadd.f32 $1.000000000e+00, v12;
	v1 =	vmul.f32 v1, v9;
	v7 =	vld [tilespmem:s16+$0x13820];
	v11 =	vadd.f32 $1.000000000e+00, v11;
	[tilespmem:s0+$0x16050] =	vst v2  }
0x8f: {  	v2 =	vmul.f32 v8, v10;
	v9 =	vld [tilespmem:s16+$0x11040];
	[tilespmem:s0+$0x13840] =	vst v4;
	v4 =	vmul.f32 v4, v18  }
0x90: {  	v18 =	vshra.s32 v12, $0x1;
	v12 =	vmul.f32 $5.000000000e-01, v12;
	v16 =	vld [tilespmem:s16+$0x13840];
	v19 =	vshra.s32 v11, $0x1;
	[tilespmem:s0+$0x16020] =	vst v1  }
0x91: {  	v1 =	vmul.f32 v8, v2;
	v2 =	vadd.f32 v5, v3;
	v3 =	vmul.f32 $5.000000000e-01, v11;
	[tilespmem:s0+$0x16040] =	vst v4  }
0x92: {  	v5 =	vsub.s32 $0x5F3759DF, v18;
	v11 =	vsub.s32 $0x5F3759DF, v19;
	v4 =	vadd.f32 v14, v20;
	[tilespmem:s0+$0x16010] =	vst v6;
	s0 =	smov.u32 s16  }
0x93: {  	v1 =	vsub.f32 $1.500000000e+00, v1;
	v6 =	vadd.f32 v7, v17;
	v7 =	vmul.f32 v5, v12  }
0x94: {  	v13 =	vadd.f32 v13, v15;
	v14 =	vadd.f32 $1.000000000e+00, v2;
	v15 =	vmul.f32 v11, v3  }
0x95: {  	v8 =	vmul.f32 v8, v1;
	v9 =	vadd.f32 v16, v9;
	v16 =	vadd.f32 $1.000000000e+00, v4  }
0x96: {  	v4 =	vadd.f32 $1.000000000e+00, v13;
	v6 =	vadd.f32 $1.000000000e+00, v6;
	v7 =	vmul.f32 v5, v7  }
0x97: {  	v17 =	vshra.s32 v14, $0x1;
	v13 =	vmul.f32 v8, v10;
	v2 =	vmul.f32 $5.000000000e-01, v16  }
0x98: {  	v17 =	vsub.s32 $0x5F3759DF, v17;
	v1 =	vmul.f32 $5.000000000e-01, v6;
	v7 =	vsub.f32 $1.500000000e+00, v7  }
0x99: {  	v18 =	vshra.s32 v4, $0x1;
	v19 =	vshra.s32 v6, $0x1;
	v13 =	vmul.f32 v13, v8  }
0x9a: {  	v9 =	vadd.f32 $1.000000000e+00, v9;
	v18 =	vsub.s32 $0x5F3759DF, v18;
	v7 =	vmul.f32 v5, v7  }
0x9b: {  	v6 =	vmul.f32 $5.000000000e-01, v4;
	v5 =	vmul.f32 $5.000000000e-01, v14;
	v13 =	vsub.f32 $1.500000000e+00, v13  }
0x9c: {  	v15 =	vmul.f32 v11, v15;
	v4 =	vshra.s32 v9, $0x1;
	v14 =	vmul.f32 v7, v12  }
0x9d: {  	v21 =	vsub.s32 $0x5F3759DF, v4;
	v20 =	vmul.f32 v13, v8;
	v13 =	vmul.f32 v18, v6  }
0x9e: {  	v8 =	vsub.s32 $0x5F3759DF, v19;
	v4 =	vmul.f32 v14, v7;
	v14 =	vsub.f32 $1.500000000e+00, v15  }
0x9f: {  	v15 =	vmul.f32 v17, v5;
	v13 =	vmul.f32 v18, v13  }
0xa0: {  	v19 =	vmul.f32 v8, v1;
	v10 =	vmul.f32 v20, v10;
	v22 =	vsub.f32 $1.500000000e+00, v4  }
0xa1: {  	v15 =	vmul.f32 v17, v15;
	v4 =	vmul.f32 $5.000000000e-01, v9;
	v23 =	vsub.f32 $1.500000000e+00, v13  }
0xa2: {  	v19 =	vmul.f32 v8, v19;
	v9 =	vmul.f32 v10, v20;
	v10 =	vshra.s32 v16, $0x1  }
0xa3: {  	v13 =	vmul.f32 v11, v14;
	v16 =	vmul.f32 v21, v4;
	v24 =	vsub.s32 $0x5F3759DF, v10  }
0xa4: {  	v10 =	vmul.f32 v22, v7;
	v11 =	vsub.f32 $1.500000000e+00, v9;
	v14 =	vmul.f32 v24, v2  }
0xa5: {  	v7 =	vsub.f32 $1.500000000e+00, v15;
	v9 =	vmul.f32 v18, v23;
	v16 =	vmul.f32 v21, v16  }
0xa6: {  	v15 =	vsub.f32 $1.500000000e+00, v19;
	v22 =	vmul.f32 v10, v12;
	v19 =	vmul.f32 v24, v14  }
.Ltmp3:
0xa7: {  	v12 =	vmul.f32 v17, v7;
	v7 =	vmul.f32 v13, v3;
	(pc) =	sbr.rel @p1 .LBB2_4-.Ltmp3, $4  }
0xa8: {  	v14 =	vmul.f32 v11, v20;
	v11 =	vmul.f32 v9, v6;
	v17 =	vsub.f32 $1.500000000e+00, v16  }
0xa9: {  	v18 =	vmul.f32 v12, v5;
	v23 =	vmul.f32 v7, v13;
	v20 =	vsub.f32 $1.500000000e+00, v19;
	v16 =	vld [tilespmem:s0+$0xE800]  }
0xaa: {  	v19 =	vmul.f32 v22, v10;
	v7 =	vmul.f32 v21, v17;
	[tilespmem:s0+$0x13800] =	vst v14  }
0xab: {  	v17 =	vmul.f32 v11, v9;
	v11 =	vmul.f32 v24, v20;
	v20 =	vsub.f32 $1.500000000e+00, v23  }
0xac: {  	v18 =	vmul.f32 v18, v12  }
0xad: {  	v21 =	vmul.f32 v7, v4;
	v8 =	vmul.f32 v8, v15  }
0xae: {  	v44 =	vsub.f32 $1.500000000e+00, v19;
	v13 =	vmul.f32 v20, v13;
	v46 =	vmul.f32 v11, v2  }
0xaf: {  	v22 =	vld [tilespmem:s0+$0xE860];
	v45 =	vsub.f32 $1.500000000e+00, v17;
	v14 =	vmul.f32 v14, v16;
	v47 =	vmul.f32 v8, v1  }
0xb0: {  	v18 =	vsub.f32 $1.500000000e+00, v18;
	v10 =	vmul.f32 v44, v10;
	v54 =	vmul.f32 v21, v7  }
0xb1: {  	v9 =	vmul.f32 v45, v9;
	v48 =	vmul.f32 v46, v11  }
0xb2: {  	v3 =	vmul.f32 v13, v3;
	v49 =	vmul.f32 v18, v12  }
0xb3: {  	v52 =	vmul.f32 v47, v8;
	v57 =	vsub.f32 $1.500000000e+00, v54;
	v6 =	vmul.f32 v9, v6  }
0xb4: {  	v50 =	vmul.f32 v10, v22;
	v51 =	vsub.f32 $1.500000000e+00, v48;
	v3 =	vmul.f32 v3, v13  }
0xb5: {  	v5 =	vmul.f32 v49, v5;
	v55 =	vsub.f32 $1.500000000e+00, v52;
	v59 =	vmul.f32 v57, v7  }
0xb6: {  	[tilespmem:s0+$0x13860] =	vst v10;
	v10 =	vmul.f32 v51, v11;
	v6 =	vmul.f32 v6, v9  }
0xb7: {  	v60 =	vld [tilespmem:s0+$0xE870];
	v3 =	vsub.f32 $1.500000000e+00, v3;
	v5 =	vmul.f32 v5, v49;
	v8 =	vmul.f32 v55, v8  }
0xb8: {  	v53 =	vld [tilespmem:s0+$0xE830];
	v62 =	vmul.f32 v59, v4;
	v2 =	vmul.f32 v10, v2;
	v6 =	vsub.f32 $1.500000000e+00, v6  }
0xb9: {  	[tilespmem:s0+$0x16000] =	vst v14;
	v3 =	vmul.f32 v3, v13;
	v5 =	vsub.f32 $1.500000000e+00, v5;
	v1 =	vmul.f32 v8, v1  }
0xba: {  	[tilespmem:s0+$0x16060] =	vst v50;
	v4 =	vmul.f32 v62, v59;
	v6 =	vmul.f32 v6, v9  }
0xbb: {  	v2 =	vmul.f32 v2, v10;
	[tilespmem:s0+$0x13870] =	vst v3;
	v5 =	vmul.f32 v5, v49  }
0xbc: {  	v58 =	vld [tilespmem:s0+$0xE850];
	v3 =	vmul.f32 v3, v60;
	v1 =	vmul.f32 v1, v8;
	v4 =	vsub.f32 $1.500000000e+00, v4;
	[tilespmem:s0+$0x13810] =	vst v6  }
0xbd: {  	v63 =	vld [tilespmem:s0+$0xE820];
	v2 =	vsub.f32 $1.500000000e+00, v2;
	[tilespmem:s0+$0x13830] =	vst v5;
	v5 =	vmul.f32 v5, v53  }
0xbe: {  	v56 =	vld [tilespmem:s0+$0xE840];
	[tilespmem:s0+$0x16070] =	vst v3;
	v1 =	vsub.f32 $1.500000000e+00, v1;
	v3 =	vmul.f32 v4, v59  }
0xbf: {  	v61 =	vld [tilespmem:s0+$0xE810];
	v2 =	vmul.f32 v2, v10;
	[tilespmem:s0+$0x16030] =	vst v5  }
0xc0: {  	v1 =	vmul.f32 v1, v8;
	[tilespmem:s0+$0x13840] =	vst v3  }
0xc1: {  	[tilespmem:s0+$0x13850] =	vst v2;
	v2 =	vmul.f32 v2, v58  }
0xc2: {  	[tilespmem:s0+$0x13820] =	vst v1;
	v1 =	vmul.f32 v1, v63  }
0xc3: {  	[tilespmem:s0+$0x16050] =	vst v2;
	v2 =	vmul.f32 v3, v56  }
0xc4: {  	v3 =	vmul.f32 v6, v61;
	[tilespmem:s0+$0x16020] =	vst v1  }
0xc5: {  	[tilespmem:s0+$0x16040] =	vst v2  }
0xc6: {  	s5 =	simm.s32 $0x16000;
	[tilespmem:s0+$0x16010] =	vst v3  }
0xc7: {  	[spmem:s11] =	stream.linear.scatter [tilespmem:s5], [sflag:$0x9], $0x2800, $0x38;
	[tilespmem:$0x18800] =	vst v63  }
0xc8: {  	_ =	swait.ge [sflag:s28], $0x2800  }
0xc9: {  	[sflag:s28] =	ssyncset.done $0x0  }
0xca: {  	s0 =	simm.s32 @!p0 $0x0;
	s5 =	simm.s32 @!p0 $0x16000;
	[sflag:s28] =	ssyncadd.s32 $0xFFFFD800  }
0xcb: {  	[hbm4b:s12+s0] =	stream.linear.scatter @!p0 [tilespmem:s5], [sflag:$0x9], $0x2800, $0x38;
	[tilespmem:$0x18800] =	vst v63  }
0xcc: {  	s5 =	simm.s32 @!p0 $0x9  }
0xcd: {  	_ =	swait.ge @!p0 [sflag:s5], $0x2800  }
0xce: {  	[sflag:s5] =	ssyncset.done @!p0 $0x0  }
0xcf: {  	s16 =	simm.s32 @!p0 $0x13800;
	[sflag:s5] =	ssyncadd.s32 @!p0 $0xFFFFD800  }
0xd0: {  	[hbm4b:s13+s0] =	stream.linear.scatter @!p0 [tilespmem:s16], [sflag:$0x9], $0x2800, $0x38;
	[tilespmem:$0x18800] =	vst v63  }
0xd1: {  	_ =	swait.ge @!p0 [sflag:s5], $0x2800  }
0xd2: {  	[sflag:s5] =	ssyncset.done @!p0 $0x0  }
0xd3: {  	[sflag:s5] =	ssyncadd.s32 @!p0 $0xFFFFD800  }
0xd4: {  	_ =	swait.ge [sflag:s29], $0x2800  }
0xd5: {  	[sflag:s29] =	ssyncset.done $0x0  }
0xd6: {  	[sflag:s29] =	ssyncadd.s32 $0xFFFFD800  }
0xd7: {  	_ =	swait.ge [sflag:s30], $0x2800  }
0xd8: {  	[sflag:s30] =	ssyncset.done $0x0  }
0xd9: {  	[sflag:s30] =	ssyncadd.s32 $0xFFFFD800  }
0xda: {  	_ =	swait.ge [sflag:s31], $0x2800  }
0xdb: {  	[sflag:s31] =	ssyncset.done $0x0  }
0xdc: {  	[sflag:s31] =	ssyncadd.s32 $0xFFFFD800  }
0xdd: {  	s0 =	simm.s32 $0x0;
	[bflag:$0x0] =	sbarrier.arrive $0xFFFF  }
0xde: {  	[tilespmem:s1], [sflag:$0x1] =	stream.indirect.gather [spmem:s3], $0x10, s0, s18, $0xb8;
	[tilespmem:$0x18800] =	vst v63  }
0xdf: {  	_ = 	snop  }
0xe0: {  	[tilespmem:s17], [sflag:$0x2] =	stream.indirect.gather [spmem:s3], $0x10, s18, s18, $0xb8;
	[tilespmem:$0x18800] =	vst v63  }
0xe1: {  	_ =	swait.ge [sflag:s29], $0x800  }
0xe2: {  	[sflag:s29] =	ssyncset.done $0x0  }
0xe3: {  	s7 =	simm.s32 $0x2800;
	[sflag:s29] =	ssyncadd.s32 $0xFFFFF800  }
0xe4: {  	[spmem:s2] =	stream.indirect.scatter.add.f32 [tilespmem:s1], [sflag:$0x5], $0x10, s7, s18, $0xb8;
	[tilespmem:$0x18800] =	vst v63  }
0xe5: {  	s16 =	simm.s32 $0x100  }
0xe6: {  	[tilespmem:s20], [sflag:$0x3] =	stream.indirect.gather [spmem:s3], $0x10, s16, s18, $0xb8;
	[tilespmem:$0x18800] =	vst v63  }
0xe7: {  	_ =	swait.ge [sflag:s30], $0x800  }
0xe8: {  	[sflag:s30] =	ssyncset.done $0x0  }
0xe9: {  	s7 =	simm.s32 $0x2880;
	[sflag:s30] =	ssyncadd.s32 $0xFFFFF800  }
0xea: {  	[spmem:s2] =	stream.indirect.scatter.add.f32 [tilespmem:s17], [sflag:$0x6], $0x10, s7, s18, $0xb8;
	[tilespmem:$0x18800] =	vst v63  }
0xeb: {  	s16 =	simm.s32 $0x180  }
0xec: {  	[tilespmem:s26], [sflag:$0x4] =	stream.indirect.gather [spmem:s3], $0x10, s16, s18, $0xb8;
	[tilespmem:$0x18800] =	vst v63  }
0xed: {  	_ =	swait.ge [sflag:s23], $0x800  }
0xee: {  	[sflag:s23] =	ssyncset.done $0x0  }
0xef: {  	s7 =	simm.s32 $0x2900;
	[sflag:s23] =	ssyncadd.s32 $0xFFFFF800  }
0xf0: {  	[spmem:s2] =	stream.indirect.scatter.add.f32 [tilespmem:s20], [sflag:$0x7], $0x10, s7, s18, $0xb8;
	[tilespmem:$0x18800] =	vst v63  }
0xf1: {  	_ =	swait.ge [sflag:s25], $0x800  }
0xf2: {  	[sflag:s25] =	ssyncset.done $0x0  }
0xf3: {  	s16 =	simm.s32 $0x200;
	[sflag:s25] =	ssyncadd.s32 $0xFFFFF800  }
0xf4: {  	[tilespmem:s1], [sflag:$0x1] =	stream.indirect.gather [spmem:s3], $0x10, s16, s18, $0xb8;
	[tilespmem:$0x18800] =	vst v63  }
0xf5: {  	_ =	swait.ge [sflag:s24], $0x800  }
0xf6: {  	[sflag:s24] =	ssyncset.done $0x0  }
0xf7: {  	s7 =	simm.s32 $0x2980;
	[sflag:s24] =	ssyncadd.s32 $0xFFFFF800  }
0xf8: {  	[spmem:s2] =	stream.indirect.scatter.add.f32 [tilespmem:s26], [sflag:$0x8], $0x10, s7, s18, $0xb8;
	[tilespmem:$0x18800] =	vst v63  }
0xf9: {  	_ =	swait.ge [sflag:s31], $0x800  }
0xfa: {  	[sflag:s31] =	ssyncset.done $0x0  }
0xfb: {  	s16 =	simm.s32 $0x280;
	[sflag:s31] =	ssyncadd.s32 $0xFFFFF800  }
0xfc: {  	[tilespmem:s17], [sflag:$0x2] =	stream.indirect.gather [spmem:s3], $0x10, s16, s18, $0xb8;
	[tilespmem:$0x18800] =	vst v63  }
.LBB2_6:
0xfd: {  	_ =	swait.ge [sflag:s29], $0x800  }
0xfe: {  	s5 =	sshra.s32 s0, $0x2;
	[sflag:s29] =	ssyncset.done $0x0  }
0xff: {  	s16 =	sadd.s32 $0x2A00, s5;
	[sflag:s29] =	ssyncadd.s32 $0xFFFFF800  }
0x100: {  	[spmem:s2] =	stream.indirect.scatter.add.f32 [tilespmem:s1], [sflag:$0x5], $0x10, s16, s18, $0xb8;
	[tilespmem:$0x18800] =	vst v63  }
0x101: {  	_ =	swait.ge [sflag:s19], $0x800  }
0x102: {  	[sflag:s19] =	ssyncset.done $0x0  }
0x103: {  	s7 =	sadd.s32 $0x300, s5;
	[sflag:s19] =	ssyncadd.s32 $0xFFFFF800  }
0x104: {  	[tilespmem:s20], [sflag:$0x3] =	stream.indirect.gather [spmem:s3], $0x10, s7, s18, $0xb8;
	[tilespmem:$0x18800] =	vst v63  }
0x105: {  	_ =	swait.ge [sflag:s30], $0x800  }
0x106: {  	[sflag:s30] =	ssyncset.done $0x0  }
0x107: {  	s7 =	sadd.s32 $0x2A80, s5;
	[sflag:s30] =	ssyncadd.s32 $0xFFFFF800  }
0x108: {  	[spmem:s2] =	stream.indirect.scatter.add.f32 [tilespmem:s17], [sflag:$0x6], $0x10, s7, s18, $0xb8;
	[tilespmem:$0x18800] =	vst v63  }
0x109: {  	_ =	swait.ge [sflag:s21], $0x800  }
0x10a: {  	[sflag:s21] =	ssyncset.done $0x0  }
0x10b: {  	p1 =	seq.s32 s0, $0x9000;
	s7 =	sadd.s32 $0x380, s5;
	[sflag:s21] =	ssyncadd.s32 $0xFFFFF800  }
0x10c: {  	[tilespmem:s26], [sflag:$0x4] =	stream.indirect.gather [spmem:s3], $0x10, s7, s18, $0xb8;
	[tilespmem:$0x18800] =	vst v63  }
.Ltmp4:
0x10d: {  	_ = 	snop;
	(pc) =	sbr.rel @p1 .LBB2_8-.Ltmp4, $4  }
0x10e: {  	_ =	swait.ge [sflag:s23], $0x800  }
0x10f: {  	[sflag:s23] =	ssyncset.done $0x0  }
0x110: {  	s16 =	sadd.s32 $0x2B80, s5;
	s7 =	sadd.s32 $0x2B00, s5;
	[sflag:s23] =	ssyncadd.s32 $0xFFFFF800  }
0x111: {  	[spmem:s2] =	stream.indirect.scatter.add.f32 [tilespmem:s20], [sflag:$0x7], $0x10, s7, s18, $0xb8;
	[tilespmem:$0x18800] =	vst v63  }
0x112: {  	_ =	swait.ge [sflag:s25], $0x800  }
0x113: {  	[sflag:s25] =	ssyncset.done $0x0  }
0x114: {  	s7 =	sadd.s32 $0x400, s5;
	[sflag:s25] =	ssyncadd.s32 $0xFFFFF800  }
0x115: {  	[tilespmem:s1], [sflag:$0x1] =	stream.indirect.gather [spmem:s3], $0x10, s7, s18, $0xb8;
	[tilespmem:$0x18800] =	vst v63  }
0x116: {  	_ =	swait.ge [sflag:s24], $0x800  }
0x117: {  	[sflag:s24] =	ssyncset.done $0x0  }
0x118: {  	[sflag:s24] =	ssyncadd.s32 $0xFFFFF800  }
0x119: {  	[spmem:s2] =	stream.indirect.scatter.add.f32 [tilespmem:s26], [sflag:$0x8], $0x10, s16, s18, $0xb8;
	[tilespmem:$0x18800] =	vst v63  }
.Ltmp5:
0x11a: {  	_ = 	snop;
	(pc) =	sbr.rel .LBB2_6-.Ltmp5, $4  }
0x11b: {  	_ =	swait.ge [sflag:s31], $0x800  }
0x11c: {  	[sflag:s31] =	ssyncset.done $0x0  }
0x11d: {  	s0 =	sadd.s32 $0x800, s0;
	s16 =	sadd.s32 $0x480, s5;
	[sflag:s31] =	ssyncadd.s32 $0xFFFFF800  }
0x11e: {  	[tilespmem:s17], [sflag:$0x2] =	stream.indirect.gather [spmem:s3], $0x10, s16, s18, $0xb8;
	[tilespmem:$0x18800] =	vst v63  }
.LBB2_9:
0x11f: {  	_ =	sfence.sel $0x180000  }
0x120: {  	[bflag:$0x0] =	sbarrier.arrive $0xFFFF  }
0x121: {  	_ =	strace $0x9000004A  }
0x122: {  	s0 =	stileid.u32;
	[bflag:$0x2] =	sbarrier.arrive $0xFFFF  }
0x123: {  	p0 =	sne.s32 s0, $0x0;
	s0 =	rddreg [dreg:$0x4]  }
0x124: {  	s0 =	sadd.s32 @!p0 $0x100000, s0  }
0x125: {  	[sflag:s0] =	ssyncadd.tile.s32 @!p0 $0x1;
	_ =	shalt  }
.Lfunc_end2:
_tile_overlayer_lowered:
.L_overlay_start_2:
0x126: {  	(tag) =	ssettag $0x2  }
0x127: {  	s0 =	rddreg [dreg:$0x0];
	s2 =	stileid.u32  }
0x128: {  	s1 =	rddreg [dreg:$0x1];
	p0 =	sne.s32 s2, $0x0  }
0x129: {  	s3 =	rddreg [dreg:$0x2];
	[bflag:$0x3] =	sbarrier.arrive $0xFFFF;
	s2 =	simm.s32 @!p0 $0x1C09  }
0x12a: {  	[timem:s3], [sflag:s2] =	dma.local @!p0 [hbm:s0], s1  }
0x12b: {  	s0 =	simm.s32 @!p0 $0x9  }
0x12c: {  	_ =	swait.ge @!p0 [sflag:s0], s1  }
0x12d: {  	s1 =	ssub.s32 @!p0 $0x0, s1;
	[sflag:s0] =	ssyncset.done @!p0 $0x0  }
0x12e: {  	[sflag:s0] =	ssyncadd.s32 @!p0 s1  }
0x12f: {  	[bflag:$0x3] =	sbarrier.arrive $0xFFFF  }
0x130: {  	_ =	shalt  }

// kernel: kernel.14.cloned.1.call-start
scs
__scs_entry_jumppad:
0x0: {  	(pc) =	sbr.rel $0x88, $3  }
0x1: {  	(tag) =	ssettag $0x0;
	lr =	simm.s32 $0x1  }
0x2: {  	[smem:$0x3F9B] =	sst lr;
	_ =	strace $0xD0000000  }
0x3: {  	_ = 	snop  }
0x4: {  	_ = 	snop  }
0x5: {  	_ = 	snop  }
0x6: {  	_ = 	snop  }
0x7: {  	_ = 	snop  }
__scs_overlays_trampoline_lowered:
0x8: {  	[smem:$0x3FAA] =	sst s0  }
0x9: {  	[smem:$0x3FAB] =	sst s1  }
0xa: {  	[smem:$0x3FAC] =	sst s2  }
0xb: {  	[smem:$0x3FAD] =	sst s3  }
0xc: {  	[smem:$0x3FAE] =	sst s4  }
0xd: {  	[smem:$0x3FAF] =	sst s5  }
0xe: {  	[smem:$0x3FB0] =	sst s6  }
0xf: {  	[smem:$0x3FB1] =	sst s7  }
0x10: {  	[smem:$0x3FB2] =	sst s8  }
0x11: {  	[smem:$0x3FB3] =	sst s9;
	s0 =	simm.s32 @!p0 $0x0  }
0x12: {  	s1 =	sld [smem:$0x3F99];
	s0 =	simm.s32 @p0 $0x1  }
0x13: {  	[smem:$0x3FB4] =	sst s0;
	s0 =	simm.s32 @!p1 $0x0  }
0x14: {  	s2 =	sld [smem:$0x3F98];
	s0 =	simm.s32 @p1 $0x1  }
0x15: {  	[smem:$0x3FB5] =	sst s0;
	s0 =	simm.s32 @!p2 $0x0  }
0x16: {  	s3 =	sld [smem:$0x3FDB];
	s0 =	simm.s32 @p2 $0x1  }
0x17: {  	s4 =	simm.s32 $0x1BF5;
	[smem:$0x3FB7] =	sst s0  }
0x18: {  	s0 =	sld [smem:$0x3F9A];
	_ =	swait.ge [sflag:s4], $0x0  }
0x19: {  	s7 =	sld [smem:$0x3F9B]  }
0x1a: {  	s8 =	sadd.s32 $0xFFFFE003, lr  }
0x1b: {  	s9 =	sadd.s32 $0xFFFFFEF7, lr;
	s5 =	simm.s32 $0xFFFFFFFF;
	p2 =	slt.u32 s8, $0xFFFFF086  }
0x1c: {  	p1 =	slt.u32 s9, $0xF7A;
	s5 =	simm.s32 @!p2 $0x0  }
0x1d: {  	s5 =	simm.s32 @p1 $0x1;
	p0 =	seq.s32 s7, s2  }
0x1e: {  	s7 =	smul.u32 @!p0 $0xF7A, s2;
	p2 =	seq.s32 @!p0 s5, $0x0  }
0x1f: {  	s9 =	smul.u32 $0xF7A, s1;
	s8 =	simm.s32 @!p0 $0x1BF5;
	p2 =	por !p2, p0  }
0x20: {  	[sflag:s8] =	ssyncset.s32 @!p0 $0xFFFFF086;
	s6 =	sadd.s32 @!p0 s3, s7;
	s7 =	simm.s32 @!p0 $0x108  }
0x21: {  	s3 =	sadd.s32 s3, s9;
	s6 =	sadd.s32 @!p0 $0x88, s6;
	s7 =	simm.s32 @p2 $0x1082  }
0x22: {  	[simem:s7], [sflag:s8] =	dma.local @!p0 [hbm:s6], $0xF7A  }
0x23: {  	s9 =	sor.u32 $0xD0000000, s2;
	s6 =	simm.s32 $0x108;
	_ =	swait.ge @!p0 [sflag:s8], $0x0  }
0x24: {  	s3 =	sadd.s32 $0x88, s3;
	s6 =	simm.s32 @!p1 $0x1082;
	[sflag:s4] =	ssyncset.s32 $0xFFFFF086  }
0x25: {  	[simem:s6], [sflag:s4] =	dma.local [hbm:s3], $0xF7A  }
0x26: {  	[smem:$0x3F9B] =	sst s1;
	(tag) =	ssettag s2;
	_ =	strace s9  }
0x27: {  	s1 =	sld [smem:$0x3FAB]  }
0x28: {  	s2 =	sld [smem:$0x3FAC]  }
0x29: {  	s4 =	sld [smem:$0x3FAE]  }
0x2a: {  	p0 =	seq.s32 s5, $0x0;
	s5 =	sld [smem:$0x3FAF]  }
0x2b: {  	s6 =	sld [smem:$0x3FB0]  }
0x2c: {  	s7 =	sld [smem:$0x3FB1]  }
0x2d: {  	s3 =	simm.s32 $0x108;
	s8 =	sld [smem:$0x3FB2]  }
0x2e: {  	s3 =	simm.s32 @!p0 $0x1082;
	s9 =	sld [smem:$0x3FB3]  }
0x2f: {  	lr =	sadd.s32 s0, s3;
	s0 =	sld [smem:$0x3FAA]  }
0x30: {  	s3 =	sld [smem:$0x3FAD]  }
0x31: {  	[smem:$0x3FB6] =	sst s10  }
0x32: {  	s10 =	sld [smem:$0x3FB4];
	_ =	sdelay $0x3  }
0x33: {  	p0 =	seq.s32 s10, $0x1;
	s10 =	sld [smem:$0x3FB6];
	_ =	sdelay $0x3  }
0x34: {  	[smem:$0x3FB6] =	sst s10  }
0x35: {  	s10 =	sld [smem:$0x3FB5];
	_ =	sdelay $0x3  }
0x36: {  	p1 =	seq.s32 s10, $0x1;
	s10 =	sld [smem:$0x3FB6];
	_ =	sdelay $0x3  }
0x37: {  	[smem:$0x3FB6] =	sst s10  }
0x38: {  	s10 =	sld [smem:$0x3FB7]  }
0x39: {  	_ = 	snop;
	(pc) =	sbr.ind lr, $3  }
0x3a: {  	_ = 	snop  }
0x3b: {  	_ = 	snop  }
0x3c: {  	p2 =	seq.s32 s10, $0x1;
	s10 =	sld [smem:$0x3FB6]  }
0x3d: {  	_ =	shalt  }
0x3e: {  	_ =	shalt  }
0x3f: {  	_ =	shalt  }
0x40: {  	_ =	shalt  }
0x41: {  	_ =	shalt  }
0x42: {  	_ =	shalt  }
0x43: {  	_ =	shalt  }
0x44: {  	_ =	shalt  }
0x45: {  	_ =	shalt  }
0x46: {  	_ =	shalt  }
0x47: {  	_ =	shalt  }
0x48: {  	_ =	shalt  }
0x49: {  	_ =	shalt  }
0x4a: {  	_ =	shalt  }
0x4b: {  	_ =	shalt  }
0x4c: {  	_ =	shalt  }
0x4d: {  	_ =	shalt  }
0x4e: {  	_ =	shalt  }
0x4f: {  	_ =	shalt  }
0x50: {  	_ =	shalt  }
0x51: {  	_ =	shalt  }
0x52: {  	_ =	shalt  }
0x53: {  	_ =	shalt  }
0x54: {  	_ =	shalt  }
0x55: {  	_ =	shalt  }
0x56: {  	_ =	shalt  }
0x57: {  	_ =	shalt  }
0x58: {  	_ =	shalt  }
0x59: {  	_ =	shalt  }
0x5a: {  	_ =	shalt  }
0x5b: {  	_ =	shalt  }
0x5c: {  	_ =	shalt  }
0x5d: {  	_ =	shalt  }
0x5e: {  	_ =	shalt  }
0x5f: {  	_ =	shalt  }
0x60: {  	_ =	shalt  }
0x61: {  	_ =	shalt  }
0x62: {  	_ =	shalt  }
0x63: {  	_ =	shalt  }
0x64: {  	_ =	shalt  }
0x65: {  	_ =	shalt  }
0x66: {  	_ =	shalt  }
0x67: {  	_ =	shalt  }
0x68: {  	_ =	shalt  }
0x69: {  	_ =	shalt  }
0x6a: {  	_ =	shalt  }
0x6b: {  	_ =	shalt  }
0x6c: {  	_ =	shalt  }
0x6d: {  	_ =	shalt  }
0x6e: {  	_ =	shalt  }
0x6f: {  	_ =	shalt  }
0x70: {  	_ =	shalt  }
0x71: {  	_ =	shalt  }
0x72: {  	_ =	shalt  }
0x73: {  	_ =	shalt  }
0x74: {  	_ =	shalt  }
0x75: {  	_ =	shalt  }
0x76: {  	_ =	shalt  }
0x77: {  	_ =	shalt  }
0x78: {  	_ =	shalt  }
0x79: {  	_ =	shalt  }
0x7a: {  	_ =	shalt  }
0x7b: {  	_ =	shalt  }
0x7c: {  	_ =	shalt  }
0x7d: {  	_ =	shalt  }
0x7e: {  	_ =	shalt  }
0x7f: {  	_ =	shalt  }
0x80: {  	_ =	shalt  }
0x81: {  	_ =	shalt  }
0x82: {  	_ =	shalt  }
0x83: {  	_ =	shalt  }
0x84: {  	_ =	shalt  }
0x85: {  	_ =	shalt  }
0x86: {  	_ =	shalt  }
0x87: {  	_ =	shalt  }
.Lfunc_end0:
.L_simem_size_0:
called_computation.2_lowered:
.L_overlay_start_0:
0x88: {  	s2 =	sld [smem:$0x3FD9]  }
0x89: {  	s3 =	sld [smem:$0x3FFE];
	_ =	sdelay $0x1  }
0x8a: {  	s1 =	srdreg.scid  }
0x8b: {  	s0 =	sand.u32 $0x1, s1  }
0x8c: {  	s17 =	sshll.u32 s0, $0xA;
	s2 =	sadd.s32 s3, s2  }
0x8d: {  	s2 =	sadd.s32 s2, s17  }
0x8e: {  	[smem:$0x3FC2] =	sst s2  }
0x8f: {  	_ = 	snop  }
0x90: {  	s2 =	sld [smem:$0x3FC6]  }
0x91: {  	s18 =	sld [smem:$0x3FD0];
	(tm) =	ssettm $0x1  }
0x92: {  	s4 =	sld [smem:$0x3FFB];
	_ =	sdelay $0x3  }
0x93: {  	_ =	strace s4  }
0x94: {  	s4 =	sld [smem:$0x3FFC];
	_ =	sdelay $0x3  }
0x95: {  	_ =	strace s4  }
0x96: {  	s4 =	sld [smem:$0x3FFD];
	_ =	sdelay $0x3  }
0x97: {  	_ =	strace s4  }
0x98: {  	_ =	strace $0x8FFFFFFF  }
0x99: {  	s19 =	sld [smem:$0x3FDB];
	_ =	sdelay $0x1  }
0x9a: {  	s5 =	simm.s32 $_scs_section_size  }
0x9b: {  	s6 =	simm.s32 $_size__tile_overlayer_lowered;
	s7 =	simm.s32 $_tile_overlayer_lowered  }
0x9c: {  	s22 =	simm.s32 $0x1BFF;
	s21 =	sshll.u32 s7, $0x1;
	s4 =	sadd.s32 s5, s19  }
0x9d: {  	s8 =	simm.s32 $0x0;
	s20 =	sshll.u32 s6, $0x1;
	s6 =	sadd.s32 s21, s4  }
0x9e: {  	[timem:s8], [sflag:s22] =	dma.local [hbm:s6], s20  }
0x9f: {  	_ =	swait.ge [sflag:s22], s20  }
0xa0: {  	s5 =	ssub.s32 $0x0, s20;
	[sflag:s22] =	ssyncset.done $0x0  }
0xa1: {  	[sflag:s22] =	ssyncadd.s32 s5;
	_ =	sdelay $0x1  }
0xa2: {  	s23 =	simm.s32 $0x1B8B  }
0xa3: {  	_ =	swait.ge [sflag:s23], $0x1  }
0xa4: {  	[sflag:s23] =	ssyncset.done $0x0  }
0xa5: {  	s25 =	simm.s32 $0x1B8E;
	s24 =	sld [smem:$0x3FFE];
	[sflag:s23] =	ssyncadd.s32 $0xFFFFFFFF  }
0xa6: {  	s26 =	simm.s32 $execute0_lowered;
	[smem:$0x3FD2] =	sst s25  }
0xa7: {  	s6 =	sshll.u32 s26, $0x1;
	_ =	strace $0x8000004C;
	[dreg:$0x1] =	wrdreg $0xFFFFFFFF  }
0xa8: {  	s28 =	simm.s32 $_size_execute0_lowered;
	s4 =	sadd.s32 s4, s6;
	[dreg:$0x0] =	wrdreg $0x0  }
0xa9: {  	s6 =	sshll.u32 s28, $0x1;
	[dreg:$0x2] =	wrdreg s4  }
0xaa: {  	[dreg:$0x3] =	wrdreg s6  }
0xab: {  	[dreg:$0x4] =	wrdreg $0xC0  }
0xac: {  	_ =	task [dreg:s8], $0x5FFFF  }
0xad: {  	[dreg:$0x1] =	wrdreg $0xFFFFFFFF  }
0xae: {  	[dreg:$0x0] =	wrdreg $0x60  }
0xaf: {  	[dreg:$0x2] =	wrdreg s24  }
0xb0: {  	[dreg:$0x3] =	wrdreg s2  }
0xb1: {  	[dreg:$0x4] =	wrdreg s18  }
0xb2: {  	[dreg:$0x5] =	wrdreg $0xC0000  }
0xb3: {  	[dreg:$0x6] =	wrdreg $0x98000  }
0xb4: {  	[dreg:$0x7] =	wrdreg $0x9  }
0xb5: {  	_ =	task.clear_ibuf [dreg:s8], $0x8FFFF;
	_ =	strace $0x9000004C  }
0xb6: {  	s29 =	simm.s32 $0x9;
	_ =	strace $0x8000004E  }
0xb7: {  	_ =	swait.ge [sflag:s29], $0x1  }
0xb8: {  	[sflag:s29] =	ssyncadd.s32 $0xFFFFFFFF  }
0xb9: {  	_ =	strace $0x9000004E  }
0xba: {  	_ =	sfence  }
0xbb: {  	s30 =	sld [smem:$0x0];
	_ =	sdelay $0x2  }
0xbc: {  	s31 =	sshll.u32 s1, $0xD;
	s1 =	sshrl.u32 s1, $0x2  }
0xbd: {  	s3 =	sand.u32 $0x4000, s31;
	s1 =	sadd.s32 s1, s30  }
0xbe: {  	s0 =	sor.u32 s3, s0;
	s1 =	sshll.u32 s1, $0x11  }
0xbf: {  	s0 =	sor.u32 s1, s0  }
0xc0: {  	s0 =	sadd.s32 $0x8F2B, s0  }
0xc1: {  	[sflag:s0] =	ssyncadd.remote.s32 $0x1  }
0xc2: {  	_ =	sfence.sel $0xFFFF  }
0xc3: {  	[dreg:$0x0] =	wrdreg $0xFFFFFFFF;
	(pc) =	sbr.abs _section_cstart, $3  }
0xc4: {  	[dreg:$0x1] =	wrdreg $0xFFFFFFFF  }
0xc5: {  	_ =	task.clear_ibuf [dreg:s8], $0x2FFFF;
	_ =	strace $0x9FFFFFFF  }
0xc6: {  	(tm) =	ssettm $0x7FFFFFFF  }
0xc7: {  	_ =	shalt  }
tec
execute0_lowered:
.L_overlay_start_1:
0x0: {  	(tag) =	ssettag $0x1  }
0x1: {  	s0 =	rddreg [dreg:$0x0]  }
0x2: {  	s1 =	rddreg [dreg:$0x2]  }
0x3: {  	s2 =	rddreg [dreg:$0x3];
	s3 =	srdreg.scid  }
0x4: {  	s4 =	rddreg [dreg:$0x4];
	s8 =	stileid.u32;
	s5 =	simm.s32 $0x0  }
0x5: {  	s10 =	simm.s32 $0x2800;
	s17 =	simm.s32 $0xE800;
	s28 =	simm.s32 $0x7  }
0x6: {  	s30 =	simm.s32 $0x9;
	s31 =	simm.s32 $0x1;
	s18 =	simm.s32 $0x5000  }
0x7: {  	s19 =	simm.s32 $0x5800;
	s3 =	sand.u32 $0x1, s3;
	[smem:$0x7FF] =	sst s5  }
0x8: {  	s7 =	smul.u32 $0x2800, s8;
	s6 =	sshll.u32 s3, $0x4;
	_ =	strace $0x8000004D  }
0x9: {  	s9 =	ssub.s32 $0x2, s3;
	s23 =	smul.u32 $0x28000, s3;
	p0 =	sne.s32 s3, $0x0  }
0xa: {  	s3 =	simm.s32 $0x8;
	s6 =	sor.u32 s8, s6;
	s20 =	sshrl.u32 s7, $0x3  }
0xb: {  	s21 =	sshrl.u32 s9, $0x1;
	s12 =	sadd.s32 s7, s2;
	s13 =	sadd.s32 s7, s4  }
0xc: {  	s6 =	smul.u32 $0x2800, s6;
	s8 =	sadd.s32 s20, s0;
	s29 =	sadd.s32 s7, s23  }
0xd: {  	s23 =	simm.s32 $0x3;
	s20 =	simm.s32 $0x6800;
	s24 =	sadd.s32 $0x3EA00, s8  }
0xe: {  	s25 =	sadd.s32 $0x43A00, s8;
	s26 =	sadd.s32 $0x48A00, s8;
	[dreg:$0x8] =	wrdreg s24  }
0xf: {  	s11 =	sadd.s32 $0x4DA00, s8;
	s6 =	sshrl.u32 s6, $0x3;
	[dreg:$0x9] =	wrdreg s25  }
0x10: {  	[dreg:$0xa] =	wrdreg s26;
	s24 =	simm.s32 $0x4;
	s25 =	simm.s32 $0x5  }
.Ltmp0:
0x11: {  	s26 =	simm.s32 $0x6;
	s0 =	sadd.s32 s6, s0;
	(pc) =	sbr.rel .LBB2_1-.Ltmp0, $4  }
0x12: {  	s6 =	ssub.s32 s9, s21;
	s21 =	simm.s32 $0x6000;
	s22 =	sadd.s32 $0x2A00, s0  }
0x13: {  	s0 =	sadd.s32 $0xCA00, s0;
	s15 =	smax.u32 s6, $0x1;
	[dreg:$0x6] =	wrdreg s22  }
0x14: {  	[dreg:$0x7] =	wrdreg s0;
	s0 =	sshrl.u32 s29, $0x3;
	s22 =	simm.s32 $0x0  }
0x15: {  	v0 =	vimm.f32 $0.0e+00;
	s14 =	sadd.s32 s1, s0;
	s0 =	simm.s32 $0x2;
	s1 =	simm.s32 $0x80  }
.LBB2_14:
0x16: {  	[tilespmem:s29+$0x30] =	vst v1  }
.LBB2_15:
0x17: {  	s22 =	sadd.s32 $0x1, s22  }
0x18: {  	p1 =	sne.s32 s22, s15  }
.Ltmp1:
0x19: {  	_ = 	snop;
	(pc) =	sbr.rel @!p1 .LBB2_16-.Ltmp1, $4  }
0x1a: {  	[hbm4b:s14+s5] =	stream.linear.scatter [tilespmem:s17], [sflag:$0x9], $0x2800, $0x38;
	[tilespmem:$0x1B010] =	vst v63  }
0x1b: {  	_ =	swait.ge [sflag:s30], $0x2800  }
0x1c: {  	[sflag:s30] =	ssyncset.done $0x0  }
0x1d: {  	[sflag:s30] =	ssyncadd.s32 $0xFFFFD800  }
.LBB2_1:
0x1e: {  	s6 =	rddreg [dreg:$0x6]  }
0x1f: {  	[tilespmem:s5], [sflag:$0x1] =	stream.linear.gather [hbm4b:s6+s5], $0x2800, $0x38;
	[tilespmem:$0x1B010] =	vst v63  }
0x20: {  	s9 =	rddreg [dreg:$0x7]  }
0x21: {  	[tilespmem:s10], [sflag:$0x2] =	stream.linear.gather [hbm4b:s9+s5], $0x2800, $0x38;
	[tilespmem:$0x1B010] =	vst v63  }
0x22: {  	s16 =	rddreg [dreg:$0x8]  }
0x23: {  	[tilespmem:s17], [sflag:$0x3] =	stream.linear.gather [hbm4b:s16+s5], $0x2800, $0x38;
	[tilespmem:$0x1B010] =	vst v63  }
0x24: {  	s29 =	rddreg [dreg:$0x9];
	s7 =	simm.s32 $0x11000  }
0x25: {  	[tilespmem:s7], [sflag:$0x4] =	stream.linear.gather [hbm4b:s29+s5], $0x2800, $0x38;
	[tilespmem:$0x1B010] =	vst v63  }
0x26: {  	s8 =	rddreg [dreg:$0xa];
	s9 =	simm.s32 $0x13800  }
0x27: {  	[tilespmem:s9], [sflag:$0x5] =	stream.linear.gather [hbm4b:s8+s5], $0x2800, $0x38;
	[tilespmem:$0x1B010] =	vst v63  }
0x28: {  	s10 =	simm.s32 $0x16000  }
0x29: {  	[tilespmem:s10], [sflag:$0x6] =	stream.linear.gather [hbm4b:s11+s5], $0x2800, $0x38;
	[tilespmem:$0x1B010] =	vst v63  }
0x2a: {  	s6 =	simm.s32 $0x7040;
	s16 =	rddreg [dreg:$0x1];
	s29 =	simm.s32 $0x1B000  }
0x2b: {  	[tilespmem:s29], [sflag:$0x7] =	stream.linear.gather [hbm4b:s16+s5], $0x10, $0x38;
	[tilespmem:$0x1B010] =	vst v63  }
0x2c: {  	[tilespmem:s6+$0xFFFFFFC0] =	vst v0  }
0x2d: {  	[tilespmem:s6+$0x30] =	vst v0  }
0x2e: {  	[tilespmem:s6+$0x20] =	vst v0  }
0x2f: {  	[tilespmem:s6+$0x10] =	vst v0  }
0x30: {  	[tilespmem:s6+$0x0] =	vst v0  }
0x31: {  	[tilespmem:s6+$0xFFFFFFF0] =	vst v0  }
0x32: {  	s7 =	simm.s32 $0x0;
	[tilespmem:s6+$0xFFFFFFE0] =	vst v0  }
.LBB2_2:
0x33: {  	s7 =	sadd.s32 $0x8, s7;
	[tilespmem:s6+$0xFFFFFFD0] =	vst v0;
	s6 =	sadd.s32 $0x80, s6  }
0x34: {  	[tilespmem:s6+$0xFFFFFFC0] =	vst v0;
	p1 =	slt.u32 s7, $0x278  }
0x35: {  	[tilespmem:s6+$0x30] =	vst v0  }
.Ltmp2:
0x36: {  	[tilespmem:s6+$0x20] =	vst v0;
	(pc) =	sbr.rel @p1 .LBB2_2-.Ltmp2, $4  }
0x37: {  	[tilespmem:s6+$0x10] =	vst v0  }
0x38: {  	[tilespmem:s6+$0x0] =	vst v0  }
0x39: {  	[tilespmem:s6+$0xFFFFFFF0] =	vst v0  }
0x3a: {  	[tilespmem:s6+$0xFFFFFFE0] =	vst v0  }
0x3b: {  	[tilespmem:s6+$0xFFFFFFD0] =	vst v0;
	s9 =	simm.s32 $0x7000  }
0x3c: {  	[spmem:s12] =	stream.linear.scatter [tilespmem:s9], [sflag:$0x8], $0x2800, $0x38;
	[tilespmem:$0x1B010] =	vst v63  }
0x3d: {  	_ =	swait.ge [sflag:s23], $0x2800  }
0x3e: {  	[sflag:s23] =	ssyncset.done $0x0  }
0x3f: {  	[sflag:s23] =	ssyncadd.s32 $0xFFFFD800  }
0x40: {  	_ =	swait.ge [sflag:s24], $0x2800  }
0x41: {  	[sflag:s24] =	ssyncset.done $0x0  }
0x42: {  	[sflag:s24] =	ssyncadd.s32 $0xFFFFD800  }
0x43: {  	_ =	swait.ge [sflag:s25], $0x2800  }
0x44: {  	[sflag:s25] =	ssyncset.done $0x0  }
0x45: {  	[sflag:s25] =	ssyncadd.s32 $0xFFFFD800  }
0x46: {  	_ =	swait.ge [sflag:s26], $0x2800  }
0x47: {  	[sflag:s26] =	ssyncset.done $0x0  }
0x48: {  	[sflag:s26] =	ssyncadd.s32 $0xFFFFD800  }
0x49: {  	_ =	swait.ge [sflag:s28], $0x10  }
0x4a: {  	[sflag:s28] =	ssyncset.done $0x0  }
0x4b: {  	s10 =	simm.s32 $0xE840;
	[sflag:s28] =	ssyncadd.s32 $0xFFFFFFF0  }
0x4c: {  	s7 =	simm.s32 $0x11040;
	v1 =	vld [tilespmem:s10+$0xFFFFFFC0]  }
0x4d: {  	v2 =	vld [tilespmem:s7+$0xFFFFFFC0]  }
0x4e: {  	s29 =	simm.s32 $0x13840  }
0x4f: {  	v3 =	vld [tilespmem:s29+$0xFFFFFFC0]  }
0x50: {  	s8 =	simm.s32 $0x16040  }
0x51: {  	v4 =	vld [tilespmem:s8+$0xFFFFFFC0]  }
0x52: {  	v1 =	vadd.f32 v2, v1  }
0x53: {  	v2 =	vld [tilespmem:$0x1B000]  }
0x54: {  	v1 =	vadd.f32 v3, v1;
	_ =	sdelay $0x1  }
0x55: {  	v1 =	vmul.f32 v1, v4;
	_ =	sdelay $0x1  }
0x56: {  	v1 =	vadd.f32 v1, v2;
	_ =	sdelay $0x1  }
0x57: {  	v1 =	vmax.f32 v1, $0.0e+00  }
0x58: {  	v1 =	vmul.f32 v1, v4  }
0x59: {  	s16 =	simm.s32 $0x18840  }
0x5a: {  	[tilespmem:s16+$0xFFFFFFC0] =	vst v1  }
0x5b: {  	v1 =	vld [tilespmem:s10+$0xFFFFFFD0]  }
0x5c: {  	v2 =	vld [tilespmem:s7+$0xFFFFFFD0];
	_ =	sdelay $0x1  }
0x5d: {  	v3 =	vld [tilespmem:s29+$0xFFFFFFD0];
	_ =	sdelay $0x1  }
0x5e: {  	v4 =	vld [tilespmem:s8+$0xFFFFFFD0]  }
0x5f: {  	v1 =	vadd.f32 v2, v1  }
0x60: {  	v2 =	vld [tilespmem:$0x1B000]  }
0x61: {  	v1 =	vadd.f32 v3, v1;
	_ =	sdelay $0x1  }
0x62: {  	v1 =	vmul.f32 v1, v4;
	_ =	sdelay $0x1  }
0x63: {  	v1 =	vadd.f32 v1, v2;
	_ =	sdelay $0x1  }
0x64: {  	v1 =	vmax.f32 v1, $0.0e+00  }
0x65: {  	v1 =	vmul.f32 v1, v4;
	_ =	sdelay $0x1  }
0x66: {  	[tilespmem:s16+$0xFFFFFFD0] =	vst v1  }
0x67: {  	v1 =	vld [tilespmem:s10+$0xFFFFFFE0]  }
0x68: {  	v2 =	vld [tilespmem:s7+$0xFFFFFFE0];
	_ =	sdelay $0x1  }
0x69: {  	v3 =	vld [tilespmem:s29+$0xFFFFFFE0];
	_ =	sdelay $0x1  }
0x6a: {  	v4 =	vld [tilespmem:s8+$0xFFFFFFE0]  }
0x6b: {  	v1 =	vadd.f32 v2, v1  }
0x6c: {  	v2 =	vld [tilespmem:$0x1B000]  }
0x6d: {  	v1 =	vadd.f32 v3, v1;
	_ =	sdelay $0x1  }
0x6e: {  	v1 =	vmul.f32 v1, v4;
	_ =	sdelay $0x1  }
0x6f: {  	v1 =	vadd.f32 v1, v2;
	_ =	sdelay $0x1  }
0x70: {  	v1 =	vmax.f32 v1, $0.0e+00  }
0x71: {  	v1 =	vmul.f32 v1, v4;
	_ =	sdelay $0x1  }
0x72: {  	[tilespmem:s16+$0xFFFFFFE0] =	vst v1  }
0x73: {  	v1 =	vld [tilespmem:s10+$0xFFFFFFF0]  }
0x74: {  	v2 =	vld [tilespmem:s7+$0xFFFFFFF0];
	_ =	sdelay $0x1  }
0x75: {  	v3 =	vld [tilespmem:s29+$0xFFFFFFF0];
	_ =	sdelay $0x1  }
0x76: {  	v4 =	vld [tilespmem:s8+$0xFFFFFFF0]  }
0x77: {  	v1 =	vadd.f32 v2, v1  }
0x78: {  	v2 =	vld [tilespmem:$0x1B000]  }
0x79: {  	v1 =	vadd.f32 v3, v1;
	_ =	sdelay $0x1  }
0x7a: {  	v1 =	vmul.f32 v1, v4;
	_ =	sdelay $0x1  }
0x7b: {  	v1 =	vadd.f32 v1, v2;
	_ =	sdelay $0x1  }
0x7c: {  	v1 =	vmax.f32 v1, $0.0e+00  }
0x7d: {  	v1 =	vmul.f32 v1, v4;
	_ =	sdelay $0x1  }
0x7e: {  	[tilespmem:s16+$0xFFFFFFF0] =	vst v1  }
0x7f: {  	v1 =	vld [tilespmem:s10+$0x0]  }
0x80: {  	v2 =	vld [tilespmem:s7+$0x0];
	_ =	sdelay $0x1  }
0x81: {  	v3 =	vld [tilespmem:s29+$0x0];
	_ =	sdelay $0x1  }
0x82: {  	v4 =	vld [tilespmem:s8+$0x0]  }
0x83: {  	v1 =	vadd.f32 v2, v1  }
0x84: {  	v2 =	vld [tilespmem:$0x1B000]  }
0x85: {  	v1 =	vadd.f32 v3, v1;
	_ =	sdelay $0x1  }
0x86: {  	v1 =	vmul.f32 v1, v4;
	_ =	sdelay $0x1  }
0x87: {  	v1 =	vadd.f32 v1, v2;
	_ =	sdelay $0x1  }
0x88: {  	v1 =	vmax.f32 v1, $0.0e+00  }
0x89: {  	v1 =	vmul.f32 v1, v4;
	_ =	sdelay $0x1  }
0x8a: {  	[tilespmem:s16+$0x0] =	vst v1  }
0x8b: {  	v1 =	vld [tilespmem:s10+$0x10]  }
0x8c: {  	v2 =	vld [tilespmem:s7+$0x10];
	_ =	sdelay $0x1  }
0x8d: {  	v3 =	vld [tilespmem:s29+$0x10];
	_ =	sdelay $0x1  }
0x8e: {  	v4 =	vld [tilespmem:s8+$0x10]  }
0x8f: {  	v1 =	vadd.f32 v2, v1  }
0x90: {  	v2 =	vld [tilespmem:$0x1B000]  }
0x91: {  	v1 =	vadd.f32 v3, v1;
	_ =	sdelay $0x1  }
0x92: {  	v1 =	vmul.f32 v1, v4;
	_ =	sdelay $0x1  }
0x93: {  	v1 =	vadd.f32 v1, v2;
	_ =	sdelay $0x1  }
0x94: {  	v1 =	vmax.f32 v1, $0.0e+00  }
0x95: {  	v1 =	vmul.f32 v1, v4;
	_ =	sdelay $0x1  }
0x96: {  	[tilespmem:s16+$0x10] =	vst v1  }
0x97: {  	v1 =	vld [tilespmem:s10+$0x20]  }
0x98: {  	v2 =	vld [tilespmem:s7+$0x20];
	_ =	sdelay $0x1  }
0x99: {  	v3 =	vld [tilespmem:s29+$0x20];
	_ =	sdelay $0x1  }
0x9a: {  	v4 =	vld [tilespmem:s8+$0x20]  }
0x9b: {  	v1 =	vadd.f32 v2, v1  }
0x9c: {  	v2 =	vld [tilespmem:$0x1B000]  }
0x9d: {  	v1 =	vadd.f32 v3, v1;
	_ =	sdelay $0x1  }
0x9e: {  	v1 =	vmul.f32 v1, v4;
	_ =	sdelay $0x1  }
0x9f: {  	v1 =	vadd.f32 v1, v2;
	_ =	sdelay $0x1  }
0xa0: {  	v1 =	vmax.f32 v1, $0.0e+00  }
0xa1: {  	v1 =	vmul.f32 v1, v4;
	_ =	sdelay $0x1  }
0xa2: {  	[tilespmem:s16+$0x20] =	vst v1  }
0xa3: {  	v1 =	vld [tilespmem:s10+$0x30]  }
0xa4: {  	v2 =	vld [tilespmem:s7+$0x30];
	_ =	sdelay $0x2  }
0xa5: {  	v3 =	vld [tilespmem:s29+$0x30];
	_ =	sdelay $0x1  }
0xa6: {  	v4 =	vadd.f32 v2, v1;
	v1 =	vld [tilespmem:s8+$0x30];
	_ =	sdelay $0x1  }
0xa7: {  	s6 =	simm.s32 $0x0;
	s9 =	simm.s32 $0xE8C0;
	v2 =	vld [tilespmem:$0x1B000]  }
0xa8: {  	s7 =	simm.s32 $0x110C0;
	s10 =	simm.s32 $0x160C0;
	s8 =	simm.s32 $0x18840;
	v3 =	vadd.f32 v3, v4  }
.LBB2_4:
0xa9: {  	s6 =	sadd.s32 $0x8, s6;
	s16 =	sadd.s32 $0x80, s16;
	s29 =	sadd.s32 $0x80, s29  }
0xaa: {  	p1 =	slt.u32 s6, $0x278;
	v3 =	vmul.f32 v3, v1;
	_ =	sdelay $0x1  }
0xab: {  	v2 =	vadd.f32 v3, v2;
	_ =	sdelay $0x1  }
0xac: {  	v2 =	vmax.f32 v2, $0.0e+00  }
0xad: {  	v1 =	vmul.f32 v2, v1;
	_ =	sdelay $0x1  }
0xae: {  	[tilespmem:s8+$0x30] =	vst v1;
	s8 =	smov.u32 s16  }
0xaf: {  	v1 =	vld [tilespmem:s9+$0xFFFFFFC0]  }
0xb0: {  	v2 =	vld [tilespmem:s7+$0xFFFFFFC0]  }
0xb1: {  	v3 =	vld [tilespmem:s29+$0xFFFFFFC0];
	_ =	sdelay $0x2  }
0xb2: {  	v4 =	vld [tilespmem:s10+$0xFFFFFFC0]  }
0xb3: {  	v1 =	vadd.f32 v2, v1  }
0xb4: {  	v2 =	vld [tilespmem:$0x1B000]  }
0xb5: {  	v1 =	vadd.f32 v3, v1;
	_ =	sdelay $0x1  }
0xb6: {  	v1 =	vmul.f32 v1, v4;
	_ =	sdelay $0x1  }
0xb7: {  	v1 =	vadd.f32 v1, v2;
	_ =	sdelay $0x1  }
0xb8: {  	v1 =	vmax.f32 v1, $0.0e+00  }
0xb9: {  	v1 =	vmul.f32 v1, v4;
	_ =	sdelay $0x1  }
0xba: {  	[tilespmem:s16+$0xFFFFFFC0] =	vst v1  }
0xbb: {  	v1 =	vld [tilespmem:s9+$0xFFFFFFD0]  }
0xbc: {  	v2 =	vld [tilespmem:s7+$0xFFFFFFD0];
	_ =	sdelay $0x1  }
0xbd: {  	v3 =	vld [tilespmem:s29+$0xFFFFFFD0];
	_ =	sdelay $0x1  }
0xbe: {  	v4 =	vld [tilespmem:s10+$0xFFFFFFD0]  }
0xbf: {  	v1 =	vadd.f32 v2, v1  }
0xc0: {  	v2 =	vld [tilespmem:$0x1B000]  }
0xc1: {  	v1 =	vadd.f32 v3, v1;
	_ =	sdelay $0x1  }
0xc2: {  	v1 =	vmul.f32 v1, v4;
	_ =	sdelay $0x1  }
0xc3: {  	v1 =	vadd.f32 v1, v2;
	_ =	sdelay $0x1  }
0xc4: {  	v1 =	vmax.f32 v1, $0.0e+00  }
0xc5: {  	v1 =	vmul.f32 v1, v4;
	_ =	sdelay $0x1  }
0xc6: {  	[tilespmem:s16+$0xFFFFFFD0] =	vst v1  }
0xc7: {  	v1 =	vld [tilespmem:s9+$0xFFFFFFE0]  }
0xc8: {  	v2 =	vld [tilespmem:s7+$0xFFFFFFE0];
	_ =	sdelay $0x1  }
0xc9: {  	v3 =	vld [tilespmem:s29+$0xFFFFFFE0];
	_ =	sdelay $0x1  }
0xca: {  	v4 =	vld [tilespmem:s10+$0xFFFFFFE0]  }
0xcb: {  	v1 =	vadd.f32 v2, v1  }
0xcc: {  	v2 =	vld [tilespmem:$0x1B000]  }
0xcd: {  	v1 =	vadd.f32 v3, v1;
	_ =	sdelay $0x1  }
0xce: {  	v1 =	vmul.f32 v1, v4;
	_ =	sdelay $0x1  }
0xcf: {  	v1 =	vadd.f32 v1, v2;
	_ =	sdelay $0x1  }
0xd0: {  	v1 =	vmax.f32 v1, $0.0e+00  }
0xd1: {  	v1 =	vmul.f32 v1, v4;
	_ =	sdelay $0x1  }
0xd2: {  	[tilespmem:s16+$0xFFFFFFE0] =	vst v1  }
0xd3: {  	v1 =	vld [tilespmem:s9+$0xFFFFFFF0]  }
0xd4: {  	v2 =	vld [tilespmem:s7+$0xFFFFFFF0];
	_ =	sdelay $0x1  }
0xd5: {  	v3 =	vld [tilespmem:s29+$0xFFFFFFF0];
	_ =	sdelay $0x1  }
0xd6: {  	v4 =	vld [tilespmem:s10+$0xFFFFFFF0]  }
0xd7: {  	v1 =	vadd.f32 v2, v1  }
0xd8: {  	v2 =	vld [tilespmem:$0x1B000]  }
0xd9: {  	v1 =	vadd.f32 v3, v1;
	_ =	sdelay $0x1  }
0xda: {  	v1 =	vmul.f32 v1, v4;
	_ =	sdelay $0x1  }
0xdb: {  	v1 =	vadd.f32 v1, v2;
	_ =	sdelay $0x1  }
0xdc: {  	v1 =	vmax.f32 v1, $0.0e+00  }
0xdd: {  	v1 =	vmul.f32 v1, v4;
	_ =	sdelay $0x1  }
0xde: {  	[tilespmem:s16+$0xFFFFFFF0] =	vst v1  }
0xdf: {  	v1 =	vld [tilespmem:s9+$0x0]  }
0xe0: {  	v2 =	vld [tilespmem:s7+$0x0];
	_ =	sdelay $0x1  }
0xe1: {  	v3 =	vld [tilespmem:s29+$0x0];
	_ =	sdelay $0x1  }
0xe2: {  	v4 =	vld [tilespmem:s10+$0x0]  }
0xe3: {  	v1 =	vadd.f32 v2, v1  }
0xe4: {  	v2 =	vld [tilespmem:$0x1B000]  }
0xe5: {  	v1 =	vadd.f32 v3, v1;
	_ =	sdelay $0x1  }
0xe6: {  	v1 =	vmul.f32 v1, v4;
	_ =	sdelay $0x1  }
0xe7: {  	v1 =	vadd.f32 v1, v2;
	_ =	sdelay $0x1  }
0xe8: {  	v1 =	vmax.f32 v1, $0.0e+00  }
0xe9: {  	v1 =	vmul.f32 v1, v4;
	_ =	sdelay $0x1  }
0xea: {  	[tilespmem:s16+$0x0] =	vst v1  }
0xeb: {  	v1 =	vld [tilespmem:s9+$0x10]  }
0xec: {  	v2 =	vld [tilespmem:s7+$0x10]  }
0xed: {  	v3 =	vld [tilespmem:s29+$0x10]  }
0xee: {  	v4 =	vld [tilespmem:$0x1B000];
	_ =	sdelay $0x1  }
0xef: {  	v5 =	vld [tilespmem:s10+$0x10]  }
0xf0: {  	v1 =	vadd.f32 v2, v1;
	_ =	sdelay $0x1  }
0xf1: {  	v1 =	vadd.f32 v3, v1;
	_ =	sdelay $0x1  }
0xf2: {  	v1 =	vmul.f32 v1, v5;
	_ =	sdelay $0x1  }
0xf3: {  	v1 =	vadd.f32 v1, v4;
	_ =	sdelay $0x1  }
0xf4: {  	v1 =	vmax.f32 v1, $0.0e+00  }
0xf5: {  	v1 =	vmul.f32 v1, v5;
	_ =	sdelay $0x1  }
0xf6: {  	[tilespmem:s16+$0x10] =	vst v1  }
0xf7: {  	v1 =	vld [tilespmem:s9+$0x20]  }
0xf8: {  	v2 =	vld [tilespmem:s7+$0x20]  }
0xf9: {  	v3 =	vld [tilespmem:s29+$0x20]  }
0xfa: {  	v4 =	vld [tilespmem:s10+$0x20]  }
0xfb: {  	v5 =	vld [tilespmem:$0x1B000];
	_ =	sdelay $0x1  }
0xfc: {  	v1 =	vadd.f32 v2, v1;
	_ =	sdelay $0x1  }
0xfd: {  	v1 =	vadd.f32 v3, v1;
	_ =	sdelay $0x1  }
0xfe: {  	v1 =	vmul.f32 v1, v4;
	_ =	sdelay $0x1  }
0xff: {  	v1 =	vadd.f32 v1, v5;
	_ =	sdelay $0x1  }
0x100: {  	v1 =	vmax.f32 v1, $0.0e+00  }
0x101: {  	v1 =	vmul.f32 v1, v4;
	_ =	sdelay $0x1  }
0x102: {  	[tilespmem:s16+$0x20] =	vst v1  }
0x103: {  	v3 =	vld [tilespmem:s9+$0x30]  }
0x104: {  	v4 =	vld [tilespmem:s7+$0x30]  }
0x105: {  	v5 =	vld [tilespmem:s29+$0x30]  }
0x106: {  	v1 =	vld [tilespmem:s10+$0x30]  }
.Ltmp3:
0x107: {  	v2 =	vld [tilespmem:$0x1B000];
	(pc) =	sbr.rel @p1 .LBB2_4-.Ltmp3, $3  }
0x108: {  	_ = 	snop  }
0x109: {  	v3 =	vadd.f32 v4, v3;
	_ =	sdelay $0x1  }
0x10a: {  	s9 =	sadd.s32 $0x80, s9;
	s7 =	sadd.s32 $0x80, s7;
	s10 =	sadd.s32 $0x80, s10;
	v3 =	vadd.f32 v5, v3  }
0x10b: {  	_ = 	snop  }
0x10c: {  	v3 =	vmul.f32 v3, v1;
	_ =	sdelay $0x1  }
0x10d: {  	v2 =	vadd.f32 v3, v2;
	_ =	sdelay $0x1  }
0x10e: {  	v2 =	vmax.f32 v2, $0.0e+00  }
0x10f: {  	v1 =	vmul.f32 v2, v1;
	_ =	sdelay $0x1  }
0x110: {  	s6 =	simm.s32 $0x18800;
	[tilespmem:s8+$0x30] =	vst v1  }
0x111: {  	[spmem:s13] =	stream.linear.scatter [tilespmem:s6], [sflag:$0x9], $0x2800, $0x38;
	[tilespmem:$0x1B010] =	vst v63  }
0x112: {  	_ =	swait.ge [sflag:s30], $0x2800  }
0x113: {  	[sflag:s30] =	ssyncset.done $0x0  }
0x114: {  	[sflag:s30] =	ssyncadd.s32 $0xFFFFD800  }
0x115: {  	_ =	swait.ge [sflag:s31], $0x2800  }
0x116: {  	[sflag:s31] =	ssyncset.done $0x0  }
0x117: {  	[sflag:s31] =	ssyncadd.s32 $0xFFFFD800  }
0x118: {  	_ =	swait.ge [sflag:s0], $0x2800  }
0x119: {  	[sflag:s0] =	ssyncset.done $0x0  }
0x11a: {  	[sflag:s0] =	ssyncadd.s32 $0xFFFFD800  }
0x11b: {  	_ =	swait.ge [sflag:s3], $0x2800  }
0x11c: {  	[sflag:s3] =	ssyncset.done $0x0  }
0x11d: {  	[sflag:s3] =	ssyncadd.s32 $0xFFFFD800  }
0x11e: {  	s6 =	simm.s32 $0x0;
	[bflag:$0x0] =	sbarrier.arrive $0xFFFF  }
0x11f: {  	[tilespmem:s18], [sflag:$0x1] =	stream.indirect.gather [spmem:s4], $0x10, s6, s1, $0xb8;
	[tilespmem:$0x1B010] =	vst v63  }
0x120: {  	_ = 	snop  }
0x121: {  	[tilespmem:s19], [sflag:$0x2] =	stream.indirect.gather [spmem:s4], $0x10, s1, s1, $0xb8;
	[tilespmem:$0x1B010] =	vst v63  }
0x122: {  	_ =	swait.ge [sflag:s31], $0x800  }
0x123: {  	[sflag:s31] =	ssyncset.done $0x0  }
0x124: {  	s10 =	simm.s32 $0x2800;
	[sflag:s31] =	ssyncadd.s32 $0xFFFFF800  }
0x125: {  	[spmem:s2] =	stream.indirect.scatter.add.f32 [tilespmem:s18], [sflag:$0x5], $0x10, s10, s1, $0xb8;
	[tilespmem:$0x1B010] =	vst v63  }
0x126: {  	s7 =	simm.s32 $0x100  }
0x127: {  	[tilespmem:s21], [sflag:$0x3] =	stream.indirect.gather [spmem:s4], $0x10, s7, s1, $0xb8;
	[tilespmem:$0x1B010] =	vst v63  }
0x128: {  	_ =	swait.ge [sflag:s0], $0x800  }
0x129: {  	[sflag:s0] =	ssyncset.done $0x0  }
0x12a: {  	s16 =	simm.s32 $0x2880;
	[sflag:s0] =	ssyncadd.s32 $0xFFFFF800  }
0x12b: {  	[spmem:s2] =	stream.indirect.scatter.add.f32 [tilespmem:s19], [sflag:$0x6], $0x10, s16, s1, $0xb8;
	[tilespmem:$0x1B010] =	vst v63  }
0x12c: {  	s29 =	simm.s32 $0x180  }
0x12d: {  	[tilespmem:s20], [sflag:$0x4] =	stream.indirect.gather [spmem:s4], $0x10, s29, s1, $0xb8;
	[tilespmem:$0x1B010] =	vst v63  }
0x12e: {  	_ =	swait.ge [sflag:s23], $0x800  }
0x12f: {  	[sflag:s23] =	ssyncset.done $0x0  }
0x130: {  	s8 =	simm.s32 $0x2900;
	[sflag:s23] =	ssyncadd.s32 $0xFFFFF800  }
0x131: {  	[spmem:s2] =	stream.indirect.scatter.add.f32 [tilespmem:s21], [sflag:$0x7], $0x10, s8, s1, $0xb8;
	[tilespmem:$0x1B010] =	vst v63  }
0x132: {  	_ =	swait.ge [sflag:s25], $0x800  }
0x133: {  	[sflag:s25] =	ssyncset.done $0x0  }
0x134: {  	s9 =	simm.s32 $0x200;
	[sflag:s25] =	ssyncadd.s32 $0xFFFFF800  }
0x135: {  	[tilespmem:s18], [sflag:$0x1] =	stream.indirect.gather [spmem:s4], $0x10, s9, s1, $0xb8;
	[tilespmem:$0x1B010] =	vst v63  }
0x136: {  	_ =	swait.ge [sflag:s24], $0x800  }
0x137: {  	[sflag:s24] =	ssyncset.done $0x0  }
0x138: {  	s16 =	simm.s32 $0x2980;
	[sflag:s24] =	ssyncadd.s32 $0xFFFFF800  }
0x139: {  	[spmem:s2] =	stream.indirect.scatter.add.f32 [tilespmem:s20], [sflag:$0x8], $0x10, s16, s1, $0xb8;
	[tilespmem:$0x1B010] =	vst v63  }
0x13a: {  	_ =	swait.ge [sflag:s26], $0x800  }
0x13b: {  	[sflag:s26] =	ssyncset.done $0x0  }
0x13c: {  	s29 =	simm.s32 $0x280;
	[sflag:s26] =	ssyncadd.s32 $0xFFFFF800  }
0x13d: {  	[tilespmem:s19], [sflag:$0x2] =	stream.indirect.gather [spmem:s4], $0x10, s29, s1, $0xb8;
	[tilespmem:$0x1B010] =	vst v63  }
.LBB2_6:
0x13e: {  	_ =	swait.ge [sflag:s31], $0x800  }
0x13f: {  	s7 =	sshra.s32 s6, $0x2;
	[sflag:s31] =	ssyncset.done $0x0  }
0x140: {  	s8 =	sadd.s32 $0x2A00, s7;
	[sflag:s31] =	ssyncadd.s32 $0xFFFFF800  }
0x141: {  	[spmem:s2] =	stream.indirect.scatter.add.f32 [tilespmem:s18], [sflag:$0x5], $0x10, s8, s1, $0xb8;
	[tilespmem:$0x1B010] =	vst v63  }
0x142: {  	_ =	swait.ge [sflag:s28], $0x800  }
0x143: {  	[sflag:s28] =	ssyncset.done $0x0  }
0x144: {  	s29 =	sadd.s32 $0x300, s7;
	[sflag:s28] =	ssyncadd.s32 $0xFFFFF800  }
0x145: {  	[tilespmem:s21], [sflag:$0x3] =	stream.indirect.gather [spmem:s4], $0x10, s29, s1, $0xb8;
	[tilespmem:$0x1B010] =	vst v63  }
0x146: {  	_ =	swait.ge [sflag:s0], $0x800  }
0x147: {  	[sflag:s0] =	ssyncset.done $0x0  }
0x148: {  	s9 =	sadd.s32 $0x2A80, s7;
	[sflag:s0] =	ssyncadd.s32 $0xFFFFF800  }
0x149: {  	[spmem:s2] =	stream.indirect.scatter.add.f32 [tilespmem:s19], [sflag:$0x6], $0x10, s9, s1, $0xb8;
	[tilespmem:$0x1B010] =	vst v63  }
0x14a: {  	_ =	swait.ge [sflag:s3], $0x800  }
0x14b: {  	[sflag:s3] =	ssyncset.done $0x0  }
0x14c: {  	p1 =	seq.s32 s6, $0x9000;
	s16 =	sadd.s32 $0x380, s7;
	[sflag:s3] =	ssyncadd.s32 $0xFFFFF800  }
0x14d: {  	[tilespmem:s20], [sflag:$0x4] =	stream.indirect.gather [spmem:s4], $0x10, s16, s1, $0xb8;
	[tilespmem:$0x1B010] =	vst v63  }
.Ltmp4:
0x14e: {  	_ = 	snop;
	(pc) =	sbr.rel @p1 .LBB2_8-.Ltmp4, $4  }
0x14f: {  	_ =	swait.ge [sflag:s23], $0x800  }
0x150: {  	[sflag:s23] =	ssyncset.done $0x0  }
0x151: {  	s8 =	sadd.s32 $0x2B80, s7;
	s29 =	sadd.s32 $0x2B00, s7;
	[sflag:s23] =	ssyncadd.s32 $0xFFFFF800  }
0x152: {  	[spmem:s2] =	stream.indirect.scatter.add.f32 [tilespmem:s21], [sflag:$0x7], $0x10, s29, s1, $0xb8;
	[tilespmem:$0x1B010] =	vst v63  }
0x153: {  	_ =	swait.ge [sflag:s25], $0x800  }
0x154: {  	[sflag:s25] =	ssyncset.done $0x0  }
0x155: {  	s9 =	sadd.s32 $0x400, s7;
	[sflag:s25] =	ssyncadd.s32 $0xFFFFF800  }
0x156: {  	[tilespmem:s18], [sflag:$0x1] =	stream.indirect.gather [spmem:s4], $0x10, s9, s1, $0xb8;
	[tilespmem:$0x1B010] =	vst v63  }
0x157: {  	_ =	swait.ge [sflag:s24], $0x800  }
0x158: {  	[sflag:s24] =	ssyncset.done $0x0  }
0x159: {  	[sflag:s24] =	ssyncadd.s32 $0xFFFFF800  }
0x15a: {  	[spmem:s2] =	stream.indirect.scatter.add.f32 [tilespmem:s20], [sflag:$0x8], $0x10, s8, s1, $0xb8;
	[tilespmem:$0x1B010] =	vst v63  }
.Ltmp5:
0x15b: {  	_ = 	snop;
	(pc) =	sbr.rel .LBB2_6-.Ltmp5, $4  }
0x15c: {  	_ =	swait.ge [sflag:s26], $0x800  }
0x15d: {  	[sflag:s26] =	ssyncset.done $0x0  }
0x15e: {  	s29 =	sadd.s32 $0x480, s7;
	s6 =	sadd.s32 $0x800, s6;
	[sflag:s26] =	ssyncadd.s32 $0xFFFFF800  }
0x15f: {  	[tilespmem:s19], [sflag:$0x2] =	stream.indirect.gather [spmem:s4], $0x10, s29, s1, $0xb8;
	[tilespmem:$0x1B010] =	vst v63  }
.LBB2_8:
0x160: {  	_ =	swait.ge [sflag:s24], $0x800  }
0x161: {  	[sflag:s24] =	ssyncset.done $0x0  }
0x162: {  	[sflag:s24] =	ssyncadd.s32 $0xFFFFF800  }
0x163: {  	[spmem:s2] =	stream.indirect.scatter.add.f32 [tilespmem:s20], [sflag:$0x8], $0x10, s8, s1, $0xb8;
	[tilespmem:$0x1B010] =	vst v63  }
0x164: {  	_ =	swait.ge [sflag:s25], $0x800  }
0x165: {  	[sflag:s25] =	ssyncset.done $0x0  }
0x166: {  	[sflag:s25] =	ssyncadd.s32 $0xFFFFF800  }
0x167: {  	_ =	swait.ge [sflag:s26], $0x800  }
0x168: {  	[sflag:s26] =	ssyncset.done $0x0  }
0x169: {  	[sflag:s26] =	ssyncadd.s32 $0xFFFFF800  }
0x16a: {  	_ =	swait.ge [sflag:s28], $0x800  }
0x16b: {  	[sflag:s28] =	ssyncset.done $0x0  }
0x16c: {  	[sflag:s28] =	ssyncadd.s32 $0xFFFFF800  }
0x16d: {  	_ =	swait.ge [sflag:s3], $0x800  }
0x16e: {  	[sflag:s3] =	ssyncset.done $0x0  }
0x16f: {  	[sflag:s3] =	ssyncadd.s32 $0xFFFFF800  }
.Ltmp6:
0x170: {  	[bflag:$0x0] =	sbarrier.arrive $0xFFFF;
	(pc) =	sbr.rel @p0 .LBB2_12-.Ltmp6, $4  }
0x171: {  	[tilespmem:s17], [sflag:$0x9] =	stream.linear.gather [spmem:s12], $0x2800, $0x38;
	[tilespmem:$0x1B010] =	vst v63  }
0x172: {  	_ =	swait.ge [sflag:s30], $0x2800  }
0x173: {  	s6 =	simm.s32 $0x18840;
	[sflag:s30] =	ssyncset.done $0x0  }
0x174: {  	s29 =	simm.s32 $0xE840;
	s16 =	simm.s32 $0x16040;
	[sflag:s30] =	ssyncadd.s32 $0xFFFFD800  }
0x175: {  	v1 =	vld [tilespmem:s29+$0xFFFFFFC0]  }
0x176: {  	v2 =	vld [tilespmem:s6+$0xFFFFFFC0];
	_ =	sdelay $0x1  }
0x177: {  	v3 =	vld [tilespmem:s16+$0xFFFFFFC0];
	_ =	sdelay $0x2  }
0x178: {  	v1 =	vadd.f32 v2, v1;
	_ =	sdelay $0x1  }
0x179: {  	v1 =	vmul.f32 v1, v3;
	_ =	sdelay $0x1  }
0x17a: {  	[tilespmem:s29+$0xFFFFFFC0] =	vst v1;
	v1 =	vld [tilespmem:s29+$0xFFFFFFD0]  }
0x17b: {  	v2 =	vld [tilespmem:s6+$0xFFFFFFD0];
	_ =	sdelay $0x1  }
0x17c: {  	v3 =	vld [tilespmem:s16+$0xFFFFFFD0];
	_ =	sdelay $0x2  }
0x17d: {  	v1 =	vadd.f32 v2, v1;
	_ =	sdelay $0x1  }
0x17e: {  	v1 =	vmul.f32 v1, v3;
	_ =	sdelay $0x1  }
0x17f: {  	[tilespmem:s29+$0xFFFFFFD0] =	vst v1;
	v1 =	vld [tilespmem:s29+$0xFFFFFFE0]  }
0x180: {  	v2 =	vld [tilespmem:s6+$0xFFFFFFE0];
	_ =	sdelay $0x1  }
0x181: {  	v3 =	vld [tilespmem:s16+$0xFFFFFFE0];
	_ =	sdelay $0x2  }
0x182: {  	v1 =	vadd.f32 v2, v1;
	_ =	sdelay $0x1  }
0x183: {  	v1 =	vmul.f32 v1, v3;
	_ =	sdelay $0x1  }
0x184: {  	[tilespmem:s29+$0xFFFFFFE0] =	vst v1;
	v1 =	vld [tilespmem:s29+$0xFFFFFFF0]  }
0x185: {  	v2 =	vld [tilespmem:s6+$0xFFFFFFF0];
	_ =	sdelay $0x1  }
0x186: {  	v3 =	vld [tilespmem:s16+$0xFFFFFFF0];
	_ =	sdelay $0x2  }
0x187: {  	v1 =	vadd.f32 v2, v1;
	_ =	sdelay $0x1  }
0x188: {  	v1 =	vmul.f32 v1, v3;
	_ =	sdelay $0x1  }
0x189: {  	[tilespmem:s29+$0xFFFFFFF0] =	vst v1;
	v1 =	vld [tilespmem:s29+$0x0]  }
0x18a: {  	v2 =	vld [tilespmem:s6+$0x0];
	_ =	sdelay $0x1  }
0x18b: {  	v3 =	vld [tilespmem:s16+$0x0];
	_ =	sdelay $0x2  }
0x18c: {  	v1 =	vadd.f32 v2, v1;
	_ =	sdelay $0x1  }
0x18d: {  	v1 =	vmul.f32 v1, v3;
	_ =	sdelay $0x1  }
0x18e: {  	[tilespmem:s29+$0x0] =	vst v1;
	v1 =	vld [tilespmem:s29+$0x10]  }
0x18f: {  	v2 =	vld [tilespmem:s6+$0x10];
	_ =	sdelay $0x1  }
0x190: {  	v3 =	vld [tilespmem:s16+$0x10];
	_ =	sdelay $0x2  }
0x191: {  	v1 =	vadd.f32 v2, v1;
	_ =	sdelay $0x1  }
0x192: {  	v1 =	vmul.f32 v1, v3;
	_ =	sdelay $0x1  }
0x193: {  	[tilespmem:s29+$0x10] =	vst v1;
	v1 =	vld [tilespmem:s29+$0x20]  }
0x194: {  	v2 =	vld [tilespmem:s6+$0x20];
	_ =	sdelay $0x1  }
0x195: {  	v3 =	vld [tilespmem:s16+$0x20];
	_ =	sdelay $0x2  }
0x196: {  	v1 =	vadd.f32 v2, v1;
	_ =	sdelay $0x1  }
0x197: {  	v1 =	vmul.f32 v1, v3;
	_ =	sdelay $0x1  }
0x198: {  	[tilespmem:s29+$0x20] =	vst v1;
	v1 =	vld [tilespmem:s29+$0x30]  }
0x199: {  	v2 =	vld [tilespmem:s6+$0x30];
	_ =	sdelay $0x1  }
0x19a: {  	v3 =	vld [tilespmem:s16+$0x30];
	_ =	sdelay $0x2  }
0x19b: {  	v1 =	vadd.f32 v2, v1;
	_ =	sdelay $0x1  }
0x19c: {  	v1 =	vmul.f32 v1, v3  }
0x19d: {  	s7 =	simm.s32 $0x0;
	s8 =	simm.s32 $0xE8C0  }
.LBB2_10:
0x19e: {  	v2 =	vld [tilespmem:s8+$0xFFFFFFC0];
	s7 =	sadd.s32 $0x8, s7;
	[tilespmem:s29+$0x30] =	vst v1;
	s6 =	sadd.s32 $0x80, s6;
	s16 =	sadd.s32 $0x80, s16  }
0x19f: {  	s29 =	smov.u32 s8;
	v1 =	vld [tilespmem:s6+$0xFFFFFFC0];
	p1 =	slt.u32 s7, $0x278;
	_ =	sdelay $0x1  }
0x1a0: {  	v3 =	vld [tilespmem:s16+$0xFFFFFFC0];
	_ =	sdelay $0x2  }
0x1a1: {  	v1 =	vadd.f32 v1, v2;
	_ =	sdelay $0x1  }
0x1a2: {  	v1 =	vmul.f32 v1, v3;
	_ =	sdelay $0x1  }
0x1a3: {  	[tilespmem:s8+$0xFFFFFFC0] =	vst v1;
	v1 =	vld [tilespmem:s8+$0xFFFFFFD0]  }
0x1a4: {  	v2 =	vld [tilespmem:s6+$0xFFFFFFD0];
	_ =	sdelay $0x1  }
0x1a5: {  	v3 =	vld [tilespmem:s16+$0xFFFFFFD0];
	_ =	sdelay $0x2  }
0x1a6: {  	v1 =	vadd.f32 v2, v1;
	_ =	sdelay $0x1  }
0x1a7: {  	v1 =	vmul.f32 v1, v3;
	_ =	sdelay $0x1  }
0x1a8: {  	[tilespmem:s8+$0xFFFFFFD0] =	vst v1;
	v1 =	vld [tilespmem:s8+$0xFFFFFFE0]  }
0x1a9: {  	v2 =	vld [tilespmem:s6+$0xFFFFFFE0];
	_ =	sdelay $0x1  }
0x1aa: {  	v3 =	vld [tilespmem:s16+$0xFFFFFFE0];
	_ =	sdelay $0x2  }
0x1ab: {  	v1 =	vadd.f32 v2, v1;
	_ =	sdelay $0x1  }
0x1ac: {  	v1 =	vmul.f32 v1, v3;
	_ =	sdelay $0x1  }
0x1ad: {  	[tilespmem:s8+$0xFFFFFFE0] =	vst v1;
	v1 =	vld [tilespmem:s8+$0xFFFFFFF0]  }
0x1ae: {  	v2 =	vld [tilespmem:s6+$0xFFFFFFF0];
	_ =	sdelay $0x1  }
0x1af: {  	v3 =	vld [tilespmem:s16+$0xFFFFFFF0];
	_ =	sdelay $0x2  }
0x1b0: {  	v1 =	vadd.f32 v2, v1;
	_ =	sdelay $0x1  }
0x1b1: {  	v1 =	vmul.f32 v1, v3;
	_ =	sdelay $0x1  }
0x1b2: {  	[tilespmem:s8+$0xFFFFFFF0] =	vst v1;
	v1 =	vld [tilespmem:s8+$0x0]  }
0x1b3: {  	v2 =	vld [tilespmem:s6+$0x0];
	_ =	sdelay $0x1  }
0x1b4: {  	v3 =	vld [tilespmem:s16+$0x0];
	_ =	sdelay $0x2  }
0x1b5: {  	v1 =	vadd.f32 v2, v1;
	_ =	sdelay $0x1  }
0x1b6: {  	v1 =	vmul.f32 v1, v3;
	_ =	sdelay $0x1  }
0x1b7: {  	[tilespmem:s8+$0x0] =	vst v1;
	v1 =	vld [tilespmem:s8+$0x10]  }
0x1b8: {  	v2 =	vld [tilespmem:s6+$0x10]  }
0x1b9: {  	v3 =	vld [tilespmem:s16+$0x10];
	_ =	sdelay $0x3  }
0x1ba: {  	v1 =	vadd.f32 v2, v1;
	_ =	sdelay $0x1  }
0x1bb: {  	v1 =	vmul.f32 v1, v3;
	_ =	sdelay $0x1  }
0x1bc: {  	[tilespmem:s8+$0x10] =	vst v1;
	v1 =	vld [tilespmem:s8+$0x20]  }
0x1bd: {  	v2 =	vld [tilespmem:s6+$0x20]  }
0x1be: {  	v3 =	vld [tilespmem:s16+$0x20];
	_ =	sdelay $0x3  }
0x1bf: {  	v1 =	vadd.f32 v2, v1;
	_ =	sdelay $0x1  }
0x1c0: {  	v1 =	vmul.f32 v1, v3;
	_ =	sdelay $0x1  }
0x1c1: {  	[tilespmem:s8+$0x20] =	vst v1;
	v1 =	vld [tilespmem:s8+$0x30]  }
0x1c2: {  	v2 =	vld [tilespmem:s6+$0x30]  }
0x1c3: {  	v3 =	vld [tilespmem:s16+$0x30];
	_ =	sdelay $0x2  }
.Ltmp7:
0x1c4: {  	(pc) =	sbr.rel @p1 .LBB2_10-.Ltmp7, $3  }
0x1c5: {  	v1 =	vadd.f32 v2, v1;
	_ =	sdelay $0x1  }
0x1c6: {  	v1 =	vmul.f32 v1, v3  }
0x1c7: {  	s8 =	sadd.s32 $0x80, s8  }
.Ltmp8:
0x1c8: {  	(pc) =	sbr.rel .LBB2_15-.Ltmp8, $2  }
0x1c9: {  	_ =	sdelay $0x2  }
0x1ca: {  	[tilespmem:s29+$0x30] =	vst v1  }
.LBB2_12:
0x1cb: {  	v1 =	vld [tilespmem:s29+$0xFFFFFFC0]  }
0x1cc: {  	v2 =	vld [tilespmem:s16+$0xFFFFFFC0];
	_ =	sdelay $0x4  }
0x1cd: {  	v1 =	vmul.f32 v1, v2;
	_ =	sdelay $0x1  }
0x1ce: {  	[tilespmem:s29+$0xFFFFFFC0] =	vst v1;
	v1 =	vld [tilespmem:s29+$0xFFFFFFD0]  }
0x1cf: {  	v2 =	vld [tilespmem:s16+$0xFFFFFFD0];
	_ =	sdelay $0x4  }
0x1d0: {  	v1 =	vmul.f32 v1, v2;
	_ =	sdelay $0x1  }
0x1d1: {  	[tilespmem:s29+$0xFFFFFFD0] =	vst v1;
	v1 =	vld [tilespmem:s29+$0xFFFFFFE0]  }
0x1d2: {  	v2 =	vld [tilespmem:s16+$0xFFFFFFE0];
	_ =	sdelay $0x4  }
0x1d3: {  	v1 =	vmul.f32 v1, v2;
	_ =	sdelay $0x1  }
0x1d4: {  	[tilespmem:s29+$0xFFFFFFE0] =	vst v1;
	v1 =	vld [tilespmem:s29+$0xFFFFFFF0]  }
0x1d5: {  	v2 =	vld [tilespmem:s16+$0xFFFFFFF0];
	_ =	sdelay $0x4  }
0x1d6: {  	v1 =	vmul.f32 v1, v2;
	_ =	sdelay $0x1  }
0x1d7: {  	[tilespmem:s29+$0xFFFFFFF0] =	vst v1;
	v1 =	vld [tilespmem:s29+$0x0]  }
0x1d8: {  	v2 =	vld [tilespmem:s16+$0x0];
	_ =	sdelay $0x4  }
0x1d9: {  	v1 =	vmul.f32 v1, v2;
	_ =	sdelay $0x1  }
0x1da: {  	[tilespmem:s29+$0x0] =	vst v1;
	v1 =	vld [tilespmem:s29+$0x10]  }
0x1db: {  	v2 =	vld [tilespmem:s16+$0x10];
	_ =	sdelay $0x4  }
0x1dc: {  	v1 =	vmul.f32 v1, v2;
	_ =	sdelay $0x1  }
0x1dd: {  	[tilespmem:s29+$0x10] =	vst v1;
	v1 =	vld [tilespmem:s29+$0x20]  }
0x1de: {  	v2 =	vld [tilespmem:s16+$0x20];
	_ =	sdelay $0x4  }
0x1df: {  	v1 =	vmul.f32 v1, v2;
	_ =	sdelay $0x1  }
0x1e0: {  	[tilespmem:s29+$0x20] =	vst v1;
	v1 =	vld [tilespmem:s29+$0x30]  }
0x1e1: {  	v2 =	vld [tilespmem:s16+$0x30];
	_ =	sdelay $0x4  }
0x1e2: {  	v1 =	vmul.f32 v1, v2  }
0x1e3: {  	s6 =	simm.s32 $0x0;
	s7 =	simm.s32 $0xE8C0  }
.LBB2_13:
0x1e4: {  	v2 =	vld [tilespmem:s7+$0xFFFFFFC0];
	[tilespmem:s29+$0x30] =	vst v1;
	s16 =	sadd.s32 $0x80, s16;
	s29 =	smov.u32 s7  }
0x1e5: {  	s6 =	sadd.s32 $0x8, s6;
	v1 =	vld [tilespmem:s16+$0xFFFFFFC0]  }
0x1e6: {  	p1 =	slt.u32 s6, $0x278;
	_ =	sdelay $0x3  }
0x1e7: {  	v1 =	vmul.f32 v2, v1;
	_ =	sdelay $0x1  }
0x1e8: {  	[tilespmem:s7+$0xFFFFFFC0] =	vst v1;
	v1 =	vld [tilespmem:s7+$0xFFFFFFD0]  }
0x1e9: {  	v2 =	vld [tilespmem:s16+$0xFFFFFFD0];
	_ =	sdelay $0x4  }
0x1ea: {  	v1 =	vmul.f32 v1, v2;
	_ =	sdelay $0x1  }
0x1eb: {  	[tilespmem:s7+$0xFFFFFFD0] =	vst v1;
	v1 =	vld [tilespmem:s7+$0xFFFFFFE0]  }
0x1ec: {  	v2 =	vld [tilespmem:s16+$0xFFFFFFE0];
	_ =	sdelay $0x4  }
0x1ed: {  	v1 =	vmul.f32 v1, v2;
	_ =	sdelay $0x1  }
0x1ee: {  	[tilespmem:s7+$0xFFFFFFE0] =	vst v1;
	v1 =	vld [tilespmem:s7+$0xFFFFFFF0]  }
0x1ef: {  	v2 =	vld [tilespmem:s16+$0xFFFFFFF0];
	_ =	sdelay $0x4  }
0x1f0: {  	v1 =	vmul.f32 v1, v2;
	_ =	sdelay $0x1  }
0x1f1: {  	[tilespmem:s7+$0xFFFFFFF0] =	vst v1;
	v1 =	vld [tilespmem:s7+$0x0]  }
0x1f2: {  	v2 =	vld [tilespmem:s16+$0x0];
	_ =	sdelay $0x4  }
0x1f3: {  	v1 =	vmul.f32 v1, v2;
	_ =	sdelay $0x1  }
0x1f4: {  	[tilespmem:s7+$0x0] =	vst v1;
	v1 =	vld [tilespmem:s7+$0x10]  }
0x1f5: {  	v2 =	vld [tilespmem:s16+$0x10];
	_ =	sdelay $0x4  }
0x1f6: {  	v1 =	vmul.f32 v1, v2;
	_ =	sdelay $0x1  }
0x1f7: {  	[tilespmem:s7+$0x10] =	vst v1;
	v1 =	vld [tilespmem:s7+$0x20]  }
0x1f8: {  	v2 =	vld [tilespmem:s16+$0x20];
	_ =	sdelay $0x4  }
0x1f9: {  	v1 =	vmul.f32 v1, v2;
	_ =	sdelay $0x1  }
0x1fa: {  	[tilespmem:s7+$0x20] =	vst v1;
	v1 =	vld [tilespmem:s7+$0x30]  }
0x1fb: {  	v2 =	vld [tilespmem:s16+$0x30];
	_ =	sdelay $0x1  }
.Ltmp9:
0x1fc: {  	(pc) =	sbr.rel @p1 .LBB2_13-.Ltmp9, $3  }
0x1fd: {  	_ =	sdelay $0x1  }
0x1fe: {  	v1 =	vmul.f32 v1, v2  }
0x1ff: {  	s7 =	sadd.s32 $0x80, s7  }
.Ltmp10:
0x200: {  	_ = 	snop;
	(pc) =	sbr.rel .LBB2_14-.Ltmp10, $1  }
0x201: {  	_ =	sdelay $0x3  }
.LBB2_16:
0x202: {  	_ =	sfence.sel $0x180000  }
0x203: {  	[bflag:$0x0] =	sbarrier.arrive $0xFFFF  }
0x204: {  	_ =	strace $0x9000004D  }
0x205: {  	s0 =	stileid.u32;
	[bflag:$0x2] =	sbarrier.arrive $0xFFFF  }
0x206: {  	p0 =	sne.s32 s0, $0x0;
	s0 =	rddreg [dreg:$0x5]  }
0x207: {  	s0 =	sadd.s32 @!p0 $0x100000, s0  }
0x208: {  	[sflag:s0] =	ssyncadd.tile.s32 @!p0 $0x1;
	_ =	shalt  }
.Lfunc_end2:
_tile_overlayer_lowered:
.L_overlay_start_2:
0x209: {  	(tag) =	ssettag $0x2  }
0x20a: {  	s0 =	rddreg [dreg:$0x0];
	s2 =	stileid.u32  }
0x20b: {  	s1 =	rddreg [dreg:$0x1];
	p0 =	sne.s32 s2, $0x0  }
0x20c: {  	s3 =	rddreg [dreg:$0x2];
	[bflag:$0x3] =	sbarrier.arrive $0xFFFF;
	s2 =	simm.s32 @!p0 $0x1C09  }
0x20d: {  	[timem:s3], [sflag:s2] =	dma.local @!p0 [hbm:s0], s1  }
0x20e: {  	s0 =	simm.s32 @!p0 $0x9  }
0x20f: {  	_ =	swait.ge @!p0 [sflag:s0], s1  }
0x210: {  	s1 =	ssub.s32 @!p0 $0x0, s1;
	[sflag:s0] =	ssyncset.done @!p0 $0x0  }
0x211: {  	[sflag:s0] =	ssyncadd.s32 @!p0 s1  }
0x212: {  	[bflag:$0x3] =	sbarrier.arrive $0xFFFF  }
0x213: {  	_ =	shalt  }

// kernel: kernel.8.cloned.1.call-start
scs
__scs_entry_jumppad:
0x0: {  	(pc) =	sbr.rel $0x88, $3  }
0x1: {  	(tag) =	ssettag $0x0;
	lr =	simm.s32 $0x1  }
0x2: {  	[smem:$0x3F9B] =	sst lr;
	_ =	strace $0xD0000000  }
0x3: {  	_ = 	snop  }
0x4: {  	_ = 	snop  }
0x5: {  	_ = 	snop  }
0x6: {  	_ = 	snop  }
0x7: {  	_ = 	snop  }
__scs_overlays_trampoline_lowered:
0x8: {  	[smem:$0x3FAA] =	sst s0  }
0x9: {  	[smem:$0x3FAB] =	sst s1  }
0xa: {  	[smem:$0x3FAC] =	sst s2  }
0xb: {  	[smem:$0x3FAD] =	sst s3  }
0xc: {  	[smem:$0x3FAE] =	sst s4  }
0xd: {  	[smem:$0x3FAF] =	sst s5  }
0xe: {  	[smem:$0x3FB0] =	sst s6  }
0xf: {  	[smem:$0x3FB1] =	sst s7  }
0x10: {  	[smem:$0x3FB2] =	sst s8  }
0x11: {  	[smem:$0x3FB3] =	sst s9;
	s0 =	simm.s32 @!p0 $0x0  }
0x12: {  	s1 =	sld [smem:$0x3F99];
	s0 =	simm.s32 @p0 $0x1  }
0x13: {  	[smem:$0x3FB4] =	sst s0;
	s0 =	simm.s32 @!p1 $0x0  }
0x14: {  	s2 =	sld [smem:$0x3F98];
	s0 =	simm.s32 @p1 $0x1  }
0x15: {  	[smem:$0x3FB5] =	sst s0;
	s0 =	simm.s32 @!p2 $0x0  }
0x16: {  	s3 =	sld [smem:$0x3FDB];
	s0 =	simm.s32 @p2 $0x1  }
0x17: {  	s4 =	simm.s32 $0x1BF5;
	[smem:$0x3FB7] =	sst s0  }
0x18: {  	s0 =	sld [smem:$0x3F9A];
	_ =	swait.ge [sflag:s4], $0x0  }
0x19: {  	s7 =	sld [smem:$0x3F9B]  }
0x1a: {  	s8 =	sadd.s32 $0xFFFFE003, lr  }
0x1b: {  	s9 =	sadd.s32 $0xFFFFFEF7, lr;
	s5 =	simm.s32 $0xFFFFFFFF;
	p2 =	slt.u32 s8, $0xFFFFF086  }
0x1c: {  	p1 =	slt.u32 s9, $0xF7A;
	s5 =	simm.s32 @!p2 $0x0  }
0x1d: {  	s5 =	simm.s32 @p1 $0x1;
	p0 =	seq.s32 s7, s2  }
0x1e: {  	s7 =	smul.u32 @!p0 $0xF7A, s2;
	p2 =	seq.s32 @!p0 s5, $0x0  }
0x1f: {  	s9 =	smul.u32 $0xF7A, s1;
	s8 =	simm.s32 @!p0 $0x1BF5;
	p2 =	por !p2, p0  }
0x20: {  	[sflag:s8] =	ssyncset.s32 @!p0 $0xFFFFF086;
	s6 =	sadd.s32 @!p0 s3, s7;
	s7 =	simm.s32 @!p0 $0x108  }
0x21: {  	s3 =	sadd.s32 s3, s9;
	s6 =	sadd.s32 @!p0 $0x88, s6;
	s7 =	simm.s32 @p2 $0x1082  }
0x22: {  	[simem:s7], [sflag:s8] =	dma.local @!p0 [hbm:s6], $0xF7A  }
0x23: {  	s9 =	sor.u32 $0xD0000000, s2;
	s6 =	simm.s32 $0x108;
	_ =	swait.ge @!p0 [sflag:s8], $0x0  }
0x24: {  	s3 =	sadd.s32 $0x88, s3;
	s6 =	simm.s32 @!p1 $0x1082;
	[sflag:s4] =	ssyncset.s32 $0xFFFFF086  }
0x25: {  	[simem:s6], [sflag:s4] =	dma.local [hbm:s3], $0xF7A  }
0x26: {  	[smem:$0x3F9B] =	sst s1;
	(tag) =	ssettag s2;
	_ =	strace s9  }
0x27: {  	s1 =	sld [smem:$0x3FAB]  }
0x28: {  	s2 =	sld [smem:$0x3FAC]  }
0x29: {  	s4 =	sld [smem:$0x3FAE]  }
0x2a: {  	p0 =	seq.s32 s5, $0x0;
	s5 =	sld [smem:$0x3FAF]  }
0x2b: {  	s6 =	sld [smem:$0x3FB0]  }
0x2c: {  	s7 =	sld [smem:$0x3FB1]  }
0x2d: {  	s3 =	simm.s32 $0x108;
	s8 =	sld [smem:$0x3FB2]  }
0x2e: {  	s3 =	simm.s32 @!p0 $0x1082;
	s9 =	sld [smem:$0x3FB3]  }
0x2f: {  	lr =	sadd.s32 s0, s3;
	s0 =	sld [smem:$0x3FAA]  }
0x30: {  	s3 =	sld [smem:$0x3FAD]  }
0x31: {  	[smem:$0x3FB6] =	sst s10  }
0x32: {  	s10 =	sld [smem:$0x3FB4];
	_ =	sdelay $0x3  }
0x33: {  	p0 =	seq.s32 s10, $0x1;
	s10 =	sld [smem:$0x3FB6];
	_ =	sdelay $0x3  }
0x34: {  	[smem:$0x3FB6] =	sst s10  }
0x35: {  	s10 =	sld [smem:$0x3FB5];
	_ =	sdelay $0x3  }
0x36: {  	p1 =	seq.s32 s10, $0x1;
	s10 =	sld [smem:$0x3FB6];
	_ =	sdelay $0x3  }
0x37: {  	[smem:$0x3FB6] =	sst s10  }
0x38: {  	s10 =	sld [smem:$0x3FB7]  }
0x39: {  	_ = 	snop;
	(pc) =	sbr.ind lr, $3  }
0x3a: {  	_ = 	snop  }
0x3b: {  	_ = 	snop  }
0x3c: {  	p2 =	seq.s32 s10, $0x1;
	s10 =	sld [smem:$0x3FB6]  }
0x3d: {  	_ =	shalt  }
0x3e: {  	_ =	shalt  }
0x3f: {  	_ =	shalt  }
0x40: {  	_ =	shalt  }
0x41: {  	_ =	shalt  }
0x42: {  	_ =	shalt  }
0x43: {  	_ =	shalt  }
0x44: {  	_ =	shalt  }
0x45: {  	_ =	shalt  }
0x46: {  	_ =	shalt  }
0x47: {  	_ =	shalt  }
0x48: {  	_ =	shalt  }
0x49: {  	_ =	shalt  }
0x4a: {  	_ =	shalt  }
0x4b: {  	_ =	shalt  }
0x4c: {  	_ =	shalt  }
0x4d: {  	_ =	shalt  }
0x4e: {  	_ =	shalt  }
0x4f: {  	_ =	shalt  }
0x50: {  	_ =	shalt  }
0x51: {  	_ =	shalt  }
0x52: {  	_ =	shalt  }
0x53: {  	_ =	shalt  }
0x54: {  	_ =	shalt  }
0x55: {  	_ =	shalt  }
0x56: {  	_ =	shalt  }
0x57: {  	_ =	shalt  }
0x58: {  	_ =	shalt  }
0x59: {  	_ =	shalt  }
0x5a: {  	_ =	shalt  }
0x5b: {  	_ =	shalt  }
0x5c: {  	_ =	shalt  }
0x5d: {  	_ =	shalt  }
0x5e: {  	_ =	shalt  }
0x5f: {  	_ =	shalt  }
0x60: {  	_ =	shalt  }
0x61: {  	_ =	shalt  }
0x62: {  	_ =	shalt  }
0x63: {  	_ =	shalt  }
0x64: {  	_ =	shalt  }
0x65: {  	_ =	shalt  }
0x66: {  	_ =	shalt  }
0x67: {  	_ =	shalt  }
0x68: {  	_ =	shalt  }
0x69: {  	_ =	shalt  }
0x6a: {  	_ =	shalt  }
0x6b: {  	_ =	shalt  }
0x6c: {  	_ =	shalt  }
0x6d: {  	_ =	shalt  }
0x6e: {  	_ =	shalt  }
0x6f: {  	_ =	shalt  }
0x70: {  	_ =	shalt  }
0x71: {  	_ =	shalt  }
0x72: {  	_ =	shalt  }
0x73: {  	_ =	shalt  }
0x74: {  	_ =	shalt  }
0x75: {  	_ =	shalt  }
0x76: {  	_ =	shalt  }
0x77: {  	_ =	shalt  }
0x78: {  	_ =	shalt  }
0x79: {  	_ =	shalt  }
0x7a: {  	_ =	shalt  }
0x7b: {  	_ =	shalt  }
0x7c: {  	_ =	shalt  }
0x7d: {  	_ =	shalt  }
0x7e: {  	_ =	shalt  }
0x7f: {  	_ =	shalt  }
0x80: {  	_ =	shalt  }
0x81: {  	_ =	shalt  }
0x82: {  	_ =	shalt  }
0x83: {  	_ =	shalt  }
0x84: {  	_ =	shalt  }
0x85: {  	_ =	shalt  }
0x86: {  	_ =	shalt  }
0x87: {  	_ =	shalt  }
.Lfunc_end0:
.L_simem_size_0:
called_computation_lowered:
.L_overlay_start_0:
0x88: {  	s2 =	sld [smem:$0x3FD9]  }
0x89: {  	s3 =	sld [smem:$0x3FFE];
	_ =	sdelay $0x1  }
0x8a: {  	s1 =	srdreg.scid  }
0x8b: {  	s0 =	sand.u32 $0x1, s1  }
0x8c: {  	s17 =	sshll.u32 s0, $0xA;
	s2 =	sadd.s32 s3, s2  }
0x8d: {  	s2 =	sadd.s32 s2, s17  }
0x8e: {  	[smem:$0x3FC2] =	sst s2  }
0x8f: {  	_ = 	snop  }
0x90: {  	s2 =	sld [smem:$0x3FD0];
	(tm) =	ssettm $0x1  }
0x91: {  	s18 =	sld [smem:$0x3FFB];
	_ =	sdelay $0x3  }
0x92: {  	_ =	strace s18  }
0x93: {  	s3 =	sld [smem:$0x3FFC];
	_ =	sdelay $0x3  }
0x94: {  	_ =	strace s3  }
0x95: {  	s3 =	sld [smem:$0x3FFD];
	_ =	sdelay $0x3  }
0x96: {  	_ =	strace s3  }
0x97: {  	_ =	strace $0x8FFFFFFF  }
0x98: {  	s19 =	sld [smem:$0x3FDB];
	_ =	sdelay $0x1  }
0x99: {  	s4 =	simm.s32 $_scs_section_size  }
0x9a: {  	s5 =	simm.s32 $_size__tile_overlayer_lowered;
	s6 =	simm.s32 $_tile_overlayer_lowered  }
0x9b: {  	s22 =	simm.s32 $0x1BFF;
	s21 =	sshll.u32 s6, $0x1;
	s3 =	sadd.s32 s4, s19  }
0x9c: {  	s7 =	simm.s32 $0x0;
	s20 =	sshll.u32 s5, $0x1;
	s5 =	sadd.s32 s21, s3  }
0x9d: {  	[timem:s7], [sflag:s22] =	dma.local [hbm:s5], s20  }
0x9e: {  	_ =	swait.ge [sflag:s22], s20  }
0x9f: {  	s4 =	ssub.s32 $0x0, s20;
	[sflag:s22] =	ssyncset.done $0x0  }
0xa0: {  	[sflag:s22] =	ssyncadd.s32 s4;
	_ =	sdelay $0x1  }
0xa1: {  	s23 =	simm.s32 $0x1B8B  }
0xa2: {  	_ =	swait.ge [sflag:s23], $0x1  }
0xa3: {  	[sflag:s23] =	ssyncset.done $0x0  }
0xa4: {  	s25 =	simm.s32 $0x1B8E;
	s24 =	sld [smem:$0x3FFE];
	[sflag:s23] =	ssyncadd.s32 $0xFFFFFFFF  }
0xa5: {  	s26 =	simm.s32 $execute0_lowered;
	[smem:$0x3FD2] =	sst s25  }
0xa6: {  	s5 =	sshll.u32 s26, $0x1;
	_ =	strace $0x80000046;
	[dreg:$0x1] =	wrdreg $0xFFFFFFFF  }
0xa7: {  	s28 =	simm.s32 $_size_execute0_lowered;
	s3 =	sadd.s32 s3, s5;
	[dreg:$0x0] =	wrdreg $0x0  }
0xa8: {  	s5 =	sshll.u32 s28, $0x1;
	[dreg:$0x2] =	wrdreg s3  }
0xa9: {  	[dreg:$0x3] =	wrdreg s5  }
0xaa: {  	[dreg:$0x4] =	wrdreg $0xC0  }
0xab: {  	_ =	task [dreg:s7], $0x5FFFF  }
0xac: {  	[dreg:$0x1] =	wrdreg $0xFFFFFFFF  }
0xad: {  	[dreg:$0x0] =	wrdreg $0x60  }
0xae: {  	[dreg:$0x2] =	wrdreg s24  }
0xaf: {  	[dreg:$0x3] =	wrdreg s2  }
0xb0: {  	[dreg:$0x4] =	wrdreg $0x58000  }
0xb1: {  	[dreg:$0x5] =	wrdreg $0x9  }
0xb2: {  	_ =	task.clear_ibuf [dreg:s7], $0x6FFFF;
	_ =	strace $0x90000046  }
0xb3: {  	s29 =	simm.s32 $0x9;
	_ =	strace $0x80000048  }
0xb4: {  	_ =	swait.ge [sflag:s29], $0x1  }
0xb5: {  	[sflag:s29] =	ssyncadd.s32 $0xFFFFFFFF  }
0xb6: {  	_ =	strace $0x90000048  }
0xb7: {  	_ =	sfence  }
0xb8: {  	s30 =	sld [smem:$0x0];
	_ =	sdelay $0x2  }
0xb9: {  	s31 =	sshll.u32 s1, $0xD;
	s1 =	sshrl.u32 s1, $0x2  }
0xba: {  	s3 =	sand.u32 $0x4000, s31;
	s1 =	sadd.s32 s1, s30  }
0xbb: {  	s0 =	sor.u32 s3, s0;
	s1 =	sshll.u32 s1, $0x11  }
0xbc: {  	s0 =	sor.u32 s1, s0  }
0xbd: {  	s0 =	sadd.s32 $0x8F2B, s0  }
0xbe: {  	[sflag:s0] =	ssyncadd.remote.s32 $0x1  }
0xbf: {  	_ =	sfence.sel $0xFFFF  }
0xc0: {  	[dreg:$0x0] =	wrdreg $0xFFFFFFFF;
	(pc) =	sbr.abs _section_cstart, $3  }
0xc1: {  	[dreg:$0x1] =	wrdreg $0xFFFFFFFF  }
0xc2: {  	_ =	task.clear_ibuf [dreg:s7], $0x2FFFF;
	_ =	strace $0x9FFFFFFF  }
0xc3: {  	(tm) =	ssettm $0x7FFFFFFF  }
tec
execute0_lowered:
.L_overlay_start_1:
0x0: {  	(tag) =	ssettag $0x1  }
0x1: {  	s5 =	rddreg [dreg:$0x0]  }
0x2: {  	s6 =	rddreg [dreg:$0x1]  }
0x3: {  	s0 =	srdreg.scid;
	s2 =	rddreg [dreg:$0x2]  }
0x4: {  	s3 =	simm.s32 $0x0;
	s11 =	simm.s32 $0x2800;
	s12 =	simm.s32 $0x100  }
0x5: {  	s13 =	simm.s32 $0x180;
	s14 =	simm.s32 $0x1;
	s15 =	simm.s32 $0x2  }
0x6: {  	s16 =	simm.s32 $0x3;
	s4 =	sand.u32 $0x1, s0;
	s0 =	stileid.u32  }
0x7: {  	s17 =	simm.s32 $0x4;
	s18 =	simm.s32 $0x0;
	s8 =	smul.u32 $0x2800, s0  }
0x8: {  	s1 =	sshll.u32 s4, $0x4;
	s9 =	smul.u32 $0x28000, s4;
	s4 =	ssub.s32 $0x2, s4  }
0x9: {  	[smem:$0x7FF] =	sst s3;
	s1 =	sor.u32 s0, s1;
	s10 =	sshrl.u32 s4, $0x1  }
0xa: {  	s7 =	smul.u32 $0x2800, s1;
	s1 =	rddreg [dreg:$0x3];
	s9 =	sadd.s32 s8, s9  }
0xb: {  	_ =	strace $0x80000047;
	s10 =	ssub.s32 s4, s10;
	s31 =	sshrl.u32 s9, $0x3  }
0xc: {  	s9 =	simm.s32 $0x3000;
	s7 =	sshrl.u32 s7, $0x3;
	s6 =	sadd.s32 s6, s31  }
0xd: {  	s30 =	sadd.s32 s5, s7;
	s5 =	sadd.s32 s8, s2;
	s7 =	smax.u32 s10, $0x1  }
0xe: {  	v0 =	vimm.f32 $1.000000000e+00;
	v1 =	vimm.f32 $0.0e+00;
	s8 =	simm.s32 $0x5;
	s10 =	simm.s32 $0x80;
	s4 =	sadd.s32 $0xCA00, s30  }
.LBB2_1:
0xf: {  	[tilespmem:s3], [sflag:$0x5] =	stream.linear.gather [hbm4b:s4+s3], $0x2800, $0x38;
	[tilespmem:$0x8000] =	vst v63  }
0x10: {  	_ =	swait.ge [sflag:s8], $0x2800  }
0x11: {  	[sflag:s8] =	ssyncset.done $0x0  }
0x12: {  	s20 =	simm.s32 $0x2840;
	[sflag:s8] =	ssyncadd.s32 $0xFFFFD800  }
0x13: {  	[tilespmem:s20+$0xFFFFFFC0] =	vst v0  }
0x14: {  	[tilespmem:s20+$0x30] =	vst v0  }
0x15: {  	[tilespmem:s20+$0x20] =	vst v0  }
0x16: {  	[tilespmem:s20+$0x10] =	vst v0  }
0x17: {  	[tilespmem:s20+$0x0] =	vst v0  }
0x18: {  	[tilespmem:s20+$0xFFFFFFF0] =	vst v0  }
0x19: {  	s21 =	simm.s32 $0x0;
	[tilespmem:s20+$0xFFFFFFE0] =	vst v0  }
.LBB2_2:
0x1a: {  	s21 =	sadd.s32 $0x8, s21;
	[tilespmem:s20+$0xFFFFFFD0] =	vst v0;
	s20 =	sadd.s32 $0x80, s20;
	s19 =	simm.s32 $0x3040  }
0x1b: {  	[tilespmem:s20+$0xFFFFFFC0] =	vst v0;
	p0 =	slt.u32 s21, $0x78  }
0x1c: {  	[tilespmem:s20+$0x30] =	vst v0  }
.Ltmp0:
0x1d: {  	[tilespmem:s20+$0x20] =	vst v0;
	(pc) =	sbr.rel @p0 .LBB2_2-.Ltmp0, $4  }
0x1e: {  	[tilespmem:s20+$0x10] =	vst v0  }
0x1f: {  	[tilespmem:s20+$0x0] =	vst v0  }
0x20: {  	[tilespmem:s20+$0xFFFFFFF0] =	vst v0  }
0x21: {  	[tilespmem:s20+$0xFFFFFFE0] =	vst v0  }
0x22: {  	[tilespmem:s20+$0xFFFFFFD0] =	vst v0  }
0x23: {  	[tilespmem:s19+$0xFFFFFFC0] =	vst v1  }
0x24: {  	[tilespmem:s19+$0x30] =	vst v1  }
0x25: {  	[tilespmem:s19+$0x20] =	vst v1  }
0x26: {  	[tilespmem:s19+$0x10] =	vst v1  }
0x27: {  	[tilespmem:s19+$0x0] =	vst v1  }
0x28: {  	[tilespmem:s19+$0xFFFFFFF0] =	vst v1  }
0x29: {  	s20 =	simm.s32 $0x0;
	[tilespmem:s19+$0xFFFFFFE0] =	vst v1  }
.LBB2_4:
0x2a: {  	s20 =	sadd.s32 $0x8, s20;
	[tilespmem:s19+$0xFFFFFFD0] =	vst v1;
	s19 =	sadd.s32 $0x80, s19  }
0x2b: {  	[tilespmem:s19+$0xFFFFFFC0] =	vst v1;
	p0 =	slt.u32 s20, $0x278  }
0x2c: {  	[tilespmem:s19+$0x30] =	vst v1  }
.Ltmp1:
0x2d: {  	[tilespmem:s19+$0x20] =	vst v1;
	(pc) =	sbr.rel @p0 .LBB2_4-.Ltmp1, $4  }
0x2e: {  	[tilespmem:s19+$0x10] =	vst v1  }
0x2f: {  	[tilespmem:s19+$0x0] =	vst v1  }
0x30: {  	[tilespmem:s19+$0xFFFFFFF0] =	vst v1  }
0x31: {  	[tilespmem:s19+$0xFFFFFFE0] =	vst v1  }
0x32: {  	[tilespmem:s19+$0xFFFFFFD0] =	vst v1  }
0x33: {  	[spmem:s5] =	stream.linear.scatter [tilespmem:s9], [sflag:$0x5], $0x2800, $0x38;
	[tilespmem:$0x8000] =	vst v63  }
0x34: {  	_ =	swait.ge [sflag:s8], $0x2800  }
0x35: {  	[sflag:s8] =	ssyncset.done $0x0  }
0x36: {  	[sflag:s8] =	ssyncadd.s32 $0xFFFFD800  }
0x37: {  	[bflag:$0x0] =	sbarrier.arrive $0xFFFF  }
0x38: {  	[spmem:s2] =	stream.indirect.scatter.add.f32 [tilespmem:s11], [sflag:$0x1], $0x10, s3, s10, $0xb8;
	[tilespmem:$0x8000] =	vst v63  }
0x39: {  	_ = 	snop  }
0x3a: {  	[spmem:s2] =	stream.indirect.scatter.add.f32 [tilespmem:s11], [sflag:$0x2], $0x10, s10, s10, $0xb8;
	[tilespmem:$0x8000] =	vst v63  }
0x3b: {  	_ = 	snop  }
0x3c: {  	[spmem:s2] =	stream.indirect.scatter.add.f32 [tilespmem:s11], [sflag:$0x3], $0x10, s12, s10, $0xb8;
	[tilespmem:$0x8000] =	vst v63  }
0x3d: {  	_ = 	snop  }
0x3e: {  	[spmem:s2] =	stream.indirect.scatter.add.f32 [tilespmem:s11], [sflag:$0x4], $0x10, s13, s10, $0xb8;
	[tilespmem:$0x8000] =	vst v63  }
0x3f: {  	_ =	swait.ge [sflag:s14], $0x800  }
0x40: {  	[sflag:s14] =	ssyncset.done $0x0  }
0x41: {  	s29 =	simm.s32 $0x200;
	[sflag:s14] =	ssyncadd.s32 $0xFFFFF800  }
0x42: {  	[spmem:s2] =	stream.indirect.scatter.add.f32 [tilespmem:s11], [sflag:$0x1], $0x10, s29, s10, $0xb8;
	[tilespmem:$0x8000] =	vst v63  }
0x43: {  	_ =	swait.ge [sflag:s15], $0x800  }
0x44: {  	[sflag:s15] =	ssyncset.done $0x0  }
0x45: {  	s30 =	simm.s32 $0x280;
	[sflag:s15] =	ssyncadd.s32 $0xFFFFF800  }
0x46: {  	[spmem:s2] =	stream.indirect.scatter.add.f32 [tilespmem:s11], [sflag:$0x2], $0x10, s30, s10, $0xb8;
	[tilespmem:$0x8000] =	vst v63  }
0x47: {  	_ =	swait.ge [sflag:s16], $0x800  }
0x48: {  	[sflag:s16] =	ssyncset.done $0x0  }
0x49: {  	s31 =	simm.s32 $0x300;
	[sflag:s16] =	ssyncadd.s32 $0xFFFFF800  }
0x4a: {  	[spmem:s2] =	stream.indirect.scatter.add.f32 [tilespmem:s11], [sflag:$0x3], $0x10, s31, s10, $0xb8;
	[tilespmem:$0x8000] =	vst v63  }
0x4b: {  	_ =	swait.ge [sflag:s17], $0x800  }
0x4c: {  	[sflag:s17] =	ssyncset.done $0x0  }
0x4d: {  	s19 =	simm.s32 $0xFFFF7000;
	s20 =	simm.s32 $0x380;
	[sflag:s17] =	ssyncadd.s32 $0xFFFFF800  }
.LBB2_6:
0x4e: {  	[spmem:s2] =	stream.indirect.scatter.add.f32 [tilespmem:s11], [sflag:$0x4], $0x10, s20, s10, $0xb8;
	[tilespmem:$0x8000] =	vst v63  }
0x4f: {  	s20 =	smov.u32 s19  }
0x50: {  	p0 =	sne.s32 s19, $0xFFFFF800;
	s19 =	sadd.s32 $0x800, s19;
	_ =	swait.ge [sflag:s14], $0x800  }
0x51: {  	s20 =	sshra.s32 s20, $0x2;
	[sflag:s14] =	ssyncset.done $0x0  }
0x52: {  	s21 =	sadd.s32 $0x2800, s20;
	[sflag:s14] =	ssyncadd.s32 $0xFFFFF800  }
0x53: {  	[spmem:s2] =	stream.indirect.scatter.add.f32 [tilespmem:s11], [sflag:$0x1], $0x10, s21, s10, $0xb8;
	[tilespmem:$0x8000] =	vst v63  }
0x54: {  	_ =	swait.ge [sflag:s15], $0x800  }
0x55: {  	[sflag:s15] =	ssyncset.done $0x0  }
0x56: {  	s21 =	sadd.s32 $0x2880, s20;
	[sflag:s15] =	ssyncadd.s32 $0xFFFFF800  }
0x57: {  	[spmem:s2] =	stream.indirect.scatter.add.f32 [tilespmem:s11], [sflag:$0x2], $0x10, s21, s10, $0xb8;
	[tilespmem:$0x8000] =	vst v63  }
0x58: {  	_ =	swait.ge [sflag:s16], $0x800  }
0x59: {  	[sflag:s16] =	ssyncset.done $0x0  }
.Ltmp2:
0x5a: {  	s21 =	sadd.s32 $0x2900, s20;
	[sflag:s16] =	ssyncadd.s32 $0xFFFFF800;
	(pc) =	sbr.rel @p0 .LBB2_6-.Ltmp2, $4  }
0x5b: {  	[spmem:s2] =	stream.indirect.scatter.add.f32 [tilespmem:s11], [sflag:$0x3], $0x10, s21, s10, $0xb8;
	[tilespmem:$0x8000] =	vst v63  }
0x5c: {  	_ =	swait.ge [sflag:s17], $0x800  }
0x5d: {  	[sflag:s17] =	ssyncset.done $0x0  }
0x5e: {  	s20 =	sadd.s32 $0x2980, s20;
	[sflag:s17] =	ssyncadd.s32 $0xFFFFF800  }
0x5f: {  	[spmem:s2] =	stream.indirect.scatter.add.f32 [tilespmem:s11], [sflag:$0x4], $0x10, s20, s10, $0xb8;
	[tilespmem:$0x8000] =	vst v63  }
0x60: {  	_ =	swait.ge [sflag:s14], $0x800  }
0x61: {  	[sflag:s14] =	ssyncset.done $0x0  }
0x62: {  	[sflag:s14] =	ssyncadd.s32 $0xFFFFF800  }
0x63: {  	_ =	swait.ge [sflag:s15], $0x800  }
0x64: {  	[sflag:s15] =	ssyncset.done $0x0  }
0x65: {  	[sflag:s15] =	ssyncadd.s32 $0xFFFFF800  }
0x66: {  	_ =	swait.ge [sflag:s16], $0x800  }
0x67: {  	[sflag:s16] =	ssyncset.done $0x0  }
0x68: {  	[sflag:s16] =	ssyncadd.s32 $0xFFFFF800  }
0x69: {  	_ =	swait.ge [sflag:s17], $0x800  }
0x6a: {  	s19 =	sshll.u32 s0, $0x6;
	s18 =	sadd.s32 $0x1, s18;
	[sflag:s17] =	ssyncset.done $0x0  }
0x6b: {  	s31 =	sshrl.u32 s5, $0x3;
	p0 =	sne.s32 s18, s7;
	[sflag:s17] =	ssyncadd.s32 $0xFFFFF800  }
.Ltmp3:
0x6c: {  	s19 =	sor.u32 $0x1C05, s19;
	[bflag:$0x0] =	sbarrier.arrive $0xFFFF;
	(pc) =	sbr.rel @p0 .LBB2_1-.Ltmp3, $4  }
0x6d: {  	[hbm:s6], [sflag:s19] =	dma.local [spmem:s31], $0x500  }
0x6e: {  	_ =	swait.ge [sflag:s8], $0x500  }
0x6f: {  	[sflag:s8] =	ssyncset.done $0x0  }
0x70: {  	[sflag:s8] =	ssyncadd.s32 $0xFFFFFB00  }
0x71: {  	_ =	sfence.sel $0x180000  }
0x72: {  	[bflag:$0x0] =	sbarrier.arrive $0xFFFF  }
0x73: {  	p0 =	sne.s32 s0, $0x0;
	_ =	strace $0x90000047  }
0x74: {  	s0 =	sadd.s32 @!p0 $0x100000, s1;
	[bflag:$0x2] =	sbarrier.arrive $0xFFFF  }
0x75: {  	[sflag:s0] =	ssyncadd.tile.s32 @!p0 $0x1;
	_ =	shalt  }
.Lfunc_end2:
_tile_overlayer_lowered:
.L_overlay_start_2:
0x76: {  	(tag) =	ssettag $0x2  }
0x77: {  	s0 =	rddreg [dreg:$0x0];
	s2 =	stileid.u32  }
0x78: {  	s1 =	rddreg [dreg:$0x1];
	p0 =	sne.s32 s2, $0x0  }
0x79: {  	s3 =	rddreg [dreg:$0x2];
	[bflag:$0x3] =	sbarrier.arrive $0xFFFF;
	s2 =	simm.s32 @!p0 $0x1C05  }
0x7a: {  	[timem:s3], [sflag:s2] =	dma.local @!p0 [hbm:s0], s1  }
0x7b: {  	s0 =	simm.s32 @!p0 $0x5  }
0x7c: {  	_ =	swait.ge @!p0 [sflag:s0], s1  }
0x7d: {  	s1 =	ssub.s32 @!p0 $0x0, s1;
	[sflag:s0] =	ssyncset.done @!p0 $0x0  }
0x7e: {  	[sflag:s0] =	ssyncadd.s32 @!p0 s1  }
0x7f: {  	[bflag:$0x3] =	sbarrier.arrive $0xFFFF  }
0x80: {  	_ =	shalt  }

</sc_bundles>
